<compile_context>
chip_gen: v7x
topology: tpu7x:2x2x1
jax: 0.10.2.dev20260603
libtpu: 0.0.44.dev20260713+nightly
codegen_flags: <defaults>
</compile_context>

<pallas_src>
import functools

import jax
import jax.numpy as jnp
from jax import lax
from jax.experimental import pallas as pl
from jax.experimental.pallas import tpu as pltpu
from jax.experimental.pallas import tpu_sc as plsc

N = 10000
E = 320000
D = 128
H = 128
NB = 16
ETE = 16
L = 4

NC = 2
NS = 16
NW = NC * NS
CHUNK = 128
EPW = 10240
EP = EPW * NW
NCHUNK = EPW // CHUNK
GCHUNK = 64
GNCHUNK = EPW // GCHUNK
GSEG = GNCHUNK // 4
NSLOT = 4
TOTCH = EP // GCHUNK
K0 = 160
K1 = (TOTCH - 16 * K0) // 16
TRASH = N
NPAD = 10240
ZR = NPAD // NS

_mesh = plsc.VectorSubcoreMesh(core_axis_name="c", subcore_axis_name="s")



@functools.partial(
    pl.kernel,
    out_type=jax.ShapeDtypeStruct((NC, NPAD, H), jnp.float32),
    mesh=_mesh,
    scratch_types=[
        pltpu.VMEM((GSEG, GCHUNK), jnp.int32),
        pltpu.VMEM((GSEG, GCHUNK), jnp.int32),
        pltpu.VMEM((NSLOT, GCHUNK, H), jnp.float32),
        pltpu.VMEM_SHARED((NPAD, H), jnp.float32),
        pltpu.SemaphoreType.DMA,
    ],
)
def _sc_segsum(h_hbm, src2_hbm, dst2_hbm, zeros_hbm, out_hbm,
               src_all, dst_all, rows, acc, gsem):
    cid = lax.axis_index("c")
    sid = lax.axis_index("s")
    wid = sid * NC + cid

    pltpu.sync_copy(zeros_hbm, acc.at[pl.ds(sid * ZR, ZR)])
    plsc.subcore_barrier()

    tbase = jnp.where(cid == 0, sid * K0, 16 * K0 + sid * K1)
    nseg = jnp.where(cid == 0, K0 // GSEG, K1 // GSEG)

    def seg_body(seg, carry):
        sbase = tbase + seg * GSEG
        pltpu.sync_copy(src2_hbm.at[pl.ds(sbase, GSEG)], src_all)
        pltpu.sync_copy(dst2_hbm.at[pl.ds(sbase, GSEG)], dst_all)
        for b in range(NSLOT - 1):
            pltpu.async_copy(h_hbm.at[src_all.at[b]], rows.at[b], gsem)

        def body(gg, carry2):
            for b in range(NSLOT):
                i = gg * NSLOT + b
                pltpu.make_async_copy(h_hbm.at[src_all.at[i]],
                                      rows.at[b], gsem).wait()
                nxt = i + NSLOT - 1

                @pl.when(nxt < GSEG)
                def _():
                    pltpu.async_copy(h_hbm.at[src_all.at[nxt]],
                                     rows.at[(b + NSLOT - 1) % NSLOT], gsem)

                pltpu.sync_copy(rows.at[b], acc.at[dst_all.at[i]], add=True)
            return carry2

        lax.fori_loop(0, GSEG // NSLOT, body, 0)
        return carry

    lax.fori_loop(0, nseg, seg_body, 0)
    plsc.subcore_barrier()
    pltpu.sync_copy(acc.at[pl.ds(sid * ZR, ZR)],
                    out_hbm.at[cid, pl.ds(sid * ZR, ZR)])


@functools.partial(
    pl.kernel,
    out_type=jax.ShapeDtypeStruct((NC, NPAD, H), jnp.float32),
    mesh=_mesh,
    scratch_types=[
        pltpu.VMEM((NCHUNK, CHUNK), jnp.int32),
        pltpu.VMEM((2, CHUNK, H), jnp.float32),
        pltpu.VMEM_SHARED((NPAD, H), jnp.float32),
        pltpu.SemaphoreType.DMA,
    ],
)
def _sc_edgeterm(emh_hbm, dst2_hbm, zeros_hbm, outt_hbm,
                 dst_all, rows, acc, gsem):
    cid = lax.axis_index("c")
    sid = lax.axis_index("s")
    wid = sid * NC + cid

    pltpu.sync_copy(dst2_hbm.at[pl.ds(wid * NCHUNK, NCHUNK)], dst_all)
    pltpu.sync_copy(zeros_hbm, acc.at[pl.ds(sid * ZR, ZR)])
    plsc.subcore_barrier()

    base0 = wid * EPW
    pltpu.async_copy(emh_hbm.at[pl.ds(base0, CHUNK)], rows.at[0], gsem)

    def body(g, carry):
        i0 = 2 * g
        pltpu.make_async_copy(emh_hbm.at[pl.ds(base0 + i0 * CHUNK, CHUNK)],
                              rows.at[0], gsem).wait()
        pltpu.async_copy(emh_hbm.at[pl.ds(base0 + (i0 + 1) * CHUNK, CHUNK)],
                         rows.at[1], gsem)
        pltpu.sync_copy(rows.at[0], acc.at[dst_all.at[i0]], add=True)
        pltpu.make_async_copy(emh_hbm.at[pl.ds(base0 + (i0 + 1) * CHUNK,
                                               CHUNK)],
                              rows.at[1], gsem).wait()

        @pl.when(g < NCHUNK // 2 - 1)
        def _():
            pltpu.async_copy(emh_hbm.at[pl.ds(base0 + (i0 + 2) * CHUNK,
                                              CHUNK)],
                             rows.at[0], gsem)

        pltpu.sync_copy(rows.at[1], acc.at[dst_all.at[i0 + 1]], add=True)
        return carry

    lax.fori_loop(0, NCHUNK // 2, body, 0)
    plsc.subcore_barrier()
    pltpu.sync_copy(acc.at[pl.ds(sid * ZR, ZR)],
                    outt_hbm.at[cid, pl.ds(sid * ZR, ZR)])


@functools.partial(
    pl.kernel,
    out_type=jax.ShapeDtypeStruct((NC, NPAD, H), jnp.float32),
    mesh=_mesh,
    scratch_types=[
        pltpu.VMEM((NCHUNK, CHUNK), jnp.int32),
        pltpu.VMEM((CHUNK, H), jnp.float32),
        pltpu.VMEM_SHARED((NPAD, H), jnp.float32),
        pltpu.SemaphoreType.DMA,
    ],
)
def _sc_deg(dst2_hbm, zeros_hbm, ones_hbm, outd_hbm,
            dst_all, ones_v, acc, ssem):
    cid = lax.axis_index("c")
    sid = lax.axis_index("s")
    wid = sid * NC + cid

    pltpu.sync_copy(dst2_hbm.at[pl.ds(wid * NCHUNK, NCHUNK)], dst_all)
    pltpu.sync_copy(zeros_hbm, acc.at[pl.ds(sid * ZR, ZR)])
    pltpu.sync_copy(ones_hbm, ones_v)
    plsc.subcore_barrier()

    def body(g, carry):
        for b in range(4):
            pltpu.async_copy(ones_v, acc.at[dst_all.at[4 * g + b]], ssem,
                             add=True)
        for b in range(4):
            pltpu.make_async_copy(ones_v, acc.at[dst_all.at[4 * g + b]],
                                  ssem).wait()
        return carry

    lax.fori_loop(0, NCHUNK // 4, body, 0)
    plsc.subcore_barrier()
    pltpu.sync_copy(acc.at[pl.ds(sid * ZR, ZR)],
                    outd_hbm.at[cid, pl.ds(sid * ZR, ZR)])



def _ln_relu(t, g, b):
    mu = jnp.mean(t, axis=-1, keepdims=True)
    var = jnp.mean((t - mu) * (t - mu), axis=-1, keepdims=True)
    return jnp.maximum((t - mu) * lax.rsqrt(var + 1e-5) * g + b, 0.0)


def _tc_h0_body(x_ref, wp_ref, bp_ref, g_ref, b_ref, out_ref):
    t = jnp.dot(x_ref[...], wp_ref[...], preferred_element_type=jnp.float32)
    out_ref[...] = _ln_relu(t + bp_ref[...], g_ref[...], b_ref[...])


def _tc_h0(x, Wp, bp, g, b):
    return pl.pallas_call(
        _tc_h0_body,
        out_shape=jax.ShapeDtypeStruct((N, H), jnp.float32),
    )(x, Wp, bp, g, b)


_EMH_B = 8192


def _tc_emh_body(ew_ref, emb_ref, we_ref, be_ref, out_ref):
    c = jnp.dot(emb_ref[...], we_ref[0:ETE, :],
                preferred_element_type=jnp.float32) + be_ref[...]
    w = we_ref[ETE:ETE + 1, :]
    out_ref[...] = jnp.maximum(ew_ref[...] * w + c, 0.0)


def _tc_emh(ew, emb, We, be):
    nblk = EP // _EMH_B
    return pl.pallas_call(
        _tc_emh_body,
        grid=(nblk,),
        in_specs=[
            pl.BlockSpec((_EMH_B, 1), lambda i: (i, 0)),
            pl.BlockSpec((1, ETE), lambda i: (0, 0)),
            pl.BlockSpec((ETE + 1, H), lambda i: (0, 0)),
            pl.BlockSpec((1, H), lambda i: (0, 0)),
        ],
        out_specs=pl.BlockSpec((_EMH_B, H), lambda i: (i, 0)),
        out_shape=jax.ShapeDtypeStruct((EP, H), jnp.float32),
    )(ew, emb, We, be)


def _tc_eterm_body(t_ref, d_ref, eterm_ref, inv_ref):
    deg = d_ref[0, :N, 0:1] + d_ref[1, :N, 0:1]
    inv = 1.0 / jnp.maximum(deg, 1.0)
    inv_ref[...] = inv
    eterm_ref[...] = 0.1 * (t_ref[0, :N] + t_ref[1, :N]) * inv


def _tc_eterm(T, Dg):
    return pl.pallas_call(
        _tc_eterm_body,
        out_shape=(jax.ShapeDtypeStruct((N, H), jnp.float32),
                   jax.ShapeDtypeStruct((N, 1), jnp.float32)),
    )(T, Dg)


def _tc_layer_body(s_ref, h_ref, eterm_ref, inv_ref, comp_ref, basis_ref,
                   root_ref, bias_ref, g_ref, b_ref, out_ref):
    w = comp_ref[0] * basis_ref[0]
    for bb in range(1, NB):
        w = w + comp_ref[bb] * basis_ref[bb]
    ssum = (s_ref[0, :N] + s_ref[1, :N]) * inv_ref[...]
    pre = (jnp.dot(ssum, w, preferred_element_type=jnp.float32)
           + jnp.dot(h_ref[...], root_ref[...],
                     preferred_element_type=jnp.float32)
           + bias_ref[...] + eterm_ref[...])
    out_ref[...] = _ln_relu(pre, g_ref[...], b_ref[...]) + h_ref[...]


def _tc_layer(S, h, eterm, inv, comp_l, basis_l, root_l, bias_l, g_l, b_l):
    vmem = pl.BlockSpec(memory_space=pltpu.VMEM)
    return pl.pallas_call(
        _tc_layer_body,
        in_specs=[vmem, vmem, vmem, vmem,
                  pl.BlockSpec(memory_space=pltpu.SMEM),
                  vmem, vmem, vmem, vmem, vmem],
        out_shape=jax.ShapeDtypeStruct((N, H), jnp.float32),
    )(S, h, eterm, inv, comp_l, basis_l, root_l, bias_l, g_l, b_l)



def kernel(x, edge_index, edge_attr, Wp, bp, lnp_g, lnp_b, emb, We, be,
           basis, comp, root, conv_bias, ln_g, ln_b):
    src = edge_index[0]
    dst = edge_index[1]
    ew = edge_attr[:, 1]
    pad = EP - E
    src_p1 = jnp.concatenate([src, jnp.zeros((pad,), jnp.int32)])
    dst_p1 = jnp.concatenate([dst, jnp.full((pad,), TRASH, jnp.int32)])
    src_g = src_p1.reshape(EP // GCHUNK, GCHUNK)
    dst_g = dst_p1.reshape(EP // GCHUNK, GCHUNK)
    dst_p = dst_p1.reshape(EP // CHUNK, CHUNK)
    ew_p = jnp.concatenate([ew, jnp.zeros((pad,), jnp.float32)])[:, None]

    zeros_h = jnp.zeros((ZR, H), jnp.float32)
    ones_h = jnp.ones((CHUNK, H), jnp.float32)

    Dg = _sc_deg(dst_p, zeros_h, ones_h)
    h = _tc_h0(x, Wp, bp[None], lnp_g[None], lnp_b[None])
    emh = _tc_emh(ew_p, emb, We, be[None])
    T = _sc_edgeterm(emh, dst_p, zeros_h)
    eterm, inv = _tc_eterm(T, Dg)

    for l in range(L):
        S = _sc_segsum(h, src_g, dst_g, zeros_h)
        h = _tc_layer(S, h, eterm, inv, comp[l, 0], basis[l], root[l],
                      conv_bias[l][None], ln_g[l][None], ln_b[l][None])
    return h

# --- scband reference (transcript-rebuilt; emitter-appended) ---
"""Pipeline reference for scband-iocclassifier-18030272708871 (READ-ONLY COPY).

The authoritative reference and input builder live on the scoring server;
editing this copy changes nothing except your own understanding.
"""

import jax, jax.numpy as jnp
import numpy as np

N = 10000
E = 320000
D = 128
H = 128
NB = 16
ETE = 16
L = 4


def _ln(x, g, b):
    m = jnp.mean(x, axis=-1, keepdims=True)
    v = jnp.var(x, axis=-1, keepdims=True)
    return (x - m) / jnp.sqrt(v + 1e-5) * g + b


def setup_inputs(seed: int = 0):
    key = jax.random.key(seed)
    ks = jax.random.split(key, 16)
    x = jax.random.normal(ks[0], (N, D), dtype=jnp.float32)
    edge_index = jax.random.randint(ks[1], (2, E), 0, N, dtype=jnp.int32)
    edge_attr = jax.random.uniform(ks[2], (E, 2), dtype=jnp.float32)
    Wp = jax.random.normal(ks[3], (D, H), dtype=jnp.float32) * 0.05
    bp = jnp.zeros((H,), jnp.float32)
    lnp_g = jnp.ones((H,), jnp.float32)
    lnp_b = jnp.zeros((H,), jnp.float32)
    emb = jax.random.normal(ks[4], (1, ETE), dtype=jnp.float32)
    We = jax.random.normal(ks[5], (ETE + 1, H), dtype=jnp.float32) * 0.05
    be = jnp.zeros((H,), jnp.float32)
    basis = jax.random.normal(ks[6], (L, NB, H, H), dtype=jnp.float32) * 0.05
    comp = jax.random.normal(ks[7], (L, 1, NB), dtype=jnp.float32)
    root = jax.random.normal(ks[8], (L, H, H), dtype=jnp.float32) * 0.05
    conv_bias = jnp.zeros((L, H), jnp.float32)
    ln_g = jnp.ones((L, H), jnp.float32)
    ln_b = jnp.zeros((L, H), jnp.float32)
    return {"x": x, "edge_index": edge_index, "edge_attr": edge_attr, "Wp": Wp, "bp": bp,
            "lnp_g": lnp_g, "lnp_b": lnp_b, "emb": emb, "We": We, "be": be,
            "basis": basis, "comp": comp, "root": root, "conv_bias": conv_bias,
            "ln_g": ln_g, "ln_b": ln_b}


def reference(x, edge_index, edge_attr, Wp, bp, lnp_g, lnp_b, emb, We, be, basis, comp, root, conv_bias, ln_g, ln_b):
    # input projection: Linear -> LayerNorm -> ReLU
    h = jax.nn.relu(_ln(x @ Wp + bp, lnp_g, lnp_b))
    src = edge_index[0]
    dst = edge_index[1]
    # single edge type -> et_all == 0 everywhere
    ee = jnp.broadcast_to(emb[0], (E, ETE))
    ew = edge_attr[:, 1]
    emh = jax.nn.relu(jnp.concatenate([ee, ew[:, None]], axis=-1) @ We + be)
    deg = jax.ops.segment_sum(jnp.ones((E,), jnp.float32), dst, num_segments=N)
    deg_c = jnp.maximum(deg, 1.0)[:, None]
    edge_term = 0.1 * jax.ops.segment_sum(emh, dst, num_segments=N) / deg_c
    for l in range(L):
        # RGCN basis decomposition (1 relation): W_r = comp_r @ basis
        W = (comp[l] @ basis[l].reshape(NB, H * H)).reshape(H, H)
        msg = jnp.take(h, src, axis=0) @ W
        agg = jax.ops.segment_sum(msg, dst, num_segments=N) / deg_c  # mean aggregation
        h_new = agg + h @ root[l] + conv_bias[l]
        h_new = h_new + edge_term
        h_new = jax.nn.relu(_ln(h_new, ln_g[l], ln_b[l]))
        h = h_new + h
    return h

if __name__ == "__main__":
    import jax
    _d = setup_inputs()
    print(jax.jit(kernel)(*tuple(_d.values())))

</pallas_src>

<mosaic_0001>
#map = affine_map<(d0, d1) -> (0, 0)>
#map1 = affine_map<(d0, d1) -> (0, 0, 0)>
module attributes {stable_mosaic.version = 14 : i64} {
  func.func @_sc_segsum(%arg0: i32, %arg1: i32, %arg2: memref<10000x128xf32, #tpu.memory_space<hbm>>, %arg3: memref<5120x64xi32, #tpu.memory_space<hbm>>, %arg4: memref<5120x64xi32, #tpu.memory_space<hbm>>, %arg5: memref<640x128xf32, #tpu.memory_space<hbm>>, %arg6: memref<2x10240x128xf32, #tpu.memory_space<hbm>>, %arg7: memref<40x64xi32, #tpu.memory_space<vmem>>, %arg8: memref<40x64xi32, #tpu.memory_space<vmem>>, %arg9: memref<4x64x128xf32, #tpu.memory_space<vmem>>, %arg10: memref<10240x128xf32, #tpu.memory_space<vmem_shared>>, %arg11: memref<!tpu.dma_semaphore, #tpu.memory_space<semaphore_mem>>) attributes {dimension_semantics = [#tpu.dimension_semantics<core_parallel>, #tpu.dimension_semantics<subcore_parallel>], iteration_bounds = array<i64: 2, 16>, scalar_prefetch = 0 : i64, scratch_operands = 5 : i64, tpu.core_type = #tpu.core_type<sc_vector_subcore>, window_params = [{transform_indices = #map}, {transform_indices = #map}, {transform_indices = #map}, {transform_indices = #map}, {transform_indices = #map1}]} {
    %mul3A = arith.constant 2 : i32
    %mul3A_0 = arith.muli %arg1, %mul3A : i32
    %add3A = arith.addi %mul3A_0, %arg0 : i32
    %mul3A_1 = arith.constant 640 : i32
    %mul3A_2 = arith.muli %arg1, %mul3A_1 : i32
    "tpu.region"() ({
      %run_scoped3A = tpu.sem_alloc : memref<!tpu.dma_semaphore, #tpu.memory_space<semaphore_mem>>
      %dma_start3A = arith.constant 0 : i32
      %dma_start3A_28 = tpu.memref_slice %arg10[%mul3A_2, %dma_start3A] : memref<10240x128xf32, #tpu.memory_space<vmem_shared>> -> memref<640x128xf32, #tpu.memory_space<vmem_shared>>
      tpu.enqueue_dma source(%arg5 : memref<640x128xf32, #tpu.memory_space<hbm>>) target(%dma_start3A_28 : memref<640x128xf32, #tpu.memory_space<vmem_shared>>) target_semaphore(%run_scoped3A : memref<!tpu.dma_semaphore, #tpu.memory_space<semaphore_mem>>)
      %dma_wait3A = arith.constant 0 : i32
      %dma_wait3A_29 = tpu.memref_slice %arg10[%mul3A_2, %dma_wait3A] : memref<10240x128xf32, #tpu.memory_space<vmem_shared>> -> memref<640x128xf32, #tpu.memory_space<vmem_shared>>
      tpu.wait_dma2 semaphore(%run_scoped3A : memref<!tpu.dma_semaphore, #tpu.memory_space<semaphore_mem>>) src(%arg5 : memref<640x128xf32, #tpu.memory_space<hbm>>) dst(%dma_wait3A_29 : memref<640x128xf32, #tpu.memory_space<vmem_shared>>)
      tpu.yield
    }) : () -> ()
    %barrier3A = arith.constant 0 : index
    tpu.barrier barrier_id(%barrier3A)
    %eq3A = arith.constant 0 : i32
    %eq3A_3 = arith.cmpi eq, %arg0, %eq3A : i32
    %mul3A_4 = arith.constant 160 : i32
    %mul3A_5 = arith.muli %arg1, %mul3A_4 : i32
    %mul3A_6 = arith.constant 160 : i32
    %mul3A_7 = arith.muli %arg1, %mul3A_6 : i32
    %add3A_8 = arith.constant 2560 : i32
    %add3A_9 = arith.addi %add3A_8, %mul3A_7 : i32
    %select_n3A = arith.select %eq3A_3, %mul3A_5, %add3A_9 : i32
    %eq3A_10 = arith.constant 0 : i32
    %eq3A_11 = arith.cmpi eq, %arg0, %eq3A_10 : i32
    %jit3A = arith.constant 4 : i32
    %jit3A_12 = arith.constant 4 : i32
    %select_n3A_13 = arith.select %eq3A_11, %jit3A, %jit3A_12 : i32
    %while3A = arith.constant 0 : i32
    %while3A_14 = arith.constant 0 : i32
    %while3A_15 = arith.subi %select_n3A_13, %while3A_14 : i32
    %while3A_16 = arith.addi %while3A_14, %while3A_15 : i32
    %while3A_17 = arith.constant 1 : i32
    %while3A_18 = arith.divsi %while3A_15, %while3A_17 : i32
    %while3A_19 = arith.muli %while3A_18, %while3A_17 : i32
    %while3A_20 = arith.addi %while3A_14, %while3A_19 : i32
    %while3A_21 = arith.constant 1 : i32
    scf.for %while3A_28 = %while3A_14 to %while3A_20 step %while3A_21  : i32 {
      %mul3A_29 = arith.constant 40 : i32
      %mul3A_30 = arith.muli %while3A_28, %mul3A_29 : i32
      %add3A_31 = arith.addi %select_n3A, %mul3A_30 : i32
      "tpu.region"() ({
        %run_scoped3A = tpu.sem_alloc : memref<!tpu.dma_semaphore, #tpu.memory_space<semaphore_mem>>
        %dma_start3A_72 = arith.constant 0 : i32
        %dma_start3A_73 = tpu.memref_slice %arg3[%add3A_31, %dma_start3A_72] : memref<5120x64xi32, #tpu.memory_space<hbm>> -> memref<40x64xi32, #tpu.memory_space<hbm>>
        %dma_start3A_74 = arith.constant 0 : i32
        %dma_start3A_75 = tpu.memref_slice %arg3[%add3A_31, %dma_start3A_74] : memref<5120x64xi32, #tpu.memory_space<hbm>> -> memref<40x64xi32, #tpu.memory_space<hbm>>
        tpu.enqueue_dma source(%dma_start3A_75 : memref<40x64xi32, #tpu.memory_space<hbm>>) target(%arg7 : memref<40x64xi32, #tpu.memory_space<vmem>>) target_semaphore(%run_scoped3A : memref<!tpu.dma_semaphore, #tpu.memory_space<semaphore_mem>>)
        %dma_wait3A = arith.constant 0 : i32
        %dma_wait3A_76 = tpu.memref_slice %arg3[%add3A_31, %dma_wait3A] : memref<5120x64xi32, #tpu.memory_space<hbm>> -> memref<40x64xi32, #tpu.memory_space<hbm>>
        %dma_wait3A_77 = arith.constant 0 : i32
        %dma_wait3A_78 = tpu.memref_slice %arg3[%add3A_31, %dma_wait3A_77] : memref<5120x64xi32, #tpu.memory_space<hbm>> -> memref<40x64xi32, #tpu.memory_space<hbm>>
        tpu.wait_dma2 semaphore(%run_scoped3A : memref<!tpu.dma_semaphore, #tpu.memory_space<semaphore_mem>>) src(%dma_wait3A_78 : memref<40x64xi32, #tpu.memory_space<hbm>>) dst(%arg7 : memref<40x64xi32, #tpu.memory_space<vmem>>)
        tpu.yield
      }) : () -> ()
      "tpu.region"() ({
        %run_scoped3A = tpu.sem_alloc : memref<!tpu.dma_semaphore, #tpu.memory_space<semaphore_mem>>
        %dma_start3A_72 = arith.constant 0 : i32
        %dma_start3A_73 = tpu.memref_slice %arg4[%add3A_31, %dma_start3A_72] : memref<5120x64xi32, #tpu.memory_space<hbm>> -> memref<40x64xi32, #tpu.memory_space<hbm>>
        %dma_start3A_74 = arith.constant 0 : i32
        %dma_start3A_75 = tpu.memref_slice %arg4[%add3A_31, %dma_start3A_74] : memref<5120x64xi32, #tpu.memory_space<hbm>> -> memref<40x64xi32, #tpu.memory_space<hbm>>
        tpu.enqueue_dma source(%dma_start3A_75 : memref<40x64xi32, #tpu.memory_space<hbm>>) target(%arg8 : memref<40x64xi32, #tpu.memory_space<vmem>>) target_semaphore(%run_scoped3A : memref<!tpu.dma_semaphore, #tpu.memory_space<semaphore_mem>>)
        %dma_wait3A = arith.constant 0 : i32
        %dma_wait3A_76 = tpu.memref_slice %arg4[%add3A_31, %dma_wait3A] : memref<5120x64xi32, #tpu.memory_space<hbm>> -> memref<40x64xi32, #tpu.memory_space<hbm>>
        %dma_wait3A_77 = arith.constant 0 : i32
        %dma_wait3A_78 = tpu.memref_slice %arg4[%add3A_31, %dma_wait3A_77] : memref<5120x64xi32, #tpu.memory_space<hbm>> -> memref<40x64xi32, #tpu.memory_space<hbm>>
        tpu.wait_dma2 semaphore(%run_scoped3A : memref<!tpu.dma_semaphore, #tpu.memory_space<semaphore_mem>>) src(%dma_wait3A_78 : memref<40x64xi32, #tpu.memory_space<hbm>>) dst(%arg8 : memref<40x64xi32, #tpu.memory_space<vmem>>)
        tpu.yield
      }) : () -> ()
      %dma_start3A = arith.constant 0 : i32
      %dma_start3A_32 = arith.constant 0 : i32
      %dma_start3A_33 = arith.constant 0 : i32
      %dma_start3A_34 = arith.constant 0 : i32
      %dma_start3A_35 = tpu.memref_slice %arg9[%dma_start3A_32, %dma_start3A_33, %dma_start3A_34] : memref<4x64x128xf32, #tpu.memory_space<vmem>> -> memref<1x64x128xf32, #tpu.memory_space<vmem>>
      %dma_start3A_36 = tpu.memref_squeeze %dma_start3A_35 : memref<1x64x128xf32, #tpu.memory_space<vmem>> -> memref<64x128xf32, #tpu.memory_space<vmem>>
      %dma_start3A_37 = arith.constant 0 : i32
      %dma_start3A_38 = tpu.memref_slice %arg7[%dma_start3A, %dma_start3A_37] : memref<40x64xi32, #tpu.memory_space<vmem>> -> memref<1x64xi32, #tpu.memory_space<vmem>>
      %dma_start3A_39 = tpu.memref_squeeze %dma_start3A_38 : memref<1x64xi32, #tpu.memory_space<vmem>> -> memref<64xi32, #tpu.memory_space<vmem>>
      %dma_start3A_40 = arith.constant 0 : i32
      %dma_start3A_41 = arith.constant 0 : i32
      %dma_start3A_42 = tpu.memref_slice %arg2[%dma_start3A_40, %dma_start3A_41] : memref<10000x128xf32, #tpu.memory_space<hbm>> -> memref<10000x128xf32, #tpu.memory_space<hbm>>
      tpu.enqueue_indirect_dma source(%dma_start3A_42 : memref<10000x128xf32, #tpu.memory_space<hbm>>) target(%dma_start3A_36 : memref<64x128xf32, #tpu.memory_space<vmem>>) offsets(%dma_start3A_39 : memref<64xi32, #tpu.memory_space<vmem>>) semaphore(%arg11 : memref<!tpu.dma_semaphore, #tpu.memory_space<semaphore_mem>>)
      %dma_start3A_43 = arith.constant 1 : i32
      %dma_start3A_44 = arith.constant 1 : i32
      %dma_start3A_45 = arith.constant 0 : i32
      %dma_start3A_46 = arith.constant 0 : i32
      %dma_start3A_47 = tpu.memref_slice %arg9[%dma_start3A_44, %dma_start3A_45, %dma_start3A_46] : memref<4x64x128xf32, #tpu.memory_space<vmem>> -> memref<1x64x128xf32, #tpu.memory_space<vmem>>
      %dma_start3A_48 = tpu.memref_squeeze %dma_start3A_47 : memref<1x64x128xf32, #tpu.memory_space<vmem>> -> memref<64x128xf32, #tpu.memory_space<vmem>>
      %dma_start3A_49 = arith.constant 0 : i32
      %dma_start3A_50 = tpu.memref_slice %arg7[%dma_start3A_43, %dma_start3A_49] : memref<40x64xi32, #tpu.memory_space<vmem>> -> memref<1x64xi32, #tpu.memory_space<vmem>>
      %dma_start3A_51 = tpu.memref_squeeze %dma_start3A_50 : memref<1x64xi32, #tpu.memory_space<vmem>> -> memref<64xi32, #tpu.memory_space<vmem>>
      %dma_start3A_52 = arith.constant 0 : i32
      %dma_start3A_53 = arith.constant 0 : i32
      %dma_start3A_54 = tpu.memref_slice %arg2[%dma_start3A_52, %dma_start3A_53] : memref<10000x128xf32, #tpu.memory_space<hbm>> -> memref<10000x128xf32, #tpu.memory_space<hbm>>
      tpu.enqueue_indirect_dma source(%dma_start3A_54 : memref<10000x128xf32, #tpu.memory_space<hbm>>) target(%dma_start3A_48 : memref<64x128xf32, #tpu.memory_space<vmem>>) offsets(%dma_start3A_51 : memref<64xi32, #tpu.memory_space<vmem>>) semaphore(%arg11 : memref<!tpu.dma_semaphore, #tpu.memory_space<semaphore_mem>>)
      %dma_start3A_55 = arith.constant 2 : i32
      %dma_start3A_56 = arith.constant 2 : i32
      %dma_start3A_57 = arith.constant 0 : i32
      %dma_start3A_58 = arith.constant 0 : i32
      %dma_start3A_59 = tpu.memref_slice %arg9[%dma_start3A_56, %dma_start3A_57, %dma_start3A_58] : memref<4x64x128xf32, #tpu.memory_space<vmem>> -> memref<1x64x128xf32, #tpu.memory_space<vmem>>
      %dma_start3A_60 = tpu.memref_squeeze %dma_start3A_59 : memref<1x64x128xf32, #tpu.memory_space<vmem>> -> memref<64x128xf32, #tpu.memory_space<vmem>>
      %dma_start3A_61 = arith.constant 0 : i32
      %dma_start3A_62 = tpu.memref_slice %arg7[%dma_start3A_55, %dma_start3A_61] : memref<40x64xi32, #tpu.memory_space<vmem>> -> memref<1x64xi32, #tpu.memory_space<vmem>>
      %dma_start3A_63 = tpu.memref_squeeze %dma_start3A_62 : memref<1x64xi32, #tpu.memory_space<vmem>> -> memref<64xi32, #tpu.memory_space<vmem>>
      %dma_start3A_64 = arith.constant 0 : i32
      %dma_start3A_65 = arith.constant 0 : i32
      %dma_start3A_66 = tpu.memref_slice %arg2[%dma_start3A_64, %dma_start3A_65] : memref<10000x128xf32, #tpu.memory_space<hbm>> -> memref<10000x128xf32, #tpu.memory_space<hbm>>
      tpu.enqueue_indirect_dma source(%dma_start3A_66 : memref<10000x128xf32, #tpu.memory_space<hbm>>) target(%dma_start3A_60 : memref<64x128xf32, #tpu.memory_space<vmem>>) offsets(%dma_start3A_63 : memref<64xi32, #tpu.memory_space<vmem>>) semaphore(%arg11 : memref<!tpu.dma_semaphore, #tpu.memory_space<semaphore_mem>>)
      %scan3A = arith.constant 0 : i32
      %scan3A_67 = arith.constant 0 : i32
      %scan3A_68 = arith.constant 10 : i32
      %scan3A_69 = arith.addi %scan3A_67, %scan3A_68 : i32
      %scan3A_70 = arith.constant 1 : i32
      scf.for %scan3A_72 = %scan3A_67 to %scan3A_69 step %scan3A_70  : i32 {
        %mul3A_73 = arith.constant 4 : i32
        %mul3A_74 = arith.muli %scan3A_72, %mul3A_73 : i32
        %add3A_75 = arith.constant 0 : i32
        %add3A_76 = arith.addi %mul3A_74, %add3A_75 : i32
        %dma_wait3A = arith.constant 0 : i32
        %dma_wait3A_77 = arith.constant 0 : i32
        %dma_wait3A_78 = arith.constant 0 : i32
        %dma_wait3A_79 = tpu.memref_slice %arg9[%dma_wait3A, %dma_wait3A_77, %dma_wait3A_78] : memref<4x64x128xf32, #tpu.memory_space<vmem>> -> memref<1x64x128xf32, #tpu.memory_space<vmem>>
        %dma_wait3A_80 = tpu.memref_squeeze %dma_wait3A_79 : memref<1x64x128xf32, #tpu.memory_space<vmem>> -> memref<64x128xf32, #tpu.memory_space<vmem>>
        %dma_wait3A_81 = arith.constant 0 : i32
        %dma_wait3A_82 = tpu.memref_slice %arg7[%add3A_76, %dma_wait3A_81] : memref<40x64xi32, #tpu.memory_space<vmem>> -> memref<1x64xi32, #tpu.memory_space<vmem>>
        %dma_wait3A_83 = tpu.memref_squeeze %dma_wait3A_82 : memref<1x64xi32, #tpu.memory_space<vmem>> -> memref<64xi32, #tpu.memory_space<vmem>>
        %dma_wait3A_84 = arith.constant 0 : i32
        %dma_wait3A_85 = arith.constant 0 : i32
        %dma_wait3A_86 = tpu.memref_slice %arg2[%dma_wait3A_84, %dma_wait3A_85] : memref<10000x128xf32, #tpu.memory_space<hbm>> -> memref<10000x128xf32, #tpu.memory_space<hbm>>
        tpu.wait_indirect_dma semaphore(%arg11 : memref<!tpu.dma_semaphore, #tpu.memory_space<semaphore_mem>>) src(%dma_wait3A_86 : memref<10000x128xf32, #tpu.memory_space<hbm>>) dst(%dma_wait3A_80 : memref<64x128xf32, #tpu.memory_space<vmem>>)
        %add3A_87 = arith.constant 4 : i32
        %add3A_88 = arith.addi %add3A_76, %add3A_87 : i32
        %sub3A = arith.constant 1 : i32
        %sub3A_89 = arith.subi %add3A_88, %sub3A : i32
        %lt3A = arith.constant 40 : i32
        %lt3A_90 = arith.cmpi slt, %sub3A_89, %lt3A : i32
        %convert_element_type3A = arith.extui %lt3A_90 : i1 to i32
        %cond3A = arith.constant 0 : i32
        %cond3A_91 = arith.cmpi ne, %convert_element_type3A, %cond3A : i32
        scf.if %cond3A_91 {
          %dma_start3A_167 = arith.constant 3 : i32
          %dma_start3A_168 = arith.constant 0 : i32
          %dma_start3A_169 = arith.constant 0 : i32
          %dma_start3A_170 = tpu.memref_slice %arg9[%dma_start3A_167, %dma_start3A_168, %dma_start3A_169] : memref<4x64x128xf32, #tpu.memory_space<vmem>> -> memref<1x64x128xf32, #tpu.memory_space<vmem>>
          %dma_start3A_171 = tpu.memref_squeeze %dma_start3A_170 : memref<1x64x128xf32, #tpu.memory_space<vmem>> -> memref<64x128xf32, #tpu.memory_space<vmem>>
          %dma_start3A_172 = arith.constant 0 : i32
          %dma_start3A_173 = tpu.memref_slice %arg7[%sub3A_89, %dma_start3A_172] : memref<40x64xi32, #tpu.memory_space<vmem>> -> memref<1x64xi32, #tpu.memory_space<vmem>>
          %dma_start3A_174 = tpu.memref_squeeze %dma_start3A_173 : memref<1x64xi32, #tpu.memory_space<vmem>> -> memref<64xi32, #tpu.memory_space<vmem>>
          %dma_start3A_175 = arith.constant 0 : i32
          %dma_start3A_176 = arith.constant 0 : i32
          %dma_start3A_177 = tpu.memref_slice %arg2[%dma_start3A_175, %dma_start3A_176] : memref<10000x128xf32, #tpu.memory_space<hbm>> -> memref<10000x128xf32, #tpu.memory_space<hbm>>
          tpu.enqueue_indirect_dma source(%dma_start3A_177 : memref<10000x128xf32, #tpu.memory_space<hbm>>) target(%dma_start3A_171 : memref<64x128xf32, #tpu.memory_space<vmem>>) offsets(%dma_start3A_174 : memref<64xi32, #tpu.memory_space<vmem>>) semaphore(%arg11 : memref<!tpu.dma_semaphore, #tpu.memory_space<semaphore_mem>>)
        } else {
        }
        %run_scoped3A = arith.constant 0 : i32
        "tpu.region"() ({
          %run_scoped3A_167 = tpu.sem_alloc : memref<!tpu.dma_semaphore, #tpu.memory_space<semaphore_mem>>
          %dma_start3A_168 = arith.constant 0 : i32
          %dma_start3A_169 = arith.constant 0 : i32
          %dma_start3A_170 = tpu.memref_slice %arg9[%run_scoped3A, %dma_start3A_168, %dma_start3A_169] : memref<4x64x128xf32, #tpu.memory_space<vmem>> -> memref<1x64x128xf32, #tpu.memory_space<vmem>>
          %dma_start3A_171 = tpu.memref_squeeze %dma_start3A_170 : memref<1x64x128xf32, #tpu.memory_space<vmem>> -> memref<64x128xf32, #tpu.memory_space<vmem>>
          %dma_start3A_172 = arith.constant 0 : i32
          %dma_start3A_173 = tpu.memref_slice %arg8[%add3A_76, %dma_start3A_172] : memref<40x64xi32, #tpu.memory_space<vmem>> -> memref<1x64xi32, #tpu.memory_space<vmem>>
          %dma_start3A_174 = tpu.memref_squeeze %dma_start3A_173 : memref<1x64xi32, #tpu.memory_space<vmem>> -> memref<64xi32, #tpu.memory_space<vmem>>
          %dma_start3A_175 = arith.constant 0 : i32
          %dma_start3A_176 = arith.constant 0 : i32
          %dma_start3A_177 = tpu.memref_slice %arg10[%dma_start3A_175, %dma_start3A_176] : memref<10240x128xf32, #tpu.memory_space<vmem_shared>> -> memref<10240x128xf32, #tpu.memory_space<vmem_shared>>
          tpu.enqueue_indirect_dma source(%dma_start3A_171 : memref<64x128xf32, #tpu.memory_space<vmem>>) target(%dma_start3A_177 : memref<10240x128xf32, #tpu.memory_space<vmem_shared>>) offsets(%dma_start3A_174 : memref<64xi32, #tpu.memory_space<vmem>>) semaphore(%run_scoped3A_167 : memref<!tpu.dma_semaphore, #tpu.memory_space<semaphore_mem>>) {add = true}
          %dma_wait3A_178 = arith.constant 0 : i32
          %dma_wait3A_179 = arith.constant 0 : i32
          %dma_wait3A_180 = tpu.memref_slice %arg9[%run_scoped3A, %dma_wait3A_178, %dma_wait3A_179] : memref<4x64x128xf32, #tpu.memory_space<vmem>> -> memref<1x64x128xf32, #tpu.memory_space<vmem>>
          %dma_wait3A_181 = tpu.memref_squeeze %dma_wait3A_180 : memref<1x64x128xf32, #tpu.memory_space<vmem>> -> memref<64x128xf32, #tpu.memory_space<vmem>>
          %dma_wait3A_182 = arith.constant 0 : i32
          %dma_wait3A_183 = tpu.memref_slice %arg8[%add3A_76, %dma_wait3A_182] : memref<40x64xi32, #tpu.memory_space<vmem>> -> memref<1x64xi32, #tpu.memory_space<vmem>>
          %dma_wait3A_184 = tpu.memref_squeeze %dma_wait3A_183 : memref<1x64xi32, #tpu.memory_space<vmem>> -> memref<64xi32, #tpu.memory_space<vmem>>
          %dma_wait3A_185 = arith.constant 0 : i32
          %dma_wait3A_186 = arith.constant 0 : i32
          %dma_wait3A_187 = tpu.memref_slice %arg10[%dma_wait3A_185, %dma_wait3A_186] : memref<10240x128xf32, #tpu.memory_space<vmem_shared>> -> memref<10240x128xf32, #tpu.memory_space<vmem_shared>>
          tpu.wait_indirect_dma semaphore(%run_scoped3A_167 : memref<!tpu.dma_semaphore, #tpu.memory_space<semaphore_mem>>) src(%dma_wait3A_181 : memref<64x128xf32, #tpu.memory_space<vmem>>) dst(%dma_wait3A_187 : memref<10240x128xf32, #tpu.memory_space<vmem_shared>>)
          tpu.yield
        }) : () -> ()
        %mul3A_92 = arith.constant 4 : i32
        %mul3A_93 = arith.muli %scan3A_72, %mul3A_92 : i32
        %add3A_94 = arith.constant 1 : i32
        %add3A_95 = arith.addi %mul3A_93, %add3A_94 : i32
        %dma_wait3A_96 = arith.constant 1 : i32
        %dma_wait3A_97 = arith.constant 0 : i32
        %dma_wait3A_98 = arith.constant 0 : i32
        %dma_wait3A_99 = tpu.memref_slice %arg9[%dma_wait3A_96, %dma_wait3A_97, %dma_wait3A_98] : memref<4x64x128xf32, #tpu.memory_space<vmem>> -> memref<1x64x128xf32, #tpu.memory_space<vmem>>
        %dma_wait3A_100 = tpu.memref_squeeze %dma_wait3A_99 : memref<1x64x128xf32, #tpu.memory_space<vmem>> -> memref<64x128xf32, #tpu.memory_space<vmem>>
        %dma_wait3A_101 = arith.constant 0 : i32
        %dma_wait3A_102 = tpu.memref_slice %arg7[%add3A_95, %dma_wait3A_101] : memref<40x64xi32, #tpu.memory_space<vmem>> -> memref<1x64xi32, #tpu.memory_space<vmem>>
        %dma_wait3A_103 = tpu.memref_squeeze %dma_wait3A_102 : memref<1x64xi32, #tpu.memory_space<vmem>> -> memref<64xi32, #tpu.memory_space<vmem>>
        %dma_wait3A_104 = arith.constant 0 : i32
        %dma_wait3A_105 = arith.constant 0 : i32
        %dma_wait3A_106 = tpu.memref_slice %arg2[%dma_wait3A_104, %dma_wait3A_105] : memref<10000x128xf32, #tpu.memory_space<hbm>> -> memref<10000x128xf32, #tpu.memory_space<hbm>>
        tpu.wait_indirect_dma semaphore(%arg11 : memref<!tpu.dma_semaphore, #tpu.memory_space<semaphore_mem>>) src(%dma_wait3A_106 : memref<10000x128xf32, #tpu.memory_space<hbm>>) dst(%dma_wait3A_100 : memref<64x128xf32, #tpu.memory_space<vmem>>)
        %add3A_107 = arith.constant 4 : i32
        %add3A_108 = arith.addi %add3A_95, %add3A_107 : i32
        %sub3A_109 = arith.constant 1 : i32
        %sub3A_110 = arith.subi %add3A_108, %sub3A_109 : i32
        %lt3A_111 = arith.constant 40 : i32
        %lt3A_112 = arith.cmpi slt, %sub3A_110, %lt3A_111 : i32
        %convert_element_type3A_113 = arith.extui %lt3A_112 : i1 to i32
        %cond3A_114 = arith.constant 0 : i32
        %cond3A_115 = arith.cmpi ne, %convert_element_type3A_113, %cond3A_114 : i32
        scf.if %cond3A_115 {
          %dma_start3A_167 = arith.constant 0 : i32
          %dma_start3A_168 = arith.constant 0 : i32
          %dma_start3A_169 = arith.constant 0 : i32
          %dma_start3A_170 = tpu.memref_slice %arg9[%dma_start3A_167, %dma_start3A_168, %dma_start3A_169] : memref<4x64x128xf32, #tpu.memory_space<vmem>> -> memref<1x64x128xf32, #tpu.memory_space<vmem>>
          %dma_start3A_171 = tpu.memref_squeeze %dma_start3A_170 : memref<1x64x128xf32, #tpu.memory_space<vmem>> -> memref<64x128xf32, #tpu.memory_space<vmem>>
          %dma_start3A_172 = arith.constant 0 : i32
          %dma_start3A_173 = tpu.memref_slice %arg7[%sub3A_110, %dma_start3A_172] : memref<40x64xi32, #tpu.memory_space<vmem>> -> memref<1x64xi32, #tpu.memory_space<vmem>>
          %dma_start3A_174 = tpu.memref_squeeze %dma_start3A_173 : memref<1x64xi32, #tpu.memory_space<vmem>> -> memref<64xi32, #tpu.memory_space<vmem>>
          %dma_start3A_175 = arith.constant 0 : i32
          %dma_start3A_176 = arith.constant 0 : i32
          %dma_start3A_177 = tpu.memref_slice %arg2[%dma_start3A_175, %dma_start3A_176] : memref<10000x128xf32, #tpu.memory_space<hbm>> -> memref<10000x128xf32, #tpu.memory_space<hbm>>
          tpu.enqueue_indirect_dma source(%dma_start3A_177 : memref<10000x128xf32, #tpu.memory_space<hbm>>) target(%dma_start3A_171 : memref<64x128xf32, #tpu.memory_space<vmem>>) offsets(%dma_start3A_174 : memref<64xi32, #tpu.memory_space<vmem>>) semaphore(%arg11 : memref<!tpu.dma_semaphore, #tpu.memory_space<semaphore_mem>>)
        } else {
        }
        %run_scoped3A_116 = arith.constant 1 : i32
        "tpu.region"() ({
          %run_scoped3A_167 = tpu.sem_alloc : memref<!tpu.dma_semaphore, #tpu.memory_space<semaphore_mem>>
          %dma_start3A_168 = arith.constant 0 : i32
          %dma_start3A_169 = arith.constant 0 : i32
          %dma_start3A_170 = tpu.memref_slice %arg9[%run_scoped3A_116, %dma_start3A_168, %dma_start3A_169] : memref<4x64x128xf32, #tpu.memory_space<vmem>> -> memref<1x64x128xf32, #tpu.memory_space<vmem>>
          %dma_start3A_171 = tpu.memref_squeeze %dma_start3A_170 : memref<1x64x128xf32, #tpu.memory_space<vmem>> -> memref<64x128xf32, #tpu.memory_space<vmem>>
          %dma_start3A_172 = arith.constant 0 : i32
          %dma_start3A_173 = tpu.memref_slice %arg8[%add3A_95, %dma_start3A_172] : memref<40x64xi32, #tpu.memory_space<vmem>> -> memref<1x64xi32, #tpu.memory_space<vmem>>
          %dma_start3A_174 = tpu.memref_squeeze %dma_start3A_173 : memref<1x64xi32, #tpu.memory_space<vmem>> -> memref<64xi32, #tpu.memory_space<vmem>>
          %dma_start3A_175 = arith.constant 0 : i32
          %dma_start3A_176 = arith.constant 0 : i32
          %dma_start3A_177 = tpu.memref_slice %arg10[%dma_start3A_175, %dma_start3A_176] : memref<10240x128xf32, #tpu.memory_space<vmem_shared>> -> memref<10240x128xf32, #tpu.memory_space<vmem_shared>>
          tpu.enqueue_indirect_dma source(%dma_start3A_171 : memref<64x128xf32, #tpu.memory_space<vmem>>) target(%dma_start3A_177 : memref<10240x128xf32, #tpu.memory_space<vmem_shared>>) offsets(%dma_start3A_174 : memref<64xi32, #tpu.memory_space<vmem>>) semaphore(%run_scoped3A_167 : memref<!tpu.dma_semaphore, #tpu.memory_space<semaphore_mem>>) {add = true}
          %dma_wait3A_178 = arith.constant 0 : i32
          %dma_wait3A_179 = arith.constant 0 : i32
          %dma_wait3A_180 = tpu.memref_slice %arg9[%run_scoped3A_116, %dma_wait3A_178, %dma_wait3A_179] : memref<4x64x128xf32, #tpu.memory_space<vmem>> -> memref<1x64x128xf32, #tpu.memory_space<vmem>>
          %dma_wait3A_181 = tpu.memref_squeeze %dma_wait3A_180 : memref<1x64x128xf32, #tpu.memory_space<vmem>> -> memref<64x128xf32, #tpu.memory_space<vmem>>
          %dma_wait3A_182 = arith.constant 0 : i32
          %dma_wait3A_183 = tpu.memref_slice %arg8[%add3A_95, %dma_wait3A_182] : memref<40x64xi32, #tpu.memory_space<vmem>> -> memref<1x64xi32, #tpu.memory_space<vmem>>
          %dma_wait3A_184 = tpu.memref_squeeze %dma_wait3A_183 : memref<1x64xi32, #tpu.memory_space<vmem>> -> memref<64xi32, #tpu.memory_space<vmem>>
          %dma_wait3A_185 = arith.constant 0 : i32
          %dma_wait3A_186 = arith.constant 0 : i32
          %dma_wait3A_187 = tpu.memref_slice %arg10[%dma_wait3A_185, %dma_wait3A_186] : memref<10240x128xf32, #tpu.memory_space<vmem_shared>> -> memref<10240x128xf32, #tpu.memory_space<vmem_shared>>
          tpu.wait_indirect_dma semaphore(%run_scoped3A_167 : memref<!tpu.dma_semaphore, #tpu.memory_space<semaphore_mem>>) src(%dma_wait3A_181 : memref<64x128xf32, #tpu.memory_space<vmem>>) dst(%dma_wait3A_187 : memref<10240x128xf32, #tpu.memory_space<vmem_shared>>)
          tpu.yield
        }) : () -> ()
        %mul3A_117 = arith.constant 4 : i32
        %mul3A_118 = arith.muli %scan3A_72, %mul3A_117 : i32
        %add3A_119 = arith.constant 2 : i32
        %add3A_120 = arith.addi %mul3A_118, %add3A_119 : i32
        %dma_wait3A_121 = arith.constant 2 : i32
        %dma_wait3A_122 = arith.constant 0 : i32
        %dma_wait3A_123 = arith.constant 0 : i32
        %dma_wait3A_124 = tpu.memref_slice %arg9[%dma_wait3A_121, %dma_wait3A_122, %dma_wait3A_123] : memref<4x64x128xf32, #tpu.memory_space<vmem>> -> memref<1x64x128xf32, #tpu.memory_space<vmem>>
        %dma_wait3A_125 = tpu.memref_squeeze %dma_wait3A_124 : memref<1x64x128xf32, #tpu.memory_space<vmem>> -> memref<64x128xf32, #tpu.memory_space<vmem>>
        %dma_wait3A_126 = arith.constant 0 : i32
        %dma_wait3A_127 = tpu.memref_slice %arg7[%add3A_120, %dma_wait3A_126] : memref<40x64xi32, #tpu.memory_space<vmem>> -> memref<1x64xi32, #tpu.memory_space<vmem>>
        %dma_wait3A_128 = tpu.memref_squeeze %dma_wait3A_127 : memref<1x64xi32, #tpu.memory_space<vmem>> -> memref<64xi32, #tpu.memory_space<vmem>>
        %dma_wait3A_129 = arith.constant 0 : i32
        %dma_wait3A_130 = arith.constant 0 : i32
        %dma_wait3A_131 = tpu.memref_slice %arg2[%dma_wait3A_129, %dma_wait3A_130] : memref<10000x128xf32, #tpu.memory_space<hbm>> -> memref<10000x128xf32, #tpu.memory_space<hbm>>
        tpu.wait_indirect_dma semaphore(%arg11 : memref<!tpu.dma_semaphore, #tpu.memory_space<semaphore_mem>>) src(%dma_wait3A_131 : memref<10000x128xf32, #tpu.memory_space<hbm>>) dst(%dma_wait3A_125 : memref<64x128xf32, #tpu.memory_space<vmem>>)
        %add3A_132 = arith.constant 4 : i32
        %add3A_133 = arith.addi %add3A_120, %add3A_132 : i32
        %sub3A_134 = arith.constant 1 : i32
        %sub3A_135 = arith.subi %add3A_133, %sub3A_134 : i32
        %lt3A_136 = arith.constant 40 : i32
        %lt3A_137 = arith.cmpi slt, %sub3A_135, %lt3A_136 : i32
        %convert_element_type3A_138 = arith.extui %lt3A_137 : i1 to i32
        %cond3A_139 = arith.constant 0 : i32
        %cond3A_140 = arith.cmpi ne, %convert_element_type3A_138, %cond3A_139 : i32
        scf.if %cond3A_140 {
          %dma_start3A_167 = arith.constant 1 : i32
          %dma_start3A_168 = arith.constant 0 : i32
          %dma_start3A_169 = arith.constant 0 : i32
          %dma_start3A_170 = tpu.memref_slice %arg9[%dma_start3A_167, %dma_start3A_168, %dma_start3A_169] : memref<4x64x128xf32, #tpu.memory_space<vmem>> -> memref<1x64x128xf32, #tpu.memory_space<vmem>>
          %dma_start3A_171 = tpu.memref_squeeze %dma_start3A_170 : memref<1x64x128xf32, #tpu.memory_space<vmem>> -> memref<64x128xf32, #tpu.memory_space<vmem>>
          %dma_start3A_172 = arith.constant 0 : i32
          %dma_start3A_173 = tpu.memref_slice %arg7[%sub3A_135, %dma_start3A_172] : memref<40x64xi32, #tpu.memory_space<vmem>> -> memref<1x64xi32, #tpu.memory_space<vmem>>
          %dma_start3A_174 = tpu.memref_squeeze %dma_start3A_173 : memref<1x64xi32, #tpu.memory_space<vmem>> -> memref<64xi32, #tpu.memory_space<vmem>>
          %dma_start3A_175 = arith.constant 0 : i32
          %dma_start3A_176 = arith.constant 0 : i32
          %dma_start3A_177 = tpu.memref_slice %arg2[%dma_start3A_175, %dma_start3A_176] : memref<10000x128xf32, #tpu.memory_space<hbm>> -> memref<10000x128xf32, #tpu.memory_space<hbm>>
          tpu.enqueue_indirect_dma source(%dma_start3A_177 : memref<10000x128xf32, #tpu.memory_space<hbm>>) target(%dma_start3A_171 : memref<64x128xf32, #tpu.memory_space<vmem>>) offsets(%dma_start3A_174 : memref<64xi32, #tpu.memory_space<vmem>>) semaphore(%arg11 : memref<!tpu.dma_semaphore, #tpu.memory_space<semaphore_mem>>)
        } else {
        }
        %run_scoped3A_141 = arith.constant 2 : i32
        "tpu.region"() ({
          %run_scoped3A_167 = tpu.sem_alloc : memref<!tpu.dma_semaphore, #tpu.memory_space<semaphore_mem>>
          %dma_start3A_168 = arith.constant 0 : i32
          %dma_start3A_169 = arith.constant 0 : i32
          %dma_start3A_170 = tpu.memref_slice %arg9[%run_scoped3A_141, %dma_start3A_168, %dma_start3A_169] : memref<4x64x128xf32, #tpu.memory_space<vmem>> -> memref<1x64x128xf32, #tpu.memory_space<vmem>>
          %dma_start3A_171 = tpu.memref_squeeze %dma_start3A_170 : memref<1x64x128xf32, #tpu.memory_space<vmem>> -> memref<64x128xf32, #tpu.memory_space<vmem>>
          %dma_start3A_172 = arith.constant 0 : i32
          %dma_start3A_173 = tpu.memref_slice %arg8[%add3A_120, %dma_start3A_172] : memref<40x64xi32, #tpu.memory_space<vmem>> -> memref<1x64xi32, #tpu.memory_space<vmem>>
          %dma_start3A_174 = tpu.memref_squeeze %dma_start3A_173 : memref<1x64xi32, #tpu.memory_space<vmem>> -> memref<64xi32, #tpu.memory_space<vmem>>
          %dma_start3A_175 = arith.constant 0 : i32
          %dma_start3A_176 = arith.constant 0 : i32
          %dma_start3A_177 = tpu.memref_slice %arg10[%dma_start3A_175, %dma_start3A_176] : memref<10240x128xf32, #tpu.memory_space<vmem_shared>> -> memref<10240x128xf32, #tpu.memory_space<vmem_shared>>
          tpu.enqueue_indirect_dma source(%dma_start3A_171 : memref<64x128xf32, #tpu.memory_space<vmem>>) target(%dma_start3A_177 : memref<10240x128xf32, #tpu.memory_space<vmem_shared>>) offsets(%dma_start3A_174 : memref<64xi32, #tpu.memory_space<vmem>>) semaphore(%run_scoped3A_167 : memref<!tpu.dma_semaphore, #tpu.memory_space<semaphore_mem>>) {add = true}
          %dma_wait3A_178 = arith.constant 0 : i32
          %dma_wait3A_179 = arith.constant 0 : i32
          %dma_wait3A_180 = tpu.memref_slice %arg9[%run_scoped3A_141, %dma_wait3A_178, %dma_wait3A_179] : memref<4x64x128xf32, #tpu.memory_space<vmem>> -> memref<1x64x128xf32, #tpu.memory_space<vmem>>
          %dma_wait3A_181 = tpu.memref_squeeze %dma_wait3A_180 : memref<1x64x128xf32, #tpu.memory_space<vmem>> -> memref<64x128xf32, #tpu.memory_space<vmem>>
          %dma_wait3A_182 = arith.constant 0 : i32
          %dma_wait3A_183 = tpu.memref_slice %arg8[%add3A_120, %dma_wait3A_182] : memref<40x64xi32, #tpu.memory_space<vmem>> -> memref<1x64xi32, #tpu.memory_space<vmem>>
          %dma_wait3A_184 = tpu.memref_squeeze %dma_wait3A_183 : memref<1x64xi32, #tpu.memory_space<vmem>> -> memref<64xi32, #tpu.memory_space<vmem>>
          %dma_wait3A_185 = arith.constant 0 : i32
          %dma_wait3A_186 = arith.constant 0 : i32
          %dma_wait3A_187 = tpu.memref_slice %arg10[%dma_wait3A_185, %dma_wait3A_186] : memref<10240x128xf32, #tpu.memory_space<vmem_shared>> -> memref<10240x128xf32, #tpu.memory_space<vmem_shared>>
          tpu.wait_indirect_dma semaphore(%run_scoped3A_167 : memref<!tpu.dma_semaphore, #tpu.memory_space<semaphore_mem>>) src(%dma_wait3A_181 : memref<64x128xf32, #tpu.memory_space<vmem>>) dst(%dma_wait3A_187 : memref<10240x128xf32, #tpu.memory_space<vmem_shared>>)
          tpu.yield
        }) : () -> ()
        %mul3A_142 = arith.constant 4 : i32
        %mul3A_143 = arith.muli %scan3A_72, %mul3A_142 : i32
        %add3A_144 = arith.constant 3 : i32
        %add3A_145 = arith.addi %mul3A_143, %add3A_144 : i32
        %dma_wait3A_146 = arith.constant 3 : i32
        %dma_wait3A_147 = arith.constant 0 : i32
        %dma_wait3A_148 = arith.constant 0 : i32
        %dma_wait3A_149 = tpu.memref_slice %arg9[%dma_wait3A_146, %dma_wait3A_147, %dma_wait3A_148] : memref<4x64x128xf32, #tpu.memory_space<vmem>> -> memref<1x64x128xf32, #tpu.memory_space<vmem>>
        %dma_wait3A_150 = tpu.memref_squeeze %dma_wait3A_149 : memref<1x64x128xf32, #tpu.memory_space<vmem>> -> memref<64x128xf32, #tpu.memory_space<vmem>>
        %dma_wait3A_151 = arith.constant 0 : i32
        %dma_wait3A_152 = tpu.memref_slice %arg7[%add3A_145, %dma_wait3A_151] : memref<40x64xi32, #tpu.memory_space<vmem>> -> memref<1x64xi32, #tpu.memory_space<vmem>>
        %dma_wait3A_153 = tpu.memref_squeeze %dma_wait3A_152 : memref<1x64xi32, #tpu.memory_space<vmem>> -> memref<64xi32, #tpu.memory_space<vmem>>
        %dma_wait3A_154 = arith.constant 0 : i32
        %dma_wait3A_155 = arith.constant 0 : i32
        %dma_wait3A_156 = tpu.memref_slice %arg2[%dma_wait3A_154, %dma_wait3A_155] : memref<10000x128xf32, #tpu.memory_space<hbm>> -> memref<10000x128xf32, #tpu.memory_space<hbm>>
        tpu.wait_indirect_dma semaphore(%arg11 : memref<!tpu.dma_semaphore, #tpu.memory_space<semaphore_mem>>) src(%dma_wait3A_156 : memref<10000x128xf32, #tpu.memory_space<hbm>>) dst(%dma_wait3A_150 : memref<64x128xf32, #tpu.memory_space<vmem>>)
        %add3A_157 = arith.constant 4 : i32
        %add3A_158 = arith.addi %add3A_145, %add3A_157 : i32
        %sub3A_159 = arith.constant 1 : i32
        %sub3A_160 = arith.subi %add3A_158, %sub3A_159 : i32
        %lt3A_161 = arith.constant 40 : i32
        %lt3A_162 = arith.cmpi slt, %sub3A_160, %lt3A_161 : i32
        %convert_element_type3A_163 = arith.extui %lt3A_162 : i1 to i32
        %cond3A_164 = arith.constant 0 : i32
        %cond3A_165 = arith.cmpi ne, %convert_element_type3A_163, %cond3A_164 : i32
        scf.if %cond3A_165 {
          %dma_start3A_167 = arith.constant 2 : i32
          %dma_start3A_168 = arith.constant 0 : i32
          %dma_start3A_169 = arith.constant 0 : i32
          %dma_start3A_170 = tpu.memref_slice %arg9[%dma_start3A_167, %dma_start3A_168, %dma_start3A_169] : memref<4x64x128xf32, #tpu.memory_space<vmem>> -> memref<1x64x128xf32, #tpu.memory_space<vmem>>
          %dma_start3A_171 = tpu.memref_squeeze %dma_start3A_170 : memref<1x64x128xf32, #tpu.memory_space<vmem>> -> memref<64x128xf32, #tpu.memory_space<vmem>>
          %dma_start3A_172 = arith.constant 0 : i32
          %dma_start3A_173 = tpu.memref_slice %arg7[%sub3A_160, %dma_start3A_172] : memref<40x64xi32, #tpu.memory_space<vmem>> -> memref<1x64xi32, #tpu.memory_space<vmem>>
          %dma_start3A_174 = tpu.memref_squeeze %dma_start3A_173 : memref<1x64xi32, #tpu.memory_space<vmem>> -> memref<64xi32, #tpu.memory_space<vmem>>
          %dma_start3A_175 = arith.constant 0 : i32
          %dma_start3A_176 = arith.constant 0 : i32
          %dma_start3A_177 = tpu.memref_slice %arg2[%dma_start3A_175, %dma_start3A_176] : memref<10000x128xf32, #tpu.memory_space<hbm>> -> memref<10000x128xf32, #tpu.memory_space<hbm>>
          tpu.enqueue_indirect_dma source(%dma_start3A_177 : memref<10000x128xf32, #tpu.memory_space<hbm>>) target(%dma_start3A_171 : memref<64x128xf32, #tpu.memory_space<vmem>>) offsets(%dma_start3A_174 : memref<64xi32, #tpu.memory_space<vmem>>) semaphore(%arg11 : memref<!tpu.dma_semaphore, #tpu.memory_space<semaphore_mem>>)
        } else {
        }
        %run_scoped3A_166 = arith.constant 3 : i32
        "tpu.region"() ({
          %run_scoped3A_167 = tpu.sem_alloc : memref<!tpu.dma_semaphore, #tpu.memory_space<semaphore_mem>>
          %dma_start3A_168 = arith.constant 0 : i32
          %dma_start3A_169 = arith.constant 0 : i32
          %dma_start3A_170 = tpu.memref_slice %arg9[%run_scoped3A_166, %dma_start3A_168, %dma_start3A_169] : memref<4x64x128xf32, #tpu.memory_space<vmem>> -> memref<1x64x128xf32, #tpu.memory_space<vmem>>
          %dma_start3A_171 = tpu.memref_squeeze %dma_start3A_170 : memref<1x64x128xf32, #tpu.memory_space<vmem>> -> memref<64x128xf32, #tpu.memory_space<vmem>>
          %dma_start3A_172 = arith.constant 0 : i32
          %dma_start3A_173 = tpu.memref_slice %arg8[%add3A_145, %dma_start3A_172] : memref<40x64xi32, #tpu.memory_space<vmem>> -> memref<1x64xi32, #tpu.memory_space<vmem>>
          %dma_start3A_174 = tpu.memref_squeeze %dma_start3A_173 : memref<1x64xi32, #tpu.memory_space<vmem>> -> memref<64xi32, #tpu.memory_space<vmem>>
          %dma_start3A_175 = arith.constant 0 : i32
          %dma_start3A_176 = arith.constant 0 : i32
          %dma_start3A_177 = tpu.memref_slice %arg10[%dma_start3A_175, %dma_start3A_176] : memref<10240x128xf32, #tpu.memory_space<vmem_shared>> -> memref<10240x128xf32, #tpu.memory_space<vmem_shared>>
          tpu.enqueue_indirect_dma source(%dma_start3A_171 : memref<64x128xf32, #tpu.memory_space<vmem>>) target(%dma_start3A_177 : memref<10240x128xf32, #tpu.memory_space<vmem_shared>>) offsets(%dma_start3A_174 : memref<64xi32, #tpu.memory_space<vmem>>) semaphore(%run_scoped3A_167 : memref<!tpu.dma_semaphore, #tpu.memory_space<semaphore_mem>>) {add = true}
          %dma_wait3A_178 = arith.constant 0 : i32
          %dma_wait3A_179 = arith.constant 0 : i32
          %dma_wait3A_180 = tpu.memref_slice %arg9[%run_scoped3A_166, %dma_wait3A_178, %dma_wait3A_179] : memref<4x64x128xf32, #tpu.memory_space<vmem>> -> memref<1x64x128xf32, #tpu.memory_space<vmem>>
          %dma_wait3A_181 = tpu.memref_squeeze %dma_wait3A_180 : memref<1x64x128xf32, #tpu.memory_space<vmem>> -> memref<64x128xf32, #tpu.memory_space<vmem>>
          %dma_wait3A_182 = arith.constant 0 : i32
          %dma_wait3A_183 = tpu.memref_slice %arg8[%add3A_145, %dma_wait3A_182] : memref<40x64xi32, #tpu.memory_space<vmem>> -> memref<1x64xi32, #tpu.memory_space<vmem>>
          %dma_wait3A_184 = tpu.memref_squeeze %dma_wait3A_183 : memref<1x64xi32, #tpu.memory_space<vmem>> -> memref<64xi32, #tpu.memory_space<vmem>>
          %dma_wait3A_185 = arith.constant 0 : i32
          %dma_wait3A_186 = arith.constant 0 : i32
          %dma_wait3A_187 = tpu.memref_slice %arg10[%dma_wait3A_185, %dma_wait3A_186] : memref<10240x128xf32, #tpu.memory_space<vmem_shared>> -> memref<10240x128xf32, #tpu.memory_space<vmem_shared>>
          tpu.wait_indirect_dma semaphore(%run_scoped3A_167 : memref<!tpu.dma_semaphore, #tpu.memory_space<semaphore_mem>>) src(%dma_wait3A_181 : memref<64x128xf32, #tpu.memory_space<vmem>>) dst(%dma_wait3A_187 : memref<10240x128xf32, #tpu.memory_space<vmem_shared>>)
          tpu.yield
        }) : () -> ()
      }
      %scan3A_71 = arith.constant 10 : i32
    }
    %while3A_22 = arith.constant 1 : i32
    scf.for %while3A_28 = %while3A_20 to %while3A_16 step %while3A_22  : i32 {
      %mul3A_29 = arith.constant 40 : i32
      %mul3A_30 = arith.muli %while3A_28, %mul3A_29 : i32
      %add3A_31 = arith.addi %select_n3A, %mul3A_30 : i32
      "tpu.region"() ({
        %run_scoped3A = tpu.sem_alloc : memref<!tpu.dma_semaphore, #tpu.memory_space<semaphore_mem>>
        %dma_start3A_72 = arith.constant 0 : i32
        %dma_start3A_73 = tpu.memref_slice %arg3[%add3A_31, %dma_start3A_72] : memref<5120x64xi32, #tpu.memory_space<hbm>> -> memref<40x64xi32, #tpu.memory_space<hbm>>
        %dma_start3A_74 = arith.constant 0 : i32
        %dma_start3A_75 = tpu.memref_slice %arg3[%add3A_31, %dma_start3A_74] : memref<5120x64xi32, #tpu.memory_space<hbm>> -> memref<40x64xi32, #tpu.memory_space<hbm>>
        tpu.enqueue_dma source(%dma_start3A_75 : memref<40x64xi32, #tpu.memory_space<hbm>>) target(%arg7 : memref<40x64xi32, #tpu.memory_space<vmem>>) target_semaphore(%run_scoped3A : memref<!tpu.dma_semaphore, #tpu.memory_space<semaphore_mem>>)
        %dma_wait3A = arith.constant 0 : i32
        %dma_wait3A_76 = tpu.memref_slice %arg3[%add3A_31, %dma_wait3A] : memref<5120x64xi32, #tpu.memory_space<hbm>> -> memref<40x64xi32, #tpu.memory_space<hbm>>
        %dma_wait3A_77 = arith.constant 0 : i32
        %dma_wait3A_78 = tpu.memref_slice %arg3[%add3A_31, %dma_wait3A_77] : memref<5120x64xi32, #tpu.memory_space<hbm>> -> memref<40x64xi32, #tpu.memory_space<hbm>>
        tpu.wait_dma2 semaphore(%run_scoped3A : memref<!tpu.dma_semaphore, #tpu.memory_space<semaphore_mem>>) src(%dma_wait3A_78 : memref<40x64xi32, #tpu.memory_space<hbm>>) dst(%arg7 : memref<40x64xi32, #tpu.memory_space<vmem>>)
        tpu.yield
      }) : () -> ()
      "tpu.region"() ({
        %run_scoped3A = tpu.sem_alloc : memref<!tpu.dma_semaphore, #tpu.memory_space<semaphore_mem>>
        %dma_start3A_72 = arith.constant 0 : i32
        %dma_start3A_73 = tpu.memref_slice %arg4[%add3A_31, %dma_start3A_72] : memref<5120x64xi32, #tpu.memory_space<hbm>> -> memref<40x64xi32, #tpu.memory_space<hbm>>
        %dma_start3A_74 = arith.constant 0 : i32
        %dma_start3A_75 = tpu.memref_slice %arg4[%add3A_31, %dma_start3A_74] : memref<5120x64xi32, #tpu.memory_space<hbm>> -> memref<40x64xi32, #tpu.memory_space<hbm>>
        tpu.enqueue_dma source(%dma_start3A_75 : memref<40x64xi32, #tpu.memory_space<hbm>>) target(%arg8 : memref<40x64xi32, #tpu.memory_space<vmem>>) target_semaphore(%run_scoped3A : memref<!tpu.dma_semaphore, #tpu.memory_space<semaphore_mem>>)
        %dma_wait3A = arith.constant 0 : i32
        %dma_wait3A_76 = tpu.memref_slice %arg4[%add3A_31, %dma_wait3A] : memref<5120x64xi32, #tpu.memory_space<hbm>> -> memref<40x64xi32, #tpu.memory_space<hbm>>
        %dma_wait3A_77 = arith.constant 0 : i32
        %dma_wait3A_78 = tpu.memref_slice %arg4[%add3A_31, %dma_wait3A_77] : memref<5120x64xi32, #tpu.memory_space<hbm>> -> memref<40x64xi32, #tpu.memory_space<hbm>>
        tpu.wait_dma2 semaphore(%run_scoped3A : memref<!tpu.dma_semaphore, #tpu.memory_space<semaphore_mem>>) src(%dma_wait3A_78 : memref<40x64xi32, #tpu.memory_space<hbm>>) dst(%arg8 : memref<40x64xi32, #tpu.memory_space<vmem>>)
        tpu.yield
      }) : () -> ()
      %dma_start3A = arith.constant 0 : i32
      %dma_start3A_32 = arith.constant 0 : i32
      %dma_start3A_33 = arith.constant 0 : i32
      %dma_start3A_34 = arith.constant 0 : i32
      %dma_start3A_35 = tpu.memref_slice %arg9[%dma_start3A_32, %dma_start3A_33, %dma_start3A_34] : memref<4x64x128xf32, #tpu.memory_space<vmem>> -> memref<1x64x128xf32, #tpu.memory_space<vmem>>
      %dma_start3A_36 = tpu.memref_squeeze %dma_start3A_35 : memref<1x64x128xf32, #tpu.memory_space<vmem>> -> memref<64x128xf32, #tpu.memory_space<vmem>>
      %dma_start3A_37 = arith.constant 0 : i32
      %dma_start3A_38 = tpu.memref_slice %arg7[%dma_start3A, %dma_start3A_37] : memref<40x64xi32, #tpu.memory_space<vmem>> -> memref<1x64xi32, #tpu.memory_space<vmem>>
      %dma_start3A_39 = tpu.memref_squeeze %dma_start3A_38 : memref<1x64xi32, #tpu.memory_space<vmem>> -> memref<64xi32, #tpu.memory_space<vmem>>
      %dma_start3A_40 = arith.constant 0 : i32
      %dma_start3A_41 = arith.constant 0 : i32
      %dma_start3A_42 = tpu.memref_slice %arg2[%dma_start3A_40, %dma_start3A_41] : memref<10000x128xf32, #tpu.memory_space<hbm>> -> memref<10000x128xf32, #tpu.memory_space<hbm>>
      tpu.enqueue_indirect_dma source(%dma_start3A_42 : memref<10000x128xf32, #tpu.memory_space<hbm>>) target(%dma_start3A_36 : memref<64x128xf32, #tpu.memory_space<vmem>>) offsets(%dma_start3A_39 : memref<64xi32, #tpu.memory_space<vmem>>) semaphore(%arg11 : memref<!tpu.dma_semaphore, #tpu.memory_space<semaphore_mem>>)
      %dma_start3A_43 = arith.constant 1 : i32
      %dma_start3A_44 = arith.constant 1 : i32
      %dma_start3A_45 = arith.constant 0 : i32
      %dma_start3A_46 = arith.constant 0 : i32
      %dma_start3A_47 = tpu.memref_slice %arg9[%dma_start3A_44, %dma_start3A_45, %dma_start3A_46] : memref<4x64x128xf32, #tpu.memory_space<vmem>> -> memref<1x64x128xf32, #tpu.memory_space<vmem>>
      %dma_start3A_48 = tpu.memref_squeeze %dma_start3A_47 : memref<1x64x128xf32, #tpu.memory_space<vmem>> -> memref<64x128xf32, #tpu.memory_space<vmem>>
      %dma_start3A_49 = arith.constant 0 : i32
      %dma_start3A_50 = tpu.memref_slice %arg7[%dma_start3A_43, %dma_start3A_49] : memref<40x64xi32, #tpu.memory_space<vmem>> -> memref<1x64xi32, #tpu.memory_space<vmem>>
      %dma_start3A_51 = tpu.memref_squeeze %dma_start3A_50 : memref<1x64xi32, #tpu.memory_space<vmem>> -> memref<64xi32, #tpu.memory_space<vmem>>
      %dma_start3A_52 = arith.constant 0 : i32
      %dma_start3A_53 = arith.constant 0 : i32
      %dma_start3A_54 = tpu.memref_slice %arg2[%dma_start3A_52, %dma_start3A_53] : memref<10000x128xf32, #tpu.memory_space<hbm>> -> memref<10000x128xf32, #tpu.memory_space<hbm>>
      tpu.enqueue_indirect_dma source(%dma_start3A_54 : memref<10000x128xf32, #tpu.memory_space<hbm>>) target(%dma_start3A_48 : memref<64x128xf32, #tpu.memory_space<vmem>>) offsets(%dma_start3A_51 : memref<64xi32, #tpu.memory_space<vmem>>) semaphore(%arg11 : memref<!tpu.dma_semaphore, #tpu.memory_space<semaphore_mem>>)
      %dma_start3A_55 = arith.constant 2 : i32
      %dma_start3A_56 = arith.constant 2 : i32
      %dma_start3A_57 = arith.constant 0 : i32
      %dma_start3A_58 = arith.constant 0 : i32
      %dma_start3A_59 = tpu.memref_slice %arg9[%dma_start3A_56, %dma_start3A_57, %dma_start3A_58] : memref<4x64x128xf32, #tpu.memory_space<vmem>> -> memref<1x64x128xf32, #tpu.memory_space<vmem>>
      %dma_start3A_60 = tpu.memref_squeeze %dma_start3A_59 : memref<1x64x128xf32, #tpu.memory_space<vmem>> -> memref<64x128xf32, #tpu.memory_space<vmem>>
      %dma_start3A_61 = arith.constant 0 : i32
      %dma_start3A_62 = tpu.memref_slice %arg7[%dma_start3A_55, %dma_start3A_61] : memref<40x64xi32, #tpu.memory_space<vmem>> -> memref<1x64xi32, #tpu.memory_space<vmem>>
      %dma_start3A_63 = tpu.memref_squeeze %dma_start3A_62 : memref<1x64xi32, #tpu.memory_space<vmem>> -> memref<64xi32, #tpu.memory_space<vmem>>
      %dma_start3A_64 = arith.constant 0 : i32
      %dma_start3A_65 = arith.constant 0 : i32
      %dma_start3A_66 = tpu.memref_slice %arg2[%dma_start3A_64, %dma_start3A_65] : memref<10000x128xf32, #tpu.memory_space<hbm>> -> memref<10000x128xf32, #tpu.memory_space<hbm>>
      tpu.enqueue_indirect_dma source(%dma_start3A_66 : memref<10000x128xf32, #tpu.memory_space<hbm>>) target(%dma_start3A_60 : memref<64x128xf32, #tpu.memory_space<vmem>>) offsets(%dma_start3A_63 : memref<64xi32, #tpu.memory_space<vmem>>) semaphore(%arg11 : memref<!tpu.dma_semaphore, #tpu.memory_space<semaphore_mem>>)
      %scan3A = arith.constant 0 : i32
      %scan3A_67 = arith.constant 0 : i32
      %scan3A_68 = arith.constant 10 : i32
      %scan3A_69 = arith.addi %scan3A_67, %scan3A_68 : i32
      %scan3A_70 = arith.constant 1 : i32
      scf.for %scan3A_72 = %scan3A_67 to %scan3A_69 step %scan3A_70  : i32 {
        %mul3A_73 = arith.constant 4 : i32
        %mul3A_74 = arith.muli %scan3A_72, %mul3A_73 : i32
        %add3A_75 = arith.constant 0 : i32
        %add3A_76 = arith.addi %mul3A_74, %add3A_75 : i32
        %dma_wait3A = arith.constant 0 : i32
        %dma_wait3A_77 = arith.constant 0 : i32
        %dma_wait3A_78 = arith.constant 0 : i32
        %dma_wait3A_79 = tpu.memref_slice %arg9[%dma_wait3A, %dma_wait3A_77, %dma_wait3A_78] : memref<4x64x128xf32, #tpu.memory_space<vmem>> -> memref<1x64x128xf32, #tpu.memory_space<vmem>>
        %dma_wait3A_80 = tpu.memref_squeeze %dma_wait3A_79 : memref<1x64x128xf32, #tpu.memory_space<vmem>> -> memref<64x128xf32, #tpu.memory_space<vmem>>
        %dma_wait3A_81 = arith.constant 0 : i32
        %dma_wait3A_82 = tpu.memref_slice %arg7[%add3A_76, %dma_wait3A_81] : memref<40x64xi32, #tpu.memory_space<vmem>> -> memref<1x64xi32, #tpu.memory_space<vmem>>
        %dma_wait3A_83 = tpu.memref_squeeze %dma_wait3A_82 : memref<1x64xi32, #tpu.memory_space<vmem>> -> memref<64xi32, #tpu.memory_space<vmem>>
        %dma_wait3A_84 = arith.constant 0 : i32
        %dma_wait3A_85 = arith.constant 0 : i32
        %dma_wait3A_86 = tpu.memref_slice %arg2[%dma_wait3A_84, %dma_wait3A_85] : memref<10000x128xf32, #tpu.memory_space<hbm>> -> memref<10000x128xf32, #tpu.memory_space<hbm>>
        tpu.wait_indirect_dma semaphore(%arg11 : memref<!tpu.dma_semaphore, #tpu.memory_space<semaphore_mem>>) src(%dma_wait3A_86 : memref<10000x128xf32, #tpu.memory_space<hbm>>) dst(%dma_wait3A_80 : memref<64x128xf32, #tpu.memory_space<vmem>>)
        %add3A_87 = arith.constant 4 : i32
        %add3A_88 = arith.addi %add3A_76, %add3A_87 : i32
        %sub3A = arith.constant 1 : i32
        %sub3A_89 = arith.subi %add3A_88, %sub3A : i32
        %lt3A = arith.constant 40 : i32
        %lt3A_90 = arith.cmpi slt, %sub3A_89, %lt3A : i32
        %convert_element_type3A = arith.extui %lt3A_90 : i1 to i32
        %cond3A = arith.constant 0 : i32
        %cond3A_91 = arith.cmpi ne, %convert_element_type3A, %cond3A : i32
        scf.if %cond3A_91 {
          %dma_start3A_167 = arith.constant 3 : i32
          %dma_start3A_168 = arith.constant 0 : i32
          %dma_start3A_169 = arith.constant 0 : i32
          %dma_start3A_170 = tpu.memref_slice %arg9[%dma_start3A_167, %dma_start3A_168, %dma_start3A_169] : memref<4x64x128xf32, #tpu.memory_space<vmem>> -> memref<1x64x128xf32, #tpu.memory_space<vmem>>
          %dma_start3A_171 = tpu.memref_squeeze %dma_start3A_170 : memref<1x64x128xf32, #tpu.memory_space<vmem>> -> memref<64x128xf32, #tpu.memory_space<vmem>>
          %dma_start3A_172 = arith.constant 0 : i32
          %dma_start3A_173 = tpu.memref_slice %arg7[%sub3A_89, %dma_start3A_172] : memref<40x64xi32, #tpu.memory_space<vmem>> -> memref<1x64xi32, #tpu.memory_space<vmem>>
          %dma_start3A_174 = tpu.memref_squeeze %dma_start3A_173 : memref<1x64xi32, #tpu.memory_space<vmem>> -> memref<64xi32, #tpu.memory_space<vmem>>
          %dma_start3A_175 = arith.constant 0 : i32
          %dma_start3A_176 = arith.constant 0 : i32
          %dma_start3A_177 = tpu.memref_slice %arg2[%dma_start3A_175, %dma_start3A_176] : memref<10000x128xf32, #tpu.memory_space<hbm>> -> memref<10000x128xf32, #tpu.memory_space<hbm>>
          tpu.enqueue_indirect_dma source(%dma_start3A_177 : memref<10000x128xf32, #tpu.memory_space<hbm>>) target(%dma_start3A_171 : memref<64x128xf32, #tpu.memory_space<vmem>>) offsets(%dma_start3A_174 : memref<64xi32, #tpu.memory_space<vmem>>) semaphore(%arg11 : memref<!tpu.dma_semaphore, #tpu.memory_space<semaphore_mem>>)
        } else {
        }
        %run_scoped3A = arith.constant 0 : i32
        "tpu.region"() ({
          %run_scoped3A_167 = tpu.sem_alloc : memref<!tpu.dma_semaphore, #tpu.memory_space<semaphore_mem>>
          %dma_start3A_168 = arith.constant 0 : i32
          %dma_start3A_169 = arith.constant 0 : i32
          %dma_start3A_170 = tpu.memref_slice %arg9[%run_scoped3A, %dma_start3A_168, %dma_start3A_169] : memref<4x64x128xf32, #tpu.memory_space<vmem>> -> memref<1x64x128xf32, #tpu.memory_space<vmem>>
          %dma_start3A_171 = tpu.memref_squeeze %dma_start3A_170 : memref<1x64x128xf32, #tpu.memory_space<vmem>> -> memref<64x128xf32, #tpu.memory_space<vmem>>
          %dma_start3A_172 = arith.constant 0 : i32
          %dma_start3A_173 = tpu.memref_slice %arg8[%add3A_76, %dma_start3A_172] : memref<40x64xi32, #tpu.memory_space<vmem>> -> memref<1x64xi32, #tpu.memory_space<vmem>>
          %dma_start3A_174 = tpu.memref_squeeze %dma_start3A_173 : memref<1x64xi32, #tpu.memory_space<vmem>> -> memref<64xi32, #tpu.memory_space<vmem>>
          %dma_start3A_175 = arith.constant 0 : i32
          %dma_start3A_176 = arith.constant 0 : i32
          %dma_start3A_177 = tpu.memref_slice %arg10[%dma_start3A_175, %dma_start3A_176] : memref<10240x128xf32, #tpu.memory_space<vmem_shared>> -> memref<10240x128xf32, #tpu.memory_space<vmem_shared>>
          tpu.enqueue_indirect_dma source(%dma_start3A_171 : memref<64x128xf32, #tpu.memory_space<vmem>>) target(%dma_start3A_177 : memref<10240x128xf32, #tpu.memory_space<vmem_shared>>) offsets(%dma_start3A_174 : memref<64xi32, #tpu.memory_space<vmem>>) semaphore(%run_scoped3A_167 : memref<!tpu.dma_semaphore, #tpu.memory_space<semaphore_mem>>) {add = true}
          %dma_wait3A_178 = arith.constant 0 : i32
          %dma_wait3A_179 = arith.constant 0 : i32
          %dma_wait3A_180 = tpu.memref_slice %arg9[%run_scoped3A, %dma_wait3A_178, %dma_wait3A_179] : memref<4x64x128xf32, #tpu.memory_space<vmem>> -> memref<1x64x128xf32, #tpu.memory_space<vmem>>
          %dma_wait3A_181 = tpu.memref_squeeze %dma_wait3A_180 : memref<1x64x128xf32, #tpu.memory_space<vmem>> -> memref<64x128xf32, #tpu.memory_space<vmem>>
          %dma_wait3A_182 = arith.constant 0 : i32
          %dma_wait3A_183 = tpu.memref_slice %arg8[%add3A_76, %dma_wait3A_182] : memref<40x64xi32, #tpu.memory_space<vmem>> -> memref<1x64xi32, #tpu.memory_space<vmem>>
          %dma_wait3A_184 = tpu.memref_squeeze %dma_wait3A_183 : memref<1x64xi32, #tpu.memory_space<vmem>> -> memref<64xi32, #tpu.memory_space<vmem>>
          %dma_wait3A_185 = arith.constant 0 : i32
          %dma_wait3A_186 = arith.constant 0 : i32
          %dma_wait3A_187 = tpu.memref_slice %arg10[%dma_wait3A_185, %dma_wait3A_186] : memref<10240x128xf32, #tpu.memory_space<vmem_shared>> -> memref<10240x128xf32, #tpu.memory_space<vmem_shared>>
          tpu.wait_indirect_dma semaphore(%run_scoped3A_167 : memref<!tpu.dma_semaphore, #tpu.memory_space<semaphore_mem>>) src(%dma_wait3A_181 : memref<64x128xf32, #tpu.memory_space<vmem>>) dst(%dma_wait3A_187 : memref<10240x128xf32, #tpu.memory_space<vmem_shared>>)
          tpu.yield
        }) : () -> ()
        %mul3A_92 = arith.constant 4 : i32
        %mul3A_93 = arith.muli %scan3A_72, %mul3A_92 : i32
        %add3A_94 = arith.constant 1 : i32
        %add3A_95 = arith.addi %mul3A_93, %add3A_94 : i32
        %dma_wait3A_96 = arith.constant 1 : i32
        %dma_wait3A_97 = arith.constant 0 : i32
        %dma_wait3A_98 = arith.constant 0 : i32
        %dma_wait3A_99 = tpu.memref_slice %arg9[%dma_wait3A_96, %dma_wait3A_97, %dma_wait3A_98] : memref<4x64x128xf32, #tpu.memory_space<vmem>> -> memref<1x64x128xf32, #tpu.memory_space<vmem>>
        %dma_wait3A_100 = tpu.memref_squeeze %dma_wait3A_99 : memref<1x64x128xf32, #tpu.memory_space<vmem>> -> memref<64x128xf32, #tpu.memory_space<vmem>>
        %dma_wait3A_101 = arith.constant 0 : i32
        %dma_wait3A_102 = tpu.memref_slice %arg7[%add3A_95, %dma_wait3A_101] : memref<40x64xi32, #tpu.memory_space<vmem>> -> memref<1x64xi32, #tpu.memory_space<vmem>>
        %dma_wait3A_103 = tpu.memref_squeeze %dma_wait3A_102 : memref<1x64xi32, #tpu.memory_space<vmem>> -> memref<64xi32, #tpu.memory_space<vmem>>
        %dma_wait3A_104 = arith.constant 0 : i32
        %dma_wait3A_105 = arith.constant 0 : i32
        %dma_wait3A_106 = tpu.memref_slice %arg2[%dma_wait3A_104, %dma_wait3A_105] : memref<10000x128xf32, #tpu.memory_space<hbm>> -> memref<10000x128xf32, #tpu.memory_space<hbm>>
        tpu.wait_indirect_dma semaphore(%arg11 : memref<!tpu.dma_semaphore, #tpu.memory_space<semaphore_mem>>) src(%dma_wait3A_106 : memref<10000x128xf32, #tpu.memory_space<hbm>>) dst(%dma_wait3A_100 : memref<64x128xf32, #tpu.memory_space<vmem>>)
        %add3A_107 = arith.constant 4 : i32
        %add3A_108 = arith.addi %add3A_95, %add3A_107 : i32
        %sub3A_109 = arith.constant 1 : i32
        %sub3A_110 = arith.subi %add3A_108, %sub3A_109 : i32
        %lt3A_111 = arith.constant 40 : i32
        %lt3A_112 = arith.cmpi slt, %sub3A_110, %lt3A_111 : i32
        %convert_element_type3A_113 = arith.extui %lt3A_112 : i1 to i32
        %cond3A_114 = arith.constant 0 : i32
        %cond3A_115 = arith.cmpi ne, %convert_element_type3A_113, %cond3A_114 : i32
        scf.if %cond3A_115 {
          %dma_start3A_167 = arith.constant 0 : i32
          %dma_start3A_168 = arith.constant 0 : i32
          %dma_start3A_169 = arith.constant 0 : i32
          %dma_start3A_170 = tpu.memref_slice %arg9[%dma_start3A_167, %dma_start3A_168, %dma_start3A_169] : memref<4x64x128xf32, #tpu.memory_space<vmem>> -> memref<1x64x128xf32, #tpu.memory_space<vmem>>
          %dma_start3A_171 = tpu.memref_squeeze %dma_start3A_170 : memref<1x64x128xf32, #tpu.memory_space<vmem>> -> memref<64x128xf32, #tpu.memory_space<vmem>>
          %dma_start3A_172 = arith.constant 0 : i32
          %dma_start3A_173 = tpu.memref_slice %arg7[%sub3A_110, %dma_start3A_172] : memref<40x64xi32, #tpu.memory_space<vmem>> -> memref<1x64xi32, #tpu.memory_space<vmem>>
          %dma_start3A_174 = tpu.memref_squeeze %dma_start3A_173 : memref<1x64xi32, #tpu.memory_space<vmem>> -> memref<64xi32, #tpu.memory_space<vmem>>
          %dma_start3A_175 = arith.constant 0 : i32
          %dma_start3A_176 = arith.constant 0 : i32
          %dma_start3A_177 = tpu.memref_slice %arg2[%dma_start3A_175, %dma_start3A_176] : memref<10000x128xf32, #tpu.memory_space<hbm>> -> memref<10000x128xf32, #tpu.memory_space<hbm>>
          tpu.enqueue_indirect_dma source(%dma_start3A_177 : memref<10000x128xf32, #tpu.memory_space<hbm>>) target(%dma_start3A_171 : memref<64x128xf32, #tpu.memory_space<vmem>>) offsets(%dma_start3A_174 : memref<64xi32, #tpu.memory_space<vmem>>) semaphore(%arg11 : memref<!tpu.dma_semaphore, #tpu.memory_space<semaphore_mem>>)
        } else {
        }
        %run_scoped3A_116 = arith.constant 1 : i32
        "tpu.region"() ({
          %run_scoped3A_167 = tpu.sem_alloc : memref<!tpu.dma_semaphore, #tpu.memory_space<semaphore_mem>>
          %dma_start3A_168 = arith.constant 0 : i32
          %dma_start3A_169 = arith.constant 0 : i32
          %dma_start3A_170 = tpu.memref_slice %arg9[%run_scoped3A_116, %dma_start3A_168, %dma_start3A_169] : memref<4x64x128xf32, #tpu.memory_space<vmem>> -> memref<1x64x128xf32, #tpu.memory_space<vmem>>
          %dma_start3A_171 = tpu.memref_squeeze %dma_start3A_170 : memref<1x64x128xf32, #tpu.memory_space<vmem>> -> memref<64x128xf32, #tpu.memory_space<vmem>>
          %dma_start3A_172 = arith.constant 0 : i32
          %dma_start3A_173 = tpu.memref_slice %arg8[%add3A_95, %dma_start3A_172] : memref<40x64xi32, #tpu.memory_space<vmem>> -> memref<1x64xi32, #tpu.memory_space<vmem>>
          %dma_start3A_174 = tpu.memref_squeeze %dma_start3A_173 : memref<1x64xi32, #tpu.memory_space<vmem>> -> memref<64xi32, #tpu.memory_space<vmem>>
          %dma_start3A_175 = arith.constant 0 : i32
          %dma_start3A_176 = arith.constant 0 : i32
          %dma_start3A_177 = tpu.memref_slice %arg10[%dma_start3A_175, %dma_start3A_176] : memref<10240x128xf32, #tpu.memory_space<vmem_shared>> -> memref<10240x128xf32, #tpu.memory_space<vmem_shared>>
          tpu.enqueue_indirect_dma source(%dma_start3A_171 : memref<64x128xf32, #tpu.memory_space<vmem>>) target(%dma_start3A_177 : memref<10240x128xf32, #tpu.memory_space<vmem_shared>>) offsets(%dma_start3A_174 : memref<64xi32, #tpu.memory_space<vmem>>) semaphore(%run_scoped3A_167 : memref<!tpu.dma_semaphore, #tpu.memory_space<semaphore_mem>>) {add = true}
          %dma_wait3A_178 = arith.constant 0 : i32
          %dma_wait3A_179 = arith.constant 0 : i32
          %dma_wait3A_180 = tpu.memref_slice %arg9[%run_scoped3A_116, %dma_wait3A_178, %dma_wait3A_179] : memref<4x64x128xf32, #tpu.memory_space<vmem>> -> memref<1x64x128xf32, #tpu.memory_space<vmem>>
          %dma_wait3A_181 = tpu.memref_squeeze %dma_wait3A_180 : memref<1x64x128xf32, #tpu.memory_space<vmem>> -> memref<64x128xf32, #tpu.memory_space<vmem>>
          %dma_wait3A_182 = arith.constant 0 : i32
          %dma_wait3A_183 = tpu.memref_slice %arg8[%add3A_95, %dma_wait3A_182] : memref<40x64xi32, #tpu.memory_space<vmem>> -> memref<1x64xi32, #tpu.memory_space<vmem>>
          %dma_wait3A_184 = tpu.memref_squeeze %dma_wait3A_183 : memref<1x64xi32, #tpu.memory_space<vmem>> -> memref<64xi32, #tpu.memory_space<vmem>>
          %dma_wait3A_185 = arith.constant 0 : i32
          %dma_wait3A_186 = arith.constant 0 : i32
          %dma_wait3A_187 = tpu.memref_slice %arg10[%dma_wait3A_185, %dma_wait3A_186] : memref<10240x128xf32, #tpu.memory_space<vmem_shared>> -> memref<10240x128xf32, #tpu.memory_space<vmem_shared>>
          tpu.wait_indirect_dma semaphore(%run_scoped3A_167 : memref<!tpu.dma_semaphore, #tpu.memory_space<semaphore_mem>>) src(%dma_wait3A_181 : memref<64x128xf32, #tpu.memory_space<vmem>>) dst(%dma_wait3A_187 : memref<10240x128xf32, #tpu.memory_space<vmem_shared>>)
          tpu.yield
        }) : () -> ()
        %mul3A_117 = arith.constant 4 : i32
        %mul3A_118 = arith.muli %scan3A_72, %mul3A_117 : i32
        %add3A_119 = arith.constant 2 : i32
        %add3A_120 = arith.addi %mul3A_118, %add3A_119 : i32
        %dma_wait3A_121 = arith.constant 2 : i32
        %dma_wait3A_122 = arith.constant 0 : i32
        %dma_wait3A_123 = arith.constant 0 : i32
        %dma_wait3A_124 = tpu.memref_slice %arg9[%dma_wait3A_121, %dma_wait3A_122, %dma_wait3A_123] : memref<4x64x128xf32, #tpu.memory_space<vmem>> -> memref<1x64x128xf32, #tpu.memory_space<vmem>>
        %dma_wait3A_125 = tpu.memref_squeeze %dma_wait3A_124 : memref<1x64x128xf32, #tpu.memory_space<vmem>> -> memref<64x128xf32, #tpu.memory_space<vmem>>
        %dma_wait3A_126 = arith.constant 0 : i32
        %dma_wait3A_127 = tpu.memref_slice %arg7[%add3A_120, %dma_wait3A_126] : memref<40x64xi32, #tpu.memory_space<vmem>> -> memref<1x64xi32, #tpu.memory_space<vmem>>
        %dma_wait3A_128 = tpu.memref_squeeze %dma_wait3A_127 : memref<1x64xi32, #tpu.memory_space<vmem>> -> memref<64xi32, #tpu.memory_space<vmem>>
        %dma_wait3A_129 = arith.constant 0 : i32
        %dma_wait3A_130 = arith.constant 0 : i32
        %dma_wait3A_131 = tpu.memref_slice %arg2[%dma_wait3A_129, %dma_wait3A_130] : memref<10000x128xf32, #tpu.memory_space<hbm>> -> memref<10000x128xf32, #tpu.memory_space<hbm>>
        tpu.wait_indirect_dma semaphore(%arg11 : memref<!tpu.dma_semaphore, #tpu.memory_space<semaphore_mem>>) src(%dma_wait3A_131 : memref<10000x128xf32, #tpu.memory_space<hbm>>) dst(%dma_wait3A_125 : memref<64x128xf32, #tpu.memory_space<vmem>>)
        %add3A_132 = arith.constant 4 : i32
        %add3A_133 = arith.addi %add3A_120, %add3A_132 : i32
        %sub3A_134 = arith.constant 1 : i32
        %sub3A_135 = arith.subi %add3A_133, %sub3A_134 : i32
        %lt3A_136 = arith.constant 40 : i32
        %lt3A_137 = arith.cmpi slt, %sub3A_135, %lt3A_136 : i32
        %convert_element_type3A_138 = arith.extui %lt3A_137 : i1 to i32
        %cond3A_139 = arith.constant 0 : i32
        %cond3A_140 = arith.cmpi ne, %convert_element_type3A_138, %cond3A_139 : i32
        scf.if %cond3A_140 {
          %dma_start3A_167 = arith.constant 1 : i32
          %dma_start3A_168 = arith.constant 0 : i32
          %dma_start3A_169 = arith.constant 0 : i32
          %dma_start3A_170 = tpu.memref_slice %arg9[%dma_start3A_167, %dma_start3A_168, %dma_start3A_169] : memref<4x64x128xf32, #tpu.memory_space<vmem>> -> memref<1x64x128xf32, #tpu.memory_space<vmem>>
          %dma_start3A_171 = tpu.memref_squeeze %dma_start3A_170 : memref<1x64x128xf32, #tpu.memory_space<vmem>> -> memref<64x128xf32, #tpu.memory_space<vmem>>
          %dma_start3A_172 = arith.constant 0 : i32
          %dma_start3A_173 = tpu.memref_slice %arg7[%sub3A_135, %dma_start3A_172] : memref<40x64xi32, #tpu.memory_space<vmem>> -> memref<1x64xi32, #tpu.memory_space<vmem>>
          %dma_start3A_174 = tpu.memref_squeeze %dma_start3A_173 : memref<1x64xi32, #tpu.memory_space<vmem>> -> memref<64xi32, #tpu.memory_space<vmem>>
          %dma_start3A_175 = arith.constant 0 : i32
          %dma_start3A_176 = arith.constant 0 : i32
          %dma_start3A_177 = tpu.memref_slice %arg2[%dma_start3A_175, %dma_start3A_176] : memref<10000x128xf32, #tpu.memory_space<hbm>> -> memref<10000x128xf32, #tpu.memory_space<hbm>>
          tpu.enqueue_indirect_dma source(%dma_start3A_177 : memref<10000x128xf32, #tpu.memory_space<hbm>>) target(%dma_start3A_171 : memref<64x128xf32, #tpu.memory_space<vmem>>) offsets(%dma_start3A_174 : memref<64xi32, #tpu.memory_space<vmem>>) semaphore(%arg11 : memref<!tpu.dma_semaphore, #tpu.memory_space<semaphore_mem>>)
        } else {
        }
        %run_scoped3A_141 = arith.constant 2 : i32
        "tpu.region"() ({
          %run_scoped3A_167 = tpu.sem_alloc : memref<!tpu.dma_semaphore, #tpu.memory_space<semaphore_mem>>
          %dma_start3A_168 = arith.constant 0 : i32
          %dma_start3A_169 = arith.constant 0 : i32
          %dma_start3A_170 = tpu.memref_slice %arg9[%run_scoped3A_141, %dma_start3A_168, %dma_start3A_169] : memref<4x64x128xf32, #tpu.memory_space<vmem>> -> memref<1x64x128xf32, #tpu.memory_space<vmem>>
          %dma_start3A_171 = tpu.memref_squeeze %dma_start3A_170 : memref<1x64x128xf32, #tpu.memory_space<vmem>> -> memref<64x128xf32, #tpu.memory_space<vmem>>
          %dma_start3A_172 = arith.constant 0 : i32
          %dma_start3A_173 = tpu.memref_slice %arg8[%add3A_120, %dma_start3A_172] : memref<40x64xi32, #tpu.memory_space<vmem>> -> memref<1x64xi32, #tpu.memory_space<vmem>>
          %dma_start3A_174 = tpu.memref_squeeze %dma_start3A_173 : memref<1x64xi32, #tpu.memory_space<vmem>> -> memref<64xi32, #tpu.memory_space<vmem>>
          %dma_start3A_175 = arith.constant 0 : i32
          %dma_start3A_176 = arith.constant 0 : i32
          %dma_start3A_177 = tpu.memref_slice %arg10[%dma_start3A_175, %dma_start3A_176] : memref<10240x128xf32, #tpu.memory_space<vmem_shared>> -> memref<10240x128xf32, #tpu.memory_space<vmem_shared>>
          tpu.enqueue_indirect_dma source(%dma_start3A_171 : memref<64x128xf32, #tpu.memory_space<vmem>>) target(%dma_start3A_177 : memref<10240x128xf32, #tpu.memory_space<vmem_shared>>) offsets(%dma_start3A_174 : memref<64xi32, #tpu.memory_space<vmem>>) semaphore(%run_scoped3A_167 : memref<!tpu.dma_semaphore, #tpu.memory_space<semaphore_mem>>) {add = true}
          %dma_wait3A_178 = arith.constant 0 : i32
          %dma_wait3A_179 = arith.constant 0 : i32
          %dma_wait3A_180 = tpu.memref_slice %arg9[%run_scoped3A_141, %dma_wait3A_178, %dma_wait3A_179] : memref<4x64x128xf32, #tpu.memory_space<vmem>> -> memref<1x64x128xf32, #tpu.memory_space<vmem>>
          %dma_wait3A_181 = tpu.memref_squeeze %dma_wait3A_180 : memref<1x64x128xf32, #tpu.memory_space<vmem>> -> memref<64x128xf32, #tpu.memory_space<vmem>>
          %dma_wait3A_182 = arith.constant 0 : i32
          %dma_wait3A_183 = tpu.memref_slice %arg8[%add3A_120, %dma_wait3A_182] : memref<40x64xi32, #tpu.memory_space<vmem>> -> memref<1x64xi32, #tpu.memory_space<vmem>>
          %dma_wait3A_184 = tpu.memref_squeeze %dma_wait3A_183 : memref<1x64xi32, #tpu.memory_space<vmem>> -> memref<64xi32, #tpu.memory_space<vmem>>
          %dma_wait3A_185 = arith.constant 0 : i32
          %dma_wait3A_186 = arith.constant 0 : i32
          %dma_wait3A_187 = tpu.memref_slice %arg10[%dma_wait3A_185, %dma_wait3A_186] : memref<10240x128xf32, #tpu.memory_space<vmem_shared>> -> memref<10240x128xf32, #tpu.memory_space<vmem_shared>>
          tpu.wait_indirect_dma semaphore(%run_scoped3A_167 : memref<!tpu.dma_semaphore, #tpu.memory_space<semaphore_mem>>) src(%dma_wait3A_181 : memref<64x128xf32, #tpu.memory_space<vmem>>) dst(%dma_wait3A_187 : memref<10240x128xf32, #tpu.memory_space<vmem_shared>>)
          tpu.yield
        }) : () -> ()
        %mul3A_142 = arith.constant 4 : i32
        %mul3A_143 = arith.muli %scan3A_72, %mul3A_142 : i32
        %add3A_144 = arith.constant 3 : i32
        %add3A_145 = arith.addi %mul3A_143, %add3A_144 : i32
        %dma_wait3A_146 = arith.constant 3 : i32
        %dma_wait3A_147 = arith.constant 0 : i32
        %dma_wait3A_148 = arith.constant 0 : i32
        %dma_wait3A_149 = tpu.memref_slice %arg9[%dma_wait3A_146, %dma_wait3A_147, %dma_wait3A_148] : memref<4x64x128xf32, #tpu.memory_space<vmem>> -> memref<1x64x128xf32, #tpu.memory_space<vmem>>
        %dma_wait3A_150 = tpu.memref_squeeze %dma_wait3A_149 : memref<1x64x128xf32, #tpu.memory_space<vmem>> -> memref<64x128xf32, #tpu.memory_space<vmem>>
        %dma_wait3A_151 = arith.constant 0 : i32
        %dma_wait3A_152 = tpu.memref_slice %arg7[%add3A_145, %dma_wait3A_151] : memref<40x64xi32, #tpu.memory_space<vmem>> -> memref<1x64xi32, #tpu.memory_space<vmem>>
        %dma_wait3A_153 = tpu.memref_squeeze %dma_wait3A_152 : memref<1x64xi32, #tpu.memory_space<vmem>> -> memref<64xi32, #tpu.memory_space<vmem>>
        %dma_wait3A_154 = arith.constant 0 : i32
        %dma_wait3A_155 = arith.constant 0 : i32
        %dma_wait3A_156 = tpu.memref_slice %arg2[%dma_wait3A_154, %dma_wait3A_155] : memref<10000x128xf32, #tpu.memory_space<hbm>> -> memref<10000x128xf32, #tpu.memory_space<hbm>>
        tpu.wait_indirect_dma semaphore(%arg11 : memref<!tpu.dma_semaphore, #tpu.memory_space<semaphore_mem>>) src(%dma_wait3A_156 : memref<10000x128xf32, #tpu.memory_space<hbm>>) dst(%dma_wait3A_150 : memref<64x128xf32, #tpu.memory_space<vmem>>)
        %add3A_157 = arith.constant 4 : i32
        %add3A_158 = arith.addi %add3A_145, %add3A_157 : i32
        %sub3A_159 = arith.constant 1 : i32
        %sub3A_160 = arith.subi %add3A_158, %sub3A_159 : i32
        %lt3A_161 = arith.constant 40 : i32
        %lt3A_162 = arith.cmpi slt, %sub3A_160, %lt3A_161 : i32
        %convert_element_type3A_163 = arith.extui %lt3A_162 : i1 to i32
        %cond3A_164 = arith.constant 0 : i32
        %cond3A_165 = arith.cmpi ne, %convert_element_type3A_163, %cond3A_164 : i32
        scf.if %cond3A_165 {
          %dma_start3A_167 = arith.constant 2 : i32
          %dma_start3A_168 = arith.constant 0 : i32
          %dma_start3A_169 = arith.constant 0 : i32
          %dma_start3A_170 = tpu.memref_slice %arg9[%dma_start3A_167, %dma_start3A_168, %dma_start3A_169] : memref<4x64x128xf32, #tpu.memory_space<vmem>> -> memref<1x64x128xf32, #tpu.memory_space<vmem>>
          %dma_start3A_171 = tpu.memref_squeeze %dma_start3A_170 : memref<1x64x128xf32, #tpu.memory_space<vmem>> -> memref<64x128xf32, #tpu.memory_space<vmem>>
          %dma_start3A_172 = arith.constant 0 : i32
          %dma_start3A_173 = tpu.memref_slice %arg7[%sub3A_160, %dma_start3A_172] : memref<40x64xi32, #tpu.memory_space<vmem>> -> memref<1x64xi32, #tpu.memory_space<vmem>>
          %dma_start3A_174 = tpu.memref_squeeze %dma_start3A_173 : memref<1x64xi32, #tpu.memory_space<vmem>> -> memref<64xi32, #tpu.memory_space<vmem>>
          %dma_start3A_175 = arith.constant 0 : i32
          %dma_start3A_176 = arith.constant 0 : i32
          %dma_start3A_177 = tpu.memref_slice %arg2[%dma_start3A_175, %dma_start3A_176] : memref<10000x128xf32, #tpu.memory_space<hbm>> -> memref<10000x128xf32, #tpu.memory_space<hbm>>
          tpu.enqueue_indirect_dma source(%dma_start3A_177 : memref<10000x128xf32, #tpu.memory_space<hbm>>) target(%dma_start3A_171 : memref<64x128xf32, #tpu.memory_space<vmem>>) offsets(%dma_start3A_174 : memref<64xi32, #tpu.memory_space<vmem>>) semaphore(%arg11 : memref<!tpu.dma_semaphore, #tpu.memory_space<semaphore_mem>>)
        } else {
        }
        %run_scoped3A_166 = arith.constant 3 : i32
        "tpu.region"() ({
          %run_scoped3A_167 = tpu.sem_alloc : memref<!tpu.dma_semaphore, #tpu.memory_space<semaphore_mem>>
          %dma_start3A_168 = arith.constant 0 : i32
          %dma_start3A_169 = arith.constant 0 : i32
          %dma_start3A_170 = tpu.memref_slice %arg9[%run_scoped3A_166, %dma_start3A_168, %dma_start3A_169] : memref<4x64x128xf32, #tpu.memory_space<vmem>> -> memref<1x64x128xf32, #tpu.memory_space<vmem>>
          %dma_start3A_171 = tpu.memref_squeeze %dma_start3A_170 : memref<1x64x128xf32, #tpu.memory_space<vmem>> -> memref<64x128xf32, #tpu.memory_space<vmem>>
          %dma_start3A_172 = arith.constant 0 : i32
          %dma_start3A_173 = tpu.memref_slice %arg8[%add3A_145, %dma_start3A_172] : memref<40x64xi32, #tpu.memory_space<vmem>> -> memref<1x64xi32, #tpu.memory_space<vmem>>
          %dma_start3A_174 = tpu.memref_squeeze %dma_start3A_173 : memref<1x64xi32, #tpu.memory_space<vmem>> -> memref<64xi32, #tpu.memory_space<vmem>>
          %dma_start3A_175 = arith.constant 0 : i32
          %dma_start3A_176 = arith.constant 0 : i32
          %dma_start3A_177 = tpu.memref_slice %arg10[%dma_start3A_175, %dma_start3A_176] : memref<10240x128xf32, #tpu.memory_space<vmem_shared>> -> memref<10240x128xf32, #tpu.memory_space<vmem_shared>>
          tpu.enqueue_indirect_dma source(%dma_start3A_171 : memref<64x128xf32, #tpu.memory_space<vmem>>) target(%dma_start3A_177 : memref<10240x128xf32, #tpu.memory_space<vmem_shared>>) offsets(%dma_start3A_174 : memref<64xi32, #tpu.memory_space<vmem>>) semaphore(%run_scoped3A_167 : memref<!tpu.dma_semaphore, #tpu.memory_space<semaphore_mem>>) {add = true}
          %dma_wait3A_178 = arith.constant 0 : i32
          %dma_wait3A_179 = arith.constant 0 : i32
          %dma_wait3A_180 = tpu.memref_slice %arg9[%run_scoped3A_166, %dma_wait3A_178, %dma_wait3A_179] : memref<4x64x128xf32, #tpu.memory_space<vmem>> -> memref<1x64x128xf32, #tpu.memory_space<vmem>>
          %dma_wait3A_181 = tpu.memref_squeeze %dma_wait3A_180 : memref<1x64x128xf32, #tpu.memory_space<vmem>> -> memref<64x128xf32, #tpu.memory_space<vmem>>
          %dma_wait3A_182 = arith.constant 0 : i32
          %dma_wait3A_183 = tpu.memref_slice %arg8[%add3A_145, %dma_wait3A_182] : memref<40x64xi32, #tpu.memory_space<vmem>> -> memref<1x64xi32, #tpu.memory_space<vmem>>
          %dma_wait3A_184 = tpu.memref_squeeze %dma_wait3A_183 : memref<1x64xi32, #tpu.memory_space<vmem>> -> memref<64xi32, #tpu.memory_space<vmem>>
          %dma_wait3A_185 = arith.constant 0 : i32
          %dma_wait3A_186 = arith.constant 0 : i32
          %dma_wait3A_187 = tpu.memref_slice %arg10[%dma_wait3A_185, %dma_wait3A_186] : memref<10240x128xf32, #tpu.memory_space<vmem_shared>> -> memref<10240x128xf32, #tpu.memory_space<vmem_shared>>
          tpu.wait_indirect_dma semaphore(%run_scoped3A_167 : memref<!tpu.dma_semaphore, #tpu.memory_space<semaphore_mem>>) src(%dma_wait3A_181 : memref<64x128xf32, #tpu.memory_space<vmem>>) dst(%dma_wait3A_187 : memref<10240x128xf32, #tpu.memory_space<vmem_shared>>)
          tpu.yield
        }) : () -> ()
      }
      %scan3A_71 = arith.constant 10 : i32
    }
    %barrier3A_23 = arith.constant 0 : index
    tpu.barrier barrier_id(%barrier3A_23)
    %mul3A_24 = arith.constant 640 : i32
    %mul3A_25 = arith.muli %arg1, %mul3A_24 : i32
    %mul3A_26 = arith.constant 640 : i32
    %mul3A_27 = arith.muli %arg1, %mul3A_26 : i32
    "tpu.region"() ({
      %run_scoped3A = tpu.sem_alloc : memref<!tpu.dma_semaphore, #tpu.memory_space<semaphore_mem>>
      %dma_start3A = arith.constant 0 : i32
      %dma_start3A_28 = tpu.memref_slice %arg6[%arg0, %mul3A_27, %dma_start3A] : memref<2x10240x128xf32, #tpu.memory_space<hbm>> -> memref<1x640x128xf32, #tpu.memory_space<hbm>>
      %dma_start3A_29 = tpu.memref_squeeze %dma_start3A_28 : memref<1x640x128xf32, #tpu.memory_space<hbm>> -> memref<640x128xf32, #tpu.memory_space<hbm>>
      %dma_start3A_30 = arith.constant 0 : i32
      %dma_start3A_31 = tpu.memref_slice %arg10[%mul3A_25, %dma_start3A_30] : memref<10240x128xf32, #tpu.memory_space<vmem_shared>> -> memref<640x128xf32, #tpu.memory_space<vmem_shared>>
      tpu.enqueue_dma source(%dma_start3A_31 : memref<640x128xf32, #tpu.memory_space<vmem_shared>>) target(%dma_start3A_29 : memref<640x128xf32, #tpu.memory_space<hbm>>) target_semaphore(%run_scoped3A : memref<!tpu.dma_semaphore, #tpu.memory_space<semaphore_mem>>)
      %dma_wait3A = arith.constant 0 : i32
      %dma_wait3A_32 = tpu.memref_slice %arg6[%arg0, %mul3A_27, %dma_wait3A] : memref<2x10240x128xf32, #tpu.memory_space<hbm>> -> memref<1x640x128xf32, #tpu.memory_space<hbm>>
      %dma_wait3A_33 = tpu.memref_squeeze %dma_wait3A_32 : memref<1x640x128xf32, #tpu.memory_space<hbm>> -> memref<640x128xf32, #tpu.memory_space<hbm>>
      %dma_wait3A_34 = arith.constant 0 : i32
      %dma_wait3A_35 = tpu.memref_slice %arg10[%mul3A_25, %dma_wait3A_34] : memref<10240x128xf32, #tpu.memory_space<vmem_shared>> -> memref<640x128xf32, #tpu.memory_space<vmem_shared>>
      tpu.wait_dma2 semaphore(%run_scoped3A : memref<!tpu.dma_semaphore, #tpu.memory_space<semaphore_mem>>) src(%dma_wait3A_35 : memref<640x128xf32, #tpu.memory_space<vmem_shared>>) dst(%dma_wait3A_33 : memref<640x128xf32, #tpu.memory_space<hbm>>)
      tpu.yield
    }) : () -> ()
    return
  }
}

#map = affine_map<(d0, d1) -> (0, 0)>
#map1 = affine_map<(d0, d1) -> (0, 0, 0)>
module attributes {stable_mosaic.version = 14 : i64} {
  func.func @_sc_edgeterm(%arg0: i32, %arg1: i32, %arg2: memref<327680x128xf32, #tpu.memory_space<hbm>>, %arg3: memref<2560x128xi32, #tpu.memory_space<hbm>>, %arg4: memref<640x128xf32, #tpu.memory_space<hbm>>, %arg5: memref<2x10240x128xf32, #tpu.memory_space<hbm>>, %arg6: memref<80x128xi32, #tpu.memory_space<vmem>>, %arg7: memref<2x128x128xf32, #tpu.memory_space<vmem>>, %arg8: memref<10240x128xf32, #tpu.memory_space<vmem_shared>>, %arg9: memref<!tpu.dma_semaphore, #tpu.memory_space<semaphore_mem>>) attributes {dimension_semantics = [#tpu.dimension_semantics<core_parallel>, #tpu.dimension_semantics<subcore_parallel>], iteration_bounds = array<i64: 2, 16>, scalar_prefetch = 0 : i64, scratch_operands = 4 : i64, tpu.core_type = #tpu.core_type<sc_vector_subcore>, window_params = [{transform_indices = #map}, {transform_indices = #map}, {transform_indices = #map}, {transform_indices = #map1}]} {
    %mul3A = arith.constant 2 : i32
    %mul3A_0 = arith.muli %arg1, %mul3A : i32
    %add3A = arith.addi %mul3A_0, %arg0 : i32
    %mul3A_1 = arith.constant 80 : i32
    %mul3A_2 = arith.muli %add3A, %mul3A_1 : i32
    "tpu.region"() ({
      %run_scoped3A = tpu.sem_alloc : memref<!tpu.dma_semaphore, #tpu.memory_space<semaphore_mem>>
      %dma_start3A_29 = arith.constant 0 : i32
      %dma_start3A_30 = tpu.memref_slice %arg3[%mul3A_2, %dma_start3A_29] : memref<2560x128xi32, #tpu.memory_space<hbm>> -> memref<80x128xi32, #tpu.memory_space<hbm>>
      %dma_start3A_31 = arith.constant 0 : i32
      %dma_start3A_32 = tpu.memref_slice %arg3[%mul3A_2, %dma_start3A_31] : memref<2560x128xi32, #tpu.memory_space<hbm>> -> memref<80x128xi32, #tpu.memory_space<hbm>>
      tpu.enqueue_dma source(%dma_start3A_32 : memref<80x128xi32, #tpu.memory_space<hbm>>) target(%arg6 : memref<80x128xi32, #tpu.memory_space<vmem>>) target_semaphore(%run_scoped3A : memref<!tpu.dma_semaphore, #tpu.memory_space<semaphore_mem>>)
      %dma_wait3A = arith.constant 0 : i32
      %dma_wait3A_33 = tpu.memref_slice %arg3[%mul3A_2, %dma_wait3A] : memref<2560x128xi32, #tpu.memory_space<hbm>> -> memref<80x128xi32, #tpu.memory_space<hbm>>
      %dma_wait3A_34 = arith.constant 0 : i32
      %dma_wait3A_35 = tpu.memref_slice %arg3[%mul3A_2, %dma_wait3A_34] : memref<2560x128xi32, #tpu.memory_space<hbm>> -> memref<80x128xi32, #tpu.memory_space<hbm>>
      tpu.wait_dma2 semaphore(%run_scoped3A : memref<!tpu.dma_semaphore, #tpu.memory_space<semaphore_mem>>) src(%dma_wait3A_35 : memref<80x128xi32, #tpu.memory_space<hbm>>) dst(%arg6 : memref<80x128xi32, #tpu.memory_space<vmem>>)
      tpu.yield
    }) : () -> ()
    %mul3A_3 = arith.constant 640 : i32
    %mul3A_4 = arith.muli %arg1, %mul3A_3 : i32
    "tpu.region"() ({
      %run_scoped3A = tpu.sem_alloc : memref<!tpu.dma_semaphore, #tpu.memory_space<semaphore_mem>>
      %dma_start3A_29 = arith.constant 0 : i32
      %dma_start3A_30 = tpu.memref_slice %arg8[%mul3A_4, %dma_start3A_29] : memref<10240x128xf32, #tpu.memory_space<vmem_shared>> -> memref<640x128xf32, #tpu.memory_space<vmem_shared>>
      tpu.enqueue_dma source(%arg4 : memref<640x128xf32, #tpu.memory_space<hbm>>) target(%dma_start3A_30 : memref<640x128xf32, #tpu.memory_space<vmem_shared>>) target_semaphore(%run_scoped3A : memref<!tpu.dma_semaphore, #tpu.memory_space<semaphore_mem>>)
      %dma_wait3A = arith.constant 0 : i32
      %dma_wait3A_31 = tpu.memref_slice %arg8[%mul3A_4, %dma_wait3A] : memref<10240x128xf32, #tpu.memory_space<vmem_shared>> -> memref<640x128xf32, #tpu.memory_space<vmem_shared>>
      tpu.wait_dma2 semaphore(%run_scoped3A : memref<!tpu.dma_semaphore, #tpu.memory_space<semaphore_mem>>) src(%arg4 : memref<640x128xf32, #tpu.memory_space<hbm>>) dst(%dma_wait3A_31 : memref<640x128xf32, #tpu.memory_space<vmem_shared>>)
      tpu.yield
    }) : () -> ()
    %barrier3A = arith.constant 0 : index
    tpu.barrier barrier_id(%barrier3A)
    %mul3A_5 = arith.constant 10240 : i32
    %mul3A_6 = arith.muli %add3A, %mul3A_5 : i32
    %dma_start3A = arith.constant 0 : i32
    %dma_start3A_7 = arith.constant 0 : i32
    %dma_start3A_8 = arith.constant 0 : i32
    %dma_start3A_9 = tpu.memref_slice %arg7[%dma_start3A, %dma_start3A_7, %dma_start3A_8] : memref<2x128x128xf32, #tpu.memory_space<vmem>> -> memref<1x128x128xf32, #tpu.memory_space<vmem>>
    %dma_start3A_10 = tpu.memref_squeeze %dma_start3A_9 : memref<1x128x128xf32, #tpu.memory_space<vmem>> -> memref<128x128xf32, #tpu.memory_space<vmem>>
    %dma_start3A_11 = arith.constant 0 : i32
    %dma_start3A_12 = tpu.memref_slice %arg2[%mul3A_6, %dma_start3A_11] : memref<327680x128xf32, #tpu.memory_space<hbm>> -> memref<128x128xf32, #tpu.memory_space<hbm>>
    %dma_start3A_13 = arith.constant 0 : i32
    %dma_start3A_14 = arith.constant 0 : i32
    %dma_start3A_15 = tpu.memref_slice %arg7[%dma_start3A, %dma_start3A_13, %dma_start3A_14] : memref<2x128x128xf32, #tpu.memory_space<vmem>> -> memref<1x128x128xf32, #tpu.memory_space<vmem>>
    %dma_start3A_16 = tpu.memref_squeeze %dma_start3A_15 : memref<1x128x128xf32, #tpu.memory_space<vmem>> -> memref<128x128xf32, #tpu.memory_space<vmem>>
    %dma_start3A_17 = arith.constant 0 : i32
    %dma_start3A_18 = tpu.memref_slice %arg2[%mul3A_6, %dma_start3A_17] : memref<327680x128xf32, #tpu.memory_space<hbm>> -> memref<128x128xf32, #tpu.memory_space<hbm>>
    tpu.enqueue_dma source(%dma_start3A_18 : memref<128x128xf32, #tpu.memory_space<hbm>>) target(%dma_start3A_16 : memref<128x128xf32, #tpu.memory_space<vmem>>) target_semaphore(%arg9 : memref<!tpu.dma_semaphore, #tpu.memory_space<semaphore_mem>>)
    %scan3A = arith.constant 0 : i32
    %scan3A_19 = arith.constant 0 : i32
    %scan3A_20 = arith.constant 40 : i32
    %scan3A_21 = arith.addi %scan3A_19, %scan3A_20 : i32
    %scan3A_22 = arith.constant 1 : i32
    scf.for %scan3A_29 = %scan3A_19 to %scan3A_21 step %scan3A_22  : i32 {
      %mul3A_30 = arith.constant 2 : i32
      %mul3A_31 = arith.muli %mul3A_30, %scan3A_29 : i32
      %mul3A_32 = arith.constant 128 : i32
      %mul3A_33 = arith.muli %mul3A_31, %mul3A_32 : i32
      %add3A_34 = arith.addi %mul3A_6, %mul3A_33 : i32
      %dma_wait3A = arith.constant 0 : i32
      %dma_wait3A_35 = arith.constant 0 : i32
      %dma_wait3A_36 = arith.constant 0 : i32
      %dma_wait3A_37 = tpu.memref_slice %arg7[%dma_wait3A, %dma_wait3A_35, %dma_wait3A_36] : memref<2x128x128xf32, #tpu.memory_space<vmem>> -> memref<1x128x128xf32, #tpu.memory_space<vmem>>
      %dma_wait3A_38 = tpu.memref_squeeze %dma_wait3A_37 : memref<1x128x128xf32, #tpu.memory_space<vmem>> -> memref<128x128xf32, #tpu.memory_space<vmem>>
      %dma_wait3A_39 = arith.constant 0 : i32
      %dma_wait3A_40 = tpu.memref_slice %arg2[%add3A_34, %dma_wait3A_39] : memref<327680x128xf32, #tpu.memory_space<hbm>> -> memref<128x128xf32, #tpu.memory_space<hbm>>
      %dma_wait3A_41 = arith.constant 0 : i32
      %dma_wait3A_42 = arith.constant 0 : i32
      %dma_wait3A_43 = tpu.memref_slice %arg7[%dma_wait3A, %dma_wait3A_41, %dma_wait3A_42] : memref<2x128x128xf32, #tpu.memory_space<vmem>> -> memref<1x128x128xf32, #tpu.memory_space<vmem>>
      %dma_wait3A_44 = tpu.memref_squeeze %dma_wait3A_43 : memref<1x128x128xf32, #tpu.memory_space<vmem>> -> memref<128x128xf32, #tpu.memory_space<vmem>>
      %dma_wait3A_45 = arith.constant 0 : i32
      %dma_wait3A_46 = tpu.memref_slice %arg2[%add3A_34, %dma_wait3A_45] : memref<327680x128xf32, #tpu.memory_space<hbm>> -> memref<128x128xf32, #tpu.memory_space<hbm>>
      tpu.wait_dma2 semaphore(%arg9 : memref<!tpu.dma_semaphore, #tpu.memory_space<semaphore_mem>>) src(%dma_wait3A_46 : memref<128x128xf32, #tpu.memory_space<hbm>>) dst(%dma_wait3A_44 : memref<128x128xf32, #tpu.memory_space<vmem>>)
      %add3A_47 = arith.constant 1 : i32
      %add3A_48 = arith.addi %mul3A_31, %add3A_47 : i32
      %mul3A_49 = arith.constant 128 : i32
      %mul3A_50 = arith.muli %add3A_48, %mul3A_49 : i32
      %add3A_51 = arith.addi %mul3A_6, %mul3A_50 : i32
      %dma_start3A_52 = arith.constant 1 : i32
      %dma_start3A_53 = arith.constant 0 : i32
      %dma_start3A_54 = arith.constant 0 : i32
      %dma_start3A_55 = tpu.memref_slice %arg7[%dma_start3A_52, %dma_start3A_53, %dma_start3A_54] : memref<2x128x128xf32, #tpu.memory_space<vmem>> -> memref<1x128x128xf32, #tpu.memory_space<vmem>>
      %dma_start3A_56 = tpu.memref_squeeze %dma_start3A_55 : memref<1x128x128xf32, #tpu.memory_space<vmem>> -> memref<128x128xf32, #tpu.memory_space<vmem>>
      %dma_start3A_57 = arith.constant 0 : i32
      %dma_start3A_58 = tpu.memref_slice %arg2[%add3A_51, %dma_start3A_57] : memref<327680x128xf32, #tpu.memory_space<hbm>> -> memref<128x128xf32, #tpu.memory_space<hbm>>
      %dma_start3A_59 = arith.constant 0 : i32
      %dma_start3A_60 = arith.constant 0 : i32
      %dma_start3A_61 = tpu.memref_slice %arg7[%dma_start3A_52, %dma_start3A_59, %dma_start3A_60] : memref<2x128x128xf32, #tpu.memory_space<vmem>> -> memref<1x128x128xf32, #tpu.memory_space<vmem>>
      %dma_start3A_62 = tpu.memref_squeeze %dma_start3A_61 : memref<1x128x128xf32, #tpu.memory_space<vmem>> -> memref<128x128xf32, #tpu.memory_space<vmem>>
      %dma_start3A_63 = arith.constant 0 : i32
      %dma_start3A_64 = tpu.memref_slice %arg2[%add3A_51, %dma_start3A_63] : memref<327680x128xf32, #tpu.memory_space<hbm>> -> memref<128x128xf32, #tpu.memory_space<hbm>>
      tpu.enqueue_dma source(%dma_start3A_64 : memref<128x128xf32, #tpu.memory_space<hbm>>) target(%dma_start3A_62 : memref<128x128xf32, #tpu.memory_space<vmem>>) target_semaphore(%arg9 : memref<!tpu.dma_semaphore, #tpu.memory_space<semaphore_mem>>)
      %run_scoped3A = arith.constant 0 : i32
      "tpu.region"() ({
        %run_scoped3A_88 = tpu.sem_alloc : memref<!tpu.dma_semaphore, #tpu.memory_space<semaphore_mem>>
        %dma_start3A_89 = arith.constant 0 : i32
        %dma_start3A_90 = arith.constant 0 : i32
        %dma_start3A_91 = tpu.memref_slice %arg7[%run_scoped3A, %dma_start3A_89, %dma_start3A_90] : memref<2x128x128xf32, #tpu.memory_space<vmem>> -> memref<1x128x128xf32, #tpu.memory_space<vmem>>
        %dma_start3A_92 = tpu.memref_squeeze %dma_start3A_91 : memref<1x128x128xf32, #tpu.memory_space<vmem>> -> memref<128x128xf32, #tpu.memory_space<vmem>>
        %dma_start3A_93 = arith.constant 0 : i32
        %dma_start3A_94 = tpu.memref_slice %arg6[%mul3A_31, %dma_start3A_93] : memref<80x128xi32, #tpu.memory_space<vmem>> -> memref<1x128xi32, #tpu.memory_space<vmem>>
        %dma_start3A_95 = tpu.memref_squeeze %dma_start3A_94 : memref<1x128xi32, #tpu.memory_space<vmem>> -> memref<128xi32, #tpu.memory_space<vmem>>
        %dma_start3A_96 = arith.constant 0 : i32
        %dma_start3A_97 = arith.constant 0 : i32
        %dma_start3A_98 = tpu.memref_slice %arg8[%dma_start3A_96, %dma_start3A_97] : memref<10240x128xf32, #tpu.memory_space<vmem_shared>> -> memref<10240x128xf32, #tpu.memory_space<vmem_shared>>
        tpu.enqueue_indirect_dma source(%dma_start3A_92 : memref<128x128xf32, #tpu.memory_space<vmem>>) target(%dma_start3A_98 : memref<10240x128xf32, #tpu.memory_space<vmem_shared>>) offsets(%dma_start3A_95 : memref<128xi32, #tpu.memory_space<vmem>>) semaphore(%run_scoped3A_88 : memref<!tpu.dma_semaphore, #tpu.memory_space<semaphore_mem>>) {add = true}
        %dma_wait3A_99 = arith.constant 0 : i32
        %dma_wait3A_100 = arith.constant 0 : i32
        %dma_wait3A_101 = tpu.memref_slice %arg7[%run_scoped3A, %dma_wait3A_99, %dma_wait3A_100] : memref<2x128x128xf32, #tpu.memory_space<vmem>> -> memref<1x128x128xf32, #tpu.memory_space<vmem>>
        %dma_wait3A_102 = tpu.memref_squeeze %dma_wait3A_101 : memref<1x128x128xf32, #tpu.memory_space<vmem>> -> memref<128x128xf32, #tpu.memory_space<vmem>>
        %dma_wait3A_103 = arith.constant 0 : i32
        %dma_wait3A_104 = tpu.memref_slice %arg6[%mul3A_31, %dma_wait3A_103] : memref<80x128xi32, #tpu.memory_space<vmem>> -> memref<1x128xi32, #tpu.memory_space<vmem>>
        %dma_wait3A_105 = tpu.memref_squeeze %dma_wait3A_104 : memref<1x128xi32, #tpu.memory_space<vmem>> -> memref<128xi32, #tpu.memory_space<vmem>>
        %dma_wait3A_106 = arith.constant 0 : i32
        %dma_wait3A_107 = arith.constant 0 : i32
        %dma_wait3A_108 = tpu.memref_slice %arg8[%dma_wait3A_106, %dma_wait3A_107] : memref<10240x128xf32, #tpu.memory_space<vmem_shared>> -> memref<10240x128xf32, #tpu.memory_space<vmem_shared>>
        tpu.wait_indirect_dma semaphore(%run_scoped3A_88 : memref<!tpu.dma_semaphore, #tpu.memory_space<semaphore_mem>>) src(%dma_wait3A_102 : memref<128x128xf32, #tpu.memory_space<vmem>>) dst(%dma_wait3A_108 : memref<10240x128xf32, #tpu.memory_space<vmem_shared>>)
        tpu.yield
      }) : () -> ()
      %add3A_65 = arith.constant 1 : i32
      %add3A_66 = arith.addi %mul3A_31, %add3A_65 : i32
      %mul3A_67 = arith.constant 128 : i32
      %mul3A_68 = arith.muli %add3A_66, %mul3A_67 : i32
      %add3A_69 = arith.addi %mul3A_6, %mul3A_68 : i32
      %dma_wait3A_70 = arith.constant 1 : i32
      %dma_wait3A_71 = arith.constant 0 : i32
      %dma_wait3A_72 = arith.constant 0 : i32
      %dma_wait3A_73 = tpu.memref_slice %arg7[%dma_wait3A_70, %dma_wait3A_71, %dma_wait3A_72] : memref<2x128x128xf32, #tpu.memory_space<vmem>> -> memref<1x128x128xf32, #tpu.memory_space<vmem>>
      %dma_wait3A_74 = tpu.memref_squeeze %dma_wait3A_73 : memref<1x128x128xf32, #tpu.memory_space<vmem>> -> memref<128x128xf32, #tpu.memory_space<vmem>>
      %dma_wait3A_75 = arith.constant 0 : i32
      %dma_wait3A_76 = tpu.memref_slice %arg2[%add3A_69, %dma_wait3A_75] : memref<327680x128xf32, #tpu.memory_space<hbm>> -> memref<128x128xf32, #tpu.memory_space<hbm>>
      %dma_wait3A_77 = arith.constant 0 : i32
      %dma_wait3A_78 = arith.constant 0 : i32
      %dma_wait3A_79 = tpu.memref_slice %arg7[%dma_wait3A_70, %dma_wait3A_77, %dma_wait3A_78] : memref<2x128x128xf32, #tpu.memory_space<vmem>> -> memref<1x128x128xf32, #tpu.memory_space<vmem>>
      %dma_wait3A_80 = tpu.memref_squeeze %dma_wait3A_79 : memref<1x128x128xf32, #tpu.memory_space<vmem>> -> memref<128x128xf32, #tpu.memory_space<vmem>>
      %dma_wait3A_81 = arith.constant 0 : i32
      %dma_wait3A_82 = tpu.memref_slice %arg2[%add3A_69, %dma_wait3A_81] : memref<327680x128xf32, #tpu.memory_space<hbm>> -> memref<128x128xf32, #tpu.memory_space<hbm>>
      tpu.wait_dma2 semaphore(%arg9 : memref<!tpu.dma_semaphore, #tpu.memory_space<semaphore_mem>>) src(%dma_wait3A_82 : memref<128x128xf32, #tpu.memory_space<hbm>>) dst(%dma_wait3A_80 : memref<128x128xf32, #tpu.memory_space<vmem>>)
      %lt3A = arith.constant 39 : i32
      %lt3A_83 = arith.cmpi slt, %scan3A_29, %lt3A : i32
      %convert_element_type3A = arith.extui %lt3A_83 : i1 to i32
      %cond3A = arith.constant 0 : i32
      %cond3A_84 = arith.cmpi ne, %convert_element_type3A, %cond3A : i32
      scf.if %cond3A_84 {
        %add3A_88 = arith.constant 2 : i32
        %add3A_89 = arith.addi %mul3A_31, %add3A_88 : i32
        %mul3A_90 = arith.constant 128 : i32
        %mul3A_91 = arith.muli %add3A_89, %mul3A_90 : i32
        %add3A_92 = arith.addi %mul3A_6, %mul3A_91 : i32
        %dma_start3A_93 = arith.constant 0 : i32
        %dma_start3A_94 = arith.constant 0 : i32
        %dma_start3A_95 = arith.constant 0 : i32
        %dma_start3A_96 = tpu.memref_slice %arg7[%dma_start3A_93, %dma_start3A_94, %dma_start3A_95] : memref<2x128x128xf32, #tpu.memory_space<vmem>> -> memref<1x128x128xf32, #tpu.memory_space<vmem>>
        %dma_start3A_97 = tpu.memref_squeeze %dma_start3A_96 : memref<1x128x128xf32, #tpu.memory_space<vmem>> -> memref<128x128xf32, #tpu.memory_space<vmem>>
        %dma_start3A_98 = arith.constant 0 : i32
        %dma_start3A_99 = tpu.memref_slice %arg2[%add3A_92, %dma_start3A_98] : memref<327680x128xf32, #tpu.memory_space<hbm>> -> memref<128x128xf32, #tpu.memory_space<hbm>>
        %dma_start3A_100 = arith.constant 0 : i32
        %dma_start3A_101 = arith.constant 0 : i32
        %dma_start3A_102 = tpu.memref_slice %arg7[%dma_start3A_93, %dma_start3A_100, %dma_start3A_101] : memref<2x128x128xf32, #tpu.memory_space<vmem>> -> memref<1x128x128xf32, #tpu.memory_space<vmem>>
        %dma_start3A_103 = tpu.memref_squeeze %dma_start3A_102 : memref<1x128x128xf32, #tpu.memory_space<vmem>> -> memref<128x128xf32, #tpu.memory_space<vmem>>
        %dma_start3A_104 = arith.constant 0 : i32
        %dma_start3A_105 = tpu.memref_slice %arg2[%add3A_92, %dma_start3A_104] : memref<327680x128xf32, #tpu.memory_space<hbm>> -> memref<128x128xf32, #tpu.memory_space<hbm>>
        tpu.enqueue_dma source(%dma_start3A_105 : memref<128x128xf32, #tpu.memory_space<hbm>>) target(%dma_start3A_103 : memref<128x128xf32, #tpu.memory_space<vmem>>) target_semaphore(%arg9 : memref<!tpu.dma_semaphore, #tpu.memory_space<semaphore_mem>>)
      } else {
      }
      %add3A_85 = arith.constant 1 : i32
      %add3A_86 = arith.addi %mul3A_31, %add3A_85 : i32
      %run_scoped3A_87 = arith.constant 1 : i32
      "tpu.region"() ({
        %run_scoped3A_88 = tpu.sem_alloc : memref<!tpu.dma_semaphore, #tpu.memory_space<semaphore_mem>>
        %dma_start3A_89 = arith.constant 0 : i32
        %dma_start3A_90 = arith.constant 0 : i32
        %dma_start3A_91 = tpu.memref_slice %arg7[%run_scoped3A_87, %dma_start3A_89, %dma_start3A_90] : memref<2x128x128xf32, #tpu.memory_space<vmem>> -> memref<1x128x128xf32, #tpu.memory_space<vmem>>
        %dma_start3A_92 = tpu.memref_squeeze %dma_start3A_91 : memref<1x128x128xf32, #tpu.memory_space<vmem>> -> memref<128x128xf32, #tpu.memory_space<vmem>>
        %dma_start3A_93 = arith.constant 0 : i32
        %dma_start3A_94 = tpu.memref_slice %arg6[%add3A_86, %dma_start3A_93] : memref<80x128xi32, #tpu.memory_space<vmem>> -> memref<1x128xi32, #tpu.memory_space<vmem>>
        %dma_start3A_95 = tpu.memref_squeeze %dma_start3A_94 : memref<1x128xi32, #tpu.memory_space<vmem>> -> memref<128xi32, #tpu.memory_space<vmem>>
        %dma_start3A_96 = arith.constant 0 : i32
        %dma_start3A_97 = arith.constant 0 : i32
        %dma_start3A_98 = tpu.memref_slice %arg8[%dma_start3A_96, %dma_start3A_97] : memref<10240x128xf32, #tpu.memory_space<vmem_shared>> -> memref<10240x128xf32, #tpu.memory_space<vmem_shared>>
        tpu.enqueue_indirect_dma source(%dma_start3A_92 : memref<128x128xf32, #tpu.memory_space<vmem>>) target(%dma_start3A_98 : memref<10240x128xf32, #tpu.memory_space<vmem_shared>>) offsets(%dma_start3A_95 : memref<128xi32, #tpu.memory_space<vmem>>) semaphore(%run_scoped3A_88 : memref<!tpu.dma_semaphore, #tpu.memory_space<semaphore_mem>>) {add = true}
        %dma_wait3A_99 = arith.constant 0 : i32
        %dma_wait3A_100 = arith.constant 0 : i32
        %dma_wait3A_101 = tpu.memref_slice %arg7[%run_scoped3A_87, %dma_wait3A_99, %dma_wait3A_100] : memref<2x128x128xf32, #tpu.memory_space<vmem>> -> memref<1x128x128xf32, #tpu.memory_space<vmem>>
        %dma_wait3A_102 = tpu.memref_squeeze %dma_wait3A_101 : memref<1x128x128xf32, #tpu.memory_space<vmem>> -> memref<128x128xf32, #tpu.memory_space<vmem>>
        %dma_wait3A_103 = arith.constant 0 : i32
        %dma_wait3A_104 = tpu.memref_slice %arg6[%add3A_86, %dma_wait3A_103] : memref<80x128xi32, #tpu.memory_space<vmem>> -> memref<1x128xi32, #tpu.memory_space<vmem>>
        %dma_wait3A_105 = tpu.memref_squeeze %dma_wait3A_104 : memref<1x128xi32, #tpu.memory_space<vmem>> -> memref<128xi32, #tpu.memory_space<vmem>>
        %dma_wait3A_106 = arith.constant 0 : i32
        %dma_wait3A_107 = arith.constant 0 : i32
        %dma_wait3A_108 = tpu.memref_slice %arg8[%dma_wait3A_106, %dma_wait3A_107] : memref<10240x128xf32, #tpu.memory_space<vmem_shared>> -> memref<10240x128xf32, #tpu.memory_space<vmem_shared>>
        tpu.wait_indirect_dma semaphore(%run_scoped3A_88 : memref<!tpu.dma_semaphore, #tpu.memory_space<semaphore_mem>>) src(%dma_wait3A_102 : memref<128x128xf32, #tpu.memory_space<vmem>>) dst(%dma_wait3A_108 : memref<10240x128xf32, #tpu.memory_space<vmem_shared>>)
        tpu.yield
      }) : () -> ()
    }
    %scan3A_23 = arith.constant 40 : i32
    %barrier3A_24 = arith.constant 0 : index
    tpu.barrier barrier_id(%barrier3A_24)
    %mul3A_25 = arith.constant 640 : i32
    %mul3A_26 = arith.muli %arg1, %mul3A_25 : i32
    %mul3A_27 = arith.constant 640 : i32
    %mul3A_28 = arith.muli %arg1, %mul3A_27 : i32
    "tpu.region"() ({
      %run_scoped3A = tpu.sem_alloc : memref<!tpu.dma_semaphore, #tpu.memory_space<semaphore_mem>>
      %dma_start3A_29 = arith.constant 0 : i32
      %dma_start3A_30 = tpu.memref_slice %arg5[%arg0, %mul3A_28, %dma_start3A_29] : memref<2x10240x128xf32, #tpu.memory_space<hbm>> -> memref<1x640x128xf32, #tpu.memory_space<hbm>>
      %dma_start3A_31 = tpu.memref_squeeze %dma_start3A_30 : memref<1x640x128xf32, #tpu.memory_space<hbm>> -> memref<640x128xf32, #tpu.memory_space<hbm>>
      %dma_start3A_32 = arith.constant 0 : i32
      %dma_start3A_33 = tpu.memref_slice %arg8[%mul3A_26, %dma_start3A_32] : memref<10240x128xf32, #tpu.memory_space<vmem_shared>> -> memref<640x128xf32, #tpu.memory_space<vmem_shared>>
      tpu.enqueue_dma source(%dma_start3A_33 : memref<640x128xf32, #tpu.memory_space<vmem_shared>>) target(%dma_start3A_31 : memref<640x128xf32, #tpu.memory_space<hbm>>) target_semaphore(%run_scoped3A : memref<!tpu.dma_semaphore, #tpu.memory_space<semaphore_mem>>)
      %dma_wait3A = arith.constant 0 : i32
      %dma_wait3A_34 = tpu.memref_slice %arg5[%arg0, %mul3A_28, %dma_wait3A] : memref<2x10240x128xf32, #tpu.memory_space<hbm>> -> memref<1x640x128xf32, #tpu.memory_space<hbm>>
      %dma_wait3A_35 = tpu.memref_squeeze %dma_wait3A_34 : memref<1x640x128xf32, #tpu.memory_space<hbm>> -> memref<640x128xf32, #tpu.memory_space<hbm>>
      %dma_wait3A_36 = arith.constant 0 : i32
      %dma_wait3A_37 = tpu.memref_slice %arg8[%mul3A_26, %dma_wait3A_36] : memref<10240x128xf32, #tpu.memory_space<vmem_shared>> -> memref<640x128xf32, #tpu.memory_space<vmem_shared>>
      tpu.wait_dma2 semaphore(%run_scoped3A : memref<!tpu.dma_semaphore, #tpu.memory_space<semaphore_mem>>) src(%dma_wait3A_37 : memref<640x128xf32, #tpu.memory_space<vmem_shared>>) dst(%dma_wait3A_35 : memref<640x128xf32, #tpu.memory_space<hbm>>)
      tpu.yield
    }) : () -> ()
    return
  }
}

#map = affine_map<(d0, d1) -> (0, 0)>
#map1 = affine_map<(d0, d1) -> (0, 0, 0)>
module attributes {stable_mosaic.version = 14 : i64} {
  func.func @_sc_deg(%arg0: i32, %arg1: i32, %arg2: memref<2560x128xi32, #tpu.memory_space<hbm>>, %arg3: memref<640x128xf32, #tpu.memory_space<hbm>>, %arg4: memref<128x128xf32, #tpu.memory_space<hbm>>, %arg5: memref<2x10240x128xf32, #tpu.memory_space<hbm>>, %arg6: memref<80x128xi32, #tpu.memory_space<vmem>>, %arg7: memref<128x128xf32, #tpu.memory_space<vmem>>, %arg8: memref<10240x128xf32, #tpu.memory_space<vmem_shared>>, %arg9: memref<!tpu.dma_semaphore, #tpu.memory_space<semaphore_mem>>) attributes {dimension_semantics = [#tpu.dimension_semantics<core_parallel>, #tpu.dimension_semantics<subcore_parallel>], iteration_bounds = array<i64: 2, 16>, scalar_prefetch = 0 : i64, scratch_operands = 4 : i64, tpu.core_type = #tpu.core_type<sc_vector_subcore>, window_params = [{transform_indices = #map}, {transform_indices = #map}, {transform_indices = #map}, {transform_indices = #map1}]} {
    %mul3A = arith.constant 2 : i32
    %mul3A_0 = arith.muli %arg1, %mul3A : i32
    %add3A = arith.addi %mul3A_0, %arg0 : i32
    %mul3A_1 = arith.constant 80 : i32
    %mul3A_2 = arith.muli %add3A, %mul3A_1 : i32
    "tpu.region"() ({
      %run_scoped3A = tpu.sem_alloc : memref<!tpu.dma_semaphore, #tpu.memory_space<semaphore_mem>>
      %dma_start3A = arith.constant 0 : i32
      %dma_start3A_15 = tpu.memref_slice %arg2[%mul3A_2, %dma_start3A] : memref<2560x128xi32, #tpu.memory_space<hbm>> -> memref<80x128xi32, #tpu.memory_space<hbm>>
      %dma_start3A_16 = arith.constant 0 : i32
      %dma_start3A_17 = tpu.memref_slice %arg2[%mul3A_2, %dma_start3A_16] : memref<2560x128xi32, #tpu.memory_space<hbm>> -> memref<80x128xi32, #tpu.memory_space<hbm>>
      tpu.enqueue_dma source(%dma_start3A_17 : memref<80x128xi32, #tpu.memory_space<hbm>>) target(%arg6 : memref<80x128xi32, #tpu.memory_space<vmem>>) target_semaphore(%run_scoped3A : memref<!tpu.dma_semaphore, #tpu.memory_space<semaphore_mem>>)
      %dma_wait3A = arith.constant 0 : i32
      %dma_wait3A_18 = tpu.memref_slice %arg2[%mul3A_2, %dma_wait3A] : memref<2560x128xi32, #tpu.memory_space<hbm>> -> memref<80x128xi32, #tpu.memory_space<hbm>>
      %dma_wait3A_19 = arith.constant 0 : i32
      %dma_wait3A_20 = tpu.memref_slice %arg2[%mul3A_2, %dma_wait3A_19] : memref<2560x128xi32, #tpu.memory_space<hbm>> -> memref<80x128xi32, #tpu.memory_space<hbm>>
      tpu.wait_dma2 semaphore(%run_scoped3A : memref<!tpu.dma_semaphore, #tpu.memory_space<semaphore_mem>>) src(%dma_wait3A_20 : memref<80x128xi32, #tpu.memory_space<hbm>>) dst(%arg6 : memref<80x128xi32, #tpu.memory_space<vmem>>)
      tpu.yield
    }) : () -> ()
    %mul3A_3 = arith.constant 640 : i32
    %mul3A_4 = arith.muli %arg1, %mul3A_3 : i32
    "tpu.region"() ({
      %run_scoped3A = tpu.sem_alloc : memref<!tpu.dma_semaphore, #tpu.memory_space<semaphore_mem>>
      %dma_start3A = arith.constant 0 : i32
      %dma_start3A_15 = tpu.memref_slice %arg8[%mul3A_4, %dma_start3A] : memref<10240x128xf32, #tpu.memory_space<vmem_shared>> -> memref<640x128xf32, #tpu.memory_space<vmem_shared>>
      tpu.enqueue_dma source(%arg3 : memref<640x128xf32, #tpu.memory_space<hbm>>) target(%dma_start3A_15 : memref<640x128xf32, #tpu.memory_space<vmem_shared>>) target_semaphore(%run_scoped3A : memref<!tpu.dma_semaphore, #tpu.memory_space<semaphore_mem>>)
      %dma_wait3A = arith.constant 0 : i32
      %dma_wait3A_16 = tpu.memref_slice %arg8[%mul3A_4, %dma_wait3A] : memref<10240x128xf32, #tpu.memory_space<vmem_shared>> -> memref<640x128xf32, #tpu.memory_space<vmem_shared>>
      tpu.wait_dma2 semaphore(%run_scoped3A : memref<!tpu.dma_semaphore, #tpu.memory_space<semaphore_mem>>) src(%arg3 : memref<640x128xf32, #tpu.memory_space<hbm>>) dst(%dma_wait3A_16 : memref<640x128xf32, #tpu.memory_space<vmem_shared>>)
      tpu.yield
    }) : () -> ()
    "tpu.region"() ({
      %run_scoped3A = tpu.sem_alloc : memref<!tpu.dma_semaphore, #tpu.memory_space<semaphore_mem>>
      tpu.enqueue_dma source(%arg4 : memref<128x128xf32, #tpu.memory_space<hbm>>) target(%arg7 : memref<128x128xf32, #tpu.memory_space<vmem>>) target_semaphore(%run_scoped3A : memref<!tpu.dma_semaphore, #tpu.memory_space<semaphore_mem>>)
      tpu.wait_dma2 semaphore(%run_scoped3A : memref<!tpu.dma_semaphore, #tpu.memory_space<semaphore_mem>>) src(%arg4 : memref<128x128xf32, #tpu.memory_space<hbm>>) dst(%arg7 : memref<128x128xf32, #tpu.memory_space<vmem>>)
      tpu.yield
    }) : () -> ()
    %barrier3A = arith.constant 0 : index
    tpu.barrier barrier_id(%barrier3A)
    %scan3A = arith.constant 0 : i32
    %scan3A_5 = arith.constant 0 : i32
    %scan3A_6 = arith.constant 20 : i32
    %scan3A_7 = arith.addi %scan3A_5, %scan3A_6 : i32
    %scan3A_8 = arith.constant 1 : i32
    scf.for %scan3A_15 = %scan3A_5 to %scan3A_7 step %scan3A_8  : i32 {
      %mul3A_16 = arith.constant 4 : i32
      %mul3A_17 = arith.muli %mul3A_16, %scan3A_15 : i32
      %add3A_18 = arith.constant 0 : i32
      %add3A_19 = arith.addi %mul3A_17, %add3A_18 : i32
      %dma_start3A = arith.constant 0 : i32
      %dma_start3A_20 = tpu.memref_slice %arg6[%add3A_19, %dma_start3A] : memref<80x128xi32, #tpu.memory_space<vmem>> -> memref<1x128xi32, #tpu.memory_space<vmem>>
      %dma_start3A_21 = tpu.memref_squeeze %dma_start3A_20 : memref<1x128xi32, #tpu.memory_space<vmem>> -> memref<128xi32, #tpu.memory_space<vmem>>
      %dma_start3A_22 = arith.constant 0 : i32
      %dma_start3A_23 = arith.constant 0 : i32
      %dma_start3A_24 = tpu.memref_slice %arg8[%dma_start3A_22, %dma_start3A_23] : memref<10240x128xf32, #tpu.memory_space<vmem_shared>> -> memref<10240x128xf32, #tpu.memory_space<vmem_shared>>
      tpu.enqueue_indirect_dma source(%arg7 : memref<128x128xf32, #tpu.memory_space<vmem>>) target(%dma_start3A_24 : memref<10240x128xf32, #tpu.memory_space<vmem_shared>>) offsets(%dma_start3A_21 : memref<128xi32, #tpu.memory_space<vmem>>) semaphore(%arg9 : memref<!tpu.dma_semaphore, #tpu.memory_space<semaphore_mem>>) {add = true}
      %mul3A_25 = arith.constant 4 : i32
      %mul3A_26 = arith.muli %mul3A_25, %scan3A_15 : i32
      %add3A_27 = arith.constant 1 : i32
      %add3A_28 = arith.addi %mul3A_26, %add3A_27 : i32
      %dma_start3A_29 = arith.constant 0 : i32
      %dma_start3A_30 = tpu.memref_slice %arg6[%add3A_28, %dma_start3A_29] : memref<80x128xi32, #tpu.memory_space<vmem>> -> memref<1x128xi32, #tpu.memory_space<vmem>>
      %dma_start3A_31 = tpu.memref_squeeze %dma_start3A_30 : memref<1x128xi32, #tpu.memory_space<vmem>> -> memref<128xi32, #tpu.memory_space<vmem>>
      %dma_start3A_32 = arith.constant 0 : i32
      %dma_start3A_33 = arith.constant 0 : i32
      %dma_start3A_34 = tpu.memref_slice %arg8[%dma_start3A_32, %dma_start3A_33] : memref<10240x128xf32, #tpu.memory_space<vmem_shared>> -> memref<10240x128xf32, #tpu.memory_space<vmem_shared>>
      tpu.enqueue_indirect_dma source(%arg7 : memref<128x128xf32, #tpu.memory_space<vmem>>) target(%dma_start3A_34 : memref<10240x128xf32, #tpu.memory_space<vmem_shared>>) offsets(%dma_start3A_31 : memref<128xi32, #tpu.memory_space<vmem>>) semaphore(%arg9 : memref<!tpu.dma_semaphore, #tpu.memory_space<semaphore_mem>>) {add = true}
      %mul3A_35 = arith.constant 4 : i32
      %mul3A_36 = arith.muli %mul3A_35, %scan3A_15 : i32
      %add3A_37 = arith.constant 2 : i32
      %add3A_38 = arith.addi %mul3A_36, %add3A_37 : i32
      %dma_start3A_39 = arith.constant 0 : i32
      %dma_start3A_40 = tpu.memref_slice %arg6[%add3A_38, %dma_start3A_39] : memref<80x128xi32, #tpu.memory_space<vmem>> -> memref<1x128xi32, #tpu.memory_space<vmem>>
      %dma_start3A_41 = tpu.memref_squeeze %dma_start3A_40 : memref<1x128xi32, #tpu.memory_space<vmem>> -> memref<128xi32, #tpu.memory_space<vmem>>
      %dma_start3A_42 = arith.constant 0 : i32
      %dma_start3A_43 = arith.constant 0 : i32
      %dma_start3A_44 = tpu.memref_slice %arg8[%dma_start3A_42, %dma_start3A_43] : memref<10240x128xf32, #tpu.memory_space<vmem_shared>> -> memref<10240x128xf32, #tpu.memory_space<vmem_shared>>
      tpu.enqueue_indirect_dma source(%arg7 : memref<128x128xf32, #tpu.memory_space<vmem>>) target(%dma_start3A_44 : memref<10240x128xf32, #tpu.memory_space<vmem_shared>>) offsets(%dma_start3A_41 : memref<128xi32, #tpu.memory_space<vmem>>) semaphore(%arg9 : memref<!tpu.dma_semaphore, #tpu.memory_space<semaphore_mem>>) {add = true}
      %mul3A_45 = arith.constant 4 : i32
      %mul3A_46 = arith.muli %mul3A_45, %scan3A_15 : i32
      %add3A_47 = arith.constant 3 : i32
      %add3A_48 = arith.addi %mul3A_46, %add3A_47 : i32
      %dma_start3A_49 = arith.constant 0 : i32
      %dma_start3A_50 = tpu.memref_slice %arg6[%add3A_48, %dma_start3A_49] : memref<80x128xi32, #tpu.memory_space<vmem>> -> memref<1x128xi32, #tpu.memory_space<vmem>>
      %dma_start3A_51 = tpu.memref_squeeze %dma_start3A_50 : memref<1x128xi32, #tpu.memory_space<vmem>> -> memref<128xi32, #tpu.memory_space<vmem>>
      %dma_start3A_52 = arith.constant 0 : i32
      %dma_start3A_53 = arith.constant 0 : i32
      %dma_start3A_54 = tpu.memref_slice %arg8[%dma_start3A_52, %dma_start3A_53] : memref<10240x128xf32, #tpu.memory_space<vmem_shared>> -> memref<10240x128xf32, #tpu.memory_space<vmem_shared>>
      tpu.enqueue_indirect_dma source(%arg7 : memref<128x128xf32, #tpu.memory_space<vmem>>) target(%dma_start3A_54 : memref<10240x128xf32, #tpu.memory_space<vmem_shared>>) offsets(%dma_start3A_51 : memref<128xi32, #tpu.memory_space<vmem>>) semaphore(%arg9 : memref<!tpu.dma_semaphore, #tpu.memory_space<semaphore_mem>>) {add = true}
      %mul3A_55 = arith.constant 4 : i32
      %mul3A_56 = arith.muli %mul3A_55, %scan3A_15 : i32
      %add3A_57 = arith.constant 0 : i32
      %add3A_58 = arith.addi %mul3A_56, %add3A_57 : i32
      %dma_wait3A = arith.constant 0 : i32
      %dma_wait3A_59 = tpu.memref_slice %arg6[%add3A_58, %dma_wait3A] : memref<80x128xi32, #tpu.memory_space<vmem>> -> memref<1x128xi32, #tpu.memory_space<vmem>>
      %dma_wait3A_60 = tpu.memref_squeeze %dma_wait3A_59 : memref<1x128xi32, #tpu.memory_space<vmem>> -> memref<128xi32, #tpu.memory_space<vmem>>
      %dma_wait3A_61 = arith.constant 0 : i32
      %dma_wait3A_62 = arith.constant 0 : i32
      %dma_wait3A_63 = tpu.memref_slice %arg8[%dma_wait3A_61, %dma_wait3A_62] : memref<10240x128xf32, #tpu.memory_space<vmem_shared>> -> memref<10240x128xf32, #tpu.memory_space<vmem_shared>>
      tpu.wait_indirect_dma semaphore(%arg9 : memref<!tpu.dma_semaphore, #tpu.memory_space<semaphore_mem>>) src(%arg7 : memref<128x128xf32, #tpu.memory_space<vmem>>) dst(%dma_wait3A_63 : memref<10240x128xf32, #tpu.memory_space<vmem_shared>>)
      %mul3A_64 = arith.constant 4 : i32
      %mul3A_65 = arith.muli %mul3A_64, %scan3A_15 : i32
      %add3A_66 = arith.constant 1 : i32
      %add3A_67 = arith.addi %mul3A_65, %add3A_66 : i32
      %dma_wait3A_68 = arith.constant 0 : i32
      %dma_wait3A_69 = tpu.memref_slice %arg6[%add3A_67, %dma_wait3A_68] : memref<80x128xi32, #tpu.memory_space<vmem>> -> memref<1x128xi32, #tpu.memory_space<vmem>>
      %dma_wait3A_70 = tpu.memref_squeeze %dma_wait3A_69 : memref<1x128xi32, #tpu.memory_space<vmem>> -> memref<128xi32, #tpu.memory_space<vmem>>
      %dma_wait3A_71 = arith.constant 0 : i32
      %dma_wait3A_72 = arith.constant 0 : i32
      %dma_wait3A_73 = tpu.memref_slice %arg8[%dma_wait3A_71, %dma_wait3A_72] : memref<10240x128xf32, #tpu.memory_space<vmem_shared>> -> memref<10240x128xf32, #tpu.memory_space<vmem_shared>>
      tpu.wait_indirect_dma semaphore(%arg9 : memref<!tpu.dma_semaphore, #tpu.memory_space<semaphore_mem>>) src(%arg7 : memref<128x128xf32, #tpu.memory_space<vmem>>) dst(%dma_wait3A_73 : memref<10240x128xf32, #tpu.memory_space<vmem_shared>>)
      %mul3A_74 = arith.constant 4 : i32
      %mul3A_75 = arith.muli %mul3A_74, %scan3A_15 : i32
      %add3A_76 = arith.constant 2 : i32
      %add3A_77 = arith.addi %mul3A_75, %add3A_76 : i32
      %dma_wait3A_78 = arith.constant 0 : i32
      %dma_wait3A_79 = tpu.memref_slice %arg6[%add3A_77, %dma_wait3A_78] : memref<80x128xi32, #tpu.memory_space<vmem>> -> memref<1x128xi32, #tpu.memory_space<vmem>>
      %dma_wait3A_80 = tpu.memref_squeeze %dma_wait3A_79 : memref<1x128xi32, #tpu.memory_space<vmem>> -> memref<128xi32, #tpu.memory_space<vmem>>
      %dma_wait3A_81 = arith.constant 0 : i32
      %dma_wait3A_82 = arith.constant 0 : i32
      %dma_wait3A_83 = tpu.memref_slice %arg8[%dma_wait3A_81, %dma_wait3A_82] : memref<10240x128xf32, #tpu.memory_space<vmem_shared>> -> memref<10240x128xf32, #tpu.memory_space<vmem_shared>>
      tpu.wait_indirect_dma semaphore(%arg9 : memref<!tpu.dma_semaphore, #tpu.memory_space<semaphore_mem>>) src(%arg7 : memref<128x128xf32, #tpu.memory_space<vmem>>) dst(%dma_wait3A_83 : memref<10240x128xf32, #tpu.memory_space<vmem_shared>>)
      %mul3A_84 = arith.constant 4 : i32
      %mul3A_85 = arith.muli %mul3A_84, %scan3A_15 : i32
      %add3A_86 = arith.constant 3 : i32
      %add3A_87 = arith.addi %mul3A_85, %add3A_86 : i32
      %dma_wait3A_88 = arith.constant 0 : i32
      %dma_wait3A_89 = tpu.memref_slice %arg6[%add3A_87, %dma_wait3A_88] : memref<80x128xi32, #tpu.memory_space<vmem>> -> memref<1x128xi32, #tpu.memory_space<vmem>>
      %dma_wait3A_90 = tpu.memref_squeeze %dma_wait3A_89 : memref<1x128xi32, #tpu.memory_space<vmem>> -> memref<128xi32, #tpu.memory_space<vmem>>
      %dma_wait3A_91 = arith.constant 0 : i32
      %dma_wait3A_92 = arith.constant 0 : i32
      %dma_wait3A_93 = tpu.memref_slice %arg8[%dma_wait3A_91, %dma_wait3A_92] : memref<10240x128xf32, #tpu.memory_space<vmem_shared>> -> memref<10240x128xf32, #tpu.memory_space<vmem_shared>>
      tpu.wait_indirect_dma semaphore(%arg9 : memref<!tpu.dma_semaphore, #tpu.memory_space<semaphore_mem>>) src(%arg7 : memref<128x128xf32, #tpu.memory_space<vmem>>) dst(%dma_wait3A_93 : memref<10240x128xf32, #tpu.memory_space<vmem_shared>>)
    }
    %scan3A_9 = arith.constant 20 : i32
    %barrier3A_10 = arith.constant 0 : index
    tpu.barrier barrier_id(%barrier3A_10)
    %mul3A_11 = arith.constant 640 : i32
    %mul3A_12 = arith.muli %arg1, %mul3A_11 : i32
    %mul3A_13 = arith.constant 640 : i32
    %mul3A_14 = arith.muli %arg1, %mul3A_13 : i32
    "tpu.region"() ({
      %run_scoped3A = tpu.sem_alloc : memref<!tpu.dma_semaphore, #tpu.memory_space<semaphore_mem>>
      %dma_start3A = arith.constant 0 : i32
      %dma_start3A_15 = tpu.memref_slice %arg5[%arg0, %mul3A_14, %dma_start3A] : memref<2x10240x128xf32, #tpu.memory_space<hbm>> -> memref<1x640x128xf32, #tpu.memory_space<hbm>>
      %dma_start3A_16 = tpu.memref_squeeze %dma_start3A_15 : memref<1x640x128xf32, #tpu.memory_space<hbm>> -> memref<640x128xf32, #tpu.memory_space<hbm>>
      %dma_start3A_17 = arith.constant 0 : i32
      %dma_start3A_18 = tpu.memref_slice %arg8[%mul3A_12, %dma_start3A_17] : memref<10240x128xf32, #tpu.memory_space<vmem_shared>> -> memref<640x128xf32, #tpu.memory_space<vmem_shared>>
      tpu.enqueue_dma source(%dma_start3A_18 : memref<640x128xf32, #tpu.memory_space<vmem_shared>>) target(%dma_start3A_16 : memref<640x128xf32, #tpu.memory_space<hbm>>) target_semaphore(%run_scoped3A : memref<!tpu.dma_semaphore, #tpu.memory_space<semaphore_mem>>)
      %dma_wait3A = arith.constant 0 : i32
      %dma_wait3A_19 = tpu.memref_slice %arg5[%arg0, %mul3A_14, %dma_wait3A] : memref<2x10240x128xf32, #tpu.memory_space<hbm>> -> memref<1x640x128xf32, #tpu.memory_space<hbm>>
      %dma_wait3A_20 = tpu.memref_squeeze %dma_wait3A_19 : memref<1x640x128xf32, #tpu.memory_space<hbm>> -> memref<640x128xf32, #tpu.memory_space<hbm>>
      %dma_wait3A_21 = arith.constant 0 : i32
      %dma_wait3A_22 = tpu.memref_slice %arg8[%mul3A_12, %dma_wait3A_21] : memref<10240x128xf32, #tpu.memory_space<vmem_shared>> -> memref<640x128xf32, #tpu.memory_space<vmem_shared>>
      tpu.wait_dma2 semaphore(%run_scoped3A : memref<!tpu.dma_semaphore, #tpu.memory_space<semaphore_mem>>) src(%dma_wait3A_22 : memref<640x128xf32, #tpu.memory_space<vmem_shared>>) dst(%dma_wait3A_20 : memref<640x128xf32, #tpu.memory_space<hbm>>)
      tpu.yield
    }) : () -> ()
    return
  }
}

#map = affine_map<(d0, d1) -> (0, 0)>
#map1 = affine_map<(d0, d1) -> (0, 0, 0)>
module attributes {stable_mosaic.version = 14 : i64} {
  func.func @_sc_segsum(%arg0: i32, %arg1: i32, %arg2: memref<10000x128xf32, #tpu.memory_space<hbm>>, %arg3: memref<5120x64xi32, #tpu.memory_space<hbm>>, %arg4: memref<5120x64xi32, #tpu.memory_space<hbm>>, %arg5: memref<640x128xf32, #tpu.memory_space<hbm>>, %arg6: memref<2x10240x128xf32, #tpu.memory_space<hbm>>, %arg7: memref<40x64xi32, #tpu.memory_space<vmem>>, %arg8: memref<40x64xi32, #tpu.memory_space<vmem>>, %arg9: memref<4x64x128xf32, #tpu.memory_space<vmem>>, %arg10: memref<10240x128xf32, #tpu.memory_space<vmem_shared>>, %arg11: memref<!tpu.dma_semaphore, #tpu.memory_space<semaphore_mem>>) attributes {dimension_semantics = [#tpu.dimension_semantics<core_parallel>, #tpu.dimension_semantics<subcore_parallel>], iteration_bounds = array<i64: 2, 16>, scalar_prefetch = 0 : i64, scratch_operands = 5 : i64, tpu.core_type = #tpu.core_type<sc_vector_subcore>, window_params = [{transform_indices = #map}, {transform_indices = #map}, {transform_indices = #map}, {transform_indices = #map}, {transform_indices = #map1}]} {
    %mul3A = arith.constant 2 : i32
    %mul3A_0 = arith.muli %arg1, %mul3A : i32
    %add3A = arith.addi %mul3A_0, %arg0 : i32
    %mul3A_1 = arith.constant 640 : i32
    %mul3A_2 = arith.muli %arg1, %mul3A_1 : i32
    "tpu.region"() ({
      %run_scoped3A = tpu.sem_alloc : memref<!tpu.dma_semaphore, #tpu.memory_space<semaphore_mem>>
      %dma_start3A = arith.constant 0 : i32
      %dma_start3A_28 = tpu.memref_slice %arg10[%mul3A_2, %dma_start3A] : memref<10240x128xf32, #tpu.memory_space<vmem_shared>> -> memref<640x128xf32, #tpu.memory_space<vmem_shared>>
      tpu.enqueue_dma source(%arg5 : memref<640x128xf32, #tpu.memory_space<hbm>>) target(%dma_start3A_28 : memref<640x128xf32, #tpu.memory_space<vmem_shared>>) target_semaphore(%run_scoped3A : memref<!tpu.dma_semaphore, #tpu.memory_space<semaphore_mem>>)
      %dma_wait3A = arith.constant 0 : i32
      %dma_wait3A_29 = tpu.memref_slice %arg10[%mul3A_2, %dma_wait3A] : memref<10240x128xf32, #tpu.memory_space<vmem_shared>> -> memref<640x128xf32, #tpu.memory_space<vmem_shared>>
      tpu.wait_dma2 semaphore(%run_scoped3A : memref<!tpu.dma_semaphore, #tpu.memory_space<semaphore_mem>>) src(%arg5 : memref<640x128xf32, #tpu.memory_space<hbm>>) dst(%dma_wait3A_29 : memref<640x128xf32, #tpu.memory_space<vmem_shared>>)
      tpu.yield
    }) : () -> ()
    %barrier3A = arith.constant 0 : index
    tpu.barrier barrier_id(%barrier3A)
    %eq3A = arith.constant 0 : i32
    %eq3A_3 = arith.cmpi eq, %arg0, %eq3A : i32
    %mul3A_4 = arith.constant 160 : i32
    %mul3A_5 = arith.muli %arg1, %mul3A_4 : i32
    %mul3A_6 = arith.constant 160 : i32
    %mul3A_7 = arith.muli %arg1, %mul3A_6 : i32
    %add3A_8 = arith.constant 2560 : i32
    %add3A_9 = arith.addi %add3A_8, %mul3A_7 : i32
    %select_n3A = arith.select %eq3A_3, %mul3A_5, %add3A_9 : i32
    %eq3A_10 = arith.constant 0 : i32
    %eq3A_11 = arith.cmpi eq, %arg0, %eq3A_10 : i32
    %jit3A = arith.constant 4 : i32
    %jit3A_12 = arith.constant 4 : i32
    %select_n3A_13 = arith.select %eq3A_11, %jit3A, %jit3A_12 : i32
    %while3A = arith.constant 0 : i32
    %while3A_14 = arith.constant 0 : i32
    %while3A_15 = arith.subi %select_n3A_13, %while3A_14 : i32
    %while3A_16 = arith.addi %while3A_14, %while3A_15 : i32
    %while3A_17 = arith.constant 1 : i32
    %while3A_18 = arith.divsi %while3A_15, %while3A_17 : i32
    %while3A_19 = arith.muli %while3A_18, %while3A_17 : i32
    %while3A_20 = arith.addi %while3A_14, %while3A_19 : i32
    %while3A_21 = arith.constant 1 : i32
    scf.for %while3A_28 = %while3A_14 to %while3A_20 step %while3A_21  : i32 {
      %mul3A_29 = arith.constant 40 : i32
      %mul3A_30 = arith.muli %while3A_28, %mul3A_29 : i32
      %add3A_31 = arith.addi %select_n3A, %mul3A_30 : i32
      "tpu.region"() ({
        %run_scoped3A = tpu.sem_alloc : memref<!tpu.dma_semaphore, #tpu.memory_space<semaphore_mem>>
        %dma_start3A_72 = arith.constant 0 : i32
        %dma_start3A_73 = tpu.memref_slice %arg3[%add3A_31, %dma_start3A_72] : memref<5120x64xi32, #tpu.memory_space<hbm>> -> memref<40x64xi32, #tpu.memory_space<hbm>>
        %dma_start3A_74 = arith.constant 0 : i32
        %dma_start3A_75 = tpu.memref_slice %arg3[%add3A_31, %dma_start3A_74] : memref<5120x64xi32, #tpu.memory_space<hbm>> -> memref<40x64xi32, #tpu.memory_space<hbm>>
        tpu.enqueue_dma source(%dma_start3A_75 : memref<40x64xi32, #tpu.memory_space<hbm>>) target(%arg7 : memref<40x64xi32, #tpu.memory_space<vmem>>) target_semaphore(%run_scoped3A : memref<!tpu.dma_semaphore, #tpu.memory_space<semaphore_mem>>)
        %dma_wait3A = arith.constant 0 : i32
        %dma_wait3A_76 = tpu.memref_slice %arg3[%add3A_31, %dma_wait3A] : memref<5120x64xi32, #tpu.memory_space<hbm>> -> memref<40x64xi32, #tpu.memory_space<hbm>>
        %dma_wait3A_77 = arith.constant 0 : i32
        %dma_wait3A_78 = tpu.memref_slice %arg3[%add3A_31, %dma_wait3A_77] : memref<5120x64xi32, #tpu.memory_space<hbm>> -> memref<40x64xi32, #tpu.memory_space<hbm>>
        tpu.wait_dma2 semaphore(%run_scoped3A : memref<!tpu.dma_semaphore, #tpu.memory_space<semaphore_mem>>) src(%dma_wait3A_78 : memref<40x64xi32, #tpu.memory_space<hbm>>) dst(%arg7 : memref<40x64xi32, #tpu.memory_space<vmem>>)
        tpu.yield
      }) : () -> ()
      "tpu.region"() ({
        %run_scoped3A = tpu.sem_alloc : memref<!tpu.dma_semaphore, #tpu.memory_space<semaphore_mem>>
        %dma_start3A_72 = arith.constant 0 : i32
        %dma_start3A_73 = tpu.memref_slice %arg4[%add3A_31, %dma_start3A_72] : memref<5120x64xi32, #tpu.memory_space<hbm>> -> memref<40x64xi32, #tpu.memory_space<hbm>>
        %dma_start3A_74 = arith.constant 0 : i32
        %dma_start3A_75 = tpu.memref_slice %arg4[%add3A_31, %dma_start3A_74] : memref<5120x64xi32, #tpu.memory_space<hbm>> -> memref<40x64xi32, #tpu.memory_space<hbm>>
        tpu.enqueue_dma source(%dma_start3A_75 : memref<40x64xi32, #tpu.memory_space<hbm>>) target(%arg8 : memref<40x64xi32, #tpu.memory_space<vmem>>) target_semaphore(%run_scoped3A : memref<!tpu.dma_semaphore, #tpu.memory_space<semaphore_mem>>)
        %dma_wait3A = arith.constant 0 : i32
        %dma_wait3A_76 = tpu.memref_slice %arg4[%add3A_31, %dma_wait3A] : memref<5120x64xi32, #tpu.memory_space<hbm>> -> memref<40x64xi32, #tpu.memory_space<hbm>>
        %dma_wait3A_77 = arith.constant 0 : i32
        %dma_wait3A_78 = tpu.memref_slice %arg4[%add3A_31, %dma_wait3A_77] : memref<5120x64xi32, #tpu.memory_space<hbm>> -> memref<40x64xi32, #tpu.memory_space<hbm>>
        tpu.wait_dma2 semaphore(%run_scoped3A : memref<!tpu.dma_semaphore, #tpu.memory_space<semaphore_mem>>) src(%dma_wait3A_78 : memref<40x64xi32, #tpu.memory_space<hbm>>) dst(%arg8 : memref<40x64xi32, #tpu.memory_space<vmem>>)
        tpu.yield
      }) : () -> ()
      %dma_start3A = arith.constant 0 : i32
      %dma_start3A_32 = arith.constant 0 : i32
      %dma_start3A_33 = arith.constant 0 : i32
      %dma_start3A_34 = arith.constant 0 : i32
      %dma_start3A_35 = tpu.memref_slice %arg9[%dma_start3A_32, %dma_start3A_33, %dma_start3A_34] : memref<4x64x128xf32, #tpu.memory_space<vmem>> -> memref<1x64x128xf32, #tpu.memory_space<vmem>>
      %dma_start3A_36 = tpu.memref_squeeze %dma_start3A_35 : memref<1x64x128xf32, #tpu.memory_space<vmem>> -> memref<64x128xf32, #tpu.memory_space<vmem>>
      %dma_start3A_37 = arith.constant 0 : i32
      %dma_start3A_38 = tpu.memref_slice %arg7[%dma_start3A, %dma_start3A_37] : memref<40x64xi32, #tpu.memory_space<vmem>> -> memref<1x64xi32, #tpu.memory_space<vmem>>
      %dma_start3A_39 = tpu.memref_squeeze %dma_start3A_38 : memref<1x64xi32, #tpu.memory_space<vmem>> -> memref<64xi32, #tpu.memory_space<vmem>>
      %dma_start3A_40 = arith.constant 0 : i32
      %dma_start3A_41 = arith.constant 0 : i32
      %dma_start3A_42 = tpu.memref_slice %arg2[%dma_start3A_40, %dma_start3A_41] : memref<10000x128xf32, #tpu.memory_space<hbm>> -> memref<10000x128xf32, #tpu.memory_space<hbm>>
      tpu.enqueue_indirect_dma source(%dma_start3A_42 : memref<10000x128xf32, #tpu.memory_space<hbm>>) target(%dma_start3A_36 : memref<64x128xf32, #tpu.memory_space<vmem>>) offsets(%dma_start3A_39 : memref<64xi32, #tpu.memory_space<vmem>>) semaphore(%arg11 : memref<!tpu.dma_semaphore, #tpu.memory_space<semaphore_mem>>)
      %dma_start3A_43 = arith.constant 1 : i32
      %dma_start3A_44 = arith.constant 1 : i32
      %dma_start3A_45 = arith.constant 0 : i32
      %dma_start3A_46 = arith.constant 0 : i32
      %dma_start3A_47 = tpu.memref_slice %arg9[%dma_start3A_44, %dma_start3A_45, %dma_start3A_46] : memref<4x64x128xf32, #tpu.memory_space<vmem>> -> memref<1x64x128xf32, #tpu.memory_space<vmem>>
      %dma_start3A_48 = tpu.memref_squeeze %dma_start3A_47 : memref<1x64x128xf32, #tpu.memory_space<vmem>> -> memref<64x128xf32, #tpu.memory_space<vmem>>
      %dma_start3A_49 = arith.constant 0 : i32
      %dma_start3A_50 = tpu.memref_slice %arg7[%dma_start3A_43, %dma_start3A_49] : memref<40x64xi32, #tpu.memory_space<vmem>> -> memref<1x64xi32, #tpu.memory_space<vmem>>
      %dma_start3A_51 = tpu.memref_squeeze %dma_start3A_50 : memref<1x64xi32, #tpu.memory_space<vmem>> -> memref<64xi32, #tpu.memory_space<vmem>>
      %dma_start3A_52 = arith.constant 0 : i32
      %dma_start3A_53 = arith.constant 0 : i32
      %dma_start3A_54 = tpu.memref_slice %arg2[%dma_start3A_52, %dma_start3A_53] : memref<10000x128xf32, #tpu.memory_space<hbm>> -> memref<10000x128xf32, #tpu.memory_space<hbm>>
      tpu.enqueue_indirect_dma source(%dma_start3A_54 : memref<10000x128xf32, #tpu.memory_space<hbm>>) target(%dma_start3A_48 : memref<64x128xf32, #tpu.memory_space<vmem>>) offsets(%dma_start3A_51 : memref<64xi32, #tpu.memory_space<vmem>>) semaphore(%arg11 : memref<!tpu.dma_semaphore, #tpu.memory_space<semaphore_mem>>)
      %dma_start3A_55 = arith.constant 2 : i32
      %dma_start3A_56 = arith.constant 2 : i32
      %dma_start3A_57 = arith.constant 0 : i32
      %dma_start3A_58 = arith.constant 0 : i32
      %dma_start3A_59 = tpu.memref_slice %arg9[%dma_start3A_56, %dma_start3A_57, %dma_start3A_58] : memref<4x64x128xf32, #tpu.memory_space<vmem>> -> memref<1x64x128xf32, #tpu.memory_space<vmem>>
      %dma_start3A_60 = tpu.memref_squeeze %dma_start3A_59 : memref<1x64x128xf32, #tpu.memory_space<vmem>> -> memref<64x128xf32, #tpu.memory_space<vmem>>
      %dma_start3A_61 = arith.constant 0 : i32
      %dma_start3A_62 = tpu.memref_slice %arg7[%dma_start3A_55, %dma_start3A_61] : memref<40x64xi32, #tpu.memory_space<vmem>> -> memref<1x64xi32, #tpu.memory_space<vmem>>
      %dma_start3A_63 = tpu.memref_squeeze %dma_start3A_62 : memref<1x64xi32, #tpu.memory_space<vmem>> -> memref<64xi32, #tpu.memory_space<vmem>>
      %dma_start3A_64 = arith.constant 0 : i32
      %dma_start3A_65 = arith.constant 0 : i32
      %dma_start3A_66 = tpu.memref_slice %arg2[%dma_start3A_64, %dma_start3A_65] : memref<10000x128xf32, #tpu.memory_space<hbm>> -> memref<10000x128xf32, #tpu.memory_space<hbm>>
      tpu.enqueue_indirect_dma source(%dma_start3A_66 : memref<10000x128xf32, #tpu.memory_space<hbm>>) target(%dma_start3A_60 : memref<64x128xf32, #tpu.memory_space<vmem>>) offsets(%dma_start3A_63 : memref<64xi32, #tpu.memory_space<vmem>>) semaphore(%arg11 : memref<!tpu.dma_semaphore, #tpu.memory_space<semaphore_mem>>)
      %scan3A = arith.constant 0 : i32
      %scan3A_67 = arith.constant 0 : i32
      %scan3A_68 = arith.constant 10 : i32
      %scan3A_69 = arith.addi %scan3A_67, %scan3A_68 : i32
      %scan3A_70 = arith.constant 1 : i32
      scf.for %scan3A_72 = %scan3A_67 to %scan3A_69 step %scan3A_70  : i32 {
        %mul3A_73 = arith.constant 4 : i32
        %mul3A_74 = arith.muli %scan3A_72, %mul3A_73 : i32
        %add3A_75 = arith.constant 0 : i32
        %add3A_76 = arith.addi %mul3A_74, %add3A_75 : i32
        %dma_wait3A = arith.constant 0 : i32
        %dma_wait3A_77 = arith.constant 0 : i32
        %dma_wait3A_78 = arith.constant 0 : i32
        %dma_wait3A_79 = tpu.memref_slice %arg9[%dma_wait3A, %dma_wait3A_77, %dma_wait3A_78] : memref<4x64x128xf32, #tpu.memory_space<vmem>> -> memref<1x64x128xf32, #tpu.memory_space<vmem>>
        %dma_wait3A_80 = tpu.memref_squeeze %dma_wait3A_79 : memref<1x64x128xf32, #tpu.memory_space<vmem>> -> memref<64x128xf32, #tpu.memory_space<vmem>>
        %dma_wait3A_81 = arith.constant 0 : i32
        %dma_wait3A_82 = tpu.memref_slice %arg7[%add3A_76, %dma_wait3A_81] : memref<40x64xi32, #tpu.memory_space<vmem>> -> memref<1x64xi32, #tpu.memory_space<vmem>>
        %dma_wait3A_83 = tpu.memref_squeeze %dma_wait3A_82 : memref<1x64xi32, #tpu.memory_space<vmem>> -> memref<64xi32, #tpu.memory_space<vmem>>
        %dma_wait3A_84 = arith.constant 0 : i32
        %dma_wait3A_85 = arith.constant 0 : i32
        %dma_wait3A_86 = tpu.memref_slice %arg2[%dma_wait3A_84, %dma_wait3A_85] : memref<10000x128xf32, #tpu.memory_space<hbm>> -> memref<10000x128xf32, #tpu.memory_space<hbm>>
        tpu.wait_indirect_dma semaphore(%arg11 : memref<!tpu.dma_semaphore, #tpu.memory_space<semaphore_mem>>) src(%dma_wait3A_86 : memref<10000x128xf32, #tpu.memory_space<hbm>>) dst(%dma_wait3A_80 : memref<64x128xf32, #tpu.memory_space<vmem>>)
        %add3A_87 = arith.constant 4 : i32
        %add3A_88 = arith.addi %add3A_76, %add3A_87 : i32
        %sub3A = arith.constant 1 : i32
        %sub3A_89 = arith.subi %add3A_88, %sub3A : i32
        %lt3A = arith.constant 40 : i32
        %lt3A_90 = arith.cmpi slt, %sub3A_89, %lt3A : i32
        %convert_element_type3A = arith.extui %lt3A_90 : i1 to i32
        %cond3A = arith.constant 0 : i32
        %cond3A_91 = arith.cmpi ne, %convert_element_type3A, %cond3A : i32
        scf.if %cond3A_91 {
          %dma_start3A_167 = arith.constant 3 : i32
          %dma_start3A_168 = arith.constant 0 : i32
          %dma_start3A_169 = arith.constant 0 : i32
          %dma_start3A_170 = tpu.memref_slice %arg9[%dma_start3A_167, %dma_start3A_168, %dma_start3A_169] : memref<4x64x128xf32, #tpu.memory_space<vmem>> -> memref<1x64x128xf32, #tpu.memory_space<vmem>>
          %dma_start3A_171 = tpu.memref_squeeze %dma_start3A_170 : memref<1x64x128xf32, #tpu.memory_space<vmem>> -> memref<64x128xf32, #tpu.memory_space<vmem>>
          %dma_start3A_172 = arith.constant 0 : i32
          %dma_start3A_173 = tpu.memref_slice %arg7[%sub3A_89, %dma_start3A_172] : memref<40x64xi32, #tpu.memory_space<vmem>> -> memref<1x64xi32, #tpu.memory_space<vmem>>
          %dma_start3A_174 = tpu.memref_squeeze %dma_start3A_173 : memref<1x64xi32, #tpu.memory_space<vmem>> -> memref<64xi32, #tpu.memory_space<vmem>>
          %dma_start3A_175 = arith.constant 0 : i32
          %dma_start3A_176 = arith.constant 0 : i32
          %dma_start3A_177 = tpu.memref_slice %arg2[%dma_start3A_175, %dma_start3A_176] : memref<10000x128xf32, #tpu.memory_space<hbm>> -> memref<10000x128xf32, #tpu.memory_space<hbm>>
          tpu.enqueue_indirect_dma source(%dma_start3A_177 : memref<10000x128xf32, #tpu.memory_space<hbm>>) target(%dma_start3A_171 : memref<64x128xf32, #tpu.memory_space<vmem>>) offsets(%dma_start3A_174 : memref<64xi32, #tpu.memory_space<vmem>>) semaphore(%arg11 : memref<!tpu.dma_semaphore, #tpu.memory_space<semaphore_mem>>)
        } else {
        }
        %run_scoped3A = arith.constant 0 : i32
        "tpu.region"() ({
          %run_scoped3A_167 = tpu.sem_alloc : memref<!tpu.dma_semaphore, #tpu.memory_space<semaphore_mem>>
          %dma_start3A_168 = arith.constant 0 : i32
          %dma_start3A_169 = arith.constant 0 : i32
          %dma_start3A_170 = tpu.memref_slice %arg9[%run_scoped3A, %dma_start3A_168, %dma_start3A_169] : memref<4x64x128xf32, #tpu.memory_space<vmem>> -> memref<1x64x128xf32, #tpu.memory_space<vmem>>
          %dma_start3A_171 = tpu.memref_squeeze %dma_start3A_170 : memref<1x64x128xf32, #tpu.memory_space<vmem>> -> memref<64x128xf32, #tpu.memory_space<vmem>>
          %dma_start3A_172 = arith.constant 0 : i32
          %dma_start3A_173 = tpu.memref_slice %arg8[%add3A_76, %dma_start3A_172] : memref<40x64xi32, #tpu.memory_space<vmem>> -> memref<1x64xi32, #tpu.memory_space<vmem>>
          %dma_start3A_174 = tpu.memref_squeeze %dma_start3A_173 : memref<1x64xi32, #tpu.memory_space<vmem>> -> memref<64xi32, #tpu.memory_space<vmem>>
          %dma_start3A_175 = arith.constant 0 : i32
          %dma_start3A_176 = arith.constant 0 : i32
          %dma_start3A_177 = tpu.memref_slice %arg10[%dma_start3A_175, %dma_start3A_176] : memref<10240x128xf32, #tpu.memory_space<vmem_shared>> -> memref<10240x128xf32, #tpu.memory_space<vmem_shared>>
          tpu.enqueue_indirect_dma source(%dma_start3A_171 : memref<64x128xf32, #tpu.memory_space<vmem>>) target(%dma_start3A_177 : memref<10240x128xf32, #tpu.memory_space<vmem_shared>>) offsets(%dma_start3A_174 : memref<64xi32, #tpu.memory_space<vmem>>) semaphore(%run_scoped3A_167 : memref<!tpu.dma_semaphore, #tpu.memory_space<semaphore_mem>>) {add = true}
          %dma_wait3A_178 = arith.constant 0 : i32
          %dma_wait3A_179 = arith.constant 0 : i32
          %dma_wait3A_180 = tpu.memref_slice %arg9[%run_scoped3A, %dma_wait3A_178, %dma_wait3A_179] : memref<4x64x128xf32, #tpu.memory_space<vmem>> -> memref<1x64x128xf32, #tpu.memory_space<vmem>>
          %dma_wait3A_181 = tpu.memref_squeeze %dma_wait3A_180 : memref<1x64x128xf32, #tpu.memory_space<vmem>> -> memref<64x128xf32, #tpu.memory_space<vmem>>
          %dma_wait3A_182 = arith.constant 0 : i32
          %dma_wait3A_183 = tpu.memref_slice %arg8[%add3A_76, %dma_wait3A_182] : memref<40x64xi32, #tpu.memory_space<vmem>> -> memref<1x64xi32, #tpu.memory_space<vmem>>
          %dma_wait3A_184 = tpu.memref_squeeze %dma_wait3A_183 : memref<1x64xi32, #tpu.memory_space<vmem>> -> memref<64xi32, #tpu.memory_space<vmem>>
          %dma_wait3A_185 = arith.constant 0 : i32
          %dma_wait3A_186 = arith.constant 0 : i32
          %dma_wait3A_187 = tpu.memref_slice %arg10[%dma_wait3A_185, %dma_wait3A_186] : memref<10240x128xf32, #tpu.memory_space<vmem_shared>> -> memref<10240x128xf32, #tpu.memory_space<vmem_shared>>
          tpu.wait_indirect_dma semaphore(%run_scoped3A_167 : memref<!tpu.dma_semaphore, #tpu.memory_space<semaphore_mem>>) src(%dma_wait3A_181 : memref<64x128xf32, #tpu.memory_space<vmem>>) dst(%dma_wait3A_187 : memref<10240x128xf32, #tpu.memory_space<vmem_shared>>)
          tpu.yield
        }) : () -> ()
        %mul3A_92 = arith.constant 4 : i32
        %mul3A_93 = arith.muli %scan3A_72, %mul3A_92 : i32
        %add3A_94 = arith.constant 1 : i32
        %add3A_95 = arith.addi %mul3A_93, %add3A_94 : i32
        %dma_wait3A_96 = arith.constant 1 : i32
        %dma_wait3A_97 = arith.constant 0 : i32
        %dma_wait3A_98 = arith.constant 0 : i32
        %dma_wait3A_99 = tpu.memref_slice %arg9[%dma_wait3A_96, %dma_wait3A_97, %dma_wait3A_98] : memref<4x64x128xf32, #tpu.memory_space<vmem>> -> memref<1x64x128xf32, #tpu.memory_space<vmem>>
        %dma_wait3A_100 = tpu.memref_squeeze %dma_wait3A_99 : memref<1x64x128xf32, #tpu.memory_space<vmem>> -> memref<64x128xf32, #tpu.memory_space<vmem>>
        %dma_wait3A_101 = arith.constant 0 : i32
        %dma_wait3A_102 = tpu.memref_slice %arg7[%add3A_95, %dma_wait3A_101] : memref<40x64xi32, #tpu.memory_space<vmem>> -> memref<1x64xi32, #tpu.memory_space<vmem>>
        %dma_wait3A_103 = tpu.memref_squeeze %dma_wait3A_102 : memref<1x64xi32, #tpu.memory_space<vmem>> -> memref<64xi32, #tpu.memory_space<vmem>>
        %dma_wait3A_104 = arith.constant 0 : i32
        %dma_wait3A_105 = arith.constant 0 : i32
        %dma_wait3A_106 = tpu.memref_slice %arg2[%dma_wait3A_104, %dma_wait3A_105] : memref<10000x128xf32, #tpu.memory_space<hbm>> -> memref<10000x128xf32, #tpu.memory_space<hbm>>
        tpu.wait_indirect_dma semaphore(%arg11 : memref<!tpu.dma_semaphore, #tpu.memory_space<semaphore_mem>>) src(%dma_wait3A_106 : memref<10000x128xf32, #tpu.memory_space<hbm>>) dst(%dma_wait3A_100 : memref<64x128xf32, #tpu.memory_space<vmem>>)
        %add3A_107 = arith.constant 4 : i32
        %add3A_108 = arith.addi %add3A_95, %add3A_107 : i32
        %sub3A_109 = arith.constant 1 : i32
        %sub3A_110 = arith.subi %add3A_108, %sub3A_109 : i32
        %lt3A_111 = arith.constant 40 : i32
        %lt3A_112 = arith.cmpi slt, %sub3A_110, %lt3A_111 : i32
        %convert_element_type3A_113 = arith.extui %lt3A_112 : i1 to i32
        %cond3A_114 = arith.constant 0 : i32
        %cond3A_115 = arith.cmpi ne, %convert_element_type3A_113, %cond3A_114 : i32
        scf.if %cond3A_115 {
          %dma_start3A_167 = arith.constant 0 : i32
          %dma_start3A_168 = arith.constant 0 : i32
          %dma_start3A_169 = arith.constant 0 : i32
          %dma_start3A_170 = tpu.memref_slice %arg9[%dma_start3A_167, %dma_start3A_168, %dma_start3A_169] : memref<4x64x128xf32, #tpu.memory_space<vmem>> -> memref<1x64x128xf32, #tpu.memory_space<vmem>>
          %dma_start3A_171 = tpu.memref_squeeze %dma_start3A_170 : memref<1x64x128xf32, #tpu.memory_space<vmem>> -> memref<64x128xf32, #tpu.memory_space<vmem>>
          %dma_start3A_172 = arith.constant 0 : i32
          %dma_start3A_173 = tpu.memref_slice %arg7[%sub3A_110, %dma_start3A_172] : memref<40x64xi32, #tpu.memory_space<vmem>> -> memref<1x64xi32, #tpu.memory_space<vmem>>
          %dma_start3A_174 = tpu.memref_squeeze %dma_start3A_173 : memref<1x64xi32, #tpu.memory_space<vmem>> -> memref<64xi32, #tpu.memory_space<vmem>>
          %dma_start3A_175 = arith.constant 0 : i32
          %dma_start3A_176 = arith.constant 0 : i32
          %dma_start3A_177 = tpu.memref_slice %arg2[%dma_start3A_175, %dma_start3A_176] : memref<10000x128xf32, #tpu.memory_space<hbm>> -> memref<10000x128xf32, #tpu.memory_space<hbm>>
          tpu.enqueue_indirect_dma source(%dma_start3A_177 : memref<10000x128xf32, #tpu.memory_space<hbm>>) target(%dma_start3A_171 : memref<64x128xf32, #tpu.memory_space<vmem>>) offsets(%dma_start3A_174 : memref<64xi32, #tpu.memory_space<vmem>>) semaphore(%arg11 : memref<!tpu.dma_semaphore, #tpu.memory_space<semaphore_mem>>)
        } else {
        }
        %run_scoped3A_116 = arith.constant 1 : i32
        "tpu.region"() ({
          %run_scoped3A_167 = tpu.sem_alloc : memref<!tpu.dma_semaphore, #tpu.memory_space<semaphore_mem>>
          %dma_start3A_168 = arith.constant 0 : i32
          %dma_start3A_169 = arith.constant 0 : i32
          %dma_start3A_170 = tpu.memref_slice %arg9[%run_scoped3A_116, %dma_start3A_168, %dma_start3A_169] : memref<4x64x128xf32, #tpu.memory_space<vmem>> -> memref<1x64x128xf32, #tpu.memory_space<vmem>>
          %dma_start3A_171 = tpu.memref_squeeze %dma_start3A_170 : memref<1x64x128xf32, #tpu.memory_space<vmem>> -> memref<64x128xf32, #tpu.memory_space<vmem>>
          %dma_start3A_172 = arith.constant 0 : i32
          %dma_start3A_173 = tpu.memref_slice %arg8[%add3A_95, %dma_start3A_172] : memref<40x64xi32, #tpu.memory_space<vmem>> -> memref<1x64xi32, #tpu.memory_space<vmem>>
          %dma_start3A_174 = tpu.memref_squeeze %dma_start3A_173 : memref<1x64xi32, #tpu.memory_space<vmem>> -> memref<64xi32, #tpu.memory_space<vmem>>
          %dma_start3A_175 = arith.constant 0 : i32
          %dma_start3A_176 = arith.constant 0 : i32
          %dma_start3A_177 = tpu.memref_slice %arg10[%dma_start3A_175, %dma_start3A_176] : memref<10240x128xf32, #tpu.memory_space<vmem_shared>> -> memref<10240x128xf32, #tpu.memory_space<vmem_shared>>
          tpu.enqueue_indirect_dma source(%dma_start3A_171 : memref<64x128xf32, #tpu.memory_space<vmem>>) target(%dma_start3A_177 : memref<10240x128xf32, #tpu.memory_space<vmem_shared>>) offsets(%dma_start3A_174 : memref<64xi32, #tpu.memory_space<vmem>>) semaphore(%run_scoped3A_167 : memref<!tpu.dma_semaphore, #tpu.memory_space<semaphore_mem>>) {add = true}
          %dma_wait3A_178 = arith.constant 0 : i32
          %dma_wait3A_179 = arith.constant 0 : i32
          %dma_wait3A_180 = tpu.memref_slice %arg9[%run_scoped3A_116, %dma_wait3A_178, %dma_wait3A_179] : memref<4x64x128xf32, #tpu.memory_space<vmem>> -> memref<1x64x128xf32, #tpu.memory_space<vmem>>
          %dma_wait3A_181 = tpu.memref_squeeze %dma_wait3A_180 : memref<1x64x128xf32, #tpu.memory_space<vmem>> -> memref<64x128xf32, #tpu.memory_space<vmem>>
          %dma_wait3A_182 = arith.constant 0 : i32
          %dma_wait3A_183 = tpu.memref_slice %arg8[%add3A_95, %dma_wait3A_182] : memref<40x64xi32, #tpu.memory_space<vmem>> -> memref<1x64xi32, #tpu.memory_space<vmem>>
          %dma_wait3A_184 = tpu.memref_squeeze %dma_wait3A_183 : memref<1x64xi32, #tpu.memory_space<vmem>> -> memref<64xi32, #tpu.memory_space<vmem>>
          %dma_wait3A_185 = arith.constant 0 : i32
          %dma_wait3A_186 = arith.constant 0 : i32
          %dma_wait3A_187 = tpu.memref_slice %arg10[%dma_wait3A_185, %dma_wait3A_186] : memref<10240x128xf32, #tpu.memory_space<vmem_shared>> -> memref<10240x128xf32, #tpu.memory_space<vmem_shared>>
          tpu.wait_indirect_dma semaphore(%run_scoped3A_167 : memref<!tpu.dma_semaphore, #tpu.memory_space<semaphore_mem>>) src(%dma_wait3A_181 : memref<64x128xf32, #tpu.memory_space<vmem>>) dst(%dma_wait3A_187 : memref<10240x128xf32, #tpu.memory_space<vmem_shared>>)
          tpu.yield
        }) : () -> ()
        %mul3A_117 = arith.constant 4 : i32
        %mul3A_118 = arith.muli %scan3A_72, %mul3A_117 : i32
        %add3A_119 = arith.constant 2 : i32
        %add3A_120 = arith.addi %mul3A_118, %add3A_119 : i32
        %dma_wait3A_121 = arith.constant 2 : i32
        %dma_wait3A_122 = arith.constant 0 : i32
        %dma_wait3A_123 = arith.constant 0 : i32
        %dma_wait3A_124 = tpu.memref_slice %arg9[%dma_wait3A_121, %dma_wait3A_122, %dma_wait3A_123] : memref<4x64x128xf32, #tpu.memory_space<vmem>> -> memref<1x64x128xf32, #tpu.memory_space<vmem>>
        %dma_wait3A_125 = tpu.memref_squeeze %dma_wait3A_124 : memref<1x64x128xf32, #tpu.memory_space<vmem>> -> memref<64x128xf32, #tpu.memory_space<vmem>>
        %dma_wait3A_126 = arith.constant 0 : i32
        %dma_wait3A_127 = tpu.memref_slice %arg7[%add3A_120, %dma_wait3A_126] : memref<40x64xi32, #tpu.memory_space<vmem>> -> memref<1x64xi32, #tpu.memory_space<vmem>>
        %dma_wait3A_128 = tpu.memref_squeeze %dma_wait3A_127 : memref<1x64xi32, #tpu.memory_space<vmem>> -> memref<64xi32, #tpu.memory_space<vmem>>
        %dma_wait3A_129 = arith.constant 0 : i32
        %dma_wait3A_130 = arith.constant 0 : i32
        %dma_wait3A_131 = tpu.memref_slice %arg2[%dma_wait3A_129, %dma_wait3A_130] : memref<10000x128xf32, #tpu.memory_space<hbm>> -> memref<10000x128xf32, #tpu.memory_space<hbm>>
        tpu.wait_indirect_dma semaphore(%arg11 : memref<!tpu.dma_semaphore, #tpu.memory_space<semaphore_mem>>) src(%dma_wait3A_131 : memref<10000x128xf32, #tpu.memory_space<hbm>>) dst(%dma_wait3A_125 : memref<64x128xf32, #tpu.memory_space<vmem>>)
        %add3A_132 = arith.constant 4 : i32
        %add3A_133 = arith.addi %add3A_120, %add3A_132 : i32
        %sub3A_134 = arith.constant 1 : i32
        %sub3A_135 = arith.subi %add3A_133, %sub3A_134 : i32
        %lt3A_136 = arith.constant 40 : i32
        %lt3A_137 = arith.cmpi slt, %sub3A_135, %lt3A_136 : i32
        %convert_element_type3A_138 = arith.extui %lt3A_137 : i1 to i32
        %cond3A_139 = arith.constant 0 : i32
        %cond3A_140 = arith.cmpi ne, %convert_element_type3A_138, %cond3A_139 : i32
        scf.if %cond3A_140 {
          %dma_start3A_167 = arith.constant 1 : i32
          %dma_start3A_168 = arith.constant 0 : i32
          %dma_start3A_169 = arith.constant 0 : i32
          %dma_start3A_170 = tpu.memref_slice %arg9[%dma_start3A_167, %dma_start3A_168, %dma_start3A_169] : memref<4x64x128xf32, #tpu.memory_space<vmem>> -> memref<1x64x128xf32, #tpu.memory_space<vmem>>
          %dma_start3A_171 = tpu.memref_squeeze %dma_start3A_170 : memref<1x64x128xf32, #tpu.memory_space<vmem>> -> memref<64x128xf32, #tpu.memory_space<vmem>>
          %dma_start3A_172 = arith.constant 0 : i32
          %dma_start3A_173 = tpu.memref_slice %arg7[%sub3A_135, %dma_start3A_172] : memref<40x64xi32, #tpu.memory_space<vmem>> -> memref<1x64xi32, #tpu.memory_space<vmem>>
          %dma_start3A_174 = tpu.memref_squeeze %dma_start3A_173 : memref<1x64xi32, #tpu.memory_space<vmem>> -> memref<64xi32, #tpu.memory_space<vmem>>
          %dma_start3A_175 = arith.constant 0 : i32
          %dma_start3A_176 = arith.constant 0 : i32
          %dma_start3A_177 = tpu.memref_slice %arg2[%dma_start3A_175, %dma_start3A_176] : memref<10000x128xf32, #tpu.memory_space<hbm>> -> memref<10000x128xf32, #tpu.memory_space<hbm>>
          tpu.enqueue_indirect_dma source(%dma_start3A_177 : memref<10000x128xf32, #tpu.memory_space<hbm>>) target(%dma_start3A_171 : memref<64x128xf32, #tpu.memory_space<vmem>>) offsets(%dma_start3A_174 : memref<64xi32, #tpu.memory_space<vmem>>) semaphore(%arg11 : memref<!tpu.dma_semaphore, #tpu.memory_space<semaphore_mem>>)
        } else {
        }
        %run_scoped3A_141 = arith.constant 2 : i32
        "tpu.region"() ({
          %run_scoped3A_167 = tpu.sem_alloc : memref<!tpu.dma_semaphore, #tpu.memory_space<semaphore_mem>>
          %dma_start3A_168 = arith.constant 0 : i32
          %dma_start3A_169 = arith.constant 0 : i32
          %dma_start3A_170 = tpu.memref_slice %arg9[%run_scoped3A_141, %dma_start3A_168, %dma_start3A_169] : memref<4x64x128xf32, #tpu.memory_space<vmem>> -> memref<1x64x128xf32, #tpu.memory_space<vmem>>
          %dma_start3A_171 = tpu.memref_squeeze %dma_start3A_170 : memref<1x64x128xf32, #tpu.memory_space<vmem>> -> memref<64x128xf32, #tpu.memory_space<vmem>>
          %dma_start3A_172 = arith.constant 0 : i32
          %dma_start3A_173 = tpu.memref_slice %arg8[%add3A_120, %dma_start3A_172] : memref<40x64xi32, #tpu.memory_space<vmem>> -> memref<1x64xi32, #tpu.memory_space<vmem>>
          %dma_start3A_174 = tpu.memref_squeeze %dma_start3A_173 : memref<1x64xi32, #tpu.memory_space<vmem>> -> memref<64xi32, #tpu.memory_space<vmem>>
          %dma_start3A_175 = arith.constant 0 : i32
          %dma_start3A_176 = arith.constant 0 : i32
          %dma_start3A_177 = tpu.memref_slice %arg10[%dma_start3A_175, %dma_start3A_176] : memref<10240x128xf32, #tpu.memory_space<vmem_shared>> -> memref<10240x128xf32, #tpu.memory_space<vmem_shared>>
          tpu.enqueue_indirect_dma source(%dma_start3A_171 : memref<64x128xf32, #tpu.memory_space<vmem>>) target(%dma_start3A_177 : memref<10240x128xf32, #tpu.memory_space<vmem_shared>>) offsets(%dma_start3A_174 : memref<64xi32, #tpu.memory_space<vmem>>) semaphore(%run_scoped3A_167 : memref<!tpu.dma_semaphore, #tpu.memory_space<semaphore_mem>>) {add = true}
          %dma_wait3A_178 = arith.constant 0 : i32
          %dma_wait3A_179 = arith.constant 0 : i32
          %dma_wait3A_180 = tpu.memref_slice %arg9[%run_scoped3A_141, %dma_wait3A_178, %dma_wait3A_179] : memref<4x64x128xf32, #tpu.memory_space<vmem>> -> memref<1x64x128xf32, #tpu.memory_space<vmem>>
          %dma_wait3A_181 = tpu.memref_squeeze %dma_wait3A_180 : memref<1x64x128xf32, #tpu.memory_space<vmem>> -> memref<64x128xf32, #tpu.memory_space<vmem>>
          %dma_wait3A_182 = arith.constant 0 : i32
          %dma_wait3A_183 = tpu.memref_slice %arg8[%add3A_120, %dma_wait3A_182] : memref<40x64xi32, #tpu.memory_space<vmem>> -> memref<1x64xi32, #tpu.memory_space<vmem>>
          %dma_wait3A_184 = tpu.memref_squeeze %dma_wait3A_183 : memref<1x64xi32, #tpu.memory_space<vmem>> -> memref<64xi32, #tpu.memory_space<vmem>>
          %dma_wait3A_185 = arith.constant 0 : i32
          %dma_wait3A_186 = arith.constant 0 : i32
          %dma_wait3A_187 = tpu.memref_slice %arg10[%dma_wait3A_185, %dma_wait3A_186] : memref<10240x128xf32, #tpu.memory_space<vmem_shared>> -> memref<10240x128xf32, #tpu.memory_space<vmem_shared>>
          tpu.wait_indirect_dma semaphore(%run_scoped3A_167 : memref<!tpu.dma_semaphore, #tpu.memory_space<semaphore_mem>>) src(%dma_wait3A_181 : memref<64x128xf32, #tpu.memory_space<vmem>>) dst(%dma_wait3A_187 : memref<10240x128xf32, #tpu.memory_space<vmem_shared>>)
          tpu.yield
        }) : () -> ()
        %mul3A_142 = arith.constant 4 : i32
        %mul3A_143 = arith.muli %scan3A_72, %mul3A_142 : i32
        %add3A_144 = arith.constant 3 : i32
        %add3A_145 = arith.addi %mul3A_143, %add3A_144 : i32
        %dma_wait3A_146 = arith.constant 3 : i32
        %dma_wait3A_147 = arith.constant 0 : i32
        %dma_wait3A_148 = arith.constant 0 : i32
        %dma_wait3A_149 = tpu.memref_slice %arg9[%dma_wait3A_146, %dma_wait3A_147, %dma_wait3A_148] : memref<4x64x128xf32, #tpu.memory_space<vmem>> -> memref<1x64x128xf32, #tpu.memory_space<vmem>>
        %dma_wait3A_150 = tpu.memref_squeeze %dma_wait3A_149 : memref<1x64x128xf32, #tpu.memory_space<vmem>> -> memref<64x128xf32, #tpu.memory_space<vmem>>
        %dma_wait3A_151 = arith.constant 0 : i32
        %dma_wait3A_152 = tpu.memref_slice %arg7[%add3A_145, %dma_wait3A_151] : memref<40x64xi32, #tpu.memory_space<vmem>> -> memref<1x64xi32, #tpu.memory_space<vmem>>
        %dma_wait3A_153 = tpu.memref_squeeze %dma_wait3A_152 : memref<1x64xi32, #tpu.memory_space<vmem>> -> memref<64xi32, #tpu.memory_space<vmem>>
        %dma_wait3A_154 = arith.constant 0 : i32
        %dma_wait3A_155 = arith.constant 0 : i32
        %dma_wait3A_156 = tpu.memref_slice %arg2[%dma_wait3A_154, %dma_wait3A_155] : memref<10000x128xf32, #tpu.memory_space<hbm>> -> memref<10000x128xf32, #tpu.memory_space<hbm>>
        tpu.wait_indirect_dma semaphore(%arg11 : memref<!tpu.dma_semaphore, #tpu.memory_space<semaphore_mem>>) src(%dma_wait3A_156 : memref<10000x128xf32, #tpu.memory_space<hbm>>) dst(%dma_wait3A_150 : memref<64x128xf32, #tpu.memory_space<vmem>>)
        %add3A_157 = arith.constant 4 : i32
        %add3A_158 = arith.addi %add3A_145, %add3A_157 : i32
        %sub3A_159 = arith.constant 1 : i32
        %sub3A_160 = arith.subi %add3A_158, %sub3A_159 : i32
        %lt3A_161 = arith.constant 40 : i32
        %lt3A_162 = arith.cmpi slt, %sub3A_160, %lt3A_161 : i32
        %convert_element_type3A_163 = arith.extui %lt3A_162 : i1 to i32
        %cond3A_164 = arith.constant 0 : i32
        %cond3A_165 = arith.cmpi ne, %convert_element_type3A_163, %cond3A_164 : i32
        scf.if %cond3A_165 {
          %dma_start3A_167 = arith.constant 2 : i32
          %dma_start3A_168 = arith.constant 0 : i32
          %dma_start3A_169 = arith.constant 0 : i32
          %dma_start3A_170 = tpu.memref_slice %arg9[%dma_start3A_167, %dma_start3A_168, %dma_start3A_169] : memref<4x64x128xf32, #tpu.memory_space<vmem>> -> memref<1x64x128xf32, #tpu.memory_space<vmem>>
          %dma_start3A_171 = tpu.memref_squeeze %dma_start3A_170 : memref<1x64x128xf32, #tpu.memory_space<vmem>> -> memref<64x128xf32, #tpu.memory_space<vmem>>
          %dma_start3A_172 = arith.constant 0 : i32
          %dma_start3A_173 = tpu.memref_slice %arg7[%sub3A_160, %dma_start3A_172] : memref<40x64xi32, #tpu.memory_space<vmem>> -> memref<1x64xi32, #tpu.memory_space<vmem>>
          %dma_start3A_174 = tpu.memref_squeeze %dma_start3A_173 : memref<1x64xi32, #tpu.memory_space<vmem>> -> memref<64xi32, #tpu.memory_space<vmem>>
          %dma_start3A_175 = arith.constant 0 : i32
          %dma_start3A_176 = arith.constant 0 : i32
          %dma_start3A_177 = tpu.memref_slice %arg2[%dma_start3A_175, %dma_start3A_176] : memref<10000x128xf32, #tpu.memory_space<hbm>> -> memref<10000x128xf32, #tpu.memory_space<hbm>>
          tpu.enqueue_indirect_dma source(%dma_start3A_177 : memref<10000x128xf32, #tpu.memory_space<hbm>>) target(%dma_start3A_171 : memref<64x128xf32, #tpu.memory_space<vmem>>) offsets(%dma_start3A_174 : memref<64xi32, #tpu.memory_space<vmem>>) semaphore(%arg11 : memref<!tpu.dma_semaphore, #tpu.memory_space<semaphore_mem>>)
        } else {
        }
        %run_scoped3A_166 = arith.constant 3 : i32
        "tpu.region"() ({
          %run_scoped3A_167 = tpu.sem_alloc : memref<!tpu.dma_semaphore, #tpu.memory_space<semaphore_mem>>
          %dma_start3A_168 = arith.constant 0 : i32
          %dma_start3A_169 = arith.constant 0 : i32
          %dma_start3A_170 = tpu.memref_slice %arg9[%run_scoped3A_166, %dma_start3A_168, %dma_start3A_169] : memref<4x64x128xf32, #tpu.memory_space<vmem>> -> memref<1x64x128xf32, #tpu.memory_space<vmem>>
          %dma_start3A_171 = tpu.memref_squeeze %dma_start3A_170 : memref<1x64x128xf32, #tpu.memory_space<vmem>> -> memref<64x128xf32, #tpu.memory_space<vmem>>
          %dma_start3A_172 = arith.constant 0 : i32
          %dma_start3A_173 = tpu.memref_slice %arg8[%add3A_145, %dma_start3A_172] : memref<40x64xi32, #tpu.memory_space<vmem>> -> memref<1x64xi32, #tpu.memory_space<vmem>>
          %dma_start3A_174 = tpu.memref_squeeze %dma_start3A_173 : memref<1x64xi32, #tpu.memory_space<vmem>> -> memref<64xi32, #tpu.memory_space<vmem>>
          %dma_start3A_175 = arith.constant 0 : i32
          %dma_start3A_176 = arith.constant 0 : i32
          %dma_start3A_177 = tpu.memref_slice %arg10[%dma_start3A_175, %dma_start3A_176] : memref<10240x128xf32, #tpu.memory_space<vmem_shared>> -> memref<10240x128xf32, #tpu.memory_space<vmem_shared>>
          tpu.enqueue_indirect_dma source(%dma_start3A_171 : memref<64x128xf32, #tpu.memory_space<vmem>>) target(%dma_start3A_177 : memref<10240x128xf32, #tpu.memory_space<vmem_shared>>) offsets(%dma_start3A_174 : memref<64xi32, #tpu.memory_space<vmem>>) semaphore(%run_scoped3A_167 : memref<!tpu.dma_semaphore, #tpu.memory_space<semaphore_mem>>) {add = true}
          %dma_wait3A_178 = arith.constant 0 : i32
          %dma_wait3A_179 = arith.constant 0 : i32
          %dma_wait3A_180 = tpu.memref_slice %arg9[%run_scoped3A_166, %dma_wait3A_178, %dma_wait3A_179] : memref<4x64x128xf32, #tpu.memory_space<vmem>> -> memref<1x64x128xf32, #tpu.memory_space<vmem>>
          %dma_wait3A_181 = tpu.memref_squeeze %dma_wait3A_180 : memref<1x64x128xf32, #tpu.memory_space<vmem>> -> memref<64x128xf32, #tpu.memory_space<vmem>>
          %dma_wait3A_182 = arith.constant 0 : i32
          %dma_wait3A_183 = tpu.memref_slice %arg8[%add3A_145, %dma_wait3A_182] : memref<40x64xi32, #tpu.memory_space<vmem>> -> memref<1x64xi32, #tpu.memory_space<vmem>>
          %dma_wait3A_184 = tpu.memref_squeeze %dma_wait3A_183 : memref<1x64xi32, #tpu.memory_space<vmem>> -> memref<64xi32, #tpu.memory_space<vmem>>
          %dma_wait3A_185 = arith.constant 0 : i32
          %dma_wait3A_186 = arith.constant 0 : i32
          %dma_wait3A_187 = tpu.memref_slice %arg10[%dma_wait3A_185, %dma_wait3A_186] : memref<10240x128xf32, #tpu.memory_space<vmem_shared>> -> memref<10240x128xf32, #tpu.memory_space<vmem_shared>>
          tpu.wait_indirect_dma semaphore(%run_scoped3A_167 : memref<!tpu.dma_semaphore, #tpu.memory_space<semaphore_mem>>) src(%dma_wait3A_181 : memref<64x128xf32, #tpu.memory_space<vmem>>) dst(%dma_wait3A_187 : memref<10240x128xf32, #tpu.memory_space<vmem_shared>>)
          tpu.yield
        }) : () -> ()
      }
      %scan3A_71 = arith.constant 10 : i32
    }
    %while3A_22 = arith.constant 1 : i32
    scf.for %while3A_28 = %while3A_20 to %while3A_16 step %while3A_22  : i32 {
      %mul3A_29 = arith.constant 40 : i32
      %mul3A_30 = arith.muli %while3A_28, %mul3A_29 : i32
      %add3A_31 = arith.addi %select_n3A, %mul3A_30 : i32
      "tpu.region"() ({
        %run_scoped3A = tpu.sem_alloc : memref<!tpu.dma_semaphore, #tpu.memory_space<semaphore_mem>>
        %dma_start3A_72 = arith.constant 0 : i32
        %dma_start3A_73 = tpu.memref_slice %arg3[%add3A_31, %dma_start3A_72] : memref<5120x64xi32, #tpu.memory_space<hbm>> -> memref<40x64xi32, #tpu.memory_space<hbm>>
        %dma_start3A_74 = arith.constant 0 : i32
        %dma_start3A_75 = tpu.memref_slice %arg3[%add3A_31, %dma_start3A_74] : memref<5120x64xi32, #tpu.memory_space<hbm>> -> memref<40x64xi32, #tpu.memory_space<hbm>>
        tpu.enqueue_dma source(%dma_start3A_75 : memref<40x64xi32, #tpu.memory_space<hbm>>) target(%arg7 : memref<40x64xi32, #tpu.memory_space<vmem>>) target_semaphore(%run_scoped3A : memref<!tpu.dma_semaphore, #tpu.memory_space<semaphore_mem>>)
        %dma_wait3A = arith.constant 0 : i32
        %dma_wait3A_76 = tpu.memref_slice %arg3[%add3A_31, %dma_wait3A] : memref<5120x64xi32, #tpu.memory_space<hbm>> -> memref<40x64xi32, #tpu.memory_space<hbm>>
        %dma_wait3A_77 = arith.constant 0 : i32
        %dma_wait3A_78 = tpu.memref_slice %arg3[%add3A_31, %dma_wait3A_77] : memref<5120x64xi32, #tpu.memory_space<hbm>> -> memref<40x64xi32, #tpu.memory_space<hbm>>
        tpu.wait_dma2 semaphore(%run_scoped3A : memref<!tpu.dma_semaphore, #tpu.memory_space<semaphore_mem>>) src(%dma_wait3A_78 : memref<40x64xi32, #tpu.memory_space<hbm>>) dst(%arg7 : memref<40x64xi32, #tpu.memory_space<vmem>>)
        tpu.yield
      }) : () -> ()
      "tpu.region"() ({
        %run_scoped3A = tpu.sem_alloc : memref<!tpu.dma_semaphore, #tpu.memory_space<semaphore_mem>>
        %dma_start3A_72 = arith.constant 0 : i32
        %dma_start3A_73 = tpu.memref_slice %arg4[%add3A_31, %dma_start3A_72] : memref<5120x64xi32, #tpu.memory_space<hbm>> -> memref<40x64xi32, #tpu.memory_space<hbm>>
        %dma_start3A_74 = arith.constant 0 : i32
        %dma_start3A_75 = tpu.memref_slice %arg4[%add3A_31, %dma_start3A_74] : memref<5120x64xi32, #tpu.memory_space<hbm>> -> memref<40x64xi32, #tpu.memory_space<hbm>>
        tpu.enqueue_dma source(%dma_start3A_75 : memref<40x64xi32, #tpu.memory_space<hbm>>) target(%arg8 : memref<40x64xi32, #tpu.memory_space<vmem>>) target_semaphore(%run_scoped3A : memref<!tpu.dma_semaphore, #tpu.memory_space<semaphore_mem>>)
        %dma_wait3A = arith.constant 0 : i32
        %dma_wait3A_76 = tpu.memref_slice %arg4[%add3A_31, %dma_wait3A] : memref<5120x64xi32, #tpu.memory_space<hbm>> -> memref<40x64xi32, #tpu.memory_space<hbm>>
        %dma_wait3A_77 = arith.constant 0 : i32
        %dma_wait3A_78 = tpu.memref_slice %arg4[%add3A_31, %dma_wait3A_77] : memref<5120x64xi32, #tpu.memory_space<hbm>> -> memref<40x64xi32, #tpu.memory_space<hbm>>
        tpu.wait_dma2 semaphore(%run_scoped3A : memref<!tpu.dma_semaphore, #tpu.memory_space<semaphore_mem>>) src(%dma_wait3A_78 : memref<40x64xi32, #tpu.memory_space<hbm>>) dst(%arg8 : memref<40x64xi32, #tpu.memory_space<vmem>>)
        tpu.yield
      }) : () -> ()
      %dma_start3A = arith.constant 0 : i32
      %dma_start3A_32 = arith.constant 0 : i32
      %dma_start3A_33 = arith.constant 0 : i32
      %dma_start3A_34 = arith.constant 0 : i32
      %dma_start3A_35 = tpu.memref_slice %arg9[%dma_start3A_32, %dma_start3A_33, %dma_start3A_34] : memref<4x64x128xf32, #tpu.memory_space<vmem>> -> memref<1x64x128xf32, #tpu.memory_space<vmem>>
      %dma_start3A_36 = tpu.memref_squeeze %dma_start3A_35 : memref<1x64x128xf32, #tpu.memory_space<vmem>> -> memref<64x128xf32, #tpu.memory_space<vmem>>
      %dma_start3A_37 = arith.constant 0 : i32
      %dma_start3A_38 = tpu.memref_slice %arg7[%dma_start3A, %dma_start3A_37] : memref<40x64xi32, #tpu.memory_space<vmem>> -> memref<1x64xi32, #tpu.memory_space<vmem>>
      %dma_start3A_39 = tpu.memref_squeeze %dma_start3A_38 : memref<1x64xi32, #tpu.memory_space<vmem>> -> memref<64xi32, #tpu.memory_space<vmem>>
      %dma_start3A_40 = arith.constant 0 : i32
      %dma_start3A_41 = arith.constant 0 : i32
      %dma_start3A_42 = tpu.memref_slice %arg2[%dma_start3A_40, %dma_start3A_41] : memref<10000x128xf32, #tpu.memory_space<hbm>> -> memref<10000x128xf32, #tpu.memory_space<hbm>>
      tpu.enqueue_indirect_dma source(%dma_start3A_42 : memref<10000x128xf32, #tpu.memory_space<hbm>>) target(%dma_start3A_36 : memref<64x128xf32, #tpu.memory_space<vmem>>) offsets(%dma_start3A_39 : memref<64xi32, #tpu.memory_space<vmem>>) semaphore(%arg11 : memref<!tpu.dma_semaphore, #tpu.memory_space<semaphore_mem>>)
      %dma_start3A_43 = arith.constant 1 : i32
      %dma_start3A_44 = arith.constant 1 : i32
      %dma_start3A_45 = arith.constant 0 : i32
      %dma_start3A_46 = arith.constant 0 : i32
      %dma_start3A_47 = tpu.memref_slice %arg9[%dma_start3A_44, %dma_start3A_45, %dma_start3A_46] : memref<4x64x128xf32, #tpu.memory_space<vmem>> -> memref<1x64x128xf32, #tpu.memory_space<vmem>>
      %dma_start3A_48 = tpu.memref_squeeze %dma_start3A_47 : memref<1x64x128xf32, #tpu.memory_space<vmem>> -> memref<64x128xf32, #tpu.memory_space<vmem>>
      %dma_start3A_49 = arith.constant 0 : i32
      %dma_start3A_50 = tpu.memref_slice %arg7[%dma_start3A_43, %dma_start3A_49] : memref<40x64xi32, #tpu.memory_space<vmem>> -> memref<1x64xi32, #tpu.memory_space<vmem>>
      %dma_start3A_51 = tpu.memref_squeeze %dma_start3A_50 : memref<1x64xi32, #tpu.memory_space<vmem>> -> memref<64xi32, #tpu.memory_space<vmem>>
      %dma_start3A_52 = arith.constant 0 : i32
      %dma_start3A_53 = arith.constant 0 : i32
      %dma_start3A_54 = tpu.memref_slice %arg2[%dma_start3A_52, %dma_start3A_53] : memref<10000x128xf32, #tpu.memory_space<hbm>> -> memref<10000x128xf32, #tpu.memory_space<hbm>>
      tpu.enqueue_indirect_dma source(%dma_start3A_54 : memref<10000x128xf32, #tpu.memory_space<hbm>>) target(%dma_start3A_48 : memref<64x128xf32, #tpu.memory_space<vmem>>) offsets(%dma_start3A_51 : memref<64xi32, #tpu.memory_space<vmem>>) semaphore(%arg11 : memref<!tpu.dma_semaphore, #tpu.memory_space<semaphore_mem>>)
      %dma_start3A_55 = arith.constant 2 : i32
      %dma_start3A_56 = arith.constant 2 : i32
      %dma_start3A_57 = arith.constant 0 : i32
      %dma_start3A_58 = arith.constant 0 : i32
      %dma_start3A_59 = tpu.memref_slice %arg9[%dma_start3A_56, %dma_start3A_57, %dma_start3A_58] : memref<4x64x128xf32, #tpu.memory_space<vmem>> -> memref<1x64x128xf32, #tpu.memory_space<vmem>>
      %dma_start3A_60 = tpu.memref_squeeze %dma_start3A_59 : memref<1x64x128xf32, #tpu.memory_space<vmem>> -> memref<64x128xf32, #tpu.memory_space<vmem>>
      %dma_start3A_61 = arith.constant 0 : i32
      %dma_start3A_62 = tpu.memref_slice %arg7[%dma_start3A_55, %dma_start3A_61] : memref<40x64xi32, #tpu.memory_space<vmem>> -> memref<1x64xi32, #tpu.memory_space<vmem>>
      %dma_start3A_63 = tpu.memref_squeeze %dma_start3A_62 : memref<1x64xi32, #tpu.memory_space<vmem>> -> memref<64xi32, #tpu.memory_space<vmem>>
      %dma_start3A_64 = arith.constant 0 : i32
      %dma_start3A_65 = arith.constant 0 : i32
      %dma_start3A_66 = tpu.memref_slice %arg2[%dma_start3A_64, %dma_start3A_65] : memref<10000x128xf32, #tpu.memory_space<hbm>> -> memref<10000x128xf32, #tpu.memory_space<hbm>>
      tpu.enqueue_indirect_dma source(%dma_start3A_66 : memref<10000x128xf32, #tpu.memory_space<hbm>>) target(%dma_start3A_60 : memref<64x128xf32, #tpu.memory_space<vmem>>) offsets(%dma_start3A_63 : memref<64xi32, #tpu.memory_space<vmem>>) semaphore(%arg11 : memref<!tpu.dma_semaphore, #tpu.memory_space<semaphore_mem>>)
      %scan3A = arith.constant 0 : i32
      %scan3A_67 = arith.constant 0 : i32
      %scan3A_68 = arith.constant 10 : i32
      %scan3A_69 = arith.addi %scan3A_67, %scan3A_68 : i32
      %scan3A_70 = arith.constant 1 : i32
      scf.for %scan3A_72 = %scan3A_67 to %scan3A_69 step %scan3A_70  : i32 {
        %mul3A_73 = arith.constant 4 : i32
        %mul3A_74 = arith.muli %scan3A_72, %mul3A_73 : i32
        %add3A_75 = arith.constant 0 : i32
        %add3A_76 = arith.addi %mul3A_74, %add3A_75 : i32
        %dma_wait3A = arith.constant 0 : i32
        %dma_wait3A_77 = arith.constant 0 : i32
        %dma_wait3A_78 = arith.constant 0 : i32
        %dma_wait3A_79 = tpu.memref_slice %arg9[%dma_wait3A, %dma_wait3A_77, %dma_wait3A_78] : memref<4x64x128xf32, #tpu.memory_space<vmem>> -> memref<1x64x128xf32, #tpu.memory_space<vmem>>
        %dma_wait3A_80 = tpu.memref_squeeze %dma_wait3A_79 : memref<1x64x128xf32, #tpu.memory_space<vmem>> -> memref<64x128xf32, #tpu.memory_space<vmem>>
        %dma_wait3A_81 = arith.constant 0 : i32
        %dma_wait3A_82 = tpu.memref_slice %arg7[%add3A_76, %dma_wait3A_81] : memref<40x64xi32, #tpu.memory_space<vmem>> -> memref<1x64xi32, #tpu.memory_space<vmem>>
        %dma_wait3A_83 = tpu.memref_squeeze %dma_wait3A_82 : memref<1x64xi32, #tpu.memory_space<vmem>> -> memref<64xi32, #tpu.memory_space<vmem>>
        %dma_wait3A_84 = arith.constant 0 : i32
        %dma_wait3A_85 = arith.constant 0 : i32
        %dma_wait3A_86 = tpu.memref_slice %arg2[%dma_wait3A_84, %dma_wait3A_85] : memref<10000x128xf32, #tpu.memory_space<hbm>> -> memref<10000x128xf32, #tpu.memory_space<hbm>>
        tpu.wait_indirect_dma semaphore(%arg11 : memref<!tpu.dma_semaphore, #tpu.memory_space<semaphore_mem>>) src(%dma_wait3A_86 : memref<10000x128xf32, #tpu.memory_space<hbm>>) dst(%dma_wait3A_80 : memref<64x128xf32, #tpu.memory_space<vmem>>)
        %add3A_87 = arith.constant 4 : i32
        %add3A_88 = arith.addi %add3A_76, %add3A_87 : i32
        %sub3A = arith.constant 1 : i32
        %sub3A_89 = arith.subi %add3A_88, %sub3A : i32
        %lt3A = arith.constant 40 : i32
        %lt3A_90 = arith.cmpi slt, %sub3A_89, %lt3A : i32
        %convert_element_type3A = arith.extui %lt3A_90 : i1 to i32
        %cond3A = arith.constant 0 : i32
        %cond3A_91 = arith.cmpi ne, %convert_element_type3A, %cond3A : i32
        scf.if %cond3A_91 {
          %dma_start3A_167 = arith.constant 3 : i32
          %dma_start3A_168 = arith.constant 0 : i32
          %dma_start3A_169 = arith.constant 0 : i32
          %dma_start3A_170 = tpu.memref_slice %arg9[%dma_start3A_167, %dma_start3A_168, %dma_start3A_169] : memref<4x64x128xf32, #tpu.memory_space<vmem>> -> memref<1x64x128xf32, #tpu.memory_space<vmem>>
          %dma_start3A_171 = tpu.memref_squeeze %dma_start3A_170 : memref<1x64x128xf32, #tpu.memory_space<vmem>> -> memref<64x128xf32, #tpu.memory_space<vmem>>
          %dma_start3A_172 = arith.constant 0 : i32
          %dma_start3A_173 = tpu.memref_slice %arg7[%sub3A_89, %dma_start3A_172] : memref<40x64xi32, #tpu.memory_space<vmem>> -> memref<1x64xi32, #tpu.memory_space<vmem>>
          %dma_start3A_174 = tpu.memref_squeeze %dma_start3A_173 : memref<1x64xi32, #tpu.memory_space<vmem>> -> memref<64xi32, #tpu.memory_space<vmem>>
          %dma_start3A_175 = arith.constant 0 : i32
          %dma_start3A_176 = arith.constant 0 : i32
          %dma_start3A_177 = tpu.memref_slice %arg2[%dma_start3A_175, %dma_start3A_176] : memref<10000x128xf32, #tpu.memory_space<hbm>> -> memref<10000x128xf32, #tpu.memory_space<hbm>>
          tpu.enqueue_indirect_dma source(%dma_start3A_177 : memref<10000x128xf32, #tpu.memory_space<hbm>>) target(%dma_start3A_171 : memref<64x128xf32, #tpu.memory_space<vmem>>) offsets(%dma_start3A_174 : memref<64xi32, #tpu.memory_space<vmem>>) semaphore(%arg11 : memref<!tpu.dma_semaphore, #tpu.memory_space<semaphore_mem>>)
        } else {
        }
        %run_scoped3A = arith.constant 0 : i32
        "tpu.region"() ({
          %run_scoped3A_167 = tpu.sem_alloc : memref<!tpu.dma_semaphore, #tpu.memory_space<semaphore_mem>>
          %dma_start3A_168 = arith.constant 0 : i32
          %dma_start3A_169 = arith.constant 0 : i32
          %dma_start3A_170 = tpu.memref_slice %arg9[%run_scoped3A, %dma_start3A_168, %dma_start3A_169] : memref<4x64x128xf32, #tpu.memory_space<vmem>> -> memref<1x64x128xf32, #tpu.memory_space<vmem>>
          %dma_start3A_171 = tpu.memref_squeeze %dma_start3A_170 : memref<1x64x128xf32, #tpu.memory_space<vmem>> -> memref<64x128xf32, #tpu.memory_space<vmem>>
          %dma_start3A_172 = arith.constant 0 : i32
          %dma_start3A_173 = tpu.memref_slice %arg8[%add3A_76, %dma_start3A_172] : memref<40x64xi32, #tpu.memory_space<vmem>> -> memref<1x64xi32, #tpu.memory_space<vmem>>
          %dma_start3A_174 = tpu.memref_squeeze %dma_start3A_173 : memref<1x64xi32, #tpu.memory_space<vmem>> -> memref<64xi32, #tpu.memory_space<vmem>>
          %dma_start3A_175 = arith.constant 0 : i32
          %dma_start3A_176 = arith.constant 0 : i32
          %dma_start3A_177 = tpu.memref_slice %arg10[%dma_start3A_175, %dma_start3A_176] : memref<10240x128xf32, #tpu.memory_space<vmem_shared>> -> memref<10240x128xf32, #tpu.memory_space<vmem_shared>>
          tpu.enqueue_indirect_dma source(%dma_start3A_171 : memref<64x128xf32, #tpu.memory_space<vmem>>) target(%dma_start3A_177 : memref<10240x128xf32, #tpu.memory_space<vmem_shared>>) offsets(%dma_start3A_174 : memref<64xi32, #tpu.memory_space<vmem>>) semaphore(%run_scoped3A_167 : memref<!tpu.dma_semaphore, #tpu.memory_space<semaphore_mem>>) {add = true}
          %dma_wait3A_178 = arith.constant 0 : i32
          %dma_wait3A_179 = arith.constant 0 : i32
          %dma_wait3A_180 = tpu.memref_slice %arg9[%run_scoped3A, %dma_wait3A_178, %dma_wait3A_179] : memref<4x64x128xf32, #tpu.memory_space<vmem>> -> memref<1x64x128xf32, #tpu.memory_space<vmem>>
          %dma_wait3A_181 = tpu.memref_squeeze %dma_wait3A_180 : memref<1x64x128xf32, #tpu.memory_space<vmem>> -> memref<64x128xf32, #tpu.memory_space<vmem>>
          %dma_wait3A_182 = arith.constant 0 : i32
          %dma_wait3A_183 = tpu.memref_slice %arg8[%add3A_76, %dma_wait3A_182] : memref<40x64xi32, #tpu.memory_space<vmem>> -> memref<1x64xi32, #tpu.memory_space<vmem>>
          %dma_wait3A_184 = tpu.memref_squeeze %dma_wait3A_183 : memref<1x64xi32, #tpu.memory_space<vmem>> -> memref<64xi32, #tpu.memory_space<vmem>>
          %dma_wait3A_185 = arith.constant 0 : i32
          %dma_wait3A_186 = arith.constant 0 : i32
          %dma_wait3A_187 = tpu.memref_slice %arg10[%dma_wait3A_185, %dma_wait3A_186] : memref<10240x128xf32, #tpu.memory_space<vmem_shared>> -> memref<10240x128xf32, #tpu.memory_space<vmem_shared>>
          tpu.wait_indirect_dma semaphore(%run_scoped3A_167 : memref<!tpu.dma_semaphore, #tpu.memory_space<semaphore_mem>>) src(%dma_wait3A_181 : memref<64x128xf32, #tpu.memory_space<vmem>>) dst(%dma_wait3A_187 : memref<10240x128xf32, #tpu.memory_space<vmem_shared>>)
          tpu.yield
        }) : () -> ()
        %mul3A_92 = arith.constant 4 : i32
        %mul3A_93 = arith.muli %scan3A_72, %mul3A_92 : i32
        %add3A_94 = arith.constant 1 : i32
        %add3A_95 = arith.addi %mul3A_93, %add3A_94 : i32
        %dma_wait3A_96 = arith.constant 1 : i32
        %dma_wait3A_97 = arith.constant 0 : i32
        %dma_wait3A_98 = arith.constant 0 : i32
        %dma_wait3A_99 = tpu.memref_slice %arg9[%dma_wait3A_96, %dma_wait3A_97, %dma_wait3A_98] : memref<4x64x128xf32, #tpu.memory_space<vmem>> -> memref<1x64x128xf32, #tpu.memory_space<vmem>>
        %dma_wait3A_100 = tpu.memref_squeeze %dma_wait3A_99 : memref<1x64x128xf32, #tpu.memory_space<vmem>> -> memref<64x128xf32, #tpu.memory_space<vmem>>
        %dma_wait3A_101 = arith.constant 0 : i32
        %dma_wait3A_102 = tpu.memref_slice %arg7[%add3A_95, %dma_wait3A_101] : memref<40x64xi32, #tpu.memory_space<vmem>> -> memref<1x64xi32, #tpu.memory_space<vmem>>
        %dma_wait3A_103 = tpu.memref_squeeze %dma_wait3A_102 : memref<1x64xi32, #tpu.memory_space<vmem>> -> memref<64xi32, #tpu.memory_space<vmem>>
        %dma_wait3A_104 = arith.constant 0 : i32
        %dma_wait3A_105 = arith.constant 0 : i32
        %dma_wait3A_106 = tpu.memref_slice %arg2[%dma_wait3A_104, %dma_wait3A_105] : memref<10000x128xf32, #tpu.memory_space<hbm>> -> memref<10000x128xf32, #tpu.memory_space<hbm>>
        tpu.wait_indirect_dma semaphore(%arg11 : memref<!tpu.dma_semaphore, #tpu.memory_space<semaphore_mem>>) src(%dma_wait3A_106 : memref<10000x128xf32, #tpu.memory_space<hbm>>) dst(%dma_wait3A_100 : memref<64x128xf32, #tpu.memory_space<vmem>>)
        %add3A_107 = arith.constant 4 : i32
        %add3A_108 = arith.addi %add3A_95, %add3A_107 : i32
        %sub3A_109 = arith.constant 1 : i32
        %sub3A_110 = arith.subi %add3A_108, %sub3A_109 : i32
        %lt3A_111 = arith.constant 40 : i32
        %lt3A_112 = arith.cmpi slt, %sub3A_110, %lt3A_111 : i32
        %convert_element_type3A_113 = arith.extui %lt3A_112 : i1 to i32
        %cond3A_114 = arith.constant 0 : i32
        %cond3A_115 = arith.cmpi ne, %convert_element_type3A_113, %cond3A_114 : i32
        scf.if %cond3A_115 {
          %dma_start3A_167 = arith.constant 0 : i32
          %dma_start3A_168 = arith.constant 0 : i32
          %dma_start3A_169 = arith.constant 0 : i32
          %dma_start3A_170 = tpu.memref_slice %arg9[%dma_start3A_167, %dma_start3A_168, %dma_start3A_169] : memref<4x64x128xf32, #tpu.memory_space<vmem>> -> memref<1x64x128xf32, #tpu.memory_space<vmem>>
          %dma_start3A_171 = tpu.memref_squeeze %dma_start3A_170 : memref<1x64x128xf32, #tpu.memory_space<vmem>> -> memref<64x128xf32, #tpu.memory_space<vmem>>
          %dma_start3A_172 = arith.constant 0 : i32
          %dma_start3A_173 = tpu.memref_slice %arg7[%sub3A_110, %dma_start3A_172] : memref<40x64xi32, #tpu.memory_space<vmem>> -> memref<1x64xi32, #tpu.memory_space<vmem>>
          %dma_start3A_174 = tpu.memref_squeeze %dma_start3A_173 : memref<1x64xi32, #tpu.memory_space<vmem>> -> memref<64xi32, #tpu.memory_space<vmem>>
          %dma_start3A_175 = arith.constant 0 : i32
          %dma_start3A_176 = arith.constant 0 : i32
          %dma_start3A_177 = tpu.memref_slice %arg2[%dma_start3A_175, %dma_start3A_176] : memref<10000x128xf32, #tpu.memory_space<hbm>> -> memref<10000x128xf32, #tpu.memory_space<hbm>>
          tpu.enqueue_indirect_dma source(%dma_start3A_177 : memref<10000x128xf32, #tpu.memory_space<hbm>>) target(%dma_start3A_171 : memref<64x128xf32, #tpu.memory_space<vmem>>) offsets(%dma_start3A_174 : memref<64xi32, #tpu.memory_space<vmem>>) semaphore(%arg11 : memref<!tpu.dma_semaphore, #tpu.memory_space<semaphore_mem>>)
        } else {
        }
        %run_scoped3A_116 = arith.constant 1 : i32
        "tpu.region"() ({
          %run_scoped3A_167 = tpu.sem_alloc : memref<!tpu.dma_semaphore, #tpu.memory_space<semaphore_mem>>
          %dma_start3A_168 = arith.constant 0 : i32
          %dma_start3A_169 = arith.constant 0 : i32
          %dma_start3A_170 = tpu.memref_slice %arg9[%run_scoped3A_116, %dma_start3A_168, %dma_start3A_169] : memref<4x64x128xf32, #tpu.memory_space<vmem>> -> memref<1x64x128xf32, #tpu.memory_space<vmem>>
          %dma_start3A_171 = tpu.memref_squeeze %dma_start3A_170 : memref<1x64x128xf32, #tpu.memory_space<vmem>> -> memref<64x128xf32, #tpu.memory_space<vmem>>
          %dma_start3A_172 = arith.constant 0 : i32
          %dma_start3A_173 = tpu.memref_slice %arg8[%add3A_95, %dma_start3A_172] : memref<40x64xi32, #tpu.memory_space<vmem>> -> memref<1x64xi32, #tpu.memory_space<vmem>>
          %dma_start3A_174 = tpu.memref_squeeze %dma_start3A_173 : memref<1x64xi32, #tpu.memory_space<vmem>> -> memref<64xi32, #tpu.memory_space<vmem>>
          %dma_start3A_175 = arith.constant 0 : i32
          %dma_start3A_176 = arith.constant 0 : i32
          %dma_start3A_177 = tpu.memref_slice %arg10[%dma_start3A_175, %dma_start3A_176] : memref<10240x128xf32, #tpu.memory_space<vmem_shared>> -> memref<10240x128xf32, #tpu.memory_space<vmem_shared>>
          tpu.enqueue_indirect_dma source(%dma_start3A_171 : memref<64x128xf32, #tpu.memory_space<vmem>>) target(%dma_start3A_177 : memref<10240x128xf32, #tpu.memory_space<vmem_shared>>) offsets(%dma_start3A_174 : memref<64xi32, #tpu.memory_space<vmem>>) semaphore(%run_scoped3A_167 : memref<!tpu.dma_semaphore, #tpu.memory_space<semaphore_mem>>) {add = true}
          %dma_wait3A_178 = arith.constant 0 : i32
          %dma_wait3A_179 = arith.constant 0 : i32
          %dma_wait3A_180 = tpu.memref_slice %arg9[%run_scoped3A_116, %dma_wait3A_178, %dma_wait3A_179] : memref<4x64x128xf32, #tpu.memory_space<vmem>> -> memref<1x64x128xf32, #tpu.memory_space<vmem>>
          %dma_wait3A_181 = tpu.memref_squeeze %dma_wait3A_180 : memref<1x64x128xf32, #tpu.memory_space<vmem>> -> memref<64x128xf32, #tpu.memory_space<vmem>>
          %dma_wait3A_182 = arith.constant 0 : i32
          %dma_wait3A_183 = tpu.memref_slice %arg8[%add3A_95, %dma_wait3A_182] : memref<40x64xi32, #tpu.memory_space<vmem>> -> memref<1x64xi32, #tpu.memory_space<vmem>>
          %dma_wait3A_184 = tpu.memref_squeeze %dma_wait3A_183 : memref<1x64xi32, #tpu.memory_space<vmem>> -> memref<64xi32, #tpu.memory_space<vmem>>
          %dma_wait3A_185 = arith.constant 0 : i32
          %dma_wait3A_186 = arith.constant 0 : i32
          %dma_wait3A_187 = tpu.memref_slice %arg10[%dma_wait3A_185, %dma_wait3A_186] : memref<10240x128xf32, #tpu.memory_space<vmem_shared>> -> memref<10240x128xf32, #tpu.memory_space<vmem_shared>>
          tpu.wait_indirect_dma semaphore(%run_scoped3A_167 : memref<!tpu.dma_semaphore, #tpu.memory_space<semaphore_mem>>) src(%dma_wait3A_181 : memref<64x128xf32, #tpu.memory_space<vmem>>) dst(%dma_wait3A_187 : memref<10240x128xf32, #tpu.memory_space<vmem_shared>>)
          tpu.yield
        }) : () -> ()
        %mul3A_117 = arith.constant 4 : i32
        %mul3A_118 = arith.muli %scan3A_72, %mul3A_117 : i32
        %add3A_119 = arith.constant 2 : i32
        %add3A_120 = arith.addi %mul3A_118, %add3A_119 : i32
        %dma_wait3A_121 = arith.constant 2 : i32
        %dma_wait3A_122 = arith.constant 0 : i32
        %dma_wait3A_123 = arith.constant 0 : i32
        %dma_wait3A_124 = tpu.memref_slice %arg9[%dma_wait3A_121, %dma_wait3A_122, %dma_wait3A_123] : memref<4x64x128xf32, #tpu.memory_space<vmem>> -> memref<1x64x128xf32, #tpu.memory_space<vmem>>
        %dma_wait3A_125 = tpu.memref_squeeze %dma_wait3A_124 : memref<1x64x128xf32, #tpu.memory_space<vmem>> -> memref<64x128xf32, #tpu.memory_space<vmem>>
        %dma_wait3A_126 = arith.constant 0 : i32
        %dma_wait3A_127 = tpu.memref_slice %arg7[%add3A_120, %dma_wait3A_126] : memref<40x64xi32, #tpu.memory_space<vmem>> -> memref<1x64xi32, #tpu.memory_space<vmem>>
        %dma_wait3A_128 = tpu.memref_squeeze %dma_wait3A_127 : memref<1x64xi32, #tpu.memory_space<vmem>> -> memref<64xi32, #tpu.memory_space<vmem>>
        %dma_wait3A_129 = arith.constant 0 : i32
        %dma_wait3A_130 = arith.constant 0 : i32
        %dma_wait3A_131 = tpu.memref_slice %arg2[%dma_wait3A_129, %dma_wait3A_130] : memref<10000x128xf32, #tpu.memory_space<hbm>> -> memref<10000x128xf32, #tpu.memory_space<hbm>>
        tpu.wait_indirect_dma semaphore(%arg11 : memref<!tpu.dma_semaphore, #tpu.memory_space<semaphore_mem>>) src(%dma_wait3A_131 : memref<10000x128xf32, #tpu.memory_space<hbm>>) dst(%dma_wait3A_125 : memref<64x128xf32, #tpu.memory_space<vmem>>)
        %add3A_132 = arith.constant 4 : i32
        %add3A_133 = arith.addi %add3A_120, %add3A_132 : i32
        %sub3A_134 = arith.constant 1 : i32
        %sub3A_135 = arith.subi %add3A_133, %sub3A_134 : i32
        %lt3A_136 = arith.constant 40 : i32
        %lt3A_137 = arith.cmpi slt, %sub3A_135, %lt3A_136 : i32
        %convert_element_type3A_138 = arith.extui %lt3A_137 : i1 to i32
        %cond3A_139 = arith.constant 0 : i32
        %cond3A_140 = arith.cmpi ne, %convert_element_type3A_138, %cond3A_139 : i32
        scf.if %cond3A_140 {
          %dma_start3A_167 = arith.constant 1 : i32
          %dma_start3A_168 = arith.constant 0 : i32
          %dma_start3A_169 = arith.constant 0 : i32
          %dma_start3A_170 = tpu.memref_slice %arg9[%dma_start3A_167, %dma_start3A_168, %dma_start3A_169] : memref<4x64x128xf32, #tpu.memory_space<vmem>> -> memref<1x64x128xf32, #tpu.memory_space<vmem>>
          %dma_start3A_171 = tpu.memref_squeeze %dma_start3A_170 : memref<1x64x128xf32, #tpu.memory_space<vmem>> -> memref<64x128xf32, #tpu.memory_space<vmem>>
          %dma_start3A_172 = arith.constant 0 : i32
          %dma_start3A_173 = tpu.memref_slice %arg7[%sub3A_135, %dma_start3A_172] : memref<40x64xi32, #tpu.memory_space<vmem>> -> memref<1x64xi32, #tpu.memory_space<vmem>>
          %dma_start3A_174 = tpu.memref_squeeze %dma_start3A_173 : memref<1x64xi32, #tpu.memory_space<vmem>> -> memref<64xi32, #tpu.memory_space<vmem>>
          %dma_start3A_175 = arith.constant 0 : i32
          %dma_start3A_176 = arith.constant 0 : i32
          %dma_start3A_177 = tpu.memref_slice %arg2[%dma_start3A_175, %dma_start3A_176] : memref<10000x128xf32, #tpu.memory_space<hbm>> -> memref<10000x128xf32, #tpu.memory_space<hbm>>
          tpu.enqueue_indirect_dma source(%dma_start3A_177 : memref<10000x128xf32, #tpu.memory_space<hbm>>) target(%dma_start3A_171 : memref<64x128xf32, #tpu.memory_space<vmem>>) offsets(%dma_start3A_174 : memref<64xi32, #tpu.memory_space<vmem>>) semaphore(%arg11 : memref<!tpu.dma_semaphore, #tpu.memory_space<semaphore_mem>>)
        } else {
        }
        %run_scoped3A_141 = arith.constant 2 : i32
        "tpu.region"() ({
          %run_scoped3A_167 = tpu.sem_alloc : memref<!tpu.dma_semaphore, #tpu.memory_space<semaphore_mem>>
          %dma_start3A_168 = arith.constant 0 : i32
          %dma_start3A_169 = arith.constant 0 : i32
          %dma_start3A_170 = tpu.memref_slice %arg9[%run_scoped3A_141, %dma_start3A_168, %dma_start3A_169] : memref<4x64x128xf32, #tpu.memory_space<vmem>> -> memref<1x64x128xf32, #tpu.memory_space<vmem>>
          %dma_start3A_171 = tpu.memref_squeeze %dma_start3A_170 : memref<1x64x128xf32, #tpu.memory_space<vmem>> -> memref<64x128xf32, #tpu.memory_space<vmem>>
          %dma_start3A_172 = arith.constant 0 : i32
          %dma_start3A_173 = tpu.memref_slice %arg8[%add3A_120, %dma_start3A_172] : memref<40x64xi32, #tpu.memory_space<vmem>> -> memref<1x64xi32, #tpu.memory_space<vmem>>
          %dma_start3A_174 = tpu.memref_squeeze %dma_start3A_173 : memref<1x64xi32, #tpu.memory_space<vmem>> -> memref<64xi32, #tpu.memory_space<vmem>>
          %dma_start3A_175 = arith.constant 0 : i32
          %dma_start3A_176 = arith.constant 0 : i32
          %dma_start3A_177 = tpu.memref_slice %arg10[%dma_start3A_175, %dma_start3A_176] : memref<10240x128xf32, #tpu.memory_space<vmem_shared>> -> memref<10240x128xf32, #tpu.memory_space<vmem_shared>>
          tpu.enqueue_indirect_dma source(%dma_start3A_171 : memref<64x128xf32, #tpu.memory_space<vmem>>) target(%dma_start3A_177 : memref<10240x128xf32, #tpu.memory_space<vmem_shared>>) offsets(%dma_start3A_174 : memref<64xi32, #tpu.memory_space<vmem>>) semaphore(%run_scoped3A_167 : memref<!tpu.dma_semaphore, #tpu.memory_space<semaphore_mem>>) {add = true}
          %dma_wait3A_178 = arith.constant 0 : i32
          %dma_wait3A_179 = arith.constant 0 : i32
          %dma_wait3A_180 = tpu.memref_slice %arg9[%run_scoped3A_141, %dma_wait3A_178, %dma_wait3A_179] : memref<4x64x128xf32, #tpu.memory_space<vmem>> -> memref<1x64x128xf32, #tpu.memory_space<vmem>>
          %dma_wait3A_181 = tpu.memref_squeeze %dma_wait3A_180 : memref<1x64x128xf32, #tpu.memory_space<vmem>> -> memref<64x128xf32, #tpu.memory_space<vmem>>
          %dma_wait3A_182 = arith.constant 0 : i32
          %dma_wait3A_183 = tpu.memref_slice %arg8[%add3A_120, %dma_wait3A_182] : memref<40x64xi32, #tpu.memory_space<vmem>> -> memref<1x64xi32, #tpu.memory_space<vmem>>
          %dma_wait3A_184 = tpu.memref_squeeze %dma_wait3A_183 : memref<1x64xi32, #tpu.memory_space<vmem>> -> memref<64xi32, #tpu.memory_space<vmem>>
          %dma_wait3A_185 = arith.constant 0 : i32
          %dma_wait3A_186 = arith.constant 0 : i32
          %dma_wait3A_187 = tpu.memref_slice %arg10[%dma_wait3A_185, %dma_wait3A_186] : memref<10240x128xf32, #tpu.memory_space<vmem_shared>> -> memref<10240x128xf32, #tpu.memory_space<vmem_shared>>
          tpu.wait_indirect_dma semaphore(%run_scoped3A_167 : memref<!tpu.dma_semaphore, #tpu.memory_space<semaphore_mem>>) src(%dma_wait3A_181 : memref<64x128xf32, #tpu.memory_space<vmem>>) dst(%dma_wait3A_187 : memref<10240x128xf32, #tpu.memory_space<vmem_shared>>)
          tpu.yield
        }) : () -> ()
        %mul3A_142 = arith.constant 4 : i32
        %mul3A_143 = arith.muli %scan3A_72, %mul3A_142 : i32
        %add3A_144 = arith.constant 3 : i32
        %add3A_145 = arith.addi %mul3A_143, %add3A_144 : i32
        %dma_wait3A_146 = arith.constant 3 : i32
        %dma_wait3A_147 = arith.constant 0 : i32
        %dma_wait3A_148 = arith.constant 0 : i32
        %dma_wait3A_149 = tpu.memref_slice %arg9[%dma_wait3A_146, %dma_wait3A_147, %dma_wait3A_148] : memref<4x64x128xf32, #tpu.memory_space<vmem>> -> memref<1x64x128xf32, #tpu.memory_space<vmem>>
        %dma_wait3A_150 = tpu.memref_squeeze %dma_wait3A_149 : memref<1x64x128xf32, #tpu.memory_space<vmem>> -> memref<64x128xf32, #tpu.memory_space<vmem>>
        %dma_wait3A_151 = arith.constant 0 : i32
        %dma_wait3A_152 = tpu.memref_slice %arg7[%add3A_145, %dma_wait3A_151] : memref<40x64xi32, #tpu.memory_space<vmem>> -> memref<1x64xi32, #tpu.memory_space<vmem>>
        %dma_wait3A_153 = tpu.memref_squeeze %dma_wait3A_152 : memref<1x64xi32, #tpu.memory_space<vmem>> -> memref<64xi32, #tpu.memory_space<vmem>>
        %dma_wait3A_154 = arith.constant 0 : i32
        %dma_wait3A_155 = arith.constant 0 : i32
        %dma_wait3A_156 = tpu.memref_slice %arg2[%dma_wait3A_154, %dma_wait3A_155] : memref<10000x128xf32, #tpu.memory_space<hbm>> -> memref<10000x128xf32, #tpu.memory_space<hbm>>
        tpu.wait_indirect_dma semaphore(%arg11 : memref<!tpu.dma_semaphore, #tpu.memory_space<semaphore_mem>>) src(%dma_wait3A_156 : memref<10000x128xf32, #tpu.memory_space<hbm>>) dst(%dma_wait3A_150 : memref<64x128xf32, #tpu.memory_space<vmem>>)
        %add3A_157 = arith.constant 4 : i32
        %add3A_158 = arith.addi %add3A_145, %add3A_157 : i32
        %sub3A_159 = arith.constant 1 : i32
        %sub3A_160 = arith.subi %add3A_158, %sub3A_159 : i32
        %lt3A_161 = arith.constant 40 : i32
        %lt3A_162 = arith.cmpi slt, %sub3A_160, %lt3A_161 : i32
        %convert_element_type3A_163 = arith.extui %lt3A_162 : i1 to i32
        %cond3A_164 = arith.constant 0 : i32
        %cond3A_165 = arith.cmpi ne, %convert_element_type3A_163, %cond3A_164 : i32
        scf.if %cond3A_165 {
          %dma_start3A_167 = arith.constant 2 : i32
          %dma_start3A_168 = arith.constant 0 : i32
          %dma_start3A_169 = arith.constant 0 : i32
          %dma_start3A_170 = tpu.memref_slice %arg9[%dma_start3A_167, %dma_start3A_168, %dma_start3A_169] : memref<4x64x128xf32, #tpu.memory_space<vmem>> -> memref<1x64x128xf32, #tpu.memory_space<vmem>>
          %dma_start3A_171 = tpu.memref_squeeze %dma_start3A_170 : memref<1x64x128xf32, #tpu.memory_space<vmem>> -> memref<64x128xf32, #tpu.memory_space<vmem>>
          %dma_start3A_172 = arith.constant 0 : i32
          %dma_start3A_173 = tpu.memref_slice %arg7[%sub3A_160, %dma_start3A_172] : memref<40x64xi32, #tpu.memory_space<vmem>> -> memref<1x64xi32, #tpu.memory_space<vmem>>
          %dma_start3A_174 = tpu.memref_squeeze %dma_start3A_173 : memref<1x64xi32, #tpu.memory_space<vmem>> -> memref<64xi32, #tpu.memory_space<vmem>>
          %dma_start3A_175 = arith.constant 0 : i32
          %dma_start3A_176 = arith.constant 0 : i32
          %dma_start3A_177 = tpu.memref_slice %arg2[%dma_start3A_175, %dma_start3A_176] : memref<10000x128xf32, #tpu.memory_space<hbm>> -> memref<10000x128xf32, #tpu.memory_space<hbm>>
          tpu.enqueue_indirect_dma source(%dma_start3A_177 : memref<10000x128xf32, #tpu.memory_space<hbm>>) target(%dma_start3A_171 : memref<64x128xf32, #tpu.memory_space<vmem>>) offsets(%dma_start3A_174 : memref<64xi32, #tpu.memory_space<vmem>>) semaphore(%arg11 : memref<!tpu.dma_semaphore, #tpu.memory_space<semaphore_mem>>)
        } else {
        }
        %run_scoped3A_166 = arith.constant 3 : i32
        "tpu.region"() ({
          %run_scoped3A_167 = tpu.sem_alloc : memref<!tpu.dma_semaphore, #tpu.memory_space<semaphore_mem>>
          %dma_start3A_168 = arith.constant 0 : i32
          %dma_start3A_169 = arith.constant 0 : i32
          %dma_start3A_170 = tpu.memref_slice %arg9[%run_scoped3A_166, %dma_start3A_168, %dma_start3A_169] : memref<4x64x128xf32, #tpu.memory_space<vmem>> -> memref<1x64x128xf32, #tpu.memory_space<vmem>>
          %dma_start3A_171 = tpu.memref_squeeze %dma_start3A_170 : memref<1x64x128xf32, #tpu.memory_space<vmem>> -> memref<64x128xf32, #tpu.memory_space<vmem>>
          %dma_start3A_172 = arith.constant 0 : i32
          %dma_start3A_173 = tpu.memref_slice %arg8[%add3A_145, %dma_start3A_172] : memref<40x64xi32, #tpu.memory_space<vmem>> -> memref<1x64xi32, #tpu.memory_space<vmem>>
          %dma_start3A_174 = tpu.memref_squeeze %dma_start3A_173 : memref<1x64xi32, #tpu.memory_space<vmem>> -> memref<64xi32, #tpu.memory_space<vmem>>
          %dma_start3A_175 = arith.constant 0 : i32
          %dma_start3A_176 = arith.constant 0 : i32
          %dma_start3A_177 = tpu.memref_slice %arg10[%dma_start3A_175, %dma_start3A_176] : memref<10240x128xf32, #tpu.memory_space<vmem_shared>> -> memref<10240x128xf32, #tpu.memory_space<vmem_shared>>
          tpu.enqueue_indirect_dma source(%dma_start3A_171 : memref<64x128xf32, #tpu.memory_space<vmem>>) target(%dma_start3A_177 : memref<10240x128xf32, #tpu.memory_space<vmem_shared>>) offsets(%dma_start3A_174 : memref<64xi32, #tpu.memory_space<vmem>>) semaphore(%run_scoped3A_167 : memref<!tpu.dma_semaphore, #tpu.memory_space<semaphore_mem>>) {add = true}
          %dma_wait3A_178 = arith.constant 0 : i32
          %dma_wait3A_179 = arith.constant 0 : i32
          %dma_wait3A_180 = tpu.memref_slice %arg9[%run_scoped3A_166, %dma_wait3A_178, %dma_wait3A_179] : memref<4x64x128xf32, #tpu.memory_space<vmem>> -> memref<1x64x128xf32, #tpu.memory_space<vmem>>
          %dma_wait3A_181 = tpu.memref_squeeze %dma_wait3A_180 : memref<1x64x128xf32, #tpu.memory_space<vmem>> -> memref<64x128xf32, #tpu.memory_space<vmem>>
          %dma_wait3A_182 = arith.constant 0 : i32
          %dma_wait3A_183 = tpu.memref_slice %arg8[%add3A_145, %dma_wait3A_182] : memref<40x64xi32, #tpu.memory_space<vmem>> -> memref<1x64xi32, #tpu.memory_space<vmem>>
          %dma_wait3A_184 = tpu.memref_squeeze %dma_wait3A_183 : memref<1x64xi32, #tpu.memory_space<vmem>> -> memref<64xi32, #tpu.memory_space<vmem>>
          %dma_wait3A_185 = arith.constant 0 : i32
          %dma_wait3A_186 = arith.constant 0 : i32
          %dma_wait3A_187 = tpu.memref_slice %arg10[%dma_wait3A_185, %dma_wait3A_186] : memref<10240x128xf32, #tpu.memory_space<vmem_shared>> -> memref<10240x128xf32, #tpu.memory_space<vmem_shared>>
          tpu.wait_indirect_dma semaphore(%run_scoped3A_167 : memref<!tpu.dma_semaphore, #tpu.memory_space<semaphore_mem>>) src(%dma_wait3A_181 : memref<64x128xf32, #tpu.memory_space<vmem>>) dst(%dma_wait3A_187 : memref<10240x128xf32, #tpu.memory_space<vmem_shared>>)
          tpu.yield
        }) : () -> ()
      }
      %scan3A_71 = arith.constant 10 : i32
    }
    %barrier3A_23 = arith.constant 0 : index
    tpu.barrier barrier_id(%barrier3A_23)
    %mul3A_24 = arith.constant 640 : i32
    %mul3A_25 = arith.muli %arg1, %mul3A_24 : i32
    %mul3A_26 = arith.constant 640 : i32
    %mul3A_27 = arith.muli %arg1, %mul3A_26 : i32
    "tpu.region"() ({
      %run_scoped3A = tpu.sem_alloc : memref<!tpu.dma_semaphore, #tpu.memory_space<semaphore_mem>>
      %dma_start3A = arith.constant 0 : i32
      %dma_start3A_28 = tpu.memref_slice %arg6[%arg0, %mul3A_27, %dma_start3A] : memref<2x10240x128xf32, #tpu.memory_space<hbm>> -> memref<1x640x128xf32, #tpu.memory_space<hbm>>
      %dma_start3A_29 = tpu.memref_squeeze %dma_start3A_28 : memref<1x640x128xf32, #tpu.memory_space<hbm>> -> memref<640x128xf32, #tpu.memory_space<hbm>>
      %dma_start3A_30 = arith.constant 0 : i32
      %dma_start3A_31 = tpu.memref_slice %arg10[%mul3A_25, %dma_start3A_30] : memref<10240x128xf32, #tpu.memory_space<vmem_shared>> -> memref<640x128xf32, #tpu.memory_space<vmem_shared>>
      tpu.enqueue_dma source(%dma_start3A_31 : memref<640x128xf32, #tpu.memory_space<vmem_shared>>) target(%dma_start3A_29 : memref<640x128xf32, #tpu.memory_space<hbm>>) target_semaphore(%run_scoped3A : memref<!tpu.dma_semaphore, #tpu.memory_space<semaphore_mem>>)
      %dma_wait3A = arith.constant 0 : i32
      %dma_wait3A_32 = tpu.memref_slice %arg6[%arg0, %mul3A_27, %dma_wait3A] : memref<2x10240x128xf32, #tpu.memory_space<hbm>> -> memref<1x640x128xf32, #tpu.memory_space<hbm>>
      %dma_wait3A_33 = tpu.memref_squeeze %dma_wait3A_32 : memref<1x640x128xf32, #tpu.memory_space<hbm>> -> memref<640x128xf32, #tpu.memory_space<hbm>>
      %dma_wait3A_34 = arith.constant 0 : i32
      %dma_wait3A_35 = tpu.memref_slice %arg10[%mul3A_25, %dma_wait3A_34] : memref<10240x128xf32, #tpu.memory_space<vmem_shared>> -> memref<640x128xf32, #tpu.memory_space<vmem_shared>>
      tpu.wait_dma2 semaphore(%run_scoped3A : memref<!tpu.dma_semaphore, #tpu.memory_space<semaphore_mem>>) src(%dma_wait3A_35 : memref<640x128xf32, #tpu.memory_space<vmem_shared>>) dst(%dma_wait3A_33 : memref<640x128xf32, #tpu.memory_space<hbm>>)
      tpu.yield
    }) : () -> ()
    return
  }
}

#map = affine_map<(d0, d1) -> (0, 0)>
#map1 = affine_map<(d0, d1) -> (0, 0, 0)>
module attributes {stable_mosaic.version = 14 : i64} {
  func.func @_sc_segsum(%arg0: i32, %arg1: i32, %arg2: memref<10000x128xf32, #tpu.memory_space<hbm>>, %arg3: memref<5120x64xi32, #tpu.memory_space<hbm>>, %arg4: memref<5120x64xi32, #tpu.memory_space<hbm>>, %arg5: memref<640x128xf32, #tpu.memory_space<hbm>>, %arg6: memref<2x10240x128xf32, #tpu.memory_space<hbm>>, %arg7: memref<40x64xi32, #tpu.memory_space<vmem>>, %arg8: memref<40x64xi32, #tpu.memory_space<vmem>>, %arg9: memref<4x64x128xf32, #tpu.memory_space<vmem>>, %arg10: memref<10240x128xf32, #tpu.memory_space<vmem_shared>>, %arg11: memref<!tpu.dma_semaphore, #tpu.memory_space<semaphore_mem>>) attributes {dimension_semantics = [#tpu.dimension_semantics<core_parallel>, #tpu.dimension_semantics<subcore_parallel>], iteration_bounds = array<i64: 2, 16>, scalar_prefetch = 0 : i64, scratch_operands = 5 : i64, tpu.core_type = #tpu.core_type<sc_vector_subcore>, window_params = [{transform_indices = #map}, {transform_indices = #map}, {transform_indices = #map}, {transform_indices = #map}, {transform_indices = #map1}]} {
    %mul3A = arith.constant 2 : i32
    %mul3A_0 = arith.muli %arg1, %mul3A : i32
    %add3A = arith.addi %mul3A_0, %arg0 : i32
    %mul3A_1 = arith.constant 640 : i32
    %mul3A_2 = arith.muli %arg1, %mul3A_1 : i32
    "tpu.region"() ({
      %run_scoped3A = tpu.sem_alloc : memref<!tpu.dma_semaphore, #tpu.memory_space<semaphore_mem>>
      %dma_start3A = arith.constant 0 : i32
      %dma_start3A_28 = tpu.memref_slice %arg10[%mul3A_2, %dma_start3A] : memref<10240x128xf32, #tpu.memory_space<vmem_shared>> -> memref<640x128xf32, #tpu.memory_space<vmem_shared>>
      tpu.enqueue_dma source(%arg5 : memref<640x128xf32, #tpu.memory_space<hbm>>) target(%dma_start3A_28 : memref<640x128xf32, #tpu.memory_space<vmem_shared>>) target_semaphore(%run_scoped3A : memref<!tpu.dma_semaphore, #tpu.memory_space<semaphore_mem>>)
      %dma_wait3A = arith.constant 0 : i32
      %dma_wait3A_29 = tpu.memref_slice %arg10[%mul3A_2, %dma_wait3A] : memref<10240x128xf32, #tpu.memory_space<vmem_shared>> -> memref<640x128xf32, #tpu.memory_space<vmem_shared>>
      tpu.wait_dma2 semaphore(%run_scoped3A : memref<!tpu.dma_semaphore, #tpu.memory_space<semaphore_mem>>) src(%arg5 : memref<640x128xf32, #tpu.memory_space<hbm>>) dst(%dma_wait3A_29 : memref<640x128xf32, #tpu.memory_space<vmem_shared>>)
      tpu.yield
    }) : () -> ()
    %barrier3A = arith.constant 0 : index
    tpu.barrier barrier_id(%barrier3A)
    %eq3A = arith.constant 0 : i32
    %eq3A_3 = arith.cmpi eq, %arg0, %eq3A : i32
    %mul3A_4 = arith.constant 160 : i32
    %mul3A_5 = arith.muli %arg1, %mul3A_4 : i32
    %mul3A_6 = arith.constant 160 : i32
    %mul3A_7 = arith.muli %arg1, %mul3A_6 : i32
    %add3A_8 = arith.constant 2560 : i32
    %add3A_9 = arith.addi %add3A_8, %mul3A_7 : i32
    %select_n3A = arith.select %eq3A_3, %mul3A_5, %add3A_9 : i32
    %eq3A_10 = arith.constant 0 : i32
    %eq3A_11 = arith.cmpi eq, %arg0, %eq3A_10 : i32
    %jit3A = arith.constant 4 : i32
    %jit3A_12 = arith.constant 4 : i32
    %select_n3A_13 = arith.select %eq3A_11, %jit3A, %jit3A_12 : i32
    %while3A = arith.constant 0 : i32
    %while3A_14 = arith.constant 0 : i32
    %while3A_15 = arith.subi %select_n3A_13, %while3A_14 : i32
    %while3A_16 = arith.addi %while3A_14, %while3A_15 : i32
    %while3A_17 = arith.constant 1 : i32
    %while3A_18 = arith.divsi %while3A_15, %while3A_17 : i32
    %while3A_19 = arith.muli %while3A_18, %while3A_17 : i32
    %while3A_20 = arith.addi %while3A_14, %while3A_19 : i32
    %while3A_21 = arith.constant 1 : i32
    scf.for %while3A_28 = %while3A_14 to %while3A_20 step %while3A_21  : i32 {
      %mul3A_29 = arith.constant 40 : i32
      %mul3A_30 = arith.muli %while3A_28, %mul3A_29 : i32
      %add3A_31 = arith.addi %select_n3A, %mul3A_30 : i32
      "tpu.region"() ({
        %run_scoped3A = tpu.sem_alloc : memref<!tpu.dma_semaphore, #tpu.memory_space<semaphore_mem>>
        %dma_start3A_72 = arith.constant 0 : i32
        %dma_start3A_73 = tpu.memref_slice %arg3[%add3A_31, %dma_start3A_72] : memref<5120x64xi32, #tpu.memory_space<hbm>> -> memref<40x64xi32, #tpu.memory_space<hbm>>
        %dma_start3A_74 = arith.constant 0 : i32
        %dma_start3A_75 = tpu.memref_slice %arg3[%add3A_31, %dma_start3A_74] : memref<5120x64xi32, #tpu.memory_space<hbm>> -> memref<40x64xi32, #tpu.memory_space<hbm>>
        tpu.enqueue_dma source(%dma_start3A_75 : memref<40x64xi32, #tpu.memory_space<hbm>>) target(%arg7 : memref<40x64xi32, #tpu.memory_space<vmem>>) target_semaphore(%run_scoped3A : memref<!tpu.dma_semaphore, #tpu.memory_space<semaphore_mem>>)
        %dma_wait3A = arith.constant 0 : i32
        %dma_wait3A_76 = tpu.memref_slice %arg3[%add3A_31, %dma_wait3A] : memref<5120x64xi32, #tpu.memory_space<hbm>> -> memref<40x64xi32, #tpu.memory_space<hbm>>
        %dma_wait3A_77 = arith.constant 0 : i32
        %dma_wait3A_78 = tpu.memref_slice %arg3[%add3A_31, %dma_wait3A_77] : memref<5120x64xi32, #tpu.memory_space<hbm>> -> memref<40x64xi32, #tpu.memory_space<hbm>>
        tpu.wait_dma2 semaphore(%run_scoped3A : memref<!tpu.dma_semaphore, #tpu.memory_space<semaphore_mem>>) src(%dma_wait3A_78 : memref<40x64xi32, #tpu.memory_space<hbm>>) dst(%arg7 : memref<40x64xi32, #tpu.memory_space<vmem>>)
        tpu.yield
      }) : () -> ()
      "tpu.region"() ({
        %run_scoped3A = tpu.sem_alloc : memref<!tpu.dma_semaphore, #tpu.memory_space<semaphore_mem>>
        %dma_start3A_72 = arith.constant 0 : i32
        %dma_start3A_73 = tpu.memref_slice %arg4[%add3A_31, %dma_start3A_72] : memref<5120x64xi32, #tpu.memory_space<hbm>> -> memref<40x64xi32, #tpu.memory_space<hbm>>
        %dma_start3A_74 = arith.constant 0 : i32
        %dma_start3A_75 = tpu.memref_slice %arg4[%add3A_31, %dma_start3A_74] : memref<5120x64xi32, #tpu.memory_space<hbm>> -> memref<40x64xi32, #tpu.memory_space<hbm>>
        tpu.enqueue_dma source(%dma_start3A_75 : memref<40x64xi32, #tpu.memory_space<hbm>>) target(%arg8 : memref<40x64xi32, #tpu.memory_space<vmem>>) target_semaphore(%run_scoped3A : memref<!tpu.dma_semaphore, #tpu.memory_space<semaphore_mem>>)
        %dma_wait3A = arith.constant 0 : i32
        %dma_wait3A_76 = tpu.memref_slice %arg4[%add3A_31, %dma_wait3A] : memref<5120x64xi32, #tpu.memory_space<hbm>> -> memref<40x64xi32, #tpu.memory_space<hbm>>
        %dma_wait3A_77 = arith.constant 0 : i32
        %dma_wait3A_78 = tpu.memref_slice %arg4[%add3A_31, %dma_wait3A_77] : memref<5120x64xi32, #tpu.memory_space<hbm>> -> memref<40x64xi32, #tpu.memory_space<hbm>>
        tpu.wait_dma2 semaphore(%run_scoped3A : memref<!tpu.dma_semaphore, #tpu.memory_space<semaphore_mem>>) src(%dma_wait3A_78 : memref<40x64xi32, #tpu.memory_space<hbm>>) dst(%arg8 : memref<40x64xi32, #tpu.memory_space<vmem>>)
        tpu.yield
      }) : () -> ()
      %dma_start3A = arith.constant 0 : i32
      %dma_start3A_32 = arith.constant 0 : i32
      %dma_start3A_33 = arith.constant 0 : i32
      %dma_start3A_34 = arith.constant 0 : i32
      %dma_start3A_35 = tpu.memref_slice %arg9[%dma_start3A_32, %dma_start3A_33, %dma_start3A_34] : memref<4x64x128xf32, #tpu.memory_space<vmem>> -> memref<1x64x128xf32, #tpu.memory_space<vmem>>
      %dma_start3A_36 = tpu.memref_squeeze %dma_start3A_35 : memref<1x64x128xf32, #tpu.memory_space<vmem>> -> memref<64x128xf32, #tpu.memory_space<vmem>>
      %dma_start3A_37 = arith.constant 0 : i32
      %dma_start3A_38 = tpu.memref_slice %arg7[%dma_start3A, %dma_start3A_37] : memref<40x64xi32, #tpu.memory_space<vmem>> -> memref<1x64xi32, #tpu.memory_space<vmem>>
      %dma_start3A_39 = tpu.memref_squeeze %dma_start3A_38 : memref<1x64xi32, #tpu.memory_space<vmem>> -> memref<64xi32, #tpu.memory_space<vmem>>
      %dma_start3A_40 = arith.constant 0 : i32
      %dma_start3A_41 = arith.constant 0 : i32
      %dma_start3A_42 = tpu.memref_slice %arg2[%dma_start3A_40, %dma_start3A_41] : memref<10000x128xf32, #tpu.memory_space<hbm>> -> memref<10000x128xf32, #tpu.memory_space<hbm>>
      tpu.enqueue_indirect_dma source(%dma_start3A_42 : memref<10000x128xf32, #tpu.memory_space<hbm>>) target(%dma_start3A_36 : memref<64x128xf32, #tpu.memory_space<vmem>>) offsets(%dma_start3A_39 : memref<64xi32, #tpu.memory_space<vmem>>) semaphore(%arg11 : memref<!tpu.dma_semaphore, #tpu.memory_space<semaphore_mem>>)
      %dma_start3A_43 = arith.constant 1 : i32
      %dma_start3A_44 = arith.constant 1 : i32
      %dma_start3A_45 = arith.constant 0 : i32
      %dma_start3A_46 = arith.constant 0 : i32
      %dma_start3A_47 = tpu.memref_slice %arg9[%dma_start3A_44, %dma_start3A_45, %dma_start3A_46] : memref<4x64x128xf32, #tpu.memory_space<vmem>> -> memref<1x64x128xf32, #tpu.memory_space<vmem>>
      %dma_start3A_48 = tpu.memref_squeeze %dma_start3A_47 : memref<1x64x128xf32, #tpu.memory_space<vmem>> -> memref<64x128xf32, #tpu.memory_space<vmem>>
      %dma_start3A_49 = arith.constant 0 : i32
      %dma_start3A_50 = tpu.memref_slice %arg7[%dma_start3A_43, %dma_start3A_49] : memref<40x64xi32, #tpu.memory_space<vmem>> -> memref<1x64xi32, #tpu.memory_space<vmem>>
      %dma_start3A_51 = tpu.memref_squeeze %dma_start3A_50 : memref<1x64xi32, #tpu.memory_space<vmem>> -> memref<64xi32, #tpu.memory_space<vmem>>
      %dma_start3A_52 = arith.constant 0 : i32
      %dma_start3A_53 = arith.constant 0 : i32
      %dma_start3A_54 = tpu.memref_slice %arg2[%dma_start3A_52, %dma_start3A_53] : memref<10000x128xf32, #tpu.memory_space<hbm>> -> memref<10000x128xf32, #tpu.memory_space<hbm>>
      tpu.enqueue_indirect_dma source(%dma_start3A_54 : memref<10000x128xf32, #tpu.memory_space<hbm>>) target(%dma_start3A_48 : memref<64x128xf32, #tpu.memory_space<vmem>>) offsets(%dma_start3A_51 : memref<64xi32, #tpu.memory_space<vmem>>) semaphore(%arg11 : memref<!tpu.dma_semaphore, #tpu.memory_space<semaphore_mem>>)
      %dma_start3A_55 = arith.constant 2 : i32
      %dma_start3A_56 = arith.constant 2 : i32
      %dma_start3A_57 = arith.constant 0 : i32
      %dma_start3A_58 = arith.constant 0 : i32
      %dma_start3A_59 = tpu.memref_slice %arg9[%dma_start3A_56, %dma_start3A_57, %dma_start3A_58] : memref<4x64x128xf32, #tpu.memory_space<vmem>> -> memref<1x64x128xf32, #tpu.memory_space<vmem>>
      %dma_start3A_60 = tpu.memref_squeeze %dma_start3A_59 : memref<1x64x128xf32, #tpu.memory_space<vmem>> -> memref<64x128xf32, #tpu.memory_space<vmem>>
      %dma_start3A_61 = arith.constant 0 : i32
      %dma_start3A_62 = tpu.memref_slice %arg7[%dma_start3A_55, %dma_start3A_61] : memref<40x64xi32, #tpu.memory_space<vmem>> -> memref<1x64xi32, #tpu.memory_space<vmem>>
      %dma_start3A_63 = tpu.memref_squeeze %dma_start3A_62 : memref<1x64xi32, #tpu.memory_space<vmem>> -> memref<64xi32, #tpu.memory_space<vmem>>
      %dma_start3A_64 = arith.constant 0 : i32
      %dma_start3A_65 = arith.constant 0 : i32
      %dma_start3A_66 = tpu.memref_slice %arg2[%dma_start3A_64, %dma_start3A_65] : memref<10000x128xf32, #tpu.memory_space<hbm>> -> memref<10000x128xf32, #tpu.memory_space<hbm>>
      tpu.enqueue_indirect_dma source(%dma_start3A_66 : memref<10000x128xf32, #tpu.memory_space<hbm>>) target(%dma_start3A_60 : memref<64x128xf32, #tpu.memory_space<vmem>>) offsets(%dma_start3A_63 : memref<64xi32, #tpu.memory_space<vmem>>) semaphore(%arg11 : memref<!tpu.dma_semaphore, #tpu.memory_space<semaphore_mem>>)
      %scan3A = arith.constant 0 : i32
      %scan3A_67 = arith.constant 0 : i32
      %scan3A_68 = arith.constant 10 : i32
      %scan3A_69 = arith.addi %scan3A_67, %scan3A_68 : i32
      %scan3A_70 = arith.constant 1 : i32
      scf.for %scan3A_72 = %scan3A_67 to %scan3A_69 step %scan3A_70  : i32 {
        %mul3A_73 = arith.constant 4 : i32
        %mul3A_74 = arith.muli %scan3A_72, %mul3A_73 : i32
        %add3A_75 = arith.constant 0 : i32
        %add3A_76 = arith.addi %mul3A_74, %add3A_75 : i32
        %dma_wait3A = arith.constant 0 : i32
        %dma_wait3A_77 = arith.constant 0 : i32
        %dma_wait3A_78 = arith.constant 0 : i32
        %dma_wait3A_79 = tpu.memref_slice %arg9[%dma_wait3A, %dma_wait3A_77, %dma_wait3A_78] : memref<4x64x128xf32, #tpu.memory_space<vmem>> -> memref<1x64x128xf32, #tpu.memory_space<vmem>>
        %dma_wait3A_80 = tpu.memref_squeeze %dma_wait3A_79 : memref<1x64x128xf32, #tpu.memory_space<vmem>> -> memref<64x128xf32, #tpu.memory_space<vmem>>
        %dma_wait3A_81 = arith.constant 0 : i32
        %dma_wait3A_82 = tpu.memref_slice %arg7[%add3A_76, %dma_wait3A_81] : memref<40x64xi32, #tpu.memory_space<vmem>> -> memref<1x64xi32, #tpu.memory_space<vmem>>
        %dma_wait3A_83 = tpu.memref_squeeze %dma_wait3A_82 : memref<1x64xi32, #tpu.memory_space<vmem>> -> memref<64xi32, #tpu.memory_space<vmem>>
        %dma_wait3A_84 = arith.constant 0 : i32
        %dma_wait3A_85 = arith.constant 0 : i32
        %dma_wait3A_86 = tpu.memref_slice %arg2[%dma_wait3A_84, %dma_wait3A_85] : memref<10000x128xf32, #tpu.memory_space<hbm>> -> memref<10000x128xf32, #tpu.memory_space<hbm>>
        tpu.wait_indirect_dma semaphore(%arg11 : memref<!tpu.dma_semaphore, #tpu.memory_space<semaphore_mem>>) src(%dma_wait3A_86 : memref<10000x128xf32, #tpu.memory_space<hbm>>) dst(%dma_wait3A_80 : memref<64x128xf32, #tpu.memory_space<vmem>>)
        %add3A_87 = arith.constant 4 : i32
        %add3A_88 = arith.addi %add3A_76, %add3A_87 : i32
        %sub3A = arith.constant 1 : i32
        %sub3A_89 = arith.subi %add3A_88, %sub3A : i32
        %lt3A = arith.constant 40 : i32
        %lt3A_90 = arith.cmpi slt, %sub3A_89, %lt3A : i32
        %convert_element_type3A = arith.extui %lt3A_90 : i1 to i32
        %cond3A = arith.constant 0 : i32
        %cond3A_91 = arith.cmpi ne, %convert_element_type3A, %cond3A : i32
        scf.if %cond3A_91 {
          %dma_start3A_167 = arith.constant 3 : i32
          %dma_start3A_168 = arith.constant 0 : i32
          %dma_start3A_169 = arith.constant 0 : i32
          %dma_start3A_170 = tpu.memref_slice %arg9[%dma_start3A_167, %dma_start3A_168, %dma_start3A_169] : memref<4x64x128xf32, #tpu.memory_space<vmem>> -> memref<1x64x128xf32, #tpu.memory_space<vmem>>
          %dma_start3A_171 = tpu.memref_squeeze %dma_start3A_170 : memref<1x64x128xf32, #tpu.memory_space<vmem>> -> memref<64x128xf32, #tpu.memory_space<vmem>>
          %dma_start3A_172 = arith.constant 0 : i32
          %dma_start3A_173 = tpu.memref_slice %arg7[%sub3A_89, %dma_start3A_172] : memref<40x64xi32, #tpu.memory_space<vmem>> -> memref<1x64xi32, #tpu.memory_space<vmem>>
          %dma_start3A_174 = tpu.memref_squeeze %dma_start3A_173 : memref<1x64xi32, #tpu.memory_space<vmem>> -> memref<64xi32, #tpu.memory_space<vmem>>
          %dma_start3A_175 = arith.constant 0 : i32
          %dma_start3A_176 = arith.constant 0 : i32
          %dma_start3A_177 = tpu.memref_slice %arg2[%dma_start3A_175, %dma_start3A_176] : memref<10000x128xf32, #tpu.memory_space<hbm>> -> memref<10000x128xf32, #tpu.memory_space<hbm>>
          tpu.enqueue_indirect_dma source(%dma_start3A_177 : memref<10000x128xf32, #tpu.memory_space<hbm>>) target(%dma_start3A_171 : memref<64x128xf32, #tpu.memory_space<vmem>>) offsets(%dma_start3A_174 : memref<64xi32, #tpu.memory_space<vmem>>) semaphore(%arg11 : memref<!tpu.dma_semaphore, #tpu.memory_space<semaphore_mem>>)
        } else {
        }
        %run_scoped3A = arith.constant 0 : i32
        "tpu.region"() ({
          %run_scoped3A_167 = tpu.sem_alloc : memref<!tpu.dma_semaphore, #tpu.memory_space<semaphore_mem>>
          %dma_start3A_168 = arith.constant 0 : i32
          %dma_start3A_169 = arith.constant 0 : i32
          %dma_start3A_170 = tpu.memref_slice %arg9[%run_scoped3A, %dma_start3A_168, %dma_start3A_169] : memref<4x64x128xf32, #tpu.memory_space<vmem>> -> memref<1x64x128xf32, #tpu.memory_space<vmem>>
          %dma_start3A_171 = tpu.memref_squeeze %dma_start3A_170 : memref<1x64x128xf32, #tpu.memory_space<vmem>> -> memref<64x128xf32, #tpu.memory_space<vmem>>
          %dma_start3A_172 = arith.constant 0 : i32
          %dma_start3A_173 = tpu.memref_slice %arg8[%add3A_76, %dma_start3A_172] : memref<40x64xi32, #tpu.memory_space<vmem>> -> memref<1x64xi32, #tpu.memory_space<vmem>>
          %dma_start3A_174 = tpu.memref_squeeze %dma_start3A_173 : memref<1x64xi32, #tpu.memory_space<vmem>> -> memref<64xi32, #tpu.memory_space<vmem>>
          %dma_start3A_175 = arith.constant 0 : i32
          %dma_start3A_176 = arith.constant 0 : i32
          %dma_start3A_177 = tpu.memref_slice %arg10[%dma_start3A_175, %dma_start3A_176] : memref<10240x128xf32, #tpu.memory_space<vmem_shared>> -> memref<10240x128xf32, #tpu.memory_space<vmem_shared>>
          tpu.enqueue_indirect_dma source(%dma_start3A_171 : memref<64x128xf32, #tpu.memory_space<vmem>>) target(%dma_start3A_177 : memref<10240x128xf32, #tpu.memory_space<vmem_shared>>) offsets(%dma_start3A_174 : memref<64xi32, #tpu.memory_space<vmem>>) semaphore(%run_scoped3A_167 : memref<!tpu.dma_semaphore, #tpu.memory_space<semaphore_mem>>) {add = true}
          %dma_wait3A_178 = arith.constant 0 : i32
          %dma_wait3A_179 = arith.constant 0 : i32
          %dma_wait3A_180 = tpu.memref_slice %arg9[%run_scoped3A, %dma_wait3A_178, %dma_wait3A_179] : memref<4x64x128xf32, #tpu.memory_space<vmem>> -> memref<1x64x128xf32, #tpu.memory_space<vmem>>
          %dma_wait3A_181 = tpu.memref_squeeze %dma_wait3A_180 : memref<1x64x128xf32, #tpu.memory_space<vmem>> -> memref<64x128xf32, #tpu.memory_space<vmem>>
          %dma_wait3A_182 = arith.constant 0 : i32
          %dma_wait3A_183 = tpu.memref_slice %arg8[%add3A_76, %dma_wait3A_182] : memref<40x64xi32, #tpu.memory_space<vmem>> -> memref<1x64xi32, #tpu.memory_space<vmem>>
          %dma_wait3A_184 = tpu.memref_squeeze %dma_wait3A_183 : memref<1x64xi32, #tpu.memory_space<vmem>> -> memref<64xi32, #tpu.memory_space<vmem>>
          %dma_wait3A_185 = arith.constant 0 : i32
          %dma_wait3A_186 = arith.constant 0 : i32
          %dma_wait3A_187 = tpu.memref_slice %arg10[%dma_wait3A_185, %dma_wait3A_186] : memref<10240x128xf32, #tpu.memory_space<vmem_shared>> -> memref<10240x128xf32, #tpu.memory_space<vmem_shared>>
          tpu.wait_indirect_dma semaphore(%run_scoped3A_167 : memref<!tpu.dma_semaphore, #tpu.memory_space<semaphore_mem>>) src(%dma_wait3A_181 : memref<64x128xf32, #tpu.memory_space<vmem>>) dst(%dma_wait3A_187 : memref<10240x128xf32, #tpu.memory_space<vmem_shared>>)
          tpu.yield
        }) : () -> ()
        %mul3A_92 = arith.constant 4 : i32
        %mul3A_93 = arith.muli %scan3A_72, %mul3A_92 : i32
        %add3A_94 = arith.constant 1 : i32
        %add3A_95 = arith.addi %mul3A_93, %add3A_94 : i32
        %dma_wait3A_96 = arith.constant 1 : i32
        %dma_wait3A_97 = arith.constant 0 : i32
        %dma_wait3A_98 = arith.constant 0 : i32
        %dma_wait3A_99 = tpu.memref_slice %arg9[%dma_wait3A_96, %dma_wait3A_97, %dma_wait3A_98] : memref<4x64x128xf32, #tpu.memory_space<vmem>> -> memref<1x64x128xf32, #tpu.memory_space<vmem>>
        %dma_wait3A_100 = tpu.memref_squeeze %dma_wait3A_99 : memref<1x64x128xf32, #tpu.memory_space<vmem>> -> memref<64x128xf32, #tpu.memory_space<vmem>>
        %dma_wait3A_101 = arith.constant 0 : i32
        %dma_wait3A_102 = tpu.memref_slice %arg7[%add3A_95, %dma_wait3A_101] : memref<40x64xi32, #tpu.memory_space<vmem>> -> memref<1x64xi32, #tpu.memory_space<vmem>>
        %dma_wait3A_103 = tpu.memref_squeeze %dma_wait3A_102 : memref<1x64xi32, #tpu.memory_space<vmem>> -> memref<64xi32, #tpu.memory_space<vmem>>
        %dma_wait3A_104 = arith.constant 0 : i32
        %dma_wait3A_105 = arith.constant 0 : i32
        %dma_wait3A_106 = tpu.memref_slice %arg2[%dma_wait3A_104, %dma_wait3A_105] : memref<10000x128xf32, #tpu.memory_space<hbm>> -> memref<10000x128xf32, #tpu.memory_space<hbm>>
        tpu.wait_indirect_dma semaphore(%arg11 : memref<!tpu.dma_semaphore, #tpu.memory_space<semaphore_mem>>) src(%dma_wait3A_106 : memref<10000x128xf32, #tpu.memory_space<hbm>>) dst(%dma_wait3A_100 : memref<64x128xf32, #tpu.memory_space<vmem>>)
        %add3A_107 = arith.constant 4 : i32
        %add3A_108 = arith.addi %add3A_95, %add3A_107 : i32
        %sub3A_109 = arith.constant 1 : i32
        %sub3A_110 = arith.subi %add3A_108, %sub3A_109 : i32
        %lt3A_111 = arith.constant 40 : i32
        %lt3A_112 = arith.cmpi slt, %sub3A_110, %lt3A_111 : i32
        %convert_element_type3A_113 = arith.extui %lt3A_112 : i1 to i32
        %cond3A_114 = arith.constant 0 : i32
        %cond3A_115 = arith.cmpi ne, %convert_element_type3A_113, %cond3A_114 : i32
        scf.if %cond3A_115 {
          %dma_start3A_167 = arith.constant 0 : i32
          %dma_start3A_168 = arith.constant 0 : i32
          %dma_start3A_169 = arith.constant 0 : i32
          %dma_start3A_170 = tpu.memref_slice %arg9[%dma_start3A_167, %dma_start3A_168, %dma_start3A_169] : memref<4x64x128xf32, #tpu.memory_space<vmem>> -> memref<1x64x128xf32, #tpu.memory_space<vmem>>
          %dma_start3A_171 = tpu.memref_squeeze %dma_start3A_170 : memref<1x64x128xf32, #tpu.memory_space<vmem>> -> memref<64x128xf32, #tpu.memory_space<vmem>>
          %dma_start3A_172 = arith.constant 0 : i32
          %dma_start3A_173 = tpu.memref_slice %arg7[%sub3A_110, %dma_start3A_172] : memref<40x64xi32, #tpu.memory_space<vmem>> -> memref<1x64xi32, #tpu.memory_space<vmem>>
          %dma_start3A_174 = tpu.memref_squeeze %dma_start3A_173 : memref<1x64xi32, #tpu.memory_space<vmem>> -> memref<64xi32, #tpu.memory_space<vmem>>
          %dma_start3A_175 = arith.constant 0 : i32
          %dma_start3A_176 = arith.constant 0 : i32
          %dma_start3A_177 = tpu.memref_slice %arg2[%dma_start3A_175, %dma_start3A_176] : memref<10000x128xf32, #tpu.memory_space<hbm>> -> memref<10000x128xf32, #tpu.memory_space<hbm>>
          tpu.enqueue_indirect_dma source(%dma_start3A_177 : memref<10000x128xf32, #tpu.memory_space<hbm>>) target(%dma_start3A_171 : memref<64x128xf32, #tpu.memory_space<vmem>>) offsets(%dma_start3A_174 : memref<64xi32, #tpu.memory_space<vmem>>) semaphore(%arg11 : memref<!tpu.dma_semaphore, #tpu.memory_space<semaphore_mem>>)
        } else {
        }
        %run_scoped3A_116 = arith.constant 1 : i32
        "tpu.region"() ({
          %run_scoped3A_167 = tpu.sem_alloc : memref<!tpu.dma_semaphore, #tpu.memory_space<semaphore_mem>>
          %dma_start3A_168 = arith.constant 0 : i32
          %dma_start3A_169 = arith.constant 0 : i32
          %dma_start3A_170 = tpu.memref_slice %arg9[%run_scoped3A_116, %dma_start3A_168, %dma_start3A_169] : memref<4x64x128xf32, #tpu.memory_space<vmem>> -> memref<1x64x128xf32, #tpu.memory_space<vmem>>
          %dma_start3A_171 = tpu.memref_squeeze %dma_start3A_170 : memref<1x64x128xf32, #tpu.memory_space<vmem>> -> memref<64x128xf32, #tpu.memory_space<vmem>>
          %dma_start3A_172 = arith.constant 0 : i32
          %dma_start3A_173 = tpu.memref_slice %arg8[%add3A_95, %dma_start3A_172] : memref<40x64xi32, #tpu.memory_space<vmem>> -> memref<1x64xi32, #tpu.memory_space<vmem>>
          %dma_start3A_174 = tpu.memref_squeeze %dma_start3A_173 : memref<1x64xi32, #tpu.memory_space<vmem>> -> memref<64xi32, #tpu.memory_space<vmem>>
          %dma_start3A_175 = arith.constant 0 : i32
          %dma_start3A_176 = arith.constant 0 : i32
          %dma_start3A_177 = tpu.memref_slice %arg10[%dma_start3A_175, %dma_start3A_176] : memref<10240x128xf32, #tpu.memory_space<vmem_shared>> -> memref<10240x128xf32, #tpu.memory_space<vmem_shared>>
          tpu.enqueue_indirect_dma source(%dma_start3A_171 : memref<64x128xf32, #tpu.memory_space<vmem>>) target(%dma_start3A_177 : memref<10240x128xf32, #tpu.memory_space<vmem_shared>>) offsets(%dma_start3A_174 : memref<64xi32, #tpu.memory_space<vmem>>) semaphore(%run_scoped3A_167 : memref<!tpu.dma_semaphore, #tpu.memory_space<semaphore_mem>>) {add = true}
          %dma_wait3A_178 = arith.constant 0 : i32
          %dma_wait3A_179 = arith.constant 0 : i32
          %dma_wait3A_180 = tpu.memref_slice %arg9[%run_scoped3A_116, %dma_wait3A_178, %dma_wait3A_179] : memref<4x64x128xf32, #tpu.memory_space<vmem>> -> memref<1x64x128xf32, #tpu.memory_space<vmem>>
          %dma_wait3A_181 = tpu.memref_squeeze %dma_wait3A_180 : memref<1x64x128xf32, #tpu.memory_space<vmem>> -> memref<64x128xf32, #tpu.memory_space<vmem>>
          %dma_wait3A_182 = arith.constant 0 : i32
          %dma_wait3A_183 = tpu.memref_slice %arg8[%add3A_95, %dma_wait3A_182] : memref<40x64xi32, #tpu.memory_space<vmem>> -> memref<1x64xi32, #tpu.memory_space<vmem>>
          %dma_wait3A_184 = tpu.memref_squeeze %dma_wait3A_183 : memref<1x64xi32, #tpu.memory_space<vmem>> -> memref<64xi32, #tpu.memory_space<vmem>>
          %dma_wait3A_185 = arith.constant 0 : i32
          %dma_wait3A_186 = arith.constant 0 : i32
          %dma_wait3A_187 = tpu.memref_slice %arg10[%dma_wait3A_185, %dma_wait3A_186] : memref<10240x128xf32, #tpu.memory_space<vmem_shared>> -> memref<10240x128xf32, #tpu.memory_space<vmem_shared>>
          tpu.wait_indirect_dma semaphore(%run_scoped3A_167 : memref<!tpu.dma_semaphore, #tpu.memory_space<semaphore_mem>>) src(%dma_wait3A_181 : memref<64x128xf32, #tpu.memory_space<vmem>>) dst(%dma_wait3A_187 : memref<10240x128xf32, #tpu.memory_space<vmem_shared>>)
          tpu.yield
        }) : () -> ()
        %mul3A_117 = arith.constant 4 : i32
        %mul3A_118 = arith.muli %scan3A_72, %mul3A_117 : i32
        %add3A_119 = arith.constant 2 : i32
        %add3A_120 = arith.addi %mul3A_118, %add3A_119 : i32
        %dma_wait3A_121 = arith.constant 2 : i32
        %dma_wait3A_122 = arith.constant 0 : i32
        %dma_wait3A_123 = arith.constant 0 : i32
        %dma_wait3A_124 = tpu.memref_slice %arg9[%dma_wait3A_121, %dma_wait3A_122, %dma_wait3A_123] : memref<4x64x128xf32, #tpu.memory_space<vmem>> -> memref<1x64x128xf32, #tpu.memory_space<vmem>>
        %dma_wait3A_125 = tpu.memref_squeeze %dma_wait3A_124 : memref<1x64x128xf32, #tpu.memory_space<vmem>> -> memref<64x128xf32, #tpu.memory_space<vmem>>
        %dma_wait3A_126 = arith.constant 0 : i32
        %dma_wait3A_127 = tpu.memref_slice %arg7[%add3A_120, %dma_wait3A_126] : memref<40x64xi32, #tpu.memory_space<vmem>> -> memref<1x64xi32, #tpu.memory_space<vmem>>
        %dma_wait3A_128 = tpu.memref_squeeze %dma_wait3A_127 : memref<1x64xi32, #tpu.memory_space<vmem>> -> memref<64xi32, #tpu.memory_space<vmem>>
        %dma_wait3A_129 = arith.constant 0 : i32
        %dma_wait3A_130 = arith.constant 0 : i32
        %dma_wait3A_131 = tpu.memref_slice %arg2[%dma_wait3A_129, %dma_wait3A_130] : memref<10000x128xf32, #tpu.memory_space<hbm>> -> memref<10000x128xf32, #tpu.memory_space<hbm>>
        tpu.wait_indirect_dma semaphore(%arg11 : memref<!tpu.dma_semaphore, #tpu.memory_space<semaphore_mem>>) src(%dma_wait3A_131 : memref<10000x128xf32, #tpu.memory_space<hbm>>) dst(%dma_wait3A_125 : memref<64x128xf32, #tpu.memory_space<vmem>>)
        %add3A_132 = arith.constant 4 : i32
        %add3A_133 = arith.addi %add3A_120, %add3A_132 : i32
        %sub3A_134 = arith.constant 1 : i32
        %sub3A_135 = arith.subi %add3A_133, %sub3A_134 : i32
        %lt3A_136 = arith.constant 40 : i32
        %lt3A_137 = arith.cmpi slt, %sub3A_135, %lt3A_136 : i32
        %convert_element_type3A_138 = arith.extui %lt3A_137 : i1 to i32
        %cond3A_139 = arith.constant 0 : i32
        %cond3A_140 = arith.cmpi ne, %convert_element_type3A_138, %cond3A_139 : i32
        scf.if %cond3A_140 {
          %dma_start3A_167 = arith.constant 1 : i32
          %dma_start3A_168 = arith.constant 0 : i32
          %dma_start3A_169 = arith.constant 0 : i32
          %dma_start3A_170 = tpu.memref_slice %arg9[%dma_start3A_167, %dma_start3A_168, %dma_start3A_169] : memref<4x64x128xf32, #tpu.memory_space<vmem>> -> memref<1x64x128xf32, #tpu.memory_space<vmem>>
          %dma_start3A_171 = tpu.memref_squeeze %dma_start3A_170 : memref<1x64x128xf32, #tpu.memory_space<vmem>> -> memref<64x128xf32, #tpu.memory_space<vmem>>
          %dma_start3A_172 = arith.constant 0 : i32
          %dma_start3A_173 = tpu.memref_slice %arg7[%sub3A_135, %dma_start3A_172] : memref<40x64xi32, #tpu.memory_space<vmem>> -> memref<1x64xi32, #tpu.memory_space<vmem>>
          %dma_start3A_174 = tpu.memref_squeeze %dma_start3A_173 : memref<1x64xi32, #tpu.memory_space<vmem>> -> memref<64xi32, #tpu.memory_space<vmem>>
          %dma_start3A_175 = arith.constant 0 : i32
          %dma_start3A_176 = arith.constant 0 : i32
          %dma_start3A_177 = tpu.memref_slice %arg2[%dma_start3A_175, %dma_start3A_176] : memref<10000x128xf32, #tpu.memory_space<hbm>> -> memref<10000x128xf32, #tpu.memory_space<hbm>>
          tpu.enqueue_indirect_dma source(%dma_start3A_177 : memref<10000x128xf32, #tpu.memory_space<hbm>>) target(%dma_start3A_171 : memref<64x128xf32, #tpu.memory_space<vmem>>) offsets(%dma_start3A_174 : memref<64xi32, #tpu.memory_space<vmem>>) semaphore(%arg11 : memref<!tpu.dma_semaphore, #tpu.memory_space<semaphore_mem>>)
        } else {
        }
        %run_scoped3A_141 = arith.constant 2 : i32
        "tpu.region"() ({
          %run_scoped3A_167 = tpu.sem_alloc : memref<!tpu.dma_semaphore, #tpu.memory_space<semaphore_mem>>
          %dma_start3A_168 = arith.constant 0 : i32
          %dma_start3A_169 = arith.constant 0 : i32
          %dma_start3A_170 = tpu.memref_slice %arg9[%run_scoped3A_141, %dma_start3A_168, %dma_start3A_169] : memref<4x64x128xf32, #tpu.memory_space<vmem>> -> memref<1x64x128xf32, #tpu.memory_space<vmem>>
          %dma_start3A_171 = tpu.memref_squeeze %dma_start3A_170 : memref<1x64x128xf32, #tpu.memory_space<vmem>> -> memref<64x128xf32, #tpu.memory_space<vmem>>
          %dma_start3A_172 = arith.constant 0 : i32
          %dma_start3A_173 = tpu.memref_slice %arg8[%add3A_120, %dma_start3A_172] : memref<40x64xi32, #tpu.memory_space<vmem>> -> memref<1x64xi32, #tpu.memory_space<vmem>>
          %dma_start3A_174 = tpu.memref_squeeze %dma_start3A_173 : memref<1x64xi32, #tpu.memory_space<vmem>> -> memref<64xi32, #tpu.memory_space<vmem>>
          %dma_start3A_175 = arith.constant 0 : i32
          %dma_start3A_176 = arith.constant 0 : i32
          %dma_start3A_177 = tpu.memref_slice %arg10[%dma_start3A_175, %dma_start3A_176] : memref<10240x128xf32, #tpu.memory_space<vmem_shared>> -> memref<10240x128xf32, #tpu.memory_space<vmem_shared>>
          tpu.enqueue_indirect_dma source(%dma_start3A_171 : memref<64x128xf32, #tpu.memory_space<vmem>>) target(%dma_start3A_177 : memref<10240x128xf32, #tpu.memory_space<vmem_shared>>) offsets(%dma_start3A_174 : memref<64xi32, #tpu.memory_space<vmem>>) semaphore(%run_scoped3A_167 : memref<!tpu.dma_semaphore, #tpu.memory_space<semaphore_mem>>) {add = true}
          %dma_wait3A_178 = arith.constant 0 : i32
          %dma_wait3A_179 = arith.constant 0 : i32
          %dma_wait3A_180 = tpu.memref_slice %arg9[%run_scoped3A_141, %dma_wait3A_178, %dma_wait3A_179] : memref<4x64x128xf32, #tpu.memory_space<vmem>> -> memref<1x64x128xf32, #tpu.memory_space<vmem>>
          %dma_wait3A_181 = tpu.memref_squeeze %dma_wait3A_180 : memref<1x64x128xf32, #tpu.memory_space<vmem>> -> memref<64x128xf32, #tpu.memory_space<vmem>>
          %dma_wait3A_182 = arith.constant 0 : i32
          %dma_wait3A_183 = tpu.memref_slice %arg8[%add3A_120, %dma_wait3A_182] : memref<40x64xi32, #tpu.memory_space<vmem>> -> memref<1x64xi32, #tpu.memory_space<vmem>>
          %dma_wait3A_184 = tpu.memref_squeeze %dma_wait3A_183 : memref<1x64xi32, #tpu.memory_space<vmem>> -> memref<64xi32, #tpu.memory_space<vmem>>
          %dma_wait3A_185 = arith.constant 0 : i32
          %dma_wait3A_186 = arith.constant 0 : i32
          %dma_wait3A_187 = tpu.memref_slice %arg10[%dma_wait3A_185, %dma_wait3A_186] : memref<10240x128xf32, #tpu.memory_space<vmem_shared>> -> memref<10240x128xf32, #tpu.memory_space<vmem_shared>>
          tpu.wait_indirect_dma semaphore(%run_scoped3A_167 : memref<!tpu.dma_semaphore, #tpu.memory_space<semaphore_mem>>) src(%dma_wait3A_181 : memref<64x128xf32, #tpu.memory_space<vmem>>) dst(%dma_wait3A_187 : memref<10240x128xf32, #tpu.memory_space<vmem_shared>>)
          tpu.yield
        }) : () -> ()
        %mul3A_142 = arith.constant 4 : i32
        %mul3A_143 = arith.muli %scan3A_72, %mul3A_142 : i32
        %add3A_144 = arith.constant 3 : i32
        %add3A_145 = arith.addi %mul3A_143, %add3A_144 : i32
        %dma_wait3A_146 = arith.constant 3 : i32
        %dma_wait3A_147 = arith.constant 0 : i32
        %dma_wait3A_148 = arith.constant 0 : i32
        %dma_wait3A_149 = tpu.memref_slice %arg9[%dma_wait3A_146, %dma_wait3A_147, %dma_wait3A_148] : memref<4x64x128xf32, #tpu.memory_space<vmem>> -> memref<1x64x128xf32, #tpu.memory_space<vmem>>
        %dma_wait3A_150 = tpu.memref_squeeze %dma_wait3A_149 : memref<1x64x128xf32, #tpu.memory_space<vmem>> -> memref<64x128xf32, #tpu.memory_space<vmem>>
        %dma_wait3A_151 = arith.constant 0 : i32
        %dma_wait3A_152 = tpu.memref_slice %arg7[%add3A_145, %dma_wait3A_151] : memref<40x64xi32, #tpu.memory_space<vmem>> -> memref<1x64xi32, #tpu.memory_space<vmem>>
        %dma_wait3A_153 = tpu.memref_squeeze %dma_wait3A_152 : memref<1x64xi32, #tpu.memory_space<vmem>> -> memref<64xi32, #tpu.memory_space<vmem>>
        %dma_wait3A_154 = arith.constant 0 : i32
        %dma_wait3A_155 = arith.constant 0 : i32
        %dma_wait3A_156 = tpu.memref_slice %arg2[%dma_wait3A_154, %dma_wait3A_155] : memref<10000x128xf32, #tpu.memory_space<hbm>> -> memref<10000x128xf32, #tpu.memory_space<hbm>>
        tpu.wait_indirect_dma semaphore(%arg11 : memref<!tpu.dma_semaphore, #tpu.memory_space<semaphore_mem>>) src(%dma_wait3A_156 : memref<10000x128xf32, #tpu.memory_space<hbm>>) dst(%dma_wait3A_150 : memref<64x128xf32, #tpu.memory_space<vmem>>)
        %add3A_157 = arith.constant 4 : i32
        %add3A_158 = arith.addi %add3A_145, %add3A_157 : i32
        %sub3A_159 = arith.constant 1 : i32
        %sub3A_160 = arith.subi %add3A_158, %sub3A_159 : i32
        %lt3A_161 = arith.constant 40 : i32
        %lt3A_162 = arith.cmpi slt, %sub3A_160, %lt3A_161 : i32
        %convert_element_type3A_163 = arith.extui %lt3A_162 : i1 to i32
        %cond3A_164 = arith.constant 0 : i32
        %cond3A_165 = arith.cmpi ne, %convert_element_type3A_163, %cond3A_164 : i32
        scf.if %cond3A_165 {
          %dma_start3A_167 = arith.constant 2 : i32
          %dma_start3A_168 = arith.constant 0 : i32
          %dma_start3A_169 = arith.constant 0 : i32
          %dma_start3A_170 = tpu.memref_slice %arg9[%dma_start3A_167, %dma_start3A_168, %dma_start3A_169] : memref<4x64x128xf32, #tpu.memory_space<vmem>> -> memref<1x64x128xf32, #tpu.memory_space<vmem>>
          %dma_start3A_171 = tpu.memref_squeeze %dma_start3A_170 : memref<1x64x128xf32, #tpu.memory_space<vmem>> -> memref<64x128xf32, #tpu.memory_space<vmem>>
          %dma_start3A_172 = arith.constant 0 : i32
          %dma_start3A_173 = tpu.memref_slice %arg7[%sub3A_160, %dma_start3A_172] : memref<40x64xi32, #tpu.memory_space<vmem>> -> memref<1x64xi32, #tpu.memory_space<vmem>>
          %dma_start3A_174 = tpu.memref_squeeze %dma_start3A_173 : memref<1x64xi32, #tpu.memory_space<vmem>> -> memref<64xi32, #tpu.memory_space<vmem>>
          %dma_start3A_175 = arith.constant 0 : i32
          %dma_start3A_176 = arith.constant 0 : i32
          %dma_start3A_177 = tpu.memref_slice %arg2[%dma_start3A_175, %dma_start3A_176] : memref<10000x128xf32, #tpu.memory_space<hbm>> -> memref<10000x128xf32, #tpu.memory_space<hbm>>
          tpu.enqueue_indirect_dma source(%dma_start3A_177 : memref<10000x128xf32, #tpu.memory_space<hbm>>) target(%dma_start3A_171 : memref<64x128xf32, #tpu.memory_space<vmem>>) offsets(%dma_start3A_174 : memref<64xi32, #tpu.memory_space<vmem>>) semaphore(%arg11 : memref<!tpu.dma_semaphore, #tpu.memory_space<semaphore_mem>>)
        } else {
        }
        %run_scoped3A_166 = arith.constant 3 : i32
        "tpu.region"() ({
          %run_scoped3A_167 = tpu.sem_alloc : memref<!tpu.dma_semaphore, #tpu.memory_space<semaphore_mem>>
          %dma_start3A_168 = arith.constant 0 : i32
          %dma_start3A_169 = arith.constant 0 : i32
          %dma_start3A_170 = tpu.memref_slice %arg9[%run_scoped3A_166, %dma_start3A_168, %dma_start3A_169] : memref<4x64x128xf32, #tpu.memory_space<vmem>> -> memref<1x64x128xf32, #tpu.memory_space<vmem>>
          %dma_start3A_171 = tpu.memref_squeeze %dma_start3A_170 : memref<1x64x128xf32, #tpu.memory_space<vmem>> -> memref<64x128xf32, #tpu.memory_space<vmem>>
          %dma_start3A_172 = arith.constant 0 : i32
          %dma_start3A_173 = tpu.memref_slice %arg8[%add3A_145, %dma_start3A_172] : memref<40x64xi32, #tpu.memory_space<vmem>> -> memref<1x64xi32, #tpu.memory_space<vmem>>
          %dma_start3A_174 = tpu.memref_squeeze %dma_start3A_173 : memref<1x64xi32, #tpu.memory_space<vmem>> -> memref<64xi32, #tpu.memory_space<vmem>>
          %dma_start3A_175 = arith.constant 0 : i32
          %dma_start3A_176 = arith.constant 0 : i32
          %dma_start3A_177 = tpu.memref_slice %arg10[%dma_start3A_175, %dma_start3A_176] : memref<10240x128xf32, #tpu.memory_space<vmem_shared>> -> memref<10240x128xf32, #tpu.memory_space<vmem_shared>>
          tpu.enqueue_indirect_dma source(%dma_start3A_171 : memref<64x128xf32, #tpu.memory_space<vmem>>) target(%dma_start3A_177 : memref<10240x128xf32, #tpu.memory_space<vmem_shared>>) offsets(%dma_start3A_174 : memref<64xi32, #tpu.memory_space<vmem>>) semaphore(%run_scoped3A_167 : memref<!tpu.dma_semaphore, #tpu.memory_space<semaphore_mem>>) {add = true}
          %dma_wait3A_178 = arith.constant 0 : i32
          %dma_wait3A_179 = arith.constant 0 : i32
          %dma_wait3A_180 = tpu.memref_slice %arg9[%run_scoped3A_166, %dma_wait3A_178, %dma_wait3A_179] : memref<4x64x128xf32, #tpu.memory_space<vmem>> -> memref<1x64x128xf32, #tpu.memory_space<vmem>>
          %dma_wait3A_181 = tpu.memref_squeeze %dma_wait3A_180 : memref<1x64x128xf32, #tpu.memory_space<vmem>> -> memref<64x128xf32, #tpu.memory_space<vmem>>
          %dma_wait3A_182 = arith.constant 0 : i32
          %dma_wait3A_183 = tpu.memref_slice %arg8[%add3A_145, %dma_wait3A_182] : memref<40x64xi32, #tpu.memory_space<vmem>> -> memref<1x64xi32, #tpu.memory_space<vmem>>
          %dma_wait3A_184 = tpu.memref_squeeze %dma_wait3A_183 : memref<1x64xi32, #tpu.memory_space<vmem>> -> memref<64xi32, #tpu.memory_space<vmem>>
          %dma_wait3A_185 = arith.constant 0 : i32
          %dma_wait3A_186 = arith.constant 0 : i32
          %dma_wait3A_187 = tpu.memref_slice %arg10[%dma_wait3A_185, %dma_wait3A_186] : memref<10240x128xf32, #tpu.memory_space<vmem_shared>> -> memref<10240x128xf32, #tpu.memory_space<vmem_shared>>
          tpu.wait_indirect_dma semaphore(%run_scoped3A_167 : memref<!tpu.dma_semaphore, #tpu.memory_space<semaphore_mem>>) src(%dma_wait3A_181 : memref<64x128xf32, #tpu.memory_space<vmem>>) dst(%dma_wait3A_187 : memref<10240x128xf32, #tpu.memory_space<vmem_shared>>)
          tpu.yield
        }) : () -> ()
      }
      %scan3A_71 = arith.constant 10 : i32
    }
    %while3A_22 = arith.constant 1 : i32
    scf.for %while3A_28 = %while3A_20 to %while3A_16 step %while3A_22  : i32 {
      %mul3A_29 = arith.constant 40 : i32
      %mul3A_30 = arith.muli %while3A_28, %mul3A_29 : i32
      %add3A_31 = arith.addi %select_n3A, %mul3A_30 : i32
      "tpu.region"() ({
        %run_scoped3A = tpu.sem_alloc : memref<!tpu.dma_semaphore, #tpu.memory_space<semaphore_mem>>
        %dma_start3A_72 = arith.constant 0 : i32
        %dma_start3A_73 = tpu.memref_slice %arg3[%add3A_31, %dma_start3A_72] : memref<5120x64xi32, #tpu.memory_space<hbm>> -> memref<40x64xi32, #tpu.memory_space<hbm>>
        %dma_start3A_74 = arith.constant 0 : i32
        %dma_start3A_75 = tpu.memref_slice %arg3[%add3A_31, %dma_start3A_74] : memref<5120x64xi32, #tpu.memory_space<hbm>> -> memref<40x64xi32, #tpu.memory_space<hbm>>
        tpu.enqueue_dma source(%dma_start3A_75 : memref<40x64xi32, #tpu.memory_space<hbm>>) target(%arg7 : memref<40x64xi32, #tpu.memory_space<vmem>>) target_semaphore(%run_scoped3A : memref<!tpu.dma_semaphore, #tpu.memory_space<semaphore_mem>>)
        %dma_wait3A = arith.constant 0 : i32
        %dma_wait3A_76 = tpu.memref_slice %arg3[%add3A_31, %dma_wait3A] : memref<5120x64xi32, #tpu.memory_space<hbm>> -> memref<40x64xi32, #tpu.memory_space<hbm>>
        %dma_wait3A_77 = arith.constant 0 : i32
        %dma_wait3A_78 = tpu.memref_slice %arg3[%add3A_31, %dma_wait3A_77] : memref<5120x64xi32, #tpu.memory_space<hbm>> -> memref<40x64xi32, #tpu.memory_space<hbm>>
        tpu.wait_dma2 semaphore(%run_scoped3A : memref<!tpu.dma_semaphore, #tpu.memory_space<semaphore_mem>>) src(%dma_wait3A_78 : memref<40x64xi32, #tpu.memory_space<hbm>>) dst(%arg7 : memref<40x64xi32, #tpu.memory_space<vmem>>)
        tpu.yield
      }) : () -> ()
      "tpu.region"() ({
        %run_scoped3A = tpu.sem_alloc : memref<!tpu.dma_semaphore, #tpu.memory_space<semaphore_mem>>
        %dma_start3A_72 = arith.constant 0 : i32
        %dma_start3A_73 = tpu.memref_slice %arg4[%add3A_31, %dma_start3A_72] : memref<5120x64xi32, #tpu.memory_space<hbm>> -> memref<40x64xi32, #tpu.memory_space<hbm>>
        %dma_start3A_74 = arith.constant 0 : i32
        %dma_start3A_75 = tpu.memref_slice %arg4[%add3A_31, %dma_start3A_74] : memref<5120x64xi32, #tpu.memory_space<hbm>> -> memref<40x64xi32, #tpu.memory_space<hbm>>
        tpu.enqueue_dma source(%dma_start3A_75 : memref<40x64xi32, #tpu.memory_space<hbm>>) target(%arg8 : memref<40x64xi32, #tpu.memory_space<vmem>>) target_semaphore(%run_scoped3A : memref<!tpu.dma_semaphore, #tpu.memory_space<semaphore_mem>>)
        %dma_wait3A = arith.constant 0 : i32
        %dma_wait3A_76 = tpu.memref_slice %arg4[%add3A_31, %dma_wait3A] : memref<5120x64xi32, #tpu.memory_space<hbm>> -> memref<40x64xi32, #tpu.memory_space<hbm>>
        %dma_wait3A_77 = arith.constant 0 : i32
        %dma_wait3A_78 = tpu.memref_slice %arg4[%add3A_31, %dma_wait3A_77] : memref<5120x64xi32, #tpu.memory_space<hbm>> -> memref<40x64xi32, #tpu.memory_space<hbm>>
        tpu.wait_dma2 semaphore(%run_scoped3A : memref<!tpu.dma_semaphore, #tpu.memory_space<semaphore_mem>>) src(%dma_wait3A_78 : memref<40x64xi32, #tpu.memory_space<hbm>>) dst(%arg8 : memref<40x64xi32, #tpu.memory_space<vmem>>)
        tpu.yield
      }) : () -> ()
      %dma_start3A = arith.constant 0 : i32
      %dma_start3A_32 = arith.constant 0 : i32
      %dma_start3A_33 = arith.constant 0 : i32
      %dma_start3A_34 = arith.constant 0 : i32
      %dma_start3A_35 = tpu.memref_slice %arg9[%dma_start3A_32, %dma_start3A_33, %dma_start3A_34] : memref<4x64x128xf32, #tpu.memory_space<vmem>> -> memref<1x64x128xf32, #tpu.memory_space<vmem>>
      %dma_start3A_36 = tpu.memref_squeeze %dma_start3A_35 : memref<1x64x128xf32, #tpu.memory_space<vmem>> -> memref<64x128xf32, #tpu.memory_space<vmem>>
      %dma_start3A_37 = arith.constant 0 : i32
      %dma_start3A_38 = tpu.memref_slice %arg7[%dma_start3A, %dma_start3A_37] : memref<40x64xi32, #tpu.memory_space<vmem>> -> memref<1x64xi32, #tpu.memory_space<vmem>>
      %dma_start3A_39 = tpu.memref_squeeze %dma_start3A_38 : memref<1x64xi32, #tpu.memory_space<vmem>> -> memref<64xi32, #tpu.memory_space<vmem>>
      %dma_start3A_40 = arith.constant 0 : i32
      %dma_start3A_41 = arith.constant 0 : i32
      %dma_start3A_42 = tpu.memref_slice %arg2[%dma_start3A_40, %dma_start3A_41] : memref<10000x128xf32, #tpu.memory_space<hbm>> -> memref<10000x128xf32, #tpu.memory_space<hbm>>
      tpu.enqueue_indirect_dma source(%dma_start3A_42 : memref<10000x128xf32, #tpu.memory_space<hbm>>) target(%dma_start3A_36 : memref<64x128xf32, #tpu.memory_space<vmem>>) offsets(%dma_start3A_39 : memref<64xi32, #tpu.memory_space<vmem>>) semaphore(%arg11 : memref<!tpu.dma_semaphore, #tpu.memory_space<semaphore_mem>>)
      %dma_start3A_43 = arith.constant 1 : i32
      %dma_start3A_44 = arith.constant 1 : i32
      %dma_start3A_45 = arith.constant 0 : i32
      %dma_start3A_46 = arith.constant 0 : i32
      %dma_start3A_47 = tpu.memref_slice %arg9[%dma_start3A_44, %dma_start3A_45, %dma_start3A_46] : memref<4x64x128xf32, #tpu.memory_space<vmem>> -> memref<1x64x128xf32, #tpu.memory_space<vmem>>
      %dma_start3A_48 = tpu.memref_squeeze %dma_start3A_47 : memref<1x64x128xf32, #tpu.memory_space<vmem>> -> memref<64x128xf32, #tpu.memory_space<vmem>>
      %dma_start3A_49 = arith.constant 0 : i32
      %dma_start3A_50 = tpu.memref_slice %arg7[%dma_start3A_43, %dma_start3A_49] : memref<40x64xi32, #tpu.memory_space<vmem>> -> memref<1x64xi32, #tpu.memory_space<vmem>>
      %dma_start3A_51 = tpu.memref_squeeze %dma_start3A_50 : memref<1x64xi32, #tpu.memory_space<vmem>> -> memref<64xi32, #tpu.memory_space<vmem>>
      %dma_start3A_52 = arith.constant 0 : i32
      %dma_start3A_53 = arith.constant 0 : i32
      %dma_start3A_54 = tpu.memref_slice %arg2[%dma_start3A_52, %dma_start3A_53] : memref<10000x128xf32, #tpu.memory_space<hbm>> -> memref<10000x128xf32, #tpu.memory_space<hbm>>
      tpu.enqueue_indirect_dma source(%dma_start3A_54 : memref<10000x128xf32, #tpu.memory_space<hbm>>) target(%dma_start3A_48 : memref<64x128xf32, #tpu.memory_space<vmem>>) offsets(%dma_start3A_51 : memref<64xi32, #tpu.memory_space<vmem>>) semaphore(%arg11 : memref<!tpu.dma_semaphore, #tpu.memory_space<semaphore_mem>>)
      %dma_start3A_55 = arith.constant 2 : i32
      %dma_start3A_56 = arith.constant 2 : i32
      %dma_start3A_57 = arith.constant 0 : i32
      %dma_start3A_58 = arith.constant 0 : i32
      %dma_start3A_59 = tpu.memref_slice %arg9[%dma_start3A_56, %dma_start3A_57, %dma_start3A_58] : memref<4x64x128xf32, #tpu.memory_space<vmem>> -> memref<1x64x128xf32, #tpu.memory_space<vmem>>
      %dma_start3A_60 = tpu.memref_squeeze %dma_start3A_59 : memref<1x64x128xf32, #tpu.memory_space<vmem>> -> memref<64x128xf32, #tpu.memory_space<vmem>>
      %dma_start3A_61 = arith.constant 0 : i32
      %dma_start3A_62 = tpu.memref_slice %arg7[%dma_start3A_55, %dma_start3A_61] : memref<40x64xi32, #tpu.memory_space<vmem>> -> memref<1x64xi32, #tpu.memory_space<vmem>>
      %dma_start3A_63 = tpu.memref_squeeze %dma_start3A_62 : memref<1x64xi32, #tpu.memory_space<vmem>> -> memref<64xi32, #tpu.memory_space<vmem>>
      %dma_start3A_64 = arith.constant 0 : i32
      %dma_start3A_65 = arith.constant 0 : i32
      %dma_start3A_66 = tpu.memref_slice %arg2[%dma_start3A_64, %dma_start3A_65] : memref<10000x128xf32, #tpu.memory_space<hbm>> -> memref<10000x128xf32, #tpu.memory_space<hbm>>
      tpu.enqueue_indirect_dma source(%dma_start3A_66 : memref<10000x128xf32, #tpu.memory_space<hbm>>) target(%dma_start3A_60 : memref<64x128xf32, #tpu.memory_space<vmem>>) offsets(%dma_start3A_63 : memref<64xi32, #tpu.memory_space<vmem>>) semaphore(%arg11 : memref<!tpu.dma_semaphore, #tpu.memory_space<semaphore_mem>>)
      %scan3A = arith.constant 0 : i32
      %scan3A_67 = arith.constant 0 : i32
      %scan3A_68 = arith.constant 10 : i32
      %scan3A_69 = arith.addi %scan3A_67, %scan3A_68 : i32
      %scan3A_70 = arith.constant 1 : i32
      scf.for %scan3A_72 = %scan3A_67 to %scan3A_69 step %scan3A_70  : i32 {
        %mul3A_73 = arith.constant 4 : i32
        %mul3A_74 = arith.muli %scan3A_72, %mul3A_73 : i32
        %add3A_75 = arith.constant 0 : i32
        %add3A_76 = arith.addi %mul3A_74, %add3A_75 : i32
        %dma_wait3A = arith.constant 0 : i32
        %dma_wait3A_77 = arith.constant 0 : i32
        %dma_wait3A_78 = arith.constant 0 : i32
        %dma_wait3A_79 = tpu.memref_slice %arg9[%dma_wait3A, %dma_wait3A_77, %dma_wait3A_78] : memref<4x64x128xf32, #tpu.memory_space<vmem>> -> memref<1x64x128xf32, #tpu.memory_space<vmem>>
        %dma_wait3A_80 = tpu.memref_squeeze %dma_wait3A_79 : memref<1x64x128xf32, #tpu.memory_space<vmem>> -> memref<64x128xf32, #tpu.memory_space<vmem>>
        %dma_wait3A_81 = arith.constant 0 : i32
        %dma_wait3A_82 = tpu.memref_slice %arg7[%add3A_76, %dma_wait3A_81] : memref<40x64xi32, #tpu.memory_space<vmem>> -> memref<1x64xi32, #tpu.memory_space<vmem>>
        %dma_wait3A_83 = tpu.memref_squeeze %dma_wait3A_82 : memref<1x64xi32, #tpu.memory_space<vmem>> -> memref<64xi32, #tpu.memory_space<vmem>>
        %dma_wait3A_84 = arith.constant 0 : i32
        %dma_wait3A_85 = arith.constant 0 : i32
        %dma_wait3A_86 = tpu.memref_slice %arg2[%dma_wait3A_84, %dma_wait3A_85] : memref<10000x128xf32, #tpu.memory_space<hbm>> -> memref<10000x128xf32, #tpu.memory_space<hbm>>
        tpu.wait_indirect_dma semaphore(%arg11 : memref<!tpu.dma_semaphore, #tpu.memory_space<semaphore_mem>>) src(%dma_wait3A_86 : memref<10000x128xf32, #tpu.memory_space<hbm>>) dst(%dma_wait3A_80 : memref<64x128xf32, #tpu.memory_space<vmem>>)
        %add3A_87 = arith.constant 4 : i32
        %add3A_88 = arith.addi %add3A_76, %add3A_87 : i32
        %sub3A = arith.constant 1 : i32
        %sub3A_89 = arith.subi %add3A_88, %sub3A : i32
        %lt3A = arith.constant 40 : i32
        %lt3A_90 = arith.cmpi slt, %sub3A_89, %lt3A : i32
        %convert_element_type3A = arith.extui %lt3A_90 : i1 to i32
        %cond3A = arith.constant 0 : i32
        %cond3A_91 = arith.cmpi ne, %convert_element_type3A, %cond3A : i32
        scf.if %cond3A_91 {
          %dma_start3A_167 = arith.constant 3 : i32
          %dma_start3A_168 = arith.constant 0 : i32
          %dma_start3A_169 = arith.constant 0 : i32
          %dma_start3A_170 = tpu.memref_slice %arg9[%dma_start3A_167, %dma_start3A_168, %dma_start3A_169] : memref<4x64x128xf32, #tpu.memory_space<vmem>> -> memref<1x64x128xf32, #tpu.memory_space<vmem>>
          %dma_start3A_171 = tpu.memref_squeeze %dma_start3A_170 : memref<1x64x128xf32, #tpu.memory_space<vmem>> -> memref<64x128xf32, #tpu.memory_space<vmem>>
          %dma_start3A_172 = arith.constant 0 : i32
          %dma_start3A_173 = tpu.memref_slice %arg7[%sub3A_89, %dma_start3A_172] : memref<40x64xi32, #tpu.memory_space<vmem>> -> memref<1x64xi32, #tpu.memory_space<vmem>>
          %dma_start3A_174 = tpu.memref_squeeze %dma_start3A_173 : memref<1x64xi32, #tpu.memory_space<vmem>> -> memref<64xi32, #tpu.memory_space<vmem>>
          %dma_start3A_175 = arith.constant 0 : i32
          %dma_start3A_176 = arith.constant 0 : i32
          %dma_start3A_177 = tpu.memref_slice %arg2[%dma_start3A_175, %dma_start3A_176] : memref<10000x128xf32, #tpu.memory_space<hbm>> -> memref<10000x128xf32, #tpu.memory_space<hbm>>
          tpu.enqueue_indirect_dma source(%dma_start3A_177 : memref<10000x128xf32, #tpu.memory_space<hbm>>) target(%dma_start3A_171 : memref<64x128xf32, #tpu.memory_space<vmem>>) offsets(%dma_start3A_174 : memref<64xi32, #tpu.memory_space<vmem>>) semaphore(%arg11 : memref<!tpu.dma_semaphore, #tpu.memory_space<semaphore_mem>>)
        } else {
        }
        %run_scoped3A = arith.constant 0 : i32
        "tpu.region"() ({
          %run_scoped3A_167 = tpu.sem_alloc : memref<!tpu.dma_semaphore, #tpu.memory_space<semaphore_mem>>
          %dma_start3A_168 = arith.constant 0 : i32
          %dma_start3A_169 = arith.constant 0 : i32
          %dma_start3A_170 = tpu.memref_slice %arg9[%run_scoped3A, %dma_start3A_168, %dma_start3A_169] : memref<4x64x128xf32, #tpu.memory_space<vmem>> -> memref<1x64x128xf32, #tpu.memory_space<vmem>>
          %dma_start3A_171 = tpu.memref_squeeze %dma_start3A_170 : memref<1x64x128xf32, #tpu.memory_space<vmem>> -> memref<64x128xf32, #tpu.memory_space<vmem>>
          %dma_start3A_172 = arith.constant 0 : i32
          %dma_start3A_173 = tpu.memref_slice %arg8[%add3A_76, %dma_start3A_172] : memref<40x64xi32, #tpu.memory_space<vmem>> -> memref<1x64xi32, #tpu.memory_space<vmem>>
          %dma_start3A_174 = tpu.memref_squeeze %dma_start3A_173 : memref<1x64xi32, #tpu.memory_space<vmem>> -> memref<64xi32, #tpu.memory_space<vmem>>
          %dma_start3A_175 = arith.constant 0 : i32
          %dma_start3A_176 = arith.constant 0 : i32
          %dma_start3A_177 = tpu.memref_slice %arg10[%dma_start3A_175, %dma_start3A_176] : memref<10240x128xf32, #tpu.memory_space<vmem_shared>> -> memref<10240x128xf32, #tpu.memory_space<vmem_shared>>
          tpu.enqueue_indirect_dma source(%dma_start3A_171 : memref<64x128xf32, #tpu.memory_space<vmem>>) target(%dma_start3A_177 : memref<10240x128xf32, #tpu.memory_space<vmem_shared>>) offsets(%dma_start3A_174 : memref<64xi32, #tpu.memory_space<vmem>>) semaphore(%run_scoped3A_167 : memref<!tpu.dma_semaphore, #tpu.memory_space<semaphore_mem>>) {add = true}
          %dma_wait3A_178 = arith.constant 0 : i32
          %dma_wait3A_179 = arith.constant 0 : i32
          %dma_wait3A_180 = tpu.memref_slice %arg9[%run_scoped3A, %dma_wait3A_178, %dma_wait3A_179] : memref<4x64x128xf32, #tpu.memory_space<vmem>> -> memref<1x64x128xf32, #tpu.memory_space<vmem>>
          %dma_wait3A_181 = tpu.memref_squeeze %dma_wait3A_180 : memref<1x64x128xf32, #tpu.memory_space<vmem>> -> memref<64x128xf32, #tpu.memory_space<vmem>>
          %dma_wait3A_182 = arith.constant 0 : i32
          %dma_wait3A_183 = tpu.memref_slice %arg8[%add3A_76, %dma_wait3A_182] : memref<40x64xi32, #tpu.memory_space<vmem>> -> memref<1x64xi32, #tpu.memory_space<vmem>>
          %dma_wait3A_184 = tpu.memref_squeeze %dma_wait3A_183 : memref<1x64xi32, #tpu.memory_space<vmem>> -> memref<64xi32, #tpu.memory_space<vmem>>
          %dma_wait3A_185 = arith.constant 0 : i32
          %dma_wait3A_186 = arith.constant 0 : i32
          %dma_wait3A_187 = tpu.memref_slice %arg10[%dma_wait3A_185, %dma_wait3A_186] : memref<10240x128xf32, #tpu.memory_space<vmem_shared>> -> memref<10240x128xf32, #tpu.memory_space<vmem_shared>>
          tpu.wait_indirect_dma semaphore(%run_scoped3A_167 : memref<!tpu.dma_semaphore, #tpu.memory_space<semaphore_mem>>) src(%dma_wait3A_181 : memref<64x128xf32, #tpu.memory_space<vmem>>) dst(%dma_wait3A_187 : memref<10240x128xf32, #tpu.memory_space<vmem_shared>>)
          tpu.yield
        }) : () -> ()
        %mul3A_92 = arith.constant 4 : i32
        %mul3A_93 = arith.muli %scan3A_72, %mul3A_92 : i32
        %add3A_94 = arith.constant 1 : i32
        %add3A_95 = arith.addi %mul3A_93, %add3A_94 : i32
        %dma_wait3A_96 = arith.constant 1 : i32
        %dma_wait3A_97 = arith.constant 0 : i32
        %dma_wait3A_98 = arith.constant 0 : i32
        %dma_wait3A_99 = tpu.memref_slice %arg9[%dma_wait3A_96, %dma_wait3A_97, %dma_wait3A_98] : memref<4x64x128xf32, #tpu.memory_space<vmem>> -> memref<1x64x128xf32, #tpu.memory_space<vmem>>
        %dma_wait3A_100 = tpu.memref_squeeze %dma_wait3A_99 : memref<1x64x128xf32, #tpu.memory_space<vmem>> -> memref<64x128xf32, #tpu.memory_space<vmem>>
        %dma_wait3A_101 = arith.constant 0 : i32
        %dma_wait3A_102 = tpu.memref_slice %arg7[%add3A_95, %dma_wait3A_101] : memref<40x64xi32, #tpu.memory_space<vmem>> -> memref<1x64xi32, #tpu.memory_space<vmem>>
        %dma_wait3A_103 = tpu.memref_squeeze %dma_wait3A_102 : memref<1x64xi32, #tpu.memory_space<vmem>> -> memref<64xi32, #tpu.memory_space<vmem>>
        %dma_wait3A_104 = arith.constant 0 : i32
        %dma_wait3A_105 = arith.constant 0 : i32
        %dma_wait3A_106 = tpu.memref_slice %arg2[%dma_wait3A_104, %dma_wait3A_105] : memref<10000x128xf32, #tpu.memory_space<hbm>> -> memref<10000x128xf32, #tpu.memory_space<hbm>>
        tpu.wait_indirect_dma semaphore(%arg11 : memref<!tpu.dma_semaphore, #tpu.memory_space<semaphore_mem>>) src(%dma_wait3A_106 : memref<10000x128xf32, #tpu.memory_space<hbm>>) dst(%dma_wait3A_100 : memref<64x128xf32, #tpu.memory_space<vmem>>)
        %add3A_107 = arith.constant 4 : i32
        %add3A_108 = arith.addi %add3A_95, %add3A_107 : i32
        %sub3A_109 = arith.constant 1 : i32
        %sub3A_110 = arith.subi %add3A_108, %sub3A_109 : i32
        %lt3A_111 = arith.constant 40 : i32
        %lt3A_112 = arith.cmpi slt, %sub3A_110, %lt3A_111 : i32
        %convert_element_type3A_113 = arith.extui %lt3A_112 : i1 to i32
        %cond3A_114 = arith.constant 0 : i32
        %cond3A_115 = arith.cmpi ne, %convert_element_type3A_113, %cond3A_114 : i32
        scf.if %cond3A_115 {
          %dma_start3A_167 = arith.constant 0 : i32
          %dma_start3A_168 = arith.constant 0 : i32
          %dma_start3A_169 = arith.constant 0 : i32
          %dma_start3A_170 = tpu.memref_slice %arg9[%dma_start3A_167, %dma_start3A_168, %dma_start3A_169] : memref<4x64x128xf32, #tpu.memory_space<vmem>> -> memref<1x64x128xf32, #tpu.memory_space<vmem>>
          %dma_start3A_171 = tpu.memref_squeeze %dma_start3A_170 : memref<1x64x128xf32, #tpu.memory_space<vmem>> -> memref<64x128xf32, #tpu.memory_space<vmem>>
          %dma_start3A_172 = arith.constant 0 : i32
          %dma_start3A_173 = tpu.memref_slice %arg7[%sub3A_110, %dma_start3A_172] : memref<40x64xi32, #tpu.memory_space<vmem>> -> memref<1x64xi32, #tpu.memory_space<vmem>>
          %dma_start3A_174 = tpu.memref_squeeze %dma_start3A_173 : memref<1x64xi32, #tpu.memory_space<vmem>> -> memref<64xi32, #tpu.memory_space<vmem>>
          %dma_start3A_175 = arith.constant 0 : i32
          %dma_start3A_176 = arith.constant 0 : i32
          %dma_start3A_177 = tpu.memref_slice %arg2[%dma_start3A_175, %dma_start3A_176] : memref<10000x128xf32, #tpu.memory_space<hbm>> -> memref<10000x128xf32, #tpu.memory_space<hbm>>
          tpu.enqueue_indirect_dma source(%dma_start3A_177 : memref<10000x128xf32, #tpu.memory_space<hbm>>) target(%dma_start3A_171 : memref<64x128xf32, #tpu.memory_space<vmem>>) offsets(%dma_start3A_174 : memref<64xi32, #tpu.memory_space<vmem>>) semaphore(%arg11 : memref<!tpu.dma_semaphore, #tpu.memory_space<semaphore_mem>>)
        } else {
        }
        %run_scoped3A_116 = arith.constant 1 : i32
        "tpu.region"() ({
          %run_scoped3A_167 = tpu.sem_alloc : memref<!tpu.dma_semaphore, #tpu.memory_space<semaphore_mem>>
          %dma_start3A_168 = arith.constant 0 : i32
          %dma_start3A_169 = arith.constant 0 : i32
          %dma_start3A_170 = tpu.memref_slice %arg9[%run_scoped3A_116, %dma_start3A_168, %dma_start3A_169] : memref<4x64x128xf32, #tpu.memory_space<vmem>> -> memref<1x64x128xf32, #tpu.memory_space<vmem>>
          %dma_start3A_171 = tpu.memref_squeeze %dma_start3A_170 : memref<1x64x128xf32, #tpu.memory_space<vmem>> -> memref<64x128xf32, #tpu.memory_space<vmem>>
          %dma_start3A_172 = arith.constant 0 : i32
          %dma_start3A_173 = tpu.memref_slice %arg8[%add3A_95, %dma_start3A_172] : memref<40x64xi32, #tpu.memory_space<vmem>> -> memref<1x64xi32, #tpu.memory_space<vmem>>
          %dma_start3A_174 = tpu.memref_squeeze %dma_start3A_173 : memref<1x64xi32, #tpu.memory_space<vmem>> -> memref<64xi32, #tpu.memory_space<vmem>>
          %dma_start3A_175 = arith.constant 0 : i32
          %dma_start3A_176 = arith.constant 0 : i32
          %dma_start3A_177 = tpu.memref_slice %arg10[%dma_start3A_175, %dma_start3A_176] : memref<10240x128xf32, #tpu.memory_space<vmem_shared>> -> memref<10240x128xf32, #tpu.memory_space<vmem_shared>>
          tpu.enqueue_indirect_dma source(%dma_start3A_171 : memref<64x128xf32, #tpu.memory_space<vmem>>) target(%dma_start3A_177 : memref<10240x128xf32, #tpu.memory_space<vmem_shared>>) offsets(%dma_start3A_174 : memref<64xi32, #tpu.memory_space<vmem>>) semaphore(%run_scoped3A_167 : memref<!tpu.dma_semaphore, #tpu.memory_space<semaphore_mem>>) {add = true}
          %dma_wait3A_178 = arith.constant 0 : i32
          %dma_wait3A_179 = arith.constant 0 : i32
          %dma_wait3A_180 = tpu.memref_slice %arg9[%run_scoped3A_116, %dma_wait3A_178, %dma_wait3A_179] : memref<4x64x128xf32, #tpu.memory_space<vmem>> -> memref<1x64x128xf32, #tpu.memory_space<vmem>>
          %dma_wait3A_181 = tpu.memref_squeeze %dma_wait3A_180 : memref<1x64x128xf32, #tpu.memory_space<vmem>> -> memref<64x128xf32, #tpu.memory_space<vmem>>
          %dma_wait3A_182 = arith.constant 0 : i32
          %dma_wait3A_183 = tpu.memref_slice %arg8[%add3A_95, %dma_wait3A_182] : memref<40x64xi32, #tpu.memory_space<vmem>> -> memref<1x64xi32, #tpu.memory_space<vmem>>
          %dma_wait3A_184 = tpu.memref_squeeze %dma_wait3A_183 : memref<1x64xi32, #tpu.memory_space<vmem>> -> memref<64xi32, #tpu.memory_space<vmem>>
          %dma_wait3A_185 = arith.constant 0 : i32
          %dma_wait3A_186 = arith.constant 0 : i32
          %dma_wait3A_187 = tpu.memref_slice %arg10[%dma_wait3A_185, %dma_wait3A_186] : memref<10240x128xf32, #tpu.memory_space<vmem_shared>> -> memref<10240x128xf32, #tpu.memory_space<vmem_shared>>
          tpu.wait_indirect_dma semaphore(%run_scoped3A_167 : memref<!tpu.dma_semaphore, #tpu.memory_space<semaphore_mem>>) src(%dma_wait3A_181 : memref<64x128xf32, #tpu.memory_space<vmem>>) dst(%dma_wait3A_187 : memref<10240x128xf32, #tpu.memory_space<vmem_shared>>)
          tpu.yield
        }) : () -> ()
        %mul3A_117 = arith.constant 4 : i32
        %mul3A_118 = arith.muli %scan3A_72, %mul3A_117 : i32
        %add3A_119 = arith.constant 2 : i32
        %add3A_120 = arith.addi %mul3A_118, %add3A_119 : i32
        %dma_wait3A_121 = arith.constant 2 : i32
        %dma_wait3A_122 = arith.constant 0 : i32
        %dma_wait3A_123 = arith.constant 0 : i32
        %dma_wait3A_124 = tpu.memref_slice %arg9[%dma_wait3A_121, %dma_wait3A_122, %dma_wait3A_123] : memref<4x64x128xf32, #tpu.memory_space<vmem>> -> memref<1x64x128xf32, #tpu.memory_space<vmem>>
        %dma_wait3A_125 = tpu.memref_squeeze %dma_wait3A_124 : memref<1x64x128xf32, #tpu.memory_space<vmem>> -> memref<64x128xf32, #tpu.memory_space<vmem>>
        %dma_wait3A_126 = arith.constant 0 : i32
        %dma_wait3A_127 = tpu.memref_slice %arg7[%add3A_120, %dma_wait3A_126] : memref<40x64xi32, #tpu.memory_space<vmem>> -> memref<1x64xi32, #tpu.memory_space<vmem>>
        %dma_wait3A_128 = tpu.memref_squeeze %dma_wait3A_127 : memref<1x64xi32, #tpu.memory_space<vmem>> -> memref<64xi32, #tpu.memory_space<vmem>>
        %dma_wait3A_129 = arith.constant 0 : i32
        %dma_wait3A_130 = arith.constant 0 : i32
        %dma_wait3A_131 = tpu.memref_slice %arg2[%dma_wait3A_129, %dma_wait3A_130] : memref<10000x128xf32, #tpu.memory_space<hbm>> -> memref<10000x128xf32, #tpu.memory_space<hbm>>
        tpu.wait_indirect_dma semaphore(%arg11 : memref<!tpu.dma_semaphore, #tpu.memory_space<semaphore_mem>>) src(%dma_wait3A_131 : memref<10000x128xf32, #tpu.memory_space<hbm>>) dst(%dma_wait3A_125 : memref<64x128xf32, #tpu.memory_space<vmem>>)
        %add3A_132 = arith.constant 4 : i32
        %add3A_133 = arith.addi %add3A_120, %add3A_132 : i32
        %sub3A_134 = arith.constant 1 : i32
        %sub3A_135 = arith.subi %add3A_133, %sub3A_134 : i32
        %lt3A_136 = arith.constant 40 : i32
        %lt3A_137 = arith.cmpi slt, %sub3A_135, %lt3A_136 : i32
        %convert_element_type3A_138 = arith.extui %lt3A_137 : i1 to i32
        %cond3A_139 = arith.constant 0 : i32
        %cond3A_140 = arith.cmpi ne, %convert_element_type3A_138, %cond3A_139 : i32
        scf.if %cond3A_140 {
          %dma_start3A_167 = arith.constant 1 : i32
          %dma_start3A_168 = arith.constant 0 : i32
          %dma_start3A_169 = arith.constant 0 : i32
          %dma_start3A_170 = tpu.memref_slice %arg9[%dma_start3A_167, %dma_start3A_168, %dma_start3A_169] : memref<4x64x128xf32, #tpu.memory_space<vmem>> -> memref<1x64x128xf32, #tpu.memory_space<vmem>>
          %dma_start3A_171 = tpu.memref_squeeze %dma_start3A_170 : memref<1x64x128xf32, #tpu.memory_space<vmem>> -> memref<64x128xf32, #tpu.memory_space<vmem>>
          %dma_start3A_172 = arith.constant 0 : i32
          %dma_start3A_173 = tpu.memref_slice %arg7[%sub3A_135, %dma_start3A_172] : memref<40x64xi32, #tpu.memory_space<vmem>> -> memref<1x64xi32, #tpu.memory_space<vmem>>
          %dma_start3A_174 = tpu.memref_squeeze %dma_start3A_173 : memref<1x64xi32, #tpu.memory_space<vmem>> -> memref<64xi32, #tpu.memory_space<vmem>>
          %dma_start3A_175 = arith.constant 0 : i32
          %dma_start3A_176 = arith.constant 0 : i32
          %dma_start3A_177 = tpu.memref_slice %arg2[%dma_start3A_175, %dma_start3A_176] : memref<10000x128xf32, #tpu.memory_space<hbm>> -> memref<10000x128xf32, #tpu.memory_space<hbm>>
          tpu.enqueue_indirect_dma source(%dma_start3A_177 : memref<10000x128xf32, #tpu.memory_space<hbm>>) target(%dma_start3A_171 : memref<64x128xf32, #tpu.memory_space<vmem>>) offsets(%dma_start3A_174 : memref<64xi32, #tpu.memory_space<vmem>>) semaphore(%arg11 : memref<!tpu.dma_semaphore, #tpu.memory_space<semaphore_mem>>)
        } else {
        }
        %run_scoped3A_141 = arith.constant 2 : i32
        "tpu.region"() ({
          %run_scoped3A_167 = tpu.sem_alloc : memref<!tpu.dma_semaphore, #tpu.memory_space<semaphore_mem>>
          %dma_start3A_168 = arith.constant 0 : i32
          %dma_start3A_169 = arith.constant 0 : i32
          %dma_start3A_170 = tpu.memref_slice %arg9[%run_scoped3A_141, %dma_start3A_168, %dma_start3A_169] : memref<4x64x128xf32, #tpu.memory_space<vmem>> -> memref<1x64x128xf32, #tpu.memory_space<vmem>>
          %dma_start3A_171 = tpu.memref_squeeze %dma_start3A_170 : memref<1x64x128xf32, #tpu.memory_space<vmem>> -> memref<64x128xf32, #tpu.memory_space<vmem>>
          %dma_start3A_172 = arith.constant 0 : i32
          %dma_start3A_173 = tpu.memref_slice %arg8[%add3A_120, %dma_start3A_172] : memref<40x64xi32, #tpu.memory_space<vmem>> -> memref<1x64xi32, #tpu.memory_space<vmem>>
          %dma_start3A_174 = tpu.memref_squeeze %dma_start3A_173 : memref<1x64xi32, #tpu.memory_space<vmem>> -> memref<64xi32, #tpu.memory_space<vmem>>
          %dma_start3A_175 = arith.constant 0 : i32
          %dma_start3A_176 = arith.constant 0 : i32
          %dma_start3A_177 = tpu.memref_slice %arg10[%dma_start3A_175, %dma_start3A_176] : memref<10240x128xf32, #tpu.memory_space<vmem_shared>> -> memref<10240x128xf32, #tpu.memory_space<vmem_shared>>
          tpu.enqueue_indirect_dma source(%dma_start3A_171 : memref<64x128xf32, #tpu.memory_space<vmem>>) target(%dma_start3A_177 : memref<10240x128xf32, #tpu.memory_space<vmem_shared>>) offsets(%dma_start3A_174 : memref<64xi32, #tpu.memory_space<vmem>>) semaphore(%run_scoped3A_167 : memref<!tpu.dma_semaphore, #tpu.memory_space<semaphore_mem>>) {add = true}
          %dma_wait3A_178 = arith.constant 0 : i32
          %dma_wait3A_179 = arith.constant 0 : i32
          %dma_wait3A_180 = tpu.memref_slice %arg9[%run_scoped3A_141, %dma_wait3A_178, %dma_wait3A_179] : memref<4x64x128xf32, #tpu.memory_space<vmem>> -> memref<1x64x128xf32, #tpu.memory_space<vmem>>
          %dma_wait3A_181 = tpu.memref_squeeze %dma_wait3A_180 : memref<1x64x128xf32, #tpu.memory_space<vmem>> -> memref<64x128xf32, #tpu.memory_space<vmem>>
          %dma_wait3A_182 = arith.constant 0 : i32
          %dma_wait3A_183 = tpu.memref_slice %arg8[%add3A_120, %dma_wait3A_182] : memref<40x64xi32, #tpu.memory_space<vmem>> -> memref<1x64xi32, #tpu.memory_space<vmem>>
          %dma_wait3A_184 = tpu.memref_squeeze %dma_wait3A_183 : memref<1x64xi32, #tpu.memory_space<vmem>> -> memref<64xi32, #tpu.memory_space<vmem>>
          %dma_wait3A_185 = arith.constant 0 : i32
          %dma_wait3A_186 = arith.constant 0 : i32
          %dma_wait3A_187 = tpu.memref_slice %arg10[%dma_wait3A_185, %dma_wait3A_186] : memref<10240x128xf32, #tpu.memory_space<vmem_shared>> -> memref<10240x128xf32, #tpu.memory_space<vmem_shared>>
          tpu.wait_indirect_dma semaphore(%run_scoped3A_167 : memref<!tpu.dma_semaphore, #tpu.memory_space<semaphore_mem>>) src(%dma_wait3A_181 : memref<64x128xf32, #tpu.memory_space<vmem>>) dst(%dma_wait3A_187 : memref<10240x128xf32, #tpu.memory_space<vmem_shared>>)
          tpu.yield
        }) : () -> ()
        %mul3A_142 = arith.constant 4 : i32
        %mul3A_143 = arith.muli %scan3A_72, %mul3A_142 : i32
        %add3A_144 = arith.constant 3 : i32
        %add3A_145 = arith.addi %mul3A_143, %add3A_144 : i32
        %dma_wait3A_146 = arith.constant 3 : i32
        %dma_wait3A_147 = arith.constant 0 : i32
        %dma_wait3A_148 = arith.constant 0 : i32
        %dma_wait3A_149 = tpu.memref_slice %arg9[%dma_wait3A_146, %dma_wait3A_147, %dma_wait3A_148] : memref<4x64x128xf32, #tpu.memory_space<vmem>> -> memref<1x64x128xf32, #tpu.memory_space<vmem>>
        %dma_wait3A_150 = tpu.memref_squeeze %dma_wait3A_149 : memref<1x64x128xf32, #tpu.memory_space<vmem>> -> memref<64x128xf32, #tpu.memory_space<vmem>>
        %dma_wait3A_151 = arith.constant 0 : i32
        %dma_wait3A_152 = tpu.memref_slice %arg7[%add3A_145, %dma_wait3A_151] : memref<40x64xi32, #tpu.memory_space<vmem>> -> memref<1x64xi32, #tpu.memory_space<vmem>>
        %dma_wait3A_153 = tpu.memref_squeeze %dma_wait3A_152 : memref<1x64xi32, #tpu.memory_space<vmem>> -> memref<64xi32, #tpu.memory_space<vmem>>
        %dma_wait3A_154 = arith.constant 0 : i32
        %dma_wait3A_155 = arith.constant 0 : i32
        %dma_wait3A_156 = tpu.memref_slice %arg2[%dma_wait3A_154, %dma_wait3A_155] : memref<10000x128xf32, #tpu.memory_space<hbm>> -> memref<10000x128xf32, #tpu.memory_space<hbm>>
        tpu.wait_indirect_dma semaphore(%arg11 : memref<!tpu.dma_semaphore, #tpu.memory_space<semaphore_mem>>) src(%dma_wait3A_156 : memref<10000x128xf32, #tpu.memory_space<hbm>>) dst(%dma_wait3A_150 : memref<64x128xf32, #tpu.memory_space<vmem>>)
        %add3A_157 = arith.constant 4 : i32
        %add3A_158 = arith.addi %add3A_145, %add3A_157 : i32
        %sub3A_159 = arith.constant 1 : i32
        %sub3A_160 = arith.subi %add3A_158, %sub3A_159 : i32
        %lt3A_161 = arith.constant 40 : i32
        %lt3A_162 = arith.cmpi slt, %sub3A_160, %lt3A_161 : i32
        %convert_element_type3A_163 = arith.extui %lt3A_162 : i1 to i32
        %cond3A_164 = arith.constant 0 : i32
        %cond3A_165 = arith.cmpi ne, %convert_element_type3A_163, %cond3A_164 : i32
        scf.if %cond3A_165 {
          %dma_start3A_167 = arith.constant 2 : i32
          %dma_start3A_168 = arith.constant 0 : i32
          %dma_start3A_169 = arith.constant 0 : i32
          %dma_start3A_170 = tpu.memref_slice %arg9[%dma_start3A_167, %dma_start3A_168, %dma_start3A_169] : memref<4x64x128xf32, #tpu.memory_space<vmem>> -> memref<1x64x128xf32, #tpu.memory_space<vmem>>
          %dma_start3A_171 = tpu.memref_squeeze %dma_start3A_170 : memref<1x64x128xf32, #tpu.memory_space<vmem>> -> memref<64x128xf32, #tpu.memory_space<vmem>>
          %dma_start3A_172 = arith.constant 0 : i32
          %dma_start3A_173 = tpu.memref_slice %arg7[%sub3A_160, %dma_start3A_172] : memref<40x64xi32, #tpu.memory_space<vmem>> -> memref<1x64xi32, #tpu.memory_space<vmem>>
          %dma_start3A_174 = tpu.memref_squeeze %dma_start3A_173 : memref<1x64xi32, #tpu.memory_space<vmem>> -> memref<64xi32, #tpu.memory_space<vmem>>
          %dma_start3A_175 = arith.constant 0 : i32
          %dma_start3A_176 = arith.constant 0 : i32
          %dma_start3A_177 = tpu.memref_slice %arg2[%dma_start3A_175, %dma_start3A_176] : memref<10000x128xf32, #tpu.memory_space<hbm>> -> memref<10000x128xf32, #tpu.memory_space<hbm>>
          tpu.enqueue_indirect_dma source(%dma_start3A_177 : memref<10000x128xf32, #tpu.memory_space<hbm>>) target(%dma_start3A_171 : memref<64x128xf32, #tpu.memory_space<vmem>>) offsets(%dma_start3A_174 : memref<64xi32, #tpu.memory_space<vmem>>) semaphore(%arg11 : memref<!tpu.dma_semaphore, #tpu.memory_space<semaphore_mem>>)
        } else {
        }
        %run_scoped3A_166 = arith.constant 3 : i32
        "tpu.region"() ({
          %run_scoped3A_167 = tpu.sem_alloc : memref<!tpu.dma_semaphore, #tpu.memory_space<semaphore_mem>>
          %dma_start3A_168 = arith.constant 0 : i32
          %dma_start3A_169 = arith.constant 0 : i32
          %dma_start3A_170 = tpu.memref_slice %arg9[%run_scoped3A_166, %dma_start3A_168, %dma_start3A_169] : memref<4x64x128xf32, #tpu.memory_space<vmem>> -> memref<1x64x128xf32, #tpu.memory_space<vmem>>
          %dma_start3A_171 = tpu.memref_squeeze %dma_start3A_170 : memref<1x64x128xf32, #tpu.memory_space<vmem>> -> memref<64x128xf32, #tpu.memory_space<vmem>>
          %dma_start3A_172 = arith.constant 0 : i32
          %dma_start3A_173 = tpu.memref_slice %arg8[%add3A_145, %dma_start3A_172] : memref<40x64xi32, #tpu.memory_space<vmem>> -> memref<1x64xi32, #tpu.memory_space<vmem>>
          %dma_start3A_174 = tpu.memref_squeeze %dma_start3A_173 : memref<1x64xi32, #tpu.memory_space<vmem>> -> memref<64xi32, #tpu.memory_space<vmem>>
          %dma_start3A_175 = arith.constant 0 : i32
          %dma_start3A_176 = arith.constant 0 : i32
          %dma_start3A_177 = tpu.memref_slice %arg10[%dma_start3A_175, %dma_start3A_176] : memref<10240x128xf32, #tpu.memory_space<vmem_shared>> -> memref<10240x128xf32, #tpu.memory_space<vmem_shared>>
          tpu.enqueue_indirect_dma source(%dma_start3A_171 : memref<64x128xf32, #tpu.memory_space<vmem>>) target(%dma_start3A_177 : memref<10240x128xf32, #tpu.memory_space<vmem_shared>>) offsets(%dma_start3A_174 : memref<64xi32, #tpu.memory_space<vmem>>) semaphore(%run_scoped3A_167 : memref<!tpu.dma_semaphore, #tpu.memory_space<semaphore_mem>>) {add = true}
          %dma_wait3A_178 = arith.constant 0 : i32
          %dma_wait3A_179 = arith.constant 0 : i32
          %dma_wait3A_180 = tpu.memref_slice %arg9[%run_scoped3A_166, %dma_wait3A_178, %dma_wait3A_179] : memref<4x64x128xf32, #tpu.memory_space<vmem>> -> memref<1x64x128xf32, #tpu.memory_space<vmem>>
          %dma_wait3A_181 = tpu.memref_squeeze %dma_wait3A_180 : memref<1x64x128xf32, #tpu.memory_space<vmem>> -> memref<64x128xf32, #tpu.memory_space<vmem>>
          %dma_wait3A_182 = arith.constant 0 : i32
          %dma_wait3A_183 = tpu.memref_slice %arg8[%add3A_145, %dma_wait3A_182] : memref<40x64xi32, #tpu.memory_space<vmem>> -> memref<1x64xi32, #tpu.memory_space<vmem>>
          %dma_wait3A_184 = tpu.memref_squeeze %dma_wait3A_183 : memref<1x64xi32, #tpu.memory_space<vmem>> -> memref<64xi32, #tpu.memory_space<vmem>>
          %dma_wait3A_185 = arith.constant 0 : i32
          %dma_wait3A_186 = arith.constant 0 : i32
          %dma_wait3A_187 = tpu.memref_slice %arg10[%dma_wait3A_185, %dma_wait3A_186] : memref<10240x128xf32, #tpu.memory_space<vmem_shared>> -> memref<10240x128xf32, #tpu.memory_space<vmem_shared>>
          tpu.wait_indirect_dma semaphore(%run_scoped3A_167 : memref<!tpu.dma_semaphore, #tpu.memory_space<semaphore_mem>>) src(%dma_wait3A_181 : memref<64x128xf32, #tpu.memory_space<vmem>>) dst(%dma_wait3A_187 : memref<10240x128xf32, #tpu.memory_space<vmem_shared>>)
          tpu.yield
        }) : () -> ()
      }
      %scan3A_71 = arith.constant 10 : i32
    }
    %barrier3A_23 = arith.constant 0 : index
    tpu.barrier barrier_id(%barrier3A_23)
    %mul3A_24 = arith.constant 640 : i32
    %mul3A_25 = arith.muli %arg1, %mul3A_24 : i32
    %mul3A_26 = arith.constant 640 : i32
    %mul3A_27 = arith.muli %arg1, %mul3A_26 : i32
    "tpu.region"() ({
      %run_scoped3A = tpu.sem_alloc : memref<!tpu.dma_semaphore, #tpu.memory_space<semaphore_mem>>
      %dma_start3A = arith.constant 0 : i32
      %dma_start3A_28 = tpu.memref_slice %arg6[%arg0, %mul3A_27, %dma_start3A] : memref<2x10240x128xf32, #tpu.memory_space<hbm>> -> memref<1x640x128xf32, #tpu.memory_space<hbm>>
      %dma_start3A_29 = tpu.memref_squeeze %dma_start3A_28 : memref<1x640x128xf32, #tpu.memory_space<hbm>> -> memref<640x128xf32, #tpu.memory_space<hbm>>
      %dma_start3A_30 = arith.constant 0 : i32
      %dma_start3A_31 = tpu.memref_slice %arg10[%mul3A_25, %dma_start3A_30] : memref<10240x128xf32, #tpu.memory_space<vmem_shared>> -> memref<640x128xf32, #tpu.memory_space<vmem_shared>>
      tpu.enqueue_dma source(%dma_start3A_31 : memref<640x128xf32, #tpu.memory_space<vmem_shared>>) target(%dma_start3A_29 : memref<640x128xf32, #tpu.memory_space<hbm>>) target_semaphore(%run_scoped3A : memref<!tpu.dma_semaphore, #tpu.memory_space<semaphore_mem>>)
      %dma_wait3A = arith.constant 0 : i32
      %dma_wait3A_32 = tpu.memref_slice %arg6[%arg0, %mul3A_27, %dma_wait3A] : memref<2x10240x128xf32, #tpu.memory_space<hbm>> -> memref<1x640x128xf32, #tpu.memory_space<hbm>>
      %dma_wait3A_33 = tpu.memref_squeeze %dma_wait3A_32 : memref<1x640x128xf32, #tpu.memory_space<hbm>> -> memref<640x128xf32, #tpu.memory_space<hbm>>
      %dma_wait3A_34 = arith.constant 0 : i32
      %dma_wait3A_35 = tpu.memref_slice %arg10[%mul3A_25, %dma_wait3A_34] : memref<10240x128xf32, #tpu.memory_space<vmem_shared>> -> memref<640x128xf32, #tpu.memory_space<vmem_shared>>
      tpu.wait_dma2 semaphore(%run_scoped3A : memref<!tpu.dma_semaphore, #tpu.memory_space<semaphore_mem>>) src(%dma_wait3A_35 : memref<640x128xf32, #tpu.memory_space<vmem_shared>>) dst(%dma_wait3A_33 : memref<640x128xf32, #tpu.memory_space<hbm>>)
      tpu.yield
    }) : () -> ()
    return
  }
}

#map = affine_map<(d0, d1) -> (0, 0)>
#map1 = affine_map<(d0, d1) -> (0, 0, 0)>
module attributes {stable_mosaic.version = 14 : i64} {
  func.func @_sc_segsum(%arg0: i32, %arg1: i32, %arg2: memref<10000x128xf32, #tpu.memory_space<hbm>>, %arg3: memref<5120x64xi32, #tpu.memory_space<hbm>>, %arg4: memref<5120x64xi32, #tpu.memory_space<hbm>>, %arg5: memref<640x128xf32, #tpu.memory_space<hbm>>, %arg6: memref<2x10240x128xf32, #tpu.memory_space<hbm>>, %arg7: memref<40x64xi32, #tpu.memory_space<vmem>>, %arg8: memref<40x64xi32, #tpu.memory_space<vmem>>, %arg9: memref<4x64x128xf32, #tpu.memory_space<vmem>>, %arg10: memref<10240x128xf32, #tpu.memory_space<vmem_shared>>, %arg11: memref<!tpu.dma_semaphore, #tpu.memory_space<semaphore_mem>>) attributes {dimension_semantics = [#tpu.dimension_semantics<core_parallel>, #tpu.dimension_semantics<subcore_parallel>], iteration_bounds = array<i64: 2, 16>, scalar_prefetch = 0 : i64, scratch_operands = 5 : i64, tpu.core_type = #tpu.core_type<sc_vector_subcore>, window_params = [{transform_indices = #map}, {transform_indices = #map}, {transform_indices = #map}, {transform_indices = #map}, {transform_indices = #map1}]} {
    %mul3A = arith.constant 2 : i32
    %mul3A_0 = arith.muli %arg1, %mul3A : i32
    %add3A = arith.addi %mul3A_0, %arg0 : i32
    %mul3A_1 = arith.constant 640 : i32
    %mul3A_2 = arith.muli %arg1, %mul3A_1 : i32
    "tpu.region"() ({
      %run_scoped3A = tpu.sem_alloc : memref<!tpu.dma_semaphore, #tpu.memory_space<semaphore_mem>>
      %dma_start3A = arith.constant 0 : i32
      %dma_start3A_28 = tpu.memref_slice %arg10[%mul3A_2, %dma_start3A] : memref<10240x128xf32, #tpu.memory_space<vmem_shared>> -> memref<640x128xf32, #tpu.memory_space<vmem_shared>>
      tpu.enqueue_dma source(%arg5 : memref<640x128xf32, #tpu.memory_space<hbm>>) target(%dma_start3A_28 : memref<640x128xf32, #tpu.memory_space<vmem_shared>>) target_semaphore(%run_scoped3A : memref<!tpu.dma_semaphore, #tpu.memory_space<semaphore_mem>>)
      %dma_wait3A = arith.constant 0 : i32
      %dma_wait3A_29 = tpu.memref_slice %arg10[%mul3A_2, %dma_wait3A] : memref<10240x128xf32, #tpu.memory_space<vmem_shared>> -> memref<640x128xf32, #tpu.memory_space<vmem_shared>>
      tpu.wait_dma2 semaphore(%run_scoped3A : memref<!tpu.dma_semaphore, #tpu.memory_space<semaphore_mem>>) src(%arg5 : memref<640x128xf32, #tpu.memory_space<hbm>>) dst(%dma_wait3A_29 : memref<640x128xf32, #tpu.memory_space<vmem_shared>>)
      tpu.yield
    }) : () -> ()
    %barrier3A = arith.constant 0 : index
    tpu.barrier barrier_id(%barrier3A)
    %eq3A = arith.constant 0 : i32
    %eq3A_3 = arith.cmpi eq, %arg0, %eq3A : i32
    %mul3A_4 = arith.constant 160 : i32
    %mul3A_5 = arith.muli %arg1, %mul3A_4 : i32
    %mul3A_6 = arith.constant 160 : i32
    %mul3A_7 = arith.muli %arg1, %mul3A_6 : i32
    %add3A_8 = arith.constant 2560 : i32
    %add3A_9 = arith.addi %add3A_8, %mul3A_7 : i32
    %select_n3A = arith.select %eq3A_3, %mul3A_5, %add3A_9 : i32
    %eq3A_10 = arith.constant 0 : i32
    %eq3A_11 = arith.cmpi eq, %arg0, %eq3A_10 : i32
    %jit3A = arith.constant 4 : i32
    %jit3A_12 = arith.constant 4 : i32
    %select_n3A_13 = arith.select %eq3A_11, %jit3A, %jit3A_12 : i32
    %while3A = arith.constant 0 : i32
    %while3A_14 = arith.constant 0 : i32
    %while3A_15 = arith.subi %select_n3A_13, %while3A_14 : i32
    %while3A_16 = arith.addi %while3A_14, %while3A_15 : i32
    %while3A_17 = arith.constant 1 : i32
    %while3A_18 = arith.divsi %while3A_15, %while3A_17 : i32
    %while3A_19 = arith.muli %while3A_18, %while3A_17 : i32
    %while3A_20 = arith.addi %while3A_14, %while3A_19 : i32
    %while3A_21 = arith.constant 1 : i32
    scf.for %while3A_28 = %while3A_14 to %while3A_20 step %while3A_21  : i32 {
      %mul3A_29 = arith.constant 40 : i32
      %mul3A_30 = arith.muli %while3A_28, %mul3A_29 : i32
      %add3A_31 = arith.addi %select_n3A, %mul3A_30 : i32
      "tpu.region"() ({
        %run_scoped3A = tpu.sem_alloc : memref<!tpu.dma_semaphore, #tpu.memory_space<semaphore_mem>>
        %dma_start3A_72 = arith.constant 0 : i32
        %dma_start3A_73 = tpu.memref_slice %arg3[%add3A_31, %dma_start3A_72] : memref<5120x64xi32, #tpu.memory_space<hbm>> -> memref<40x64xi32, #tpu.memory_space<hbm>>
        %dma_start3A_74 = arith.constant 0 : i32
        %dma_start3A_75 = tpu.memref_slice %arg3[%add3A_31, %dma_start3A_74] : memref<5120x64xi32, #tpu.memory_space<hbm>> -> memref<40x64xi32, #tpu.memory_space<hbm>>
        tpu.enqueue_dma source(%dma_start3A_75 : memref<40x64xi32, #tpu.memory_space<hbm>>) target(%arg7 : memref<40x64xi32, #tpu.memory_space<vmem>>) target_semaphore(%run_scoped3A : memref<!tpu.dma_semaphore, #tpu.memory_space<semaphore_mem>>)
        %dma_wait3A = arith.constant 0 : i32
        %dma_wait3A_76 = tpu.memref_slice %arg3[%add3A_31, %dma_wait3A] : memref<5120x64xi32, #tpu.memory_space<hbm>> -> memref<40x64xi32, #tpu.memory_space<hbm>>
        %dma_wait3A_77 = arith.constant 0 : i32
        %dma_wait3A_78 = tpu.memref_slice %arg3[%add3A_31, %dma_wait3A_77] : memref<5120x64xi32, #tpu.memory_space<hbm>> -> memref<40x64xi32, #tpu.memory_space<hbm>>
        tpu.wait_dma2 semaphore(%run_scoped3A : memref<!tpu.dma_semaphore, #tpu.memory_space<semaphore_mem>>) src(%dma_wait3A_78 : memref<40x64xi32, #tpu.memory_space<hbm>>) dst(%arg7 : memref<40x64xi32, #tpu.memory_space<vmem>>)
        tpu.yield
      }) : () -> ()
      "tpu.region"() ({
        %run_scoped3A = tpu.sem_alloc : memref<!tpu.dma_semaphore, #tpu.memory_space<semaphore_mem>>
        %dma_start3A_72 = arith.constant 0 : i32
        %dma_start3A_73 = tpu.memref_slice %arg4[%add3A_31, %dma_start3A_72] : memref<5120x64xi32, #tpu.memory_space<hbm>> -> memref<40x64xi32, #tpu.memory_space<hbm>>
        %dma_start3A_74 = arith.constant 0 : i32
        %dma_start3A_75 = tpu.memref_slice %arg4[%add3A_31, %dma_start3A_74] : memref<5120x64xi32, #tpu.memory_space<hbm>> -> memref<40x64xi32, #tpu.memory_space<hbm>>
        tpu.enqueue_dma source(%dma_start3A_75 : memref<40x64xi32, #tpu.memory_space<hbm>>) target(%arg8 : memref<40x64xi32, #tpu.memory_space<vmem>>) target_semaphore(%run_scoped3A : memref<!tpu.dma_semaphore, #tpu.memory_space<semaphore_mem>>)
        %dma_wait3A = arith.constant 0 : i32
        %dma_wait3A_76 = tpu.memref_slice %arg4[%add3A_31, %dma_wait3A] : memref<5120x64xi32, #tpu.memory_space<hbm>> -> memref<40x64xi32, #tpu.memory_space<hbm>>
        %dma_wait3A_77 = arith.constant 0 : i32
        %dma_wait3A_78 = tpu.memref_slice %arg4[%add3A_31, %dma_wait3A_77] : memref<5120x64xi32, #tpu.memory_space<hbm>> -> memref<40x64xi32, #tpu.memory_space<hbm>>
        tpu.wait_dma2 semaphore(%run_scoped3A : memref<!tpu.dma_semaphore, #tpu.memory_space<semaphore_mem>>) src(%dma_wait3A_78 : memref<40x64xi32, #tpu.memory_space<hbm>>) dst(%arg8 : memref<40x64xi32, #tpu.memory_space<vmem>>)
        tpu.yield
      }) : () -> ()
      %dma_start3A = arith.constant 0 : i32
      %dma_start3A_32 = arith.constant 0 : i32
      %dma_start3A_33 = arith.constant 0 : i32
      %dma_start3A_34 = arith.constant 0 : i32
      %dma_start3A_35 = tpu.memref_slice %arg9[%dma_start3A_32, %dma_start3A_33, %dma_start3A_34] : memref<4x64x128xf32, #tpu.memory_space<vmem>> -> memref<1x64x128xf32, #tpu.memory_space<vmem>>
      %dma_start3A_36 = tpu.memref_squeeze %dma_start3A_35 : memref<1x64x128xf32, #tpu.memory_space<vmem>> -> memref<64x128xf32, #tpu.memory_space<vmem>>
      %dma_start3A_37 = arith.constant 0 : i32
      %dma_start3A_38 = tpu.memref_slice %arg7[%dma_start3A, %dma_start3A_37] : memref<40x64xi32, #tpu.memory_space<vmem>> -> memref<1x64xi32, #tpu.memory_space<vmem>>
      %dma_start3A_39 = tpu.memref_squeeze %dma_start3A_38 : memref<1x64xi32, #tpu.memory_space<vmem>> -> memref<64xi32, #tpu.memory_space<vmem>>
      %dma_start3A_40 = arith.constant 0 : i32
      %dma_start3A_41 = arith.constant 0 : i32
      %dma_start3A_42 = tpu.memref_slice %arg2[%dma_start3A_40, %dma_start3A_41] : memref<10000x128xf32, #tpu.memory_space<hbm>> -> memref<10000x128xf32, #tpu.memory_space<hbm>>
      tpu.enqueue_indirect_dma source(%dma_start3A_42 : memref<10000x128xf32, #tpu.memory_space<hbm>>) target(%dma_start3A_36 : memref<64x128xf32, #tpu.memory_space<vmem>>) offsets(%dma_start3A_39 : memref<64xi32, #tpu.memory_space<vmem>>) semaphore(%arg11 : memref<!tpu.dma_semaphore, #tpu.memory_space<semaphore_mem>>)
      %dma_start3A_43 = arith.constant 1 : i32
      %dma_start3A_44 = arith.constant 1 : i32
      %dma_start3A_45 = arith.constant 0 : i32
      %dma_start3A_46 = arith.constant 0 : i32
      %dma_start3A_47 = tpu.memref_slice %arg9[%dma_start3A_44, %dma_start3A_45, %dma_start3A_46] : memref<4x64x128xf32, #tpu.memory_space<vmem>> -> memref<1x64x128xf32, #tpu.memory_space<vmem>>
      %dma_start3A_48 = tpu.memref_squeeze %dma_start3A_47 : memref<1x64x128xf32, #tpu.memory_space<vmem>> -> memref<64x128xf32, #tpu.memory_space<vmem>>
      %dma_start3A_49 = arith.constant 0 : i32
      %dma_start3A_50 = tpu.memref_slice %arg7[%dma_start3A_43, %dma_start3A_49] : memref<40x64xi32, #tpu.memory_space<vmem>> -> memref<1x64xi32, #tpu.memory_space<vmem>>
      %dma_start3A_51 = tpu.memref_squeeze %dma_start3A_50 : memref<1x64xi32, #tpu.memory_space<vmem>> -> memref<64xi32, #tpu.memory_space<vmem>>
      %dma_start3A_52 = arith.constant 0 : i32
      %dma_start3A_53 = arith.constant 0 : i32
      %dma_start3A_54 = tpu.memref_slice %arg2[%dma_start3A_52, %dma_start3A_53] : memref<10000x128xf32, #tpu.memory_space<hbm>> -> memref<10000x128xf32, #tpu.memory_space<hbm>>
      tpu.enqueue_indirect_dma source(%dma_start3A_54 : memref<10000x128xf32, #tpu.memory_space<hbm>>) target(%dma_start3A_48 : memref<64x128xf32, #tpu.memory_space<vmem>>) offsets(%dma_start3A_51 : memref<64xi32, #tpu.memory_space<vmem>>) semaphore(%arg11 : memref<!tpu.dma_semaphore, #tpu.memory_space<semaphore_mem>>)
      %dma_start3A_55 = arith.constant 2 : i32
      %dma_start3A_56 = arith.constant 2 : i32
      %dma_start3A_57 = arith.constant 0 : i32
      %dma_start3A_58 = arith.constant 0 : i32
      %dma_start3A_59 = tpu.memref_slice %arg9[%dma_start3A_56, %dma_start3A_57, %dma_start3A_58] : memref<4x64x128xf32, #tpu.memory_space<vmem>> -> memref<1x64x128xf32, #tpu.memory_space<vmem>>
      %dma_start3A_60 = tpu.memref_squeeze %dma_start3A_59 : memref<1x64x128xf32, #tpu.memory_space<vmem>> -> memref<64x128xf32, #tpu.memory_space<vmem>>
      %dma_start3A_61 = arith.constant 0 : i32
      %dma_start3A_62 = tpu.memref_slice %arg7[%dma_start3A_55, %dma_start3A_61] : memref<40x64xi32, #tpu.memory_space<vmem>> -> memref<1x64xi32, #tpu.memory_space<vmem>>
      %dma_start3A_63 = tpu.memref_squeeze %dma_start3A_62 : memref<1x64xi32, #tpu.memory_space<vmem>> -> memref<64xi32, #tpu.memory_space<vmem>>
      %dma_start3A_64 = arith.constant 0 : i32
      %dma_start3A_65 = arith.constant 0 : i32
      %dma_start3A_66 = tpu.memref_slice %arg2[%dma_start3A_64, %dma_start3A_65] : memref<10000x128xf32, #tpu.memory_space<hbm>> -> memref<10000x128xf32, #tpu.memory_space<hbm>>
      tpu.enqueue_indirect_dma source(%dma_start3A_66 : memref<10000x128xf32, #tpu.memory_space<hbm>>) target(%dma_start3A_60 : memref<64x128xf32, #tpu.memory_space<vmem>>) offsets(%dma_start3A_63 : memref<64xi32, #tpu.memory_space<vmem>>) semaphore(%arg11 : memref<!tpu.dma_semaphore, #tpu.memory_space<semaphore_mem>>)
      %scan3A = arith.constant 0 : i32
      %scan3A_67 = arith.constant 0 : i32
      %scan3A_68 = arith.constant 10 : i32
      %scan3A_69 = arith.addi %scan3A_67, %scan3A_68 : i32
      %scan3A_70 = arith.constant 1 : i32
      scf.for %scan3A_72 = %scan3A_67 to %scan3A_69 step %scan3A_70  : i32 {
        %mul3A_73 = arith.constant 4 : i32
        %mul3A_74 = arith.muli %scan3A_72, %mul3A_73 : i32
        %add3A_75 = arith.constant 0 : i32
        %add3A_76 = arith.addi %mul3A_74, %add3A_75 : i32
        %dma_wait3A = arith.constant 0 : i32
        %dma_wait3A_77 = arith.constant 0 : i32
        %dma_wait3A_78 = arith.constant 0 : i32
        %dma_wait3A_79 = tpu.memref_slice %arg9[%dma_wait3A, %dma_wait3A_77, %dma_wait3A_78] : memref<4x64x128xf32, #tpu.memory_space<vmem>> -> memref<1x64x128xf32, #tpu.memory_space<vmem>>
        %dma_wait3A_80 = tpu.memref_squeeze %dma_wait3A_79 : memref<1x64x128xf32, #tpu.memory_space<vmem>> -> memref<64x128xf32, #tpu.memory_space<vmem>>
        %dma_wait3A_81 = arith.constant 0 : i32
        %dma_wait3A_82 = tpu.memref_slice %arg7[%add3A_76, %dma_wait3A_81] : memref<40x64xi32, #tpu.memory_space<vmem>> -> memref<1x64xi32, #tpu.memory_space<vmem>>
        %dma_wait3A_83 = tpu.memref_squeeze %dma_wait3A_82 : memref<1x64xi32, #tpu.memory_space<vmem>> -> memref<64xi32, #tpu.memory_space<vmem>>
        %dma_wait3A_84 = arith.constant 0 : i32
        %dma_wait3A_85 = arith.constant 0 : i32
        %dma_wait3A_86 = tpu.memref_slice %arg2[%dma_wait3A_84, %dma_wait3A_85] : memref<10000x128xf32, #tpu.memory_space<hbm>> -> memref<10000x128xf32, #tpu.memory_space<hbm>>
        tpu.wait_indirect_dma semaphore(%arg11 : memref<!tpu.dma_semaphore, #tpu.memory_space<semaphore_mem>>) src(%dma_wait3A_86 : memref<10000x128xf32, #tpu.memory_space<hbm>>) dst(%dma_wait3A_80 : memref<64x128xf32, #tpu.memory_space<vmem>>)
        %add3A_87 = arith.constant 4 : i32
        %add3A_88 = arith.addi %add3A_76, %add3A_87 : i32
        %sub3A = arith.constant 1 : i32
        %sub3A_89 = arith.subi %add3A_88, %sub3A : i32
        %lt3A = arith.constant 40 : i32
        %lt3A_90 = arith.cmpi slt, %sub3A_89, %lt3A : i32
        %convert_element_type3A = arith.extui %lt3A_90 : i1 to i32
        %cond3A = arith.constant 0 : i32
        %cond3A_91 = arith.cmpi ne, %convert_element_type3A, %cond3A : i32
        scf.if %cond3A_91 {
          %dma_start3A_167 = arith.constant 3 : i32
          %dma_start3A_168 = arith.constant 0 : i32
          %dma_start3A_169 = arith.constant 0 : i32
          %dma_start3A_170 = tpu.memref_slice %arg9[%dma_start3A_167, %dma_start3A_168, %dma_start3A_169] : memref<4x64x128xf32, #tpu.memory_space<vmem>> -> memref<1x64x128xf32, #tpu.memory_space<vmem>>
          %dma_start3A_171 = tpu.memref_squeeze %dma_start3A_170 : memref<1x64x128xf32, #tpu.memory_space<vmem>> -> memref<64x128xf32, #tpu.memory_space<vmem>>
          %dma_start3A_172 = arith.constant 0 : i32
          %dma_start3A_173 = tpu.memref_slice %arg7[%sub3A_89, %dma_start3A_172] : memref<40x64xi32, #tpu.memory_space<vmem>> -> memref<1x64xi32, #tpu.memory_space<vmem>>
          %dma_start3A_174 = tpu.memref_squeeze %dma_start3A_173 : memref<1x64xi32, #tpu.memory_space<vmem>> -> memref<64xi32, #tpu.memory_space<vmem>>
          %dma_start3A_175 = arith.constant 0 : i32
          %dma_start3A_176 = arith.constant 0 : i32
          %dma_start3A_177 = tpu.memref_slice %arg2[%dma_start3A_175, %dma_start3A_176] : memref<10000x128xf32, #tpu.memory_space<hbm>> -> memref<10000x128xf32, #tpu.memory_space<hbm>>
          tpu.enqueue_indirect_dma source(%dma_start3A_177 : memref<10000x128xf32, #tpu.memory_space<hbm>>) target(%dma_start3A_171 : memref<64x128xf32, #tpu.memory_space<vmem>>) offsets(%dma_start3A_174 : memref<64xi32, #tpu.memory_space<vmem>>) semaphore(%arg11 : memref<!tpu.dma_semaphore, #tpu.memory_space<semaphore_mem>>)
        } else {
        }
        %run_scoped3A = arith.constant 0 : i32
        "tpu.region"() ({
          %run_scoped3A_167 = tpu.sem_alloc : memref<!tpu.dma_semaphore, #tpu.memory_space<semaphore_mem>>
          %dma_start3A_168 = arith.constant 0 : i32
          %dma_start3A_169 = arith.constant 0 : i32
          %dma_start3A_170 = tpu.memref_slice %arg9[%run_scoped3A, %dma_start3A_168, %dma_start3A_169] : memref<4x64x128xf32, #tpu.memory_space<vmem>> -> memref<1x64x128xf32, #tpu.memory_space<vmem>>
          %dma_start3A_171 = tpu.memref_squeeze %dma_start3A_170 : memref<1x64x128xf32, #tpu.memory_space<vmem>> -> memref<64x128xf32, #tpu.memory_space<vmem>>
          %dma_start3A_172 = arith.constant 0 : i32
          %dma_start3A_173 = tpu.memref_slice %arg8[%add3A_76, %dma_start3A_172] : memref<40x64xi32, #tpu.memory_space<vmem>> -> memref<1x64xi32, #tpu.memory_space<vmem>>
          %dma_start3A_174 = tpu.memref_squeeze %dma_start3A_173 : memref<1x64xi32, #tpu.memory_space<vmem>> -> memref<64xi32, #tpu.memory_space<vmem>>
          %dma_start3A_175 = arith.constant 0 : i32
          %dma_start3A_176 = arith.constant 0 : i32
          %dma_start3A_177 = tpu.memref_slice %arg10[%dma_start3A_175, %dma_start3A_176] : memref<10240x128xf32, #tpu.memory_space<vmem_shared>> -> memref<10240x128xf32, #tpu.memory_space<vmem_shared>>
          tpu.enqueue_indirect_dma source(%dma_start3A_171 : memref<64x128xf32, #tpu.memory_space<vmem>>) target(%dma_start3A_177 : memref<10240x128xf32, #tpu.memory_space<vmem_shared>>) offsets(%dma_start3A_174 : memref<64xi32, #tpu.memory_space<vmem>>) semaphore(%run_scoped3A_167 : memref<!tpu.dma_semaphore, #tpu.memory_space<semaphore_mem>>) {add = true}
          %dma_wait3A_178 = arith.constant 0 : i32
          %dma_wait3A_179 = arith.constant 0 : i32
          %dma_wait3A_180 = tpu.memref_slice %arg9[%run_scoped3A, %dma_wait3A_178, %dma_wait3A_179] : memref<4x64x128xf32, #tpu.memory_space<vmem>> -> memref<1x64x128xf32, #tpu.memory_space<vmem>>
          %dma_wait3A_181 = tpu.memref_squeeze %dma_wait3A_180 : memref<1x64x128xf32, #tpu.memory_space<vmem>> -> memref<64x128xf32, #tpu.memory_space<vmem>>
          %dma_wait3A_182 = arith.constant 0 : i32
          %dma_wait3A_183 = tpu.memref_slice %arg8[%add3A_76, %dma_wait3A_182] : memref<40x64xi32, #tpu.memory_space<vmem>> -> memref<1x64xi32, #tpu.memory_space<vmem>>
          %dma_wait3A_184 = tpu.memref_squeeze %dma_wait3A_183 : memref<1x64xi32, #tpu.memory_space<vmem>> -> memref<64xi32, #tpu.memory_space<vmem>>
          %dma_wait3A_185 = arith.constant 0 : i32
          %dma_wait3A_186 = arith.constant 0 : i32
          %dma_wait3A_187 = tpu.memref_slice %arg10[%dma_wait3A_185, %dma_wait3A_186] : memref<10240x128xf32, #tpu.memory_space<vmem_shared>> -> memref<10240x128xf32, #tpu.memory_space<vmem_shared>>
          tpu.wait_indirect_dma semaphore(%run_scoped3A_167 : memref<!tpu.dma_semaphore, #tpu.memory_space<semaphore_mem>>) src(%dma_wait3A_181 : memref<64x128xf32, #tpu.memory_space<vmem>>) dst(%dma_wait3A_187 : memref<10240x128xf32, #tpu.memory_space<vmem_shared>>)
          tpu.yield
        }) : () -> ()
        %mul3A_92 = arith.constant 4 : i32
        %mul3A_93 = arith.muli %scan3A_72, %mul3A_92 : i32
        %add3A_94 = arith.constant 1 : i32
        %add3A_95 = arith.addi %mul3A_93, %add3A_94 : i32
        %dma_wait3A_96 = arith.constant 1 : i32
        %dma_wait3A_97 = arith.constant 0 : i32
        %dma_wait3A_98 = arith.constant 0 : i32
        %dma_wait3A_99 = tpu.memref_slice %arg9[%dma_wait3A_96, %dma_wait3A_97, %dma_wait3A_98] : memref<4x64x128xf32, #tpu.memory_space<vmem>> -> memref<1x64x128xf32, #tpu.memory_space<vmem>>
        %dma_wait3A_100 = tpu.memref_squeeze %dma_wait3A_99 : memref<1x64x128xf32, #tpu.memory_space<vmem>> -> memref<64x128xf32, #tpu.memory_space<vmem>>
        %dma_wait3A_101 = arith.constant 0 : i32
        %dma_wait3A_102 = tpu.memref_slice %arg7[%add3A_95, %dma_wait3A_101] : memref<40x64xi32, #tpu.memory_space<vmem>> -> memref<1x64xi32, #tpu.memory_space<vmem>>
        %dma_wait3A_103 = tpu.memref_squeeze %dma_wait3A_102 : memref<1x64xi32, #tpu.memory_space<vmem>> -> memref<64xi32, #tpu.memory_space<vmem>>
        %dma_wait3A_104 = arith.constant 0 : i32
        %dma_wait3A_105 = arith.constant 0 : i32
        %dma_wait3A_106 = tpu.memref_slice %arg2[%dma_wait3A_104, %dma_wait3A_105] : memref<10000x128xf32, #tpu.memory_space<hbm>> -> memref<10000x128xf32, #tpu.memory_space<hbm>>
        tpu.wait_indirect_dma semaphore(%arg11 : memref<!tpu.dma_semaphore, #tpu.memory_space<semaphore_mem>>) src(%dma_wait3A_106 : memref<10000x128xf32, #tpu.memory_space<hbm>>) dst(%dma_wait3A_100 : memref<64x128xf32, #tpu.memory_space<vmem>>)
        %add3A_107 = arith.constant 4 : i32
        %add3A_108 = arith.addi %add3A_95, %add3A_107 : i32
        %sub3A_109 = arith.constant 1 : i32
        %sub3A_110 = arith.subi %add3A_108, %sub3A_109 : i32
        %lt3A_111 = arith.constant 40 : i32
        %lt3A_112 = arith.cmpi slt, %sub3A_110, %lt3A_111 : i32
        %convert_element_type3A_113 = arith.extui %lt3A_112 : i1 to i32
        %cond3A_114 = arith.constant 0 : i32
        %cond3A_115 = arith.cmpi ne, %convert_element_type3A_113, %cond3A_114 : i32
        scf.if %cond3A_115 {
          %dma_start3A_167 = arith.constant 0 : i32
          %dma_start3A_168 = arith.constant 0 : i32
          %dma_start3A_169 = arith.constant 0 : i32
          %dma_start3A_170 = tpu.memref_slice %arg9[%dma_start3A_167, %dma_start3A_168, %dma_start3A_169] : memref<4x64x128xf32, #tpu.memory_space<vmem>> -> memref<1x64x128xf32, #tpu.memory_space<vmem>>
          %dma_start3A_171 = tpu.memref_squeeze %dma_start3A_170 : memref<1x64x128xf32, #tpu.memory_space<vmem>> -> memref<64x128xf32, #tpu.memory_space<vmem>>
          %dma_start3A_172 = arith.constant 0 : i32
          %dma_start3A_173 = tpu.memref_slice %arg7[%sub3A_110, %dma_start3A_172] : memref<40x64xi32, #tpu.memory_space<vmem>> -> memref<1x64xi32, #tpu.memory_space<vmem>>
          %dma_start3A_174 = tpu.memref_squeeze %dma_start3A_173 : memref<1x64xi32, #tpu.memory_space<vmem>> -> memref<64xi32, #tpu.memory_space<vmem>>
          %dma_start3A_175 = arith.constant 0 : i32
          %dma_start3A_176 = arith.constant 0 : i32
          %dma_start3A_177 = tpu.memref_slice %arg2[%dma_start3A_175, %dma_start3A_176] : memref<10000x128xf32, #tpu.memory_space<hbm>> -> memref<10000x128xf32, #tpu.memory_space<hbm>>
          tpu.enqueue_indirect_dma source(%dma_start3A_177 : memref<10000x128xf32, #tpu.memory_space<hbm>>) target(%dma_start3A_171 : memref<64x128xf32, #tpu.memory_space<vmem>>) offsets(%dma_start3A_174 : memref<64xi32, #tpu.memory_space<vmem>>) semaphore(%arg11 : memref<!tpu.dma_semaphore, #tpu.memory_space<semaphore_mem>>)
        } else {
        }
        %run_scoped3A_116 = arith.constant 1 : i32
        "tpu.region"() ({
          %run_scoped3A_167 = tpu.sem_alloc : memref<!tpu.dma_semaphore, #tpu.memory_space<semaphore_mem>>
          %dma_start3A_168 = arith.constant 0 : i32
          %dma_start3A_169 = arith.constant 0 : i32
          %dma_start3A_170 = tpu.memref_slice %arg9[%run_scoped3A_116, %dma_start3A_168, %dma_start3A_169] : memref<4x64x128xf32, #tpu.memory_space<vmem>> -> memref<1x64x128xf32, #tpu.memory_space<vmem>>
          %dma_start3A_171 = tpu.memref_squeeze %dma_start3A_170 : memref<1x64x128xf32, #tpu.memory_space<vmem>> -> memref<64x128xf32, #tpu.memory_space<vmem>>
          %dma_start3A_172 = arith.constant 0 : i32
          %dma_start3A_173 = tpu.memref_slice %arg8[%add3A_95, %dma_start3A_172] : memref<40x64xi32, #tpu.memory_space<vmem>> -> memref<1x64xi32, #tpu.memory_space<vmem>>
          %dma_start3A_174 = tpu.memref_squeeze %dma_start3A_173 : memref<1x64xi32, #tpu.memory_space<vmem>> -> memref<64xi32, #tpu.memory_space<vmem>>
          %dma_start3A_175 = arith.constant 0 : i32
          %dma_start3A_176 = arith.constant 0 : i32
          %dma_start3A_177 = tpu.memref_slice %arg10[%dma_start3A_175, %dma_start3A_176] : memref<10240x128xf32, #tpu.memory_space<vmem_shared>> -> memref<10240x128xf32, #tpu.memory_space<vmem_shared>>
          tpu.enqueue_indirect_dma source(%dma_start3A_171 : memref<64x128xf32, #tpu.memory_space<vmem>>) target(%dma_start3A_177 : memref<10240x128xf32, #tpu.memory_space<vmem_shared>>) offsets(%dma_start3A_174 : memref<64xi32, #tpu.memory_space<vmem>>) semaphore(%run_scoped3A_167 : memref<!tpu.dma_semaphore, #tpu.memory_space<semaphore_mem>>) {add = true}
          %dma_wait3A_178 = arith.constant 0 : i32
          %dma_wait3A_179 = arith.constant 0 : i32
          %dma_wait3A_180 = tpu.memref_slice %arg9[%run_scoped3A_116, %dma_wait3A_178, %dma_wait3A_179] : memref<4x64x128xf32, #tpu.memory_space<vmem>> -> memref<1x64x128xf32, #tpu.memory_space<vmem>>
          %dma_wait3A_181 = tpu.memref_squeeze %dma_wait3A_180 : memref<1x64x128xf32, #tpu.memory_space<vmem>> -> memref<64x128xf32, #tpu.memory_space<vmem>>
          %dma_wait3A_182 = arith.constant 0 : i32
          %dma_wait3A_183 = tpu.memref_slice %arg8[%add3A_95, %dma_wait3A_182] : memref<40x64xi32, #tpu.memory_space<vmem>> -> memref<1x64xi32, #tpu.memory_space<vmem>>
          %dma_wait3A_184 = tpu.memref_squeeze %dma_wait3A_183 : memref<1x64xi32, #tpu.memory_space<vmem>> -> memref<64xi32, #tpu.memory_space<vmem>>
          %dma_wait3A_185 = arith.constant 0 : i32
          %dma_wait3A_186 = arith.constant 0 : i32
          %dma_wait3A_187 = tpu.memref_slice %arg10[%dma_wait3A_185, %dma_wait3A_186] : memref<10240x128xf32, #tpu.memory_space<vmem_shared>> -> memref<10240x128xf32, #tpu.memory_space<vmem_shared>>
          tpu.wait_indirect_dma semaphore(%run_scoped3A_167 : memref<!tpu.dma_semaphore, #tpu.memory_space<semaphore_mem>>) src(%dma_wait3A_181 : memref<64x128xf32, #tpu.memory_space<vmem>>) dst(%dma_wait3A_187 : memref<10240x128xf32, #tpu.memory_space<vmem_shared>>)
          tpu.yield
        }) : () -> ()
        %mul3A_117 = arith.constant 4 : i32
        %mul3A_118 = arith.muli %scan3A_72, %mul3A_117 : i32
        %add3A_119 = arith.constant 2 : i32
        %add3A_120 = arith.addi %mul3A_118, %add3A_119 : i32
        %dma_wait3A_121 = arith.constant 2 : i32
        %dma_wait3A_122 = arith.constant 0 : i32
        %dma_wait3A_123 = arith.constant 0 : i32
        %dma_wait3A_124 = tpu.memref_slice %arg9[%dma_wait3A_121, %dma_wait3A_122, %dma_wait3A_123] : memref<4x64x128xf32, #tpu.memory_space<vmem>> -> memref<1x64x128xf32, #tpu.memory_space<vmem>>
        %dma_wait3A_125 = tpu.memref_squeeze %dma_wait3A_124 : memref<1x64x128xf32, #tpu.memory_space<vmem>> -> memref<64x128xf32, #tpu.memory_space<vmem>>
        %dma_wait3A_126 = arith.constant 0 : i32
        %dma_wait3A_127 = tpu.memref_slice %arg7[%add3A_120, %dma_wait3A_126] : memref<40x64xi32, #tpu.memory_space<vmem>> -> memref<1x64xi32, #tpu.memory_space<vmem>>
        %dma_wait3A_128 = tpu.memref_squeeze %dma_wait3A_127 : memref<1x64xi32, #tpu.memory_space<vmem>> -> memref<64xi32, #tpu.memory_space<vmem>>
        %dma_wait3A_129 = arith.constant 0 : i32
        %dma_wait3A_130 = arith.constant 0 : i32
        %dma_wait3A_131 = tpu.memref_slice %arg2[%dma_wait3A_129, %dma_wait3A_130] : memref<10000x128xf32, #tpu.memory_space<hbm>> -> memref<10000x128xf32, #tpu.memory_space<hbm>>
        tpu.wait_indirect_dma semaphore(%arg11 : memref<!tpu.dma_semaphore, #tpu.memory_space<semaphore_mem>>) src(%dma_wait3A_131 : memref<10000x128xf32, #tpu.memory_space<hbm>>) dst(%dma_wait3A_125 : memref<64x128xf32, #tpu.memory_space<vmem>>)
        %add3A_132 = arith.constant 4 : i32
        %add3A_133 = arith.addi %add3A_120, %add3A_132 : i32
        %sub3A_134 = arith.constant 1 : i32
        %sub3A_135 = arith.subi %add3A_133, %sub3A_134 : i32
        %lt3A_136 = arith.constant 40 : i32
        %lt3A_137 = arith.cmpi slt, %sub3A_135, %lt3A_136 : i32
        %convert_element_type3A_138 = arith.extui %lt3A_137 : i1 to i32
        %cond3A_139 = arith.constant 0 : i32
        %cond3A_140 = arith.cmpi ne, %convert_element_type3A_138, %cond3A_139 : i32
        scf.if %cond3A_140 {
          %dma_start3A_167 = arith.constant 1 : i32
          %dma_start3A_168 = arith.constant 0 : i32
          %dma_start3A_169 = arith.constant 0 : i32
          %dma_start3A_170 = tpu.memref_slice %arg9[%dma_start3A_167, %dma_start3A_168, %dma_start3A_169] : memref<4x64x128xf32, #tpu.memory_space<vmem>> -> memref<1x64x128xf32, #tpu.memory_space<vmem>>
          %dma_start3A_171 = tpu.memref_squeeze %dma_start3A_170 : memref<1x64x128xf32, #tpu.memory_space<vmem>> -> memref<64x128xf32, #tpu.memory_space<vmem>>
          %dma_start3A_172 = arith.constant 0 : i32
          %dma_start3A_173 = tpu.memref_slice %arg7[%sub3A_135, %dma_start3A_172] : memref<40x64xi32, #tpu.memory_space<vmem>> -> memref<1x64xi32, #tpu.memory_space<vmem>>
          %dma_start3A_174 = tpu.memref_squeeze %dma_start3A_173 : memref<1x64xi32, #tpu.memory_space<vmem>> -> memref<64xi32, #tpu.memory_space<vmem>>
          %dma_start3A_175 = arith.constant 0 : i32
          %dma_start3A_176 = arith.constant 0 : i32
          %dma_start3A_177 = tpu.memref_slice %arg2[%dma_start3A_175, %dma_start3A_176] : memref<10000x128xf32, #tpu.memory_space<hbm>> -> memref<10000x128xf32, #tpu.memory_space<hbm>>
          tpu.enqueue_indirect_dma source(%dma_start3A_177 : memref<10000x128xf32, #tpu.memory_space<hbm>>) target(%dma_start3A_171 : memref<64x128xf32, #tpu.memory_space<vmem>>) offsets(%dma_start3A_174 : memref<64xi32, #tpu.memory_space<vmem>>) semaphore(%arg11 : memref<!tpu.dma_semaphore, #tpu.memory_space<semaphore_mem>>)
        } else {
        }
        %run_scoped3A_141 = arith.constant 2 : i32
        "tpu.region"() ({
          %run_scoped3A_167 = tpu.sem_alloc : memref<!tpu.dma_semaphore, #tpu.memory_space<semaphore_mem>>
          %dma_start3A_168 = arith.constant 0 : i32
          %dma_start3A_169 = arith.constant 0 : i32
          %dma_start3A_170 = tpu.memref_slice %arg9[%run_scoped3A_141, %dma_start3A_168, %dma_start3A_169] : memref<4x64x128xf32, #tpu.memory_space<vmem>> -> memref<1x64x128xf32, #tpu.memory_space<vmem>>
          %dma_start3A_171 = tpu.memref_squeeze %dma_start3A_170 : memref<1x64x128xf32, #tpu.memory_space<vmem>> -> memref<64x128xf32, #tpu.memory_space<vmem>>
          %dma_start3A_172 = arith.constant 0 : i32
          %dma_start3A_173 = tpu.memref_slice %arg8[%add3A_120, %dma_start3A_172] : memref<40x64xi32, #tpu.memory_space<vmem>> -> memref<1x64xi32, #tpu.memory_space<vmem>>
          %dma_start3A_174 = tpu.memref_squeeze %dma_start3A_173 : memref<1x64xi32, #tpu.memory_space<vmem>> -> memref<64xi32, #tpu.memory_space<vmem>>
          %dma_start3A_175 = arith.constant 0 : i32
          %dma_start3A_176 = arith.constant 0 : i32
          %dma_start3A_177 = tpu.memref_slice %arg10[%dma_start3A_175, %dma_start3A_176] : memref<10240x128xf32, #tpu.memory_space<vmem_shared>> -> memref<10240x128xf32, #tpu.memory_space<vmem_shared>>
          tpu.enqueue_indirect_dma source(%dma_start3A_171 : memref<64x128xf32, #tpu.memory_space<vmem>>) target(%dma_start3A_177 : memref<10240x128xf32, #tpu.memory_space<vmem_shared>>) offsets(%dma_start3A_174 : memref<64xi32, #tpu.memory_space<vmem>>) semaphore(%run_scoped3A_167 : memref<!tpu.dma_semaphore, #tpu.memory_space<semaphore_mem>>) {add = true}
          %dma_wait3A_178 = arith.constant 0 : i32
          %dma_wait3A_179 = arith.constant 0 : i32
          %dma_wait3A_180 = tpu.memref_slice %arg9[%run_scoped3A_141, %dma_wait3A_178, %dma_wait3A_179] : memref<4x64x128xf32, #tpu.memory_space<vmem>> -> memref<1x64x128xf32, #tpu.memory_space<vmem>>
          %dma_wait3A_181 = tpu.memref_squeeze %dma_wait3A_180 : memref<1x64x128xf32, #tpu.memory_space<vmem>> -> memref<64x128xf32, #tpu.memory_space<vmem>>
          %dma_wait3A_182 = arith.constant 0 : i32
          %dma_wait3A_183 = tpu.memref_slice %arg8[%add3A_120, %dma_wait3A_182] : memref<40x64xi32, #tpu.memory_space<vmem>> -> memref<1x64xi32, #tpu.memory_space<vmem>>
          %dma_wait3A_184 = tpu.memref_squeeze %dma_wait3A_183 : memref<1x64xi32, #tpu.memory_space<vmem>> -> memref<64xi32, #tpu.memory_space<vmem>>
          %dma_wait3A_185 = arith.constant 0 : i32
          %dma_wait3A_186 = arith.constant 0 : i32
          %dma_wait3A_187 = tpu.memref_slice %arg10[%dma_wait3A_185, %dma_wait3A_186] : memref<10240x128xf32, #tpu.memory_space<vmem_shared>> -> memref<10240x128xf32, #tpu.memory_space<vmem_shared>>
          tpu.wait_indirect_dma semaphore(%run_scoped3A_167 : memref<!tpu.dma_semaphore, #tpu.memory_space<semaphore_mem>>) src(%dma_wait3A_181 : memref<64x128xf32, #tpu.memory_space<vmem>>) dst(%dma_wait3A_187 : memref<10240x128xf32, #tpu.memory_space<vmem_shared>>)
          tpu.yield
        }) : () -> ()
        %mul3A_142 = arith.constant 4 : i32
        %mul3A_143 = arith.muli %scan3A_72, %mul3A_142 : i32
        %add3A_144 = arith.constant 3 : i32
        %add3A_145 = arith.addi %mul3A_143, %add3A_144 : i32
        %dma_wait3A_146 = arith.constant 3 : i32
        %dma_wait3A_147 = arith.constant 0 : i32
        %dma_wait3A_148 = arith.constant 0 : i32
        %dma_wait3A_149 = tpu.memref_slice %arg9[%dma_wait3A_146, %dma_wait3A_147, %dma_wait3A_148] : memref<4x64x128xf32, #tpu.memory_space<vmem>> -> memref<1x64x128xf32, #tpu.memory_space<vmem>>
        %dma_wait3A_150 = tpu.memref_squeeze %dma_wait3A_149 : memref<1x64x128xf32, #tpu.memory_space<vmem>> -> memref<64x128xf32, #tpu.memory_space<vmem>>
        %dma_wait3A_151 = arith.constant 0 : i32
        %dma_wait3A_152 = tpu.memref_slice %arg7[%add3A_145, %dma_wait3A_151] : memref<40x64xi32, #tpu.memory_space<vmem>> -> memref<1x64xi32, #tpu.memory_space<vmem>>
        %dma_wait3A_153 = tpu.memref_squeeze %dma_wait3A_152 : memref<1x64xi32, #tpu.memory_space<vmem>> -> memref<64xi32, #tpu.memory_space<vmem>>
        %dma_wait3A_154 = arith.constant 0 : i32
        %dma_wait3A_155 = arith.constant 0 : i32
        %dma_wait3A_156 = tpu.memref_slice %arg2[%dma_wait3A_154, %dma_wait3A_155] : memref<10000x128xf32, #tpu.memory_space<hbm>> -> memref<10000x128xf32, #tpu.memory_space<hbm>>
        tpu.wait_indirect_dma semaphore(%arg11 : memref<!tpu.dma_semaphore, #tpu.memory_space<semaphore_mem>>) src(%dma_wait3A_156 : memref<10000x128xf32, #tpu.memory_space<hbm>>) dst(%dma_wait3A_150 : memref<64x128xf32, #tpu.memory_space<vmem>>)
        %add3A_157 = arith.constant 4 : i32
        %add3A_158 = arith.addi %add3A_145, %add3A_157 : i32
        %sub3A_159 = arith.constant 1 : i32
        %sub3A_160 = arith.subi %add3A_158, %sub3A_159 : i32
        %lt3A_161 = arith.constant 40 : i32
        %lt3A_162 = arith.cmpi slt, %sub3A_160, %lt3A_161 : i32
        %convert_element_type3A_163 = arith.extui %lt3A_162 : i1 to i32
        %cond3A_164 = arith.constant 0 : i32
        %cond3A_165 = arith.cmpi ne, %convert_element_type3A_163, %cond3A_164 : i32
        scf.if %cond3A_165 {
          %dma_start3A_167 = arith.constant 2 : i32
          %dma_start3A_168 = arith.constant 0 : i32
          %dma_start3A_169 = arith.constant 0 : i32
          %dma_start3A_170 = tpu.memref_slice %arg9[%dma_start3A_167, %dma_start3A_168, %dma_start3A_169] : memref<4x64x128xf32, #tpu.memory_space<vmem>> -> memref<1x64x128xf32, #tpu.memory_space<vmem>>
          %dma_start3A_171 = tpu.memref_squeeze %dma_start3A_170 : memref<1x64x128xf32, #tpu.memory_space<vmem>> -> memref<64x128xf32, #tpu.memory_space<vmem>>
          %dma_start3A_172 = arith.constant 0 : i32
          %dma_start3A_173 = tpu.memref_slice %arg7[%sub3A_160, %dma_start3A_172] : memref<40x64xi32, #tpu.memory_space<vmem>> -> memref<1x64xi32, #tpu.memory_space<vmem>>
          %dma_start3A_174 = tpu.memref_squeeze %dma_start3A_173 : memref<1x64xi32, #tpu.memory_space<vmem>> -> memref<64xi32, #tpu.memory_space<vmem>>
          %dma_start3A_175 = arith.constant 0 : i32
          %dma_start3A_176 = arith.constant 0 : i32
          %dma_start3A_177 = tpu.memref_slice %arg2[%dma_start3A_175, %dma_start3A_176] : memref<10000x128xf32, #tpu.memory_space<hbm>> -> memref<10000x128xf32, #tpu.memory_space<hbm>>
          tpu.enqueue_indirect_dma source(%dma_start3A_177 : memref<10000x128xf32, #tpu.memory_space<hbm>>) target(%dma_start3A_171 : memref<64x128xf32, #tpu.memory_space<vmem>>) offsets(%dma_start3A_174 : memref<64xi32, #tpu.memory_space<vmem>>) semaphore(%arg11 : memref<!tpu.dma_semaphore, #tpu.memory_space<semaphore_mem>>)
        } else {
        }
        %run_scoped3A_166 = arith.constant 3 : i32
        "tpu.region"() ({
          %run_scoped3A_167 = tpu.sem_alloc : memref<!tpu.dma_semaphore, #tpu.memory_space<semaphore_mem>>
          %dma_start3A_168 = arith.constant 0 : i32
          %dma_start3A_169 = arith.constant 0 : i32
          %dma_start3A_170 = tpu.memref_slice %arg9[%run_scoped3A_166, %dma_start3A_168, %dma_start3A_169] : memref<4x64x128xf32, #tpu.memory_space<vmem>> -> memref<1x64x128xf32, #tpu.memory_space<vmem>>
          %dma_start3A_171 = tpu.memref_squeeze %dma_start3A_170 : memref<1x64x128xf32, #tpu.memory_space<vmem>> -> memref<64x128xf32, #tpu.memory_space<vmem>>
          %dma_start3A_172 = arith.constant 0 : i32
          %dma_start3A_173 = tpu.memref_slice %arg8[%add3A_145, %dma_start3A_172] : memref<40x64xi32, #tpu.memory_space<vmem>> -> memref<1x64xi32, #tpu.memory_space<vmem>>
          %dma_start3A_174 = tpu.memref_squeeze %dma_start3A_173 : memref<1x64xi32, #tpu.memory_space<vmem>> -> memref<64xi32, #tpu.memory_space<vmem>>
          %dma_start3A_175 = arith.constant 0 : i32
          %dma_start3A_176 = arith.constant 0 : i32
          %dma_start3A_177 = tpu.memref_slice %arg10[%dma_start3A_175, %dma_start3A_176] : memref<10240x128xf32, #tpu.memory_space<vmem_shared>> -> memref<10240x128xf32, #tpu.memory_space<vmem_shared>>
          tpu.enqueue_indirect_dma source(%dma_start3A_171 : memref<64x128xf32, #tpu.memory_space<vmem>>) target(%dma_start3A_177 : memref<10240x128xf32, #tpu.memory_space<vmem_shared>>) offsets(%dma_start3A_174 : memref<64xi32, #tpu.memory_space<vmem>>) semaphore(%run_scoped3A_167 : memref<!tpu.dma_semaphore, #tpu.memory_space<semaphore_mem>>) {add = true}
          %dma_wait3A_178 = arith.constant 0 : i32
          %dma_wait3A_179 = arith.constant 0 : i32
          %dma_wait3A_180 = tpu.memref_slice %arg9[%run_scoped3A_166, %dma_wait3A_178, %dma_wait3A_179] : memref<4x64x128xf32, #tpu.memory_space<vmem>> -> memref<1x64x128xf32, #tpu.memory_space<vmem>>
          %dma_wait3A_181 = tpu.memref_squeeze %dma_wait3A_180 : memref<1x64x128xf32, #tpu.memory_space<vmem>> -> memref<64x128xf32, #tpu.memory_space<vmem>>
          %dma_wait3A_182 = arith.constant 0 : i32
          %dma_wait3A_183 = tpu.memref_slice %arg8[%add3A_145, %dma_wait3A_182] : memref<40x64xi32, #tpu.memory_space<vmem>> -> memref<1x64xi32, #tpu.memory_space<vmem>>
          %dma_wait3A_184 = tpu.memref_squeeze %dma_wait3A_183 : memref<1x64xi32, #tpu.memory_space<vmem>> -> memref<64xi32, #tpu.memory_space<vmem>>
          %dma_wait3A_185 = arith.constant 0 : i32
          %dma_wait3A_186 = arith.constant 0 : i32
          %dma_wait3A_187 = tpu.memref_slice %arg10[%dma_wait3A_185, %dma_wait3A_186] : memref<10240x128xf32, #tpu.memory_space<vmem_shared>> -> memref<10240x128xf32, #tpu.memory_space<vmem_shared>>
          tpu.wait_indirect_dma semaphore(%run_scoped3A_167 : memref<!tpu.dma_semaphore, #tpu.memory_space<semaphore_mem>>) src(%dma_wait3A_181 : memref<64x128xf32, #tpu.memory_space<vmem>>) dst(%dma_wait3A_187 : memref<10240x128xf32, #tpu.memory_space<vmem_shared>>)
          tpu.yield
        }) : () -> ()
      }
      %scan3A_71 = arith.constant 10 : i32
    }
    %while3A_22 = arith.constant 1 : i32
    scf.for %while3A_28 = %while3A_20 to %while3A_16 step %while3A_22  : i32 {
      %mul3A_29 = arith.constant 40 : i32
      %mul3A_30 = arith.muli %while3A_28, %mul3A_29 : i32
      %add3A_31 = arith.addi %select_n3A, %mul3A_30 : i32
      "tpu.region"() ({
        %run_scoped3A = tpu.sem_alloc : memref<!tpu.dma_semaphore, #tpu.memory_space<semaphore_mem>>
        %dma_start3A_72 = arith.constant 0 : i32
        %dma_start3A_73 = tpu.memref_slice %arg3[%add3A_31, %dma_start3A_72] : memref<5120x64xi32, #tpu.memory_space<hbm>> -> memref<40x64xi32, #tpu.memory_space<hbm>>
        %dma_start3A_74 = arith.constant 0 : i32
        %dma_start3A_75 = tpu.memref_slice %arg3[%add3A_31, %dma_start3A_74] : memref<5120x64xi32, #tpu.memory_space<hbm>> -> memref<40x64xi32, #tpu.memory_space<hbm>>
        tpu.enqueue_dma source(%dma_start3A_75 : memref<40x64xi32, #tpu.memory_space<hbm>>) target(%arg7 : memref<40x64xi32, #tpu.memory_space<vmem>>) target_semaphore(%run_scoped3A : memref<!tpu.dma_semaphore, #tpu.memory_space<semaphore_mem>>)
        %dma_wait3A = arith.constant 0 : i32
        %dma_wait3A_76 = tpu.memref_slice %arg3[%add3A_31, %dma_wait3A] : memref<5120x64xi32, #tpu.memory_space<hbm>> -> memref<40x64xi32, #tpu.memory_space<hbm>>
        %dma_wait3A_77 = arith.constant 0 : i32
        %dma_wait3A_78 = tpu.memref_slice %arg3[%add3A_31, %dma_wait3A_77] : memref<5120x64xi32, #tpu.memory_space<hbm>> -> memref<40x64xi32, #tpu.memory_space<hbm>>
        tpu.wait_dma2 semaphore(%run_scoped3A : memref<!tpu.dma_semaphore, #tpu.memory_space<semaphore_mem>>) src(%dma_wait3A_78 : memref<40x64xi32, #tpu.memory_space<hbm>>) dst(%arg7 : memref<40x64xi32, #tpu.memory_space<vmem>>)
        tpu.yield
      }) : () -> ()
      "tpu.region"() ({
        %run_scoped3A = tpu.sem_alloc : memref<!tpu.dma_semaphore, #tpu.memory_space<semaphore_mem>>
        %dma_start3A_72 = arith.constant 0 : i32
        %dma_start3A_73 = tpu.memref_slice %arg4[%add3A_31, %dma_start3A_72] : memref<5120x64xi32, #tpu.memory_space<hbm>> -> memref<40x64xi32, #tpu.memory_space<hbm>>
        %dma_start3A_74 = arith.constant 0 : i32
        %dma_start3A_75 = tpu.memref_slice %arg4[%add3A_31, %dma_start3A_74] : memref<5120x64xi32, #tpu.memory_space<hbm>> -> memref<40x64xi32, #tpu.memory_space<hbm>>
        tpu.enqueue_dma source(%dma_start3A_75 : memref<40x64xi32, #tpu.memory_space<hbm>>) target(%arg8 : memref<40x64xi32, #tpu.memory_space<vmem>>) target_semaphore(%run_scoped3A : memref<!tpu.dma_semaphore, #tpu.memory_space<semaphore_mem>>)
        %dma_wait3A = arith.constant 0 : i32
        %dma_wait3A_76 = tpu.memref_slice %arg4[%add3A_31, %dma_wait3A] : memref<5120x64xi32, #tpu.memory_space<hbm>> -> memref<40x64xi32, #tpu.memory_space<hbm>>
        %dma_wait3A_77 = arith.constant 0 : i32
        %dma_wait3A_78 = tpu.memref_slice %arg4[%add3A_31, %dma_wait3A_77] : memref<5120x64xi32, #tpu.memory_space<hbm>> -> memref<40x64xi32, #tpu.memory_space<hbm>>
        tpu.wait_dma2 semaphore(%run_scoped3A : memref<!tpu.dma_semaphore, #tpu.memory_space<semaphore_mem>>) src(%dma_wait3A_78 : memref<40x64xi32, #tpu.memory_space<hbm>>) dst(%arg8 : memref<40x64xi32, #tpu.memory_space<vmem>>)
        tpu.yield
      }) : () -> ()
      %dma_start3A = arith.constant 0 : i32
      %dma_start3A_32 = arith.constant 0 : i32
      %dma_start3A_33 = arith.constant 0 : i32
      %dma_start3A_34 = arith.constant 0 : i32
      %dma_start3A_35 = tpu.memref_slice %arg9[%dma_start3A_32, %dma_start3A_33, %dma_start3A_34] : memref<4x64x128xf32, #tpu.memory_space<vmem>> -> memref<1x64x128xf32, #tpu.memory_space<vmem>>
      %dma_start3A_36 = tpu.memref_squeeze %dma_start3A_35 : memref<1x64x128xf32, #tpu.memory_space<vmem>> -> memref<64x128xf32, #tpu.memory_space<vmem>>
      %dma_start3A_37 = arith.constant 0 : i32
      %dma_start3A_38 = tpu.memref_slice %arg7[%dma_start3A, %dma_start3A_37] : memref<40x64xi32, #tpu.memory_space<vmem>> -> memref<1x64xi32, #tpu.memory_space<vmem>>
      %dma_start3A_39 = tpu.memref_squeeze %dma_start3A_38 : memref<1x64xi32, #tpu.memory_space<vmem>> -> memref<64xi32, #tpu.memory_space<vmem>>
      %dma_start3A_40 = arith.constant 0 : i32
      %dma_start3A_41 = arith.constant 0 : i32
      %dma_start3A_42 = tpu.memref_slice %arg2[%dma_start3A_40, %dma_start3A_41] : memref<10000x128xf32, #tpu.memory_space<hbm>> -> memref<10000x128xf32, #tpu.memory_space<hbm>>
      tpu.enqueue_indirect_dma source(%dma_start3A_42 : memref<10000x128xf32, #tpu.memory_space<hbm>>) target(%dma_start3A_36 : memref<64x128xf32, #tpu.memory_space<vmem>>) offsets(%dma_start3A_39 : memref<64xi32, #tpu.memory_space<vmem>>) semaphore(%arg11 : memref<!tpu.dma_semaphore, #tpu.memory_space<semaphore_mem>>)
      %dma_start3A_43 = arith.constant 1 : i32
      %dma_start3A_44 = arith.constant 1 : i32
      %dma_start3A_45 = arith.constant 0 : i32
      %dma_start3A_46 = arith.constant 0 : i32
      %dma_start3A_47 = tpu.memref_slice %arg9[%dma_start3A_44, %dma_start3A_45, %dma_start3A_46] : memref<4x64x128xf32, #tpu.memory_space<vmem>> -> memref<1x64x128xf32, #tpu.memory_space<vmem>>
      %dma_start3A_48 = tpu.memref_squeeze %dma_start3A_47 : memref<1x64x128xf32, #tpu.memory_space<vmem>> -> memref<64x128xf32, #tpu.memory_space<vmem>>
      %dma_start3A_49 = arith.constant 0 : i32
      %dma_start3A_50 = tpu.memref_slice %arg7[%dma_start3A_43, %dma_start3A_49] : memref<40x64xi32, #tpu.memory_space<vmem>> -> memref<1x64xi32, #tpu.memory_space<vmem>>
      %dma_start3A_51 = tpu.memref_squeeze %dma_start3A_50 : memref<1x64xi32, #tpu.memory_space<vmem>> -> memref<64xi32, #tpu.memory_space<vmem>>
      %dma_start3A_52 = arith.constant 0 : i32
      %dma_start3A_53 = arith.constant 0 : i32
      %dma_start3A_54 = tpu.memref_slice %arg2[%dma_start3A_52, %dma_start3A_53] : memref<10000x128xf32, #tpu.memory_space<hbm>> -> memref<10000x128xf32, #tpu.memory_space<hbm>>
      tpu.enqueue_indirect_dma source(%dma_start3A_54 : memref<10000x128xf32, #tpu.memory_space<hbm>>) target(%dma_start3A_48 : memref<64x128xf32, #tpu.memory_space<vmem>>) offsets(%dma_start3A_51 : memref<64xi32, #tpu.memory_space<vmem>>) semaphore(%arg11 : memref<!tpu.dma_semaphore, #tpu.memory_space<semaphore_mem>>)
      %dma_start3A_55 = arith.constant 2 : i32
      %dma_start3A_56 = arith.constant 2 : i32
      %dma_start3A_57 = arith.constant 0 : i32
      %dma_start3A_58 = arith.constant 0 : i32
      %dma_start3A_59 = tpu.memref_slice %arg9[%dma_start3A_56, %dma_start3A_57, %dma_start3A_58] : memref<4x64x128xf32, #tpu.memory_space<vmem>> -> memref<1x64x128xf32, #tpu.memory_space<vmem>>
      %dma_start3A_60 = tpu.memref_squeeze %dma_start3A_59 : memref<1x64x128xf32, #tpu.memory_space<vmem>> -> memref<64x128xf32, #tpu.memory_space<vmem>>
      %dma_start3A_61 = arith.constant 0 : i32
      %dma_start3A_62 = tpu.memref_slice %arg7[%dma_start3A_55, %dma_start3A_61] : memref<40x64xi32, #tpu.memory_space<vmem>> -> memref<1x64xi32, #tpu.memory_space<vmem>>
      %dma_start3A_63 = tpu.memref_squeeze %dma_start3A_62 : memref<1x64xi32, #tpu.memory_space<vmem>> -> memref<64xi32, #tpu.memory_space<vmem>>
      %dma_start3A_64 = arith.constant 0 : i32
      %dma_start3A_65 = arith.constant 0 : i32
      %dma_start3A_66 = tpu.memref_slice %arg2[%dma_start3A_64, %dma_start3A_65] : memref<10000x128xf32, #tpu.memory_space<hbm>> -> memref<10000x128xf32, #tpu.memory_space<hbm>>
      tpu.enqueue_indirect_dma source(%dma_start3A_66 : memref<10000x128xf32, #tpu.memory_space<hbm>>) target(%dma_start3A_60 : memref<64x128xf32, #tpu.memory_space<vmem>>) offsets(%dma_start3A_63 : memref<64xi32, #tpu.memory_space<vmem>>) semaphore(%arg11 : memref<!tpu.dma_semaphore, #tpu.memory_space<semaphore_mem>>)
      %scan3A = arith.constant 0 : i32
      %scan3A_67 = arith.constant 0 : i32
      %scan3A_68 = arith.constant 10 : i32
      %scan3A_69 = arith.addi %scan3A_67, %scan3A_68 : i32
      %scan3A_70 = arith.constant 1 : i32
      scf.for %scan3A_72 = %scan3A_67 to %scan3A_69 step %scan3A_70  : i32 {
        %mul3A_73 = arith.constant 4 : i32
        %mul3A_74 = arith.muli %scan3A_72, %mul3A_73 : i32
        %add3A_75 = arith.constant 0 : i32
        %add3A_76 = arith.addi %mul3A_74, %add3A_75 : i32
        %dma_wait3A = arith.constant 0 : i32
        %dma_wait3A_77 = arith.constant 0 : i32
        %dma_wait3A_78 = arith.constant 0 : i32
        %dma_wait3A_79 = tpu.memref_slice %arg9[%dma_wait3A, %dma_wait3A_77, %dma_wait3A_78] : memref<4x64x128xf32, #tpu.memory_space<vmem>> -> memref<1x64x128xf32, #tpu.memory_space<vmem>>
        %dma_wait3A_80 = tpu.memref_squeeze %dma_wait3A_79 : memref<1x64x128xf32, #tpu.memory_space<vmem>> -> memref<64x128xf32, #tpu.memory_space<vmem>>
        %dma_wait3A_81 = arith.constant 0 : i32
        %dma_wait3A_82 = tpu.memref_slice %arg7[%add3A_76, %dma_wait3A_81] : memref<40x64xi32, #tpu.memory_space<vmem>> -> memref<1x64xi32, #tpu.memory_space<vmem>>
        %dma_wait3A_83 = tpu.memref_squeeze %dma_wait3A_82 : memref<1x64xi32, #tpu.memory_space<vmem>> -> memref<64xi32, #tpu.memory_space<vmem>>
        %dma_wait3A_84 = arith.constant 0 : i32
        %dma_wait3A_85 = arith.constant 0 : i32
        %dma_wait3A_86 = tpu.memref_slice %arg2[%dma_wait3A_84, %dma_wait3A_85] : memref<10000x128xf32, #tpu.memory_space<hbm>> -> memref<10000x128xf32, #tpu.memory_space<hbm>>
        tpu.wait_indirect_dma semaphore(%arg11 : memref<!tpu.dma_semaphore, #tpu.memory_space<semaphore_mem>>) src(%dma_wait3A_86 : memref<10000x128xf32, #tpu.memory_space<hbm>>) dst(%dma_wait3A_80 : memref<64x128xf32, #tpu.memory_space<vmem>>)
        %add3A_87 = arith.constant 4 : i32
        %add3A_88 = arith.addi %add3A_76, %add3A_87 : i32
        %sub3A = arith.constant 1 : i32
        %sub3A_89 = arith.subi %add3A_88, %sub3A : i32
        %lt3A = arith.constant 40 : i32
        %lt3A_90 = arith.cmpi slt, %sub3A_89, %lt3A : i32
        %convert_element_type3A = arith.extui %lt3A_90 : i1 to i32
        %cond3A = arith.constant 0 : i32
        %cond3A_91 = arith.cmpi ne, %convert_element_type3A, %cond3A : i32
        scf.if %cond3A_91 {
          %dma_start3A_167 = arith.constant 3 : i32
          %dma_start3A_168 = arith.constant 0 : i32
          %dma_start3A_169 = arith.constant 0 : i32
          %dma_start3A_170 = tpu.memref_slice %arg9[%dma_start3A_167, %dma_start3A_168, %dma_start3A_169] : memref<4x64x128xf32, #tpu.memory_space<vmem>> -> memref<1x64x128xf32, #tpu.memory_space<vmem>>
          %dma_start3A_171 = tpu.memref_squeeze %dma_start3A_170 : memref<1x64x128xf32, #tpu.memory_space<vmem>> -> memref<64x128xf32, #tpu.memory_space<vmem>>
          %dma_start3A_172 = arith.constant 0 : i32
          %dma_start3A_173 = tpu.memref_slice %arg7[%sub3A_89, %dma_start3A_172] : memref<40x64xi32, #tpu.memory_space<vmem>> -> memref<1x64xi32, #tpu.memory_space<vmem>>
          %dma_start3A_174 = tpu.memref_squeeze %dma_start3A_173 : memref<1x64xi32, #tpu.memory_space<vmem>> -> memref<64xi32, #tpu.memory_space<vmem>>
          %dma_start3A_175 = arith.constant 0 : i32
          %dma_start3A_176 = arith.constant 0 : i32
          %dma_start3A_177 = tpu.memref_slice %arg2[%dma_start3A_175, %dma_start3A_176] : memref<10000x128xf32, #tpu.memory_space<hbm>> -> memref<10000x128xf32, #tpu.memory_space<hbm>>
          tpu.enqueue_indirect_dma source(%dma_start3A_177 : memref<10000x128xf32, #tpu.memory_space<hbm>>) target(%dma_start3A_171 : memref<64x128xf32, #tpu.memory_space<vmem>>) offsets(%dma_start3A_174 : memref<64xi32, #tpu.memory_space<vmem>>) semaphore(%arg11 : memref<!tpu.dma_semaphore, #tpu.memory_space<semaphore_mem>>)
        } else {
        }
        %run_scoped3A = arith.constant 0 : i32
        "tpu.region"() ({
          %run_scoped3A_167 = tpu.sem_alloc : memref<!tpu.dma_semaphore, #tpu.memory_space<semaphore_mem>>
          %dma_start3A_168 = arith.constant 0 : i32
          %dma_start3A_169 = arith.constant 0 : i32
          %dma_start3A_170 = tpu.memref_slice %arg9[%run_scoped3A, %dma_start3A_168, %dma_start3A_169] : memref<4x64x128xf32, #tpu.memory_space<vmem>> -> memref<1x64x128xf32, #tpu.memory_space<vmem>>
          %dma_start3A_171 = tpu.memref_squeeze %dma_start3A_170 : memref<1x64x128xf32, #tpu.memory_space<vmem>> -> memref<64x128xf32, #tpu.memory_space<vmem>>
          %dma_start3A_172 = arith.constant 0 : i32
          %dma_start3A_173 = tpu.memref_slice %arg8[%add3A_76, %dma_start3A_172] : memref<40x64xi32, #tpu.memory_space<vmem>> -> memref<1x64xi32, #tpu.memory_space<vmem>>
          %dma_start3A_174 = tpu.memref_squeeze %dma_start3A_173 : memref<1x64xi32, #tpu.memory_space<vmem>> -> memref<64xi32, #tpu.memory_space<vmem>>
          %dma_start3A_175 = arith.constant 0 : i32
          %dma_start3A_176 = arith.constant 0 : i32
          %dma_start3A_177 = tpu.memref_slice %arg10[%dma_start3A_175, %dma_start3A_176] : memref<10240x128xf32, #tpu.memory_space<vmem_shared>> -> memref<10240x128xf32, #tpu.memory_space<vmem_shared>>
          tpu.enqueue_indirect_dma source(%dma_start3A_171 : memref<64x128xf32, #tpu.memory_space<vmem>>) target(%dma_start3A_177 : memref<10240x128xf32, #tpu.memory_space<vmem_shared>>) offsets(%dma_start3A_174 : memref<64xi32, #tpu.memory_space<vmem>>) semaphore(%run_scoped3A_167 : memref<!tpu.dma_semaphore, #tpu.memory_space<semaphore_mem>>) {add = true}
          %dma_wait3A_178 = arith.constant 0 : i32
          %dma_wait3A_179 = arith.constant 0 : i32
          %dma_wait3A_180 = tpu.memref_slice %arg9[%run_scoped3A, %dma_wait3A_178, %dma_wait3A_179] : memref<4x64x128xf32, #tpu.memory_space<vmem>> -> memref<1x64x128xf32, #tpu.memory_space<vmem>>
          %dma_wait3A_181 = tpu.memref_squeeze %dma_wait3A_180 : memref<1x64x128xf32, #tpu.memory_space<vmem>> -> memref<64x128xf32, #tpu.memory_space<vmem>>
          %dma_wait3A_182 = arith.constant 0 : i32
          %dma_wait3A_183 = tpu.memref_slice %arg8[%add3A_76, %dma_wait3A_182] : memref<40x64xi32, #tpu.memory_space<vmem>> -> memref<1x64xi32, #tpu.memory_space<vmem>>
          %dma_wait3A_184 = tpu.memref_squeeze %dma_wait3A_183 : memref<1x64xi32, #tpu.memory_space<vmem>> -> memref<64xi32, #tpu.memory_space<vmem>>
          %dma_wait3A_185 = arith.constant 0 : i32
          %dma_wait3A_186 = arith.constant 0 : i32
          %dma_wait3A_187 = tpu.memref_slice %arg10[%dma_wait3A_185, %dma_wait3A_186] : memref<10240x128xf32, #tpu.memory_space<vmem_shared>> -> memref<10240x128xf32, #tpu.memory_space<vmem_shared>>
          tpu.wait_indirect_dma semaphore(%run_scoped3A_167 : memref<!tpu.dma_semaphore, #tpu.memory_space<semaphore_mem>>) src(%dma_wait3A_181 : memref<64x128xf32, #tpu.memory_space<vmem>>) dst(%dma_wait3A_187 : memref<10240x128xf32, #tpu.memory_space<vmem_shared>>)
          tpu.yield
        }) : () -> ()
        %mul3A_92 = arith.constant 4 : i32
        %mul3A_93 = arith.muli %scan3A_72, %mul3A_92 : i32
        %add3A_94 = arith.constant 1 : i32
        %add3A_95 = arith.addi %mul3A_93, %add3A_94 : i32
        %dma_wait3A_96 = arith.constant 1 : i32
        %dma_wait3A_97 = arith.constant 0 : i32
        %dma_wait3A_98 = arith.constant 0 : i32
        %dma_wait3A_99 = tpu.memref_slice %arg9[%dma_wait3A_96, %dma_wait3A_97, %dma_wait3A_98] : memref<4x64x128xf32, #tpu.memory_space<vmem>> -> memref<1x64x128xf32, #tpu.memory_space<vmem>>
        %dma_wait3A_100 = tpu.memref_squeeze %dma_wait3A_99 : memref<1x64x128xf32, #tpu.memory_space<vmem>> -> memref<64x128xf32, #tpu.memory_space<vmem>>
        %dma_wait3A_101 = arith.constant 0 : i32
        %dma_wait3A_102 = tpu.memref_slice %arg7[%add3A_95, %dma_wait3A_101] : memref<40x64xi32, #tpu.memory_space<vmem>> -> memref<1x64xi32, #tpu.memory_space<vmem>>
        %dma_wait3A_103 = tpu.memref_squeeze %dma_wait3A_102 : memref<1x64xi32, #tpu.memory_space<vmem>> -> memref<64xi32, #tpu.memory_space<vmem>>
        %dma_wait3A_104 = arith.constant 0 : i32
        %dma_wait3A_105 = arith.constant 0 : i32
        %dma_wait3A_106 = tpu.memref_slice %arg2[%dma_wait3A_104, %dma_wait3A_105] : memref<10000x128xf32, #tpu.memory_space<hbm>> -> memref<10000x128xf32, #tpu.memory_space<hbm>>
        tpu.wait_indirect_dma semaphore(%arg11 : memref<!tpu.dma_semaphore, #tpu.memory_space<semaphore_mem>>) src(%dma_wait3A_106 : memref<10000x128xf32, #tpu.memory_space<hbm>>) dst(%dma_wait3A_100 : memref<64x128xf32, #tpu.memory_space<vmem>>)
        %add3A_107 = arith.constant 4 : i32
        %add3A_108 = arith.addi %add3A_95, %add3A_107 : i32
        %sub3A_109 = arith.constant 1 : i32
        %sub3A_110 = arith.subi %add3A_108, %sub3A_109 : i32
        %lt3A_111 = arith.constant 40 : i32
        %lt3A_112 = arith.cmpi slt, %sub3A_110, %lt3A_111 : i32
        %convert_element_type3A_113 = arith.extui %lt3A_112 : i1 to i32
        %cond3A_114 = arith.constant 0 : i32
        %cond3A_115 = arith.cmpi ne, %convert_element_type3A_113, %cond3A_114 : i32
        scf.if %cond3A_115 {
          %dma_start3A_167 = arith.constant 0 : i32
          %dma_start3A_168 = arith.constant 0 : i32
          %dma_start3A_169 = arith.constant 0 : i32
          %dma_start3A_170 = tpu.memref_slice %arg9[%dma_start3A_167, %dma_start3A_168, %dma_start3A_169] : memref<4x64x128xf32, #tpu.memory_space<vmem>> -> memref<1x64x128xf32, #tpu.memory_space<vmem>>
          %dma_start3A_171 = tpu.memref_squeeze %dma_start3A_170 : memref<1x64x128xf32, #tpu.memory_space<vmem>> -> memref<64x128xf32, #tpu.memory_space<vmem>>
          %dma_start3A_172 = arith.constant 0 : i32
          %dma_start3A_173 = tpu.memref_slice %arg7[%sub3A_110, %dma_start3A_172] : memref<40x64xi32, #tpu.memory_space<vmem>> -> memref<1x64xi32, #tpu.memory_space<vmem>>
          %dma_start3A_174 = tpu.memref_squeeze %dma_start3A_173 : memref<1x64xi32, #tpu.memory_space<vmem>> -> memref<64xi32, #tpu.memory_space<vmem>>
          %dma_start3A_175 = arith.constant 0 : i32
          %dma_start3A_176 = arith.constant 0 : i32
          %dma_start3A_177 = tpu.memref_slice %arg2[%dma_start3A_175, %dma_start3A_176] : memref<10000x128xf32, #tpu.memory_space<hbm>> -> memref<10000x128xf32, #tpu.memory_space<hbm>>
          tpu.enqueue_indirect_dma source(%dma_start3A_177 : memref<10000x128xf32, #tpu.memory_space<hbm>>) target(%dma_start3A_171 : memref<64x128xf32, #tpu.memory_space<vmem>>) offsets(%dma_start3A_174 : memref<64xi32, #tpu.memory_space<vmem>>) semaphore(%arg11 : memref<!tpu.dma_semaphore, #tpu.memory_space<semaphore_mem>>)
        } else {
        }
        %run_scoped3A_116 = arith.constant 1 : i32
        "tpu.region"() ({
          %run_scoped3A_167 = tpu.sem_alloc : memref<!tpu.dma_semaphore, #tpu.memory_space<semaphore_mem>>
          %dma_start3A_168 = arith.constant 0 : i32
          %dma_start3A_169 = arith.constant 0 : i32
          %dma_start3A_170 = tpu.memref_slice %arg9[%run_scoped3A_116, %dma_start3A_168, %dma_start3A_169] : memref<4x64x128xf32, #tpu.memory_space<vmem>> -> memref<1x64x128xf32, #tpu.memory_space<vmem>>
          %dma_start3A_171 = tpu.memref_squeeze %dma_start3A_170 : memref<1x64x128xf32, #tpu.memory_space<vmem>> -> memref<64x128xf32, #tpu.memory_space<vmem>>
          %dma_start3A_172 = arith.constant 0 : i32
          %dma_start3A_173 = tpu.memref_slice %arg8[%add3A_95, %dma_start3A_172] : memref<40x64xi32, #tpu.memory_space<vmem>> -> memref<1x64xi32, #tpu.memory_space<vmem>>
          %dma_start3A_174 = tpu.memref_squeeze %dma_start3A_173 : memref<1x64xi32, #tpu.memory_space<vmem>> -> memref<64xi32, #tpu.memory_space<vmem>>
          %dma_start3A_175 = arith.constant 0 : i32
          %dma_start3A_176 = arith.constant 0 : i32
          %dma_start3A_177 = tpu.memref_slice %arg10[%dma_start3A_175, %dma_start3A_176] : memref<10240x128xf32, #tpu.memory_space<vmem_shared>> -> memref<10240x128xf32, #tpu.memory_space<vmem_shared>>
          tpu.enqueue_indirect_dma source(%dma_start3A_171 : memref<64x128xf32, #tpu.memory_space<vmem>>) target(%dma_start3A_177 : memref<10240x128xf32, #tpu.memory_space<vmem_shared>>) offsets(%dma_start3A_174 : memref<64xi32, #tpu.memory_space<vmem>>) semaphore(%run_scoped3A_167 : memref<!tpu.dma_semaphore, #tpu.memory_space<semaphore_mem>>) {add = true}
          %dma_wait3A_178 = arith.constant 0 : i32
          %dma_wait3A_179 = arith.constant 0 : i32
          %dma_wait3A_180 = tpu.memref_slice %arg9[%run_scoped3A_116, %dma_wait3A_178, %dma_wait3A_179] : memref<4x64x128xf32, #tpu.memory_space<vmem>> -> memref<1x64x128xf32, #tpu.memory_space<vmem>>
          %dma_wait3A_181 = tpu.memref_squeeze %dma_wait3A_180 : memref<1x64x128xf32, #tpu.memory_space<vmem>> -> memref<64x128xf32, #tpu.memory_space<vmem>>
          %dma_wait3A_182 = arith.constant 0 : i32
          %dma_wait3A_183 = tpu.memref_slice %arg8[%add3A_95, %dma_wait3A_182] : memref<40x64xi32, #tpu.memory_space<vmem>> -> memref<1x64xi32, #tpu.memory_space<vmem>>
          %dma_wait3A_184 = tpu.memref_squeeze %dma_wait3A_183 : memref<1x64xi32, #tpu.memory_space<vmem>> -> memref<64xi32, #tpu.memory_space<vmem>>
          %dma_wait3A_185 = arith.constant 0 : i32
          %dma_wait3A_186 = arith.constant 0 : i32
          %dma_wait3A_187 = tpu.memref_slice %arg10[%dma_wait3A_185, %dma_wait3A_186] : memref<10240x128xf32, #tpu.memory_space<vmem_shared>> -> memref<10240x128xf32, #tpu.memory_space<vmem_shared>>
          tpu.wait_indirect_dma semaphore(%run_scoped3A_167 : memref<!tpu.dma_semaphore, #tpu.memory_space<semaphore_mem>>) src(%dma_wait3A_181 : memref<64x128xf32, #tpu.memory_space<vmem>>) dst(%dma_wait3A_187 : memref<10240x128xf32, #tpu.memory_space<vmem_shared>>)
          tpu.yield
        }) : () -> ()
        %mul3A_117 = arith.constant 4 : i32
        %mul3A_118 = arith.muli %scan3A_72, %mul3A_117 : i32
        %add3A_119 = arith.constant 2 : i32
        %add3A_120 = arith.addi %mul3A_118, %add3A_119 : i32
        %dma_wait3A_121 = arith.constant 2 : i32
        %dma_wait3A_122 = arith.constant 0 : i32
        %dma_wait3A_123 = arith.constant 0 : i32
        %dma_wait3A_124 = tpu.memref_slice %arg9[%dma_wait3A_121, %dma_wait3A_122, %dma_wait3A_123] : memref<4x64x128xf32, #tpu.memory_space<vmem>> -> memref<1x64x128xf32, #tpu.memory_space<vmem>>
        %dma_wait3A_125 = tpu.memref_squeeze %dma_wait3A_124 : memref<1x64x128xf32, #tpu.memory_space<vmem>> -> memref<64x128xf32, #tpu.memory_space<vmem>>
        %dma_wait3A_126 = arith.constant 0 : i32
        %dma_wait3A_127 = tpu.memref_slice %arg7[%add3A_120, %dma_wait3A_126] : memref<40x64xi32, #tpu.memory_space<vmem>> -> memref<1x64xi32, #tpu.memory_space<vmem>>
        %dma_wait3A_128 = tpu.memref_squeeze %dma_wait3A_127 : memref<1x64xi32, #tpu.memory_space<vmem>> -> memref<64xi32, #tpu.memory_space<vmem>>
        %dma_wait3A_129 = arith.constant 0 : i32
        %dma_wait3A_130 = arith.constant 0 : i32
        %dma_wait3A_131 = tpu.memref_slice %arg2[%dma_wait3A_129, %dma_wait3A_130] : memref<10000x128xf32, #tpu.memory_space<hbm>> -> memref<10000x128xf32, #tpu.memory_space<hbm>>
        tpu.wait_indirect_dma semaphore(%arg11 : memref<!tpu.dma_semaphore, #tpu.memory_space<semaphore_mem>>) src(%dma_wait3A_131 : memref<10000x128xf32, #tpu.memory_space<hbm>>) dst(%dma_wait3A_125 : memref<64x128xf32, #tpu.memory_space<vmem>>)
        %add3A_132 = arith.constant 4 : i32
        %add3A_133 = arith.addi %add3A_120, %add3A_132 : i32
        %sub3A_134 = arith.constant 1 : i32
        %sub3A_135 = arith.subi %add3A_133, %sub3A_134 : i32
        %lt3A_136 = arith.constant 40 : i32
        %lt3A_137 = arith.cmpi slt, %sub3A_135, %lt3A_136 : i32
        %convert_element_type3A_138 = arith.extui %lt3A_137 : i1 to i32
        %cond3A_139 = arith.constant 0 : i32
        %cond3A_140 = arith.cmpi ne, %convert_element_type3A_138, %cond3A_139 : i32
        scf.if %cond3A_140 {
          %dma_start3A_167 = arith.constant 1 : i32
          %dma_start3A_168 = arith.constant 0 : i32
          %dma_start3A_169 = arith.constant 0 : i32
          %dma_start3A_170 = tpu.memref_slice %arg9[%dma_start3A_167, %dma_start3A_168, %dma_start3A_169] : memref<4x64x128xf32, #tpu.memory_space<vmem>> -> memref<1x64x128xf32, #tpu.memory_space<vmem>>
          %dma_start3A_171 = tpu.memref_squeeze %dma_start3A_170 : memref<1x64x128xf32, #tpu.memory_space<vmem>> -> memref<64x128xf32, #tpu.memory_space<vmem>>
          %dma_start3A_172 = arith.constant 0 : i32
          %dma_start3A_173 = tpu.memref_slice %arg7[%sub3A_135, %dma_start3A_172] : memref<40x64xi32, #tpu.memory_space<vmem>> -> memref<1x64xi32, #tpu.memory_space<vmem>>
          %dma_start3A_174 = tpu.memref_squeeze %dma_start3A_173 : memref<1x64xi32, #tpu.memory_space<vmem>> -> memref<64xi32, #tpu.memory_space<vmem>>
          %dma_start3A_175 = arith.constant 0 : i32
          %dma_start3A_176 = arith.constant 0 : i32
          %dma_start3A_177 = tpu.memref_slice %arg2[%dma_start3A_175, %dma_start3A_176] : memref<10000x128xf32, #tpu.memory_space<hbm>> -> memref<10000x128xf32, #tpu.memory_space<hbm>>
          tpu.enqueue_indirect_dma source(%dma_start3A_177 : memref<10000x128xf32, #tpu.memory_space<hbm>>) target(%dma_start3A_171 : memref<64x128xf32, #tpu.memory_space<vmem>>) offsets(%dma_start3A_174 : memref<64xi32, #tpu.memory_space<vmem>>) semaphore(%arg11 : memref<!tpu.dma_semaphore, #tpu.memory_space<semaphore_mem>>)
        } else {
        }
        %run_scoped3A_141 = arith.constant 2 : i32
        "tpu.region"() ({
          %run_scoped3A_167 = tpu.sem_alloc : memref<!tpu.dma_semaphore, #tpu.memory_space<semaphore_mem>>
          %dma_start3A_168 = arith.constant 0 : i32
          %dma_start3A_169 = arith.constant 0 : i32
          %dma_start3A_170 = tpu.memref_slice %arg9[%run_scoped3A_141, %dma_start3A_168, %dma_start3A_169] : memref<4x64x128xf32, #tpu.memory_space<vmem>> -> memref<1x64x128xf32, #tpu.memory_space<vmem>>
          %dma_start3A_171 = tpu.memref_squeeze %dma_start3A_170 : memref<1x64x128xf32, #tpu.memory_space<vmem>> -> memref<64x128xf32, #tpu.memory_space<vmem>>
          %dma_start3A_172 = arith.constant 0 : i32
          %dma_start3A_173 = tpu.memref_slice %arg8[%add3A_120, %dma_start3A_172] : memref<40x64xi32, #tpu.memory_space<vmem>> -> memref<1x64xi32, #tpu.memory_space<vmem>>
          %dma_start3A_174 = tpu.memref_squeeze %dma_start3A_173 : memref<1x64xi32, #tpu.memory_space<vmem>> -> memref<64xi32, #tpu.memory_space<vmem>>
          %dma_start3A_175 = arith.constant 0 : i32
          %dma_start3A_176 = arith.constant 0 : i32
          %dma_start3A_177 = tpu.memref_slice %arg10[%dma_start3A_175, %dma_start3A_176] : memref<10240x128xf32, #tpu.memory_space<vmem_shared>> -> memref<10240x128xf32, #tpu.memory_space<vmem_shared>>
          tpu.enqueue_indirect_dma source(%dma_start3A_171 : memref<64x128xf32, #tpu.memory_space<vmem>>) target(%dma_start3A_177 : memref<10240x128xf32, #tpu.memory_space<vmem_shared>>) offsets(%dma_start3A_174 : memref<64xi32, #tpu.memory_space<vmem>>) semaphore(%run_scoped3A_167 : memref<!tpu.dma_semaphore, #tpu.memory_space<semaphore_mem>>) {add = true}
          %dma_wait3A_178 = arith.constant 0 : i32
          %dma_wait3A_179 = arith.constant 0 : i32
          %dma_wait3A_180 = tpu.memref_slice %arg9[%run_scoped3A_141, %dma_wait3A_178, %dma_wait3A_179] : memref<4x64x128xf32, #tpu.memory_space<vmem>> -> memref<1x64x128xf32, #tpu.memory_space<vmem>>
          %dma_wait3A_181 = tpu.memref_squeeze %dma_wait3A_180 : memref<1x64x128xf32, #tpu.memory_space<vmem>> -> memref<64x128xf32, #tpu.memory_space<vmem>>
          %dma_wait3A_182 = arith.constant 0 : i32
          %dma_wait3A_183 = tpu.memref_slice %arg8[%add3A_120, %dma_wait3A_182] : memref<40x64xi32, #tpu.memory_space<vmem>> -> memref<1x64xi32, #tpu.memory_space<vmem>>
          %dma_wait3A_184 = tpu.memref_squeeze %dma_wait3A_183 : memref<1x64xi32, #tpu.memory_space<vmem>> -> memref<64xi32, #tpu.memory_space<vmem>>
          %dma_wait3A_185 = arith.constant 0 : i32
          %dma_wait3A_186 = arith.constant 0 : i32
          %dma_wait3A_187 = tpu.memref_slice %arg10[%dma_wait3A_185, %dma_wait3A_186] : memref<10240x128xf32, #tpu.memory_space<vmem_shared>> -> memref<10240x128xf32, #tpu.memory_space<vmem_shared>>
          tpu.wait_indirect_dma semaphore(%run_scoped3A_167 : memref<!tpu.dma_semaphore, #tpu.memory_space<semaphore_mem>>) src(%dma_wait3A_181 : memref<64x128xf32, #tpu.memory_space<vmem>>) dst(%dma_wait3A_187 : memref<10240x128xf32, #tpu.memory_space<vmem_shared>>)
          tpu.yield
        }) : () -> ()
        %mul3A_142 = arith.constant 4 : i32
        %mul3A_143 = arith.muli %scan3A_72, %mul3A_142 : i32
        %add3A_144 = arith.constant 3 : i32
        %add3A_145 = arith.addi %mul3A_143, %add3A_144 : i32
        %dma_wait3A_146 = arith.constant 3 : i32
        %dma_wait3A_147 = arith.constant 0 : i32
        %dma_wait3A_148 = arith.constant 0 : i32
        %dma_wait3A_149 = tpu.memref_slice %arg9[%dma_wait3A_146, %dma_wait3A_147, %dma_wait3A_148] : memref<4x64x128xf32, #tpu.memory_space<vmem>> -> memref<1x64x128xf32, #tpu.memory_space<vmem>>
        %dma_wait3A_150 = tpu.memref_squeeze %dma_wait3A_149 : memref<1x64x128xf32, #tpu.memory_space<vmem>> -> memref<64x128xf32, #tpu.memory_space<vmem>>
        %dma_wait3A_151 = arith.constant 0 : i32
        %dma_wait3A_152 = tpu.memref_slice %arg7[%add3A_145, %dma_wait3A_151] : memref<40x64xi32, #tpu.memory_space<vmem>> -> memref<1x64xi32, #tpu.memory_space<vmem>>
        %dma_wait3A_153 = tpu.memref_squeeze %dma_wait3A_152 : memref<1x64xi32, #tpu.memory_space<vmem>> -> memref<64xi32, #tpu.memory_space<vmem>>
        %dma_wait3A_154 = arith.constant 0 : i32
        %dma_wait3A_155 = arith.constant 0 : i32
        %dma_wait3A_156 = tpu.memref_slice %arg2[%dma_wait3A_154, %dma_wait3A_155] : memref<10000x128xf32, #tpu.memory_space<hbm>> -> memref<10000x128xf32, #tpu.memory_space<hbm>>
        tpu.wait_indirect_dma semaphore(%arg11 : memref<!tpu.dma_semaphore, #tpu.memory_space<semaphore_mem>>) src(%dma_wait3A_156 : memref<10000x128xf32, #tpu.memory_space<hbm>>) dst(%dma_wait3A_150 : memref<64x128xf32, #tpu.memory_space<vmem>>)
        %add3A_157 = arith.constant 4 : i32
        %add3A_158 = arith.addi %add3A_145, %add3A_157 : i32
        %sub3A_159 = arith.constant 1 : i32
        %sub3A_160 = arith.subi %add3A_158, %sub3A_159 : i32
        %lt3A_161 = arith.constant 40 : i32
        %lt3A_162 = arith.cmpi slt, %sub3A_160, %lt3A_161 : i32
        %convert_element_type3A_163 = arith.extui %lt3A_162 : i1 to i32
        %cond3A_164 = arith.constant 0 : i32
        %cond3A_165 = arith.cmpi ne, %convert_element_type3A_163, %cond3A_164 : i32
        scf.if %cond3A_165 {
          %dma_start3A_167 = arith.constant 2 : i32
          %dma_start3A_168 = arith.constant 0 : i32
          %dma_start3A_169 = arith.constant 0 : i32
          %dma_start3A_170 = tpu.memref_slice %arg9[%dma_start3A_167, %dma_start3A_168, %dma_start3A_169] : memref<4x64x128xf32, #tpu.memory_space<vmem>> -> memref<1x64x128xf32, #tpu.memory_space<vmem>>
          %dma_start3A_171 = tpu.memref_squeeze %dma_start3A_170 : memref<1x64x128xf32, #tpu.memory_space<vmem>> -> memref<64x128xf32, #tpu.memory_space<vmem>>
          %dma_start3A_172 = arith.constant 0 : i32
          %dma_start3A_173 = tpu.memref_slice %arg7[%sub3A_160, %dma_start3A_172] : memref<40x64xi32, #tpu.memory_space<vmem>> -> memref<1x64xi32, #tpu.memory_space<vmem>>
          %dma_start3A_174 = tpu.memref_squeeze %dma_start3A_173 : memref<1x64xi32, #tpu.memory_space<vmem>> -> memref<64xi32, #tpu.memory_space<vmem>>
          %dma_start3A_175 = arith.constant 0 : i32
          %dma_start3A_176 = arith.constant 0 : i32
          %dma_start3A_177 = tpu.memref_slice %arg2[%dma_start3A_175, %dma_start3A_176] : memref<10000x128xf32, #tpu.memory_space<hbm>> -> memref<10000x128xf32, #tpu.memory_space<hbm>>
          tpu.enqueue_indirect_dma source(%dma_start3A_177 : memref<10000x128xf32, #tpu.memory_space<hbm>>) target(%dma_start3A_171 : memref<64x128xf32, #tpu.memory_space<vmem>>) offsets(%dma_start3A_174 : memref<64xi32, #tpu.memory_space<vmem>>) semaphore(%arg11 : memref<!tpu.dma_semaphore, #tpu.memory_space<semaphore_mem>>)
        } else {
        }
        %run_scoped3A_166 = arith.constant 3 : i32
        "tpu.region"() ({
          %run_scoped3A_167 = tpu.sem_alloc : memref<!tpu.dma_semaphore, #tpu.memory_space<semaphore_mem>>
          %dma_start3A_168 = arith.constant 0 : i32
          %dma_start3A_169 = arith.constant 0 : i32
          %dma_start3A_170 = tpu.memref_slice %arg9[%run_scoped3A_166, %dma_start3A_168, %dma_start3A_169] : memref<4x64x128xf32, #tpu.memory_space<vmem>> -> memref<1x64x128xf32, #tpu.memory_space<vmem>>
          %dma_start3A_171 = tpu.memref_squeeze %dma_start3A_170 : memref<1x64x128xf32, #tpu.memory_space<vmem>> -> memref<64x128xf32, #tpu.memory_space<vmem>>
          %dma_start3A_172 = arith.constant 0 : i32
          %dma_start3A_173 = tpu.memref_slice %arg8[%add3A_145, %dma_start3A_172] : memref<40x64xi32, #tpu.memory_space<vmem>> -> memref<1x64xi32, #tpu.memory_space<vmem>>
          %dma_start3A_174 = tpu.memref_squeeze %dma_start3A_173 : memref<1x64xi32, #tpu.memory_space<vmem>> -> memref<64xi32, #tpu.memory_space<vmem>>
          %dma_start3A_175 = arith.constant 0 : i32
          %dma_start3A_176 = arith.constant 0 : i32
          %dma_start3A_177 = tpu.memref_slice %arg10[%dma_start3A_175, %dma_start3A_176] : memref<10240x128xf32, #tpu.memory_space<vmem_shared>> -> memref<10240x128xf32, #tpu.memory_space<vmem_shared>>
          tpu.enqueue_indirect_dma source(%dma_start3A_171 : memref<64x128xf32, #tpu.memory_space<vmem>>) target(%dma_start3A_177 : memref<10240x128xf32, #tpu.memory_space<vmem_shared>>) offsets(%dma_start3A_174 : memref<64xi32, #tpu.memory_space<vmem>>) semaphore(%run_scoped3A_167 : memref<!tpu.dma_semaphore, #tpu.memory_space<semaphore_mem>>) {add = true}
          %dma_wait3A_178 = arith.constant 0 : i32
          %dma_wait3A_179 = arith.constant 0 : i32
          %dma_wait3A_180 = tpu.memref_slice %arg9[%run_scoped3A_166, %dma_wait3A_178, %dma_wait3A_179] : memref<4x64x128xf32, #tpu.memory_space<vmem>> -> memref<1x64x128xf32, #tpu.memory_space<vmem>>
          %dma_wait3A_181 = tpu.memref_squeeze %dma_wait3A_180 : memref<1x64x128xf32, #tpu.memory_space<vmem>> -> memref<64x128xf32, #tpu.memory_space<vmem>>
          %dma_wait3A_182 = arith.constant 0 : i32
          %dma_wait3A_183 = tpu.memref_slice %arg8[%add3A_145, %dma_wait3A_182] : memref<40x64xi32, #tpu.memory_space<vmem>> -> memref<1x64xi32, #tpu.memory_space<vmem>>
          %dma_wait3A_184 = tpu.memref_squeeze %dma_wait3A_183 : memref<1x64xi32, #tpu.memory_space<vmem>> -> memref<64xi32, #tpu.memory_space<vmem>>
          %dma_wait3A_185 = arith.constant 0 : i32
          %dma_wait3A_186 = arith.constant 0 : i32
          %dma_wait3A_187 = tpu.memref_slice %arg10[%dma_wait3A_185, %dma_wait3A_186] : memref<10240x128xf32, #tpu.memory_space<vmem_shared>> -> memref<10240x128xf32, #tpu.memory_space<vmem_shared>>
          tpu.wait_indirect_dma semaphore(%run_scoped3A_167 : memref<!tpu.dma_semaphore, #tpu.memory_space<semaphore_mem>>) src(%dma_wait3A_181 : memref<64x128xf32, #tpu.memory_space<vmem>>) dst(%dma_wait3A_187 : memref<10240x128xf32, #tpu.memory_space<vmem_shared>>)
          tpu.yield
        }) : () -> ()
      }
      %scan3A_71 = arith.constant 10 : i32
    }
    %barrier3A_23 = arith.constant 0 : index
    tpu.barrier barrier_id(%barrier3A_23)
    %mul3A_24 = arith.constant 640 : i32
    %mul3A_25 = arith.muli %arg1, %mul3A_24 : i32
    %mul3A_26 = arith.constant 640 : i32
    %mul3A_27 = arith.muli %arg1, %mul3A_26 : i32
    "tpu.region"() ({
      %run_scoped3A = tpu.sem_alloc : memref<!tpu.dma_semaphore, #tpu.memory_space<semaphore_mem>>
      %dma_start3A = arith.constant 0 : i32
      %dma_start3A_28 = tpu.memref_slice %arg6[%arg0, %mul3A_27, %dma_start3A] : memref<2x10240x128xf32, #tpu.memory_space<hbm>> -> memref<1x640x128xf32, #tpu.memory_space<hbm>>
      %dma_start3A_29 = tpu.memref_squeeze %dma_start3A_28 : memref<1x640x128xf32, #tpu.memory_space<hbm>> -> memref<640x128xf32, #tpu.memory_space<hbm>>
      %dma_start3A_30 = arith.constant 0 : i32
      %dma_start3A_31 = tpu.memref_slice %arg10[%mul3A_25, %dma_start3A_30] : memref<10240x128xf32, #tpu.memory_space<vmem_shared>> -> memref<640x128xf32, #tpu.memory_space<vmem_shared>>
      tpu.enqueue_dma source(%dma_start3A_31 : memref<640x128xf32, #tpu.memory_space<vmem_shared>>) target(%dma_start3A_29 : memref<640x128xf32, #tpu.memory_space<hbm>>) target_semaphore(%run_scoped3A : memref<!tpu.dma_semaphore, #tpu.memory_space<semaphore_mem>>)
      %dma_wait3A = arith.constant 0 : i32
      %dma_wait3A_32 = tpu.memref_slice %arg6[%arg0, %mul3A_27, %dma_wait3A] : memref<2x10240x128xf32, #tpu.memory_space<hbm>> -> memref<1x640x128xf32, #tpu.memory_space<hbm>>
      %dma_wait3A_33 = tpu.memref_squeeze %dma_wait3A_32 : memref<1x640x128xf32, #tpu.memory_space<hbm>> -> memref<640x128xf32, #tpu.memory_space<hbm>>
      %dma_wait3A_34 = arith.constant 0 : i32
      %dma_wait3A_35 = tpu.memref_slice %arg10[%mul3A_25, %dma_wait3A_34] : memref<10240x128xf32, #tpu.memory_space<vmem_shared>> -> memref<640x128xf32, #tpu.memory_space<vmem_shared>>
      tpu.wait_dma2 semaphore(%run_scoped3A : memref<!tpu.dma_semaphore, #tpu.memory_space<semaphore_mem>>) src(%dma_wait3A_35 : memref<640x128xf32, #tpu.memory_space<vmem_shared>>) dst(%dma_wait3A_33 : memref<640x128xf32, #tpu.memory_space<hbm>>)
      tpu.yield
    }) : () -> ()
    return
  }
}

module attributes {stable_mosaic.version = 14 : i64} {
  func.func @_tc_emh_body(%arg0: i32, %arg1: memref<8192x1xf32, #tpu.memory_space<vmem>>, %arg2: memref<1x16xf32, #tpu.memory_space<vmem>>, %arg3: memref<17x128xf32, #tpu.memory_space<vmem>>, %arg4: memref<1x128xf32, #tpu.memory_space<vmem>>, %arg5: memref<8192x128xf32, #tpu.memory_space<vmem>>) attributes {dimension_semantics = [#tpu.dimension_semantics<arbitrary>], iteration_bounds = array<i64: 40>, scalar_prefetch = 0 : i64, scratch_operands = 0 : i64, tpu.core_type = #tpu.core_type<tc>, window_params = [{transform_indices = @transform_0, window_bounds = array<i64: 8192, 1>}, {pipeline_mode = #tpu.pipeline_mode<synchronous>, transform_indices = @transform_1, window_bounds = array<i64: 1, 16>}, {pipeline_mode = #tpu.pipeline_mode<synchronous>, transform_indices = @transform_2, window_bounds = array<i64: 17, 128>}, {pipeline_mode = #tpu.pipeline_mode<synchronous>, transform_indices = @transform_3, window_bounds = array<i64: 1, 128>}, {transform_indices = @transform_4, window_bounds = array<i64: 8192, 128>}]} {
    %get3A = arith.constant 0 : index
    %get3A_0 = arith.constant 0 : index
    %get3A_1 = vector.load %arg2[%get3A, %get3A_0] : memref<1x16xf32, #tpu.memory_space<vmem>>, vector<1x16xf32>
    %get3A_2 = arith.constant 0 : index
    %get3A_3 = arith.constant 0 : index
    %get3A_4 = vector.load %arg3[%get3A_2, %get3A_3] : memref<17x128xf32, #tpu.memory_space<vmem>>, vector<16x128xf32>
    %dot_general3A = arith.constant dense<0.000000e+00> : vector<1x128xf32>
    %dot_general3A_5 = tpu.matmul %get3A_1, %get3A_4, %dot_general3A {dimension_numbers = #tpu.dot_dimension_numbers<[1], [0], [0], [1], [0, 0, 1, 1], [], []>, transpose_lhs_hint = false} : vector<1x16xf32>, vector<16x128xf32>, vector<1x128xf32> -> vector<1x128xf32>
    %get3A_6 = arith.constant 0 : index
    %get3A_7 = arith.constant 0 : index
    %get3A_8 = vector.load %arg4[%get3A_6, %get3A_7] : memref<1x128xf32, #tpu.memory_space<vmem>>, vector<1x128xf32>
    %add3A = arith.addf %dot_general3A_5, %get3A_8 : vector<1x128xf32>
    %get3A_9 = arith.constant 16 : index
    %get3A_10 = arith.constant 0 : index
    %get3A_11 = vector.load %arg3[%get3A_9, %get3A_10] : memref<17x128xf32, #tpu.memory_space<vmem>>, vector<1x128xf32>
    %get3A_12 = arith.constant 0 : index
    %get3A_13 = arith.constant 0 : index
    %get3A_14 = vector.load %arg1[%get3A_12, %get3A_13] : memref<8192x1xf32, #tpu.memory_space<vmem>>, vector<8192x1xf32>
    %mul3A = vector.broadcast %get3A_14 : vector<8192x1xf32> to vector<8192x128xf32>
    %mul3A_15 = vector.broadcast %get3A_11 : vector<1x128xf32> to vector<8192x128xf32>
    %mul3A_16 = arith.mulf %mul3A, %mul3A_15 : vector<8192x128xf32>
    %add3A_17 = vector.broadcast %add3A : vector<1x128xf32> to vector<8192x128xf32>
    %add3A_18 = arith.addf %mul3A_16, %add3A_17 : vector<8192x128xf32>
    %max3A = arith.constant 0.000000e+00 : f32
    %max3A_19 = vector.broadcast %max3A : f32 to vector<8192x128xf32>
    %max3A_20 = arith.maximumf %add3A_18, %max3A_19 : vector<8192x128xf32>
    %swap3A = arith.constant 0 : index
    %swap3A_21 = arith.constant 0 : index
    %swap3A_22 = vector.load %arg5[%swap3A, %swap3A_21] : memref<8192x128xf32, #tpu.memory_space<vmem>>, vector<8192x128xf32>
    tpu.vector_store %arg5[%swap3A, %swap3A_21], %max3A_20 {strides = array<i32>} : memref<8192x128xf32, #tpu.memory_space<vmem>>, vector<8192x128xf32>,
    return
  }
  func.func @transform_0(%arg0: i32) -> (i32, i32) {
    %c0_i32 = arith.constant 0 : i32
    %c0_i32_0 = arith.constant 0 : i32
    return %arg0, %c0_i32 : i32, i32
  }
  func.func @transform_1(%arg0: i32) -> (i32, i32) {
    %c0_i32 = arith.constant 0 : i32
    %c0_i32_0 = arith.constant 0 : i32
    %c0_i32_1 = arith.constant 0 : i32
    return %c0_i32, %c0_i32_0 : i32, i32
  }
  func.func @transform_2(%arg0: i32) -> (i32, i32) {
    %c0_i32 = arith.constant 0 : i32
    %c0_i32_0 = arith.constant 0 : i32
    %c0_i32_1 = arith.constant 0 : i32
    return %c0_i32, %c0_i32_0 : i32, i32
  }
  func.func @transform_3(%arg0: i32) -> (i32, i32) {
    %c0_i32 = arith.constant 0 : i32
    %c0_i32_0 = arith.constant 0 : i32
    %c0_i32_1 = arith.constant 0 : i32
    return %c0_i32, %c0_i32_0 : i32, i32
  }
  func.func @transform_4(%arg0: i32) -> (i32, i32) {
    %c0_i32 = arith.constant 0 : i32
    %c0_i32_0 = arith.constant 0 : i32
    return %arg0, %c0_i32 : i32, i32
  }
}

module attributes {stable_mosaic.version = 14 : i64} {
  func.func @_tc_h0_body(%arg0: memref<10000x128xf32, #tpu.memory_space<vmem>>, %arg1: memref<128x128xf32, #tpu.memory_space<vmem>>, %arg2: memref<1x128xf32, #tpu.memory_space<vmem>>, %arg3: memref<1x128xf32, #tpu.memory_space<vmem>>, %arg4: memref<1x128xf32, #tpu.memory_space<vmem>>, %arg5: memref<10000x128xf32, #tpu.memory_space<vmem>>) attributes {dimension_semantics = [], scalar_prefetch = 0 : i64, scratch_operands = 0 : i64, tpu.core_type = #tpu.core_type<tc>} {
    %get3A = arith.constant 0 : index
    %get3A_0 = arith.constant 0 : index
    %get3A_1 = vector.load %arg0[%get3A, %get3A_0] : memref<10000x128xf32, #tpu.memory_space<vmem>>, vector<10000x128xf32>
    %get3A_2 = arith.constant 0 : index
    %get3A_3 = arith.constant 0 : index
    %get3A_4 = vector.load %arg1[%get3A_2, %get3A_3] : memref<128x128xf32, #tpu.memory_space<vmem>>, vector<128x128xf32>
    %dot_general3A = arith.constant dense<0.000000e+00> : vector<10000x128xf32>
    %dot_general3A_5 = tpu.matmul %get3A_1, %get3A_4, %dot_general3A {dimension_numbers = #tpu.dot_dimension_numbers<[1], [0], [0], [1], [0, 0, 1, 1], [], []>, transpose_lhs_hint = false} : vector<10000x128xf32>, vector<128x128xf32>, vector<10000x128xf32> -> vector<10000x128xf32>
    %get3A_6 = arith.constant 0 : index
    %get3A_7 = arith.constant 0 : index
    %get3A_8 = vector.load %arg2[%get3A_6, %get3A_7] : memref<1x128xf32, #tpu.memory_space<vmem>>, vector<1x128xf32>
    %add3A = vector.broadcast %get3A_8 : vector<1x128xf32> to vector<10000x128xf32>
    %add3A_9 = arith.addf %dot_general3A_5, %add3A : vector<10000x128xf32>
    %get3A_10 = arith.constant 0 : index
    %get3A_11 = arith.constant 0 : index
    %get3A_12 = vector.load %arg3[%get3A_10, %get3A_11] : memref<1x128xf32, #tpu.memory_space<vmem>>, vector<1x128xf32>
    %get3A_13 = arith.constant 0 : index
    %get3A_14 = arith.constant 0 : index
    %get3A_15 = vector.load %arg4[%get3A_13, %get3A_14] : memref<1x128xf32, #tpu.memory_space<vmem>>, vector<1x128xf32>
    %reduce_sum3A = arith.constant dense<0.000000e+00> : vector<10000xf32>
    %reduce_sum3A_16 = vector.multi_reduction <add>, %add3A_9, %reduce_sum3A [1] : vector<10000x128xf32> to vector<10000xf32>
    %broadcast_in_dim3A = vector.shape_cast %reduce_sum3A_16 : vector<10000xf32> to vector<10000x1xf32>
    %div3A = arith.constant 1.280000e+02 : f32
    %div3A_17 = vector.broadcast %div3A : f32 to vector<10000x1xf32>
    %div3A_18 = arith.divf %broadcast_in_dim3A, %div3A_17 : vector<10000x1xf32>
    %sub3A = vector.broadcast %div3A_18 : vector<10000x1xf32> to vector<10000x128xf32>
    %sub3A_19 = arith.subf %add3A_9, %sub3A : vector<10000x128xf32>
    %sub3A_20 = vector.broadcast %div3A_18 : vector<10000x1xf32> to vector<10000x128xf32>
    %sub3A_21 = arith.subf %add3A_9, %sub3A_20 : vector<10000x128xf32>
    %mul3A = arith.mulf %sub3A_19, %sub3A_21 : vector<10000x128xf32>
    %reduce_sum3A_22 = arith.constant dense<0.000000e+00> : vector<10000xf32>
    %reduce_sum3A_23 = vector.multi_reduction <add>, %mul3A, %reduce_sum3A_22 [1] : vector<10000x128xf32> to vector<10000xf32>
    %broadcast_in_dim3A_24 = vector.shape_cast %reduce_sum3A_23 : vector<10000xf32> to vector<10000x1xf32>
    %div3A_25 = arith.constant 1.280000e+02 : f32
    %div3A_26 = vector.broadcast %div3A_25 : f32 to vector<10000x1xf32>
    %div3A_27 = arith.divf %broadcast_in_dim3A_24, %div3A_26 : vector<10000x1xf32>
    %sub3A_28 = vector.broadcast %div3A_18 : vector<10000x1xf32> to vector<10000x128xf32>
    %sub3A_29 = arith.subf %add3A_9, %sub3A_28 : vector<10000x128xf32>
    %add3A_30 = arith.constant 9.99999974E-6 : f32
    %add3A_31 = vector.broadcast %add3A_30 : f32 to vector<10000x1xf32>
    %add3A_32 = arith.addf %div3A_27, %add3A_31 : vector<10000x1xf32>
    %rsqrt3A = math.rsqrt %add3A_32 : vector<10000x1xf32>
    %mul3A_33 = vector.broadcast %rsqrt3A : vector<10000x1xf32> to vector<10000x128xf32>
    %mul3A_34 = arith.mulf %sub3A_29, %mul3A_33 : vector<10000x128xf32>
    %mul3A_35 = vector.broadcast %get3A_12 : vector<1x128xf32> to vector<10000x128xf32>
    %mul3A_36 = arith.mulf %mul3A_34, %mul3A_35 : vector<10000x128xf32>
    %add3A_37 = vector.broadcast %get3A_15 : vector<1x128xf32> to vector<10000x128xf32>
    %add3A_38 = arith.addf %mul3A_36, %add3A_37 : vector<10000x128xf32>
    %max3A = arith.constant 0.000000e+00 : f32
    %max3A_39 = vector.broadcast %max3A : f32 to vector<10000x128xf32>
    %max3A_40 = arith.maximumf %add3A_38, %max3A_39 : vector<10000x128xf32>
    %swap3A = arith.constant 0 : index
    %swap3A_41 = arith.constant 0 : index
    %swap3A_42 = vector.load %arg5[%swap3A, %swap3A_41] : memref<10000x128xf32, #tpu.memory_space<vmem>>, vector<10000x128xf32>
    tpu.vector_store %arg5[%swap3A, %swap3A_41], %max3A_40 {strides = array<i32>} : memref<10000x128xf32, #tpu.memory_space<vmem>>, vector<10000x128xf32>,
    return
  }
}

module attributes {stable_mosaic.version = 14 : i64} {
  func.func @_tc_eterm_body(%arg0: memref<2x10240x128xf32, #tpu.memory_space<vmem>>, %arg1: memref<2x10240x128xf32, #tpu.memory_space<vmem>>, %arg2: memref<10000x128xf32, #tpu.memory_space<vmem>>, %arg3: memref<10000x1xf32, #tpu.memory_space<vmem>>) attributes {dimension_semantics = [], scalar_prefetch = 0 : i64, scratch_operands = 0 : i64, tpu.core_type = #tpu.core_type<tc>} {
    %get3A = arith.constant 0 : index
    %get3A_0 = arith.constant 0 : index
    %get3A_1 = arith.constant 0 : index
    %get3A_2 = vector.load %arg1[%get3A, %get3A_0, %get3A_1] : memref<2x10240x128xf32, #tpu.memory_space<vmem>>, vector<1x10000x1xf32>
    %get3A_3 = vector.shape_cast %get3A_2 : vector<1x10000x1xf32> to vector<10000x1xf32>
    %get3A_4 = arith.constant 1 : index
    %get3A_5 = arith.constant 0 : index
    %get3A_6 = arith.constant 0 : index
    %get3A_7 = vector.load %arg1[%get3A_4, %get3A_5, %get3A_6] : memref<2x10240x128xf32, #tpu.memory_space<vmem>>, vector<1x10000x1xf32>
    %get3A_8 = vector.shape_cast %get3A_7 : vector<1x10000x1xf32> to vector<10000x1xf32>
    %add3A = arith.addf %get3A_3, %get3A_8 : vector<10000x1xf32>
    %max3A = arith.constant 1.000000e+00 : f32
    %max3A_9 = vector.broadcast %max3A : f32 to vector<10000x1xf32>
    %max3A_10 = arith.maximumf %add3A, %max3A_9 : vector<10000x1xf32>
    %div3A = arith.constant 1.000000e+00 : f32
    %div3A_11 = vector.broadcast %div3A : f32 to vector<10000x1xf32>
    %div3A_12 = arith.divf %div3A_11, %max3A_10 : vector<10000x1xf32>
    %swap3A = arith.constant 0 : index
    %swap3A_13 = arith.constant 0 : index
    %swap3A_14 = vector.load %arg3[%swap3A, %swap3A_13] : memref<10000x1xf32, #tpu.memory_space<vmem>>, vector<10000x1xf32>
    tpu.vector_store %arg3[%swap3A, %swap3A_13], %div3A_12 {strides = array<i32>} : memref<10000x1xf32, #tpu.memory_space<vmem>>, vector<10000x1xf32>,
    %get3A_15 = arith.constant 0 : index
    %get3A_16 = arith.constant 0 : index
    %get3A_17 = arith.constant 0 : index
    %get3A_18 = vector.load %arg0[%get3A_15, %get3A_16, %get3A_17] : memref<2x10240x128xf32, #tpu.memory_space<vmem>>, vector<1x10000x128xf32>
    %get3A_19 = vector.shape_cast %get3A_18 : vector<1x10000x128xf32> to vector<10000x128xf32>
    %get3A_20 = arith.constant 1 : index
    %get3A_21 = arith.constant 0 : index
    %get3A_22 = arith.constant 0 : index
    %get3A_23 = vector.load %arg0[%get3A_20, %get3A_21, %get3A_22] : memref<2x10240x128xf32, #tpu.memory_space<vmem>>, vector<1x10000x128xf32>
    %get3A_24 = vector.shape_cast %get3A_23 : vector<1x10000x128xf32> to vector<10000x128xf32>
    %add3A_25 = arith.addf %get3A_19, %get3A_24 : vector<10000x128xf32>
    %mul3A = arith.constant 1.000000e-01 : f32
    %mul3A_26 = vector.broadcast %mul3A : f32 to vector<10000x128xf32>
    %mul3A_27 = arith.mulf %mul3A_26, %add3A_25 : vector<10000x128xf32>
    %mul3A_28 = vector.broadcast %div3A_12 : vector<10000x1xf32> to vector<10000x128xf32>
    %mul3A_29 = arith.mulf %mul3A_27, %mul3A_28 : vector<10000x128xf32>
    %swap3A_30 = arith.constant 0 : index
    %swap3A_31 = arith.constant 0 : index
    %swap3A_32 = vector.load %arg2[%swap3A_30, %swap3A_31] : memref<10000x128xf32, #tpu.memory_space<vmem>>, vector<10000x128xf32>
    tpu.vector_store %arg2[%swap3A_30, %swap3A_31], %mul3A_29 {strides = array<i32>} : memref<10000x128xf32, #tpu.memory_space<vmem>>, vector<10000x128xf32>,
    return
  }
}

module attributes {stable_mosaic.version = 14 : i64} {
  func.func @_tc_layer_body(%arg0: memref<2x10240x128xf32, #tpu.memory_space<vmem>>, %arg1: memref<10000x128xf32, #tpu.memory_space<vmem>>, %arg2: memref<10000x128xf32, #tpu.memory_space<vmem>>, %arg3: memref<10000x1xf32, #tpu.memory_space<vmem>>, %arg4: memref<16xf32, #tpu.memory_space<smem>>, %arg5: memref<16x128x128xf32, #tpu.memory_space<vmem>>, %arg6: memref<128x128xf32, #tpu.memory_space<vmem>>, %arg7: memref<1x128xf32, #tpu.memory_space<vmem>>, %arg8: memref<1x128xf32, #tpu.memory_space<vmem>>, %arg9: memref<1x128xf32, #tpu.memory_space<vmem>>, %arg10: memref<10000x128xf32, #tpu.memory_space<vmem>>) attributes {dimension_semantics = [], scalar_prefetch = 0 : i64, scratch_operands = 0 : i64, tpu.core_type = #tpu.core_type<tc>} {
    %get3A = arith.constant 0 : index
    %get3A_0 = memref.load %arg4[%get3A] : memref<16xf32, #tpu.memory_space<smem>>
    %get3A_1 = arith.constant 0 : index
    %get3A_2 = arith.constant 0 : index
    %get3A_3 = arith.constant 0 : index
    %get3A_4 = vector.load %arg5[%get3A_1, %get3A_2, %get3A_3] : memref<16x128x128xf32, #tpu.memory_space<vmem>>, vector<1x128x128xf32>
    %get3A_5 = vector.shape_cast %get3A_4 : vector<1x128x128xf32> to vector<128x128xf32>
    %mul3A = vector.broadcast %get3A_0 : f32 to vector<128x128xf32>
    %mul3A_6 = arith.mulf %mul3A, %get3A_5 : vector<128x128xf32>
    %get3A_7 = arith.constant 1 : index
    %get3A_8 = memref.load %arg4[%get3A_7] : memref<16xf32, #tpu.memory_space<smem>>
    %get3A_9 = arith.constant 1 : index
    %get3A_10 = arith.constant 0 : index
    %get3A_11 = arith.constant 0 : index
    %get3A_12 = vector.load %arg5[%get3A_9, %get3A_10, %get3A_11] : memref<16x128x128xf32, #tpu.memory_space<vmem>>, vector<1x128x128xf32>
    %get3A_13 = vector.shape_cast %get3A_12 : vector<1x128x128xf32> to vector<128x128xf32>
    %mul3A_14 = vector.broadcast %get3A_8 : f32 to vector<128x128xf32>
    %mul3A_15 = arith.mulf %mul3A_14, %get3A_13 : vector<128x128xf32>
    %add3A = arith.addf %mul3A_6, %mul3A_15 : vector<128x128xf32>
    %get3A_16 = arith.constant 2 : index
    %get3A_17 = memref.load %arg4[%get3A_16] : memref<16xf32, #tpu.memory_space<smem>>
    %get3A_18 = arith.constant 2 : index
    %get3A_19 = arith.constant 0 : index
    %get3A_20 = arith.constant 0 : index
    %get3A_21 = vector.load %arg5[%get3A_18, %get3A_19, %get3A_20] : memref<16x128x128xf32, #tpu.memory_space<vmem>>, vector<1x128x128xf32>
    %get3A_22 = vector.shape_cast %get3A_21 : vector<1x128x128xf32> to vector<128x128xf32>
    %mul3A_23 = vector.broadcast %get3A_17 : f32 to vector<128x128xf32>
    %mul3A_24 = arith.mulf %mul3A_23, %get3A_22 : vector<128x128xf32>
    %add3A_25 = arith.addf %add3A, %mul3A_24 : vector<128x128xf32>
    %get3A_26 = arith.constant 3 : index
    %get3A_27 = memref.load %arg4[%get3A_26] : memref<16xf32, #tpu.memory_space<smem>>
    %get3A_28 = arith.constant 3 : index
    %get3A_29 = arith.constant 0 : index
    %get3A_30 = arith.constant 0 : index
    %get3A_31 = vector.load %arg5[%get3A_28, %get3A_29, %get3A_30] : memref<16x128x128xf32, #tpu.memory_space<vmem>>, vector<1x128x128xf32>
    %get3A_32 = vector.shape_cast %get3A_31 : vector<1x128x128xf32> to vector<128x128xf32>
    %mul3A_33 = vector.broadcast %get3A_27 : f32 to vector<128x128xf32>
    %mul3A_34 = arith.mulf %mul3A_33, %get3A_32 : vector<128x128xf32>
    %add3A_35 = arith.addf %add3A_25, %mul3A_34 : vector<128x128xf32>
    %get3A_36 = arith.constant 4 : index
    %get3A_37 = memref.load %arg4[%get3A_36] : memref<16xf32, #tpu.memory_space<smem>>
    %get3A_38 = arith.constant 4 : index
    %get3A_39 = arith.constant 0 : index
    %get3A_40 = arith.constant 0 : index
    %get3A_41 = vector.load %arg5[%get3A_38, %get3A_39, %get3A_40] : memref<16x128x128xf32, #tpu.memory_space<vmem>>, vector<1x128x128xf32>
    %get3A_42 = vector.shape_cast %get3A_41 : vector<1x128x128xf32> to vector<128x128xf32>
    %mul3A_43 = vector.broadcast %get3A_37 : f32 to vector<128x128xf32>
    %mul3A_44 = arith.mulf %mul3A_43, %get3A_42 : vector<128x128xf32>
    %add3A_45 = arith.addf %add3A_35, %mul3A_44 : vector<128x128xf32>
    %get3A_46 = arith.constant 5 : index
    %get3A_47 = memref.load %arg4[%get3A_46] : memref<16xf32, #tpu.memory_space<smem>>
    %get3A_48 = arith.constant 5 : index
    %get3A_49 = arith.constant 0 : index
    %get3A_50 = arith.constant 0 : index
    %get3A_51 = vector.load %arg5[%get3A_48, %get3A_49, %get3A_50] : memref<16x128x128xf32, #tpu.memory_space<vmem>>, vector<1x128x128xf32>
    %get3A_52 = vector.shape_cast %get3A_51 : vector<1x128x128xf32> to vector<128x128xf32>
    %mul3A_53 = vector.broadcast %get3A_47 : f32 to vector<128x128xf32>
    %mul3A_54 = arith.mulf %mul3A_53, %get3A_52 : vector<128x128xf32>
    %add3A_55 = arith.addf %add3A_45, %mul3A_54 : vector<128x128xf32>
    %get3A_56 = arith.constant 6 : index
    %get3A_57 = memref.load %arg4[%get3A_56] : memref<16xf32, #tpu.memory_space<smem>>
    %get3A_58 = arith.constant 6 : index
    %get3A_59 = arith.constant 0 : index
    %get3A_60 = arith.constant 0 : index
    %get3A_61 = vector.load %arg5[%get3A_58, %get3A_59, %get3A_60] : memref<16x128x128xf32, #tpu.memory_space<vmem>>, vector<1x128x128xf32>
    %get3A_62 = vector.shape_cast %get3A_61 : vector<1x128x128xf32> to vector<128x128xf32>
    %mul3A_63 = vector.broadcast %get3A_57 : f32 to vector<128x128xf32>
    %mul3A_64 = arith.mulf %mul3A_63, %get3A_62 : vector<128x128xf32>
    %add3A_65 = arith.addf %add3A_55, %mul3A_64 : vector<128x128xf32>
    %get3A_66 = arith.constant 7 : index
    %get3A_67 = memref.load %arg4[%get3A_66] : memref<16xf32, #tpu.memory_space<smem>>
    %get3A_68 = arith.constant 7 : index
    %get3A_69 = arith.constant 0 : index
    %get3A_70 = arith.constant 0 : index
    %get3A_71 = vector.load %arg5[%get3A_68, %get3A_69, %get3A_70] : memref<16x128x128xf32, #tpu.memory_space<vmem>>, vector<1x128x128xf32>
    %get3A_72 = vector.shape_cast %get3A_71 : vector<1x128x128xf32> to vector<128x128xf32>
    %mul3A_73 = vector.broadcast %get3A_67 : f32 to vector<128x128xf32>
    %mul3A_74 = arith.mulf %mul3A_73, %get3A_72 : vector<128x128xf32>
    %add3A_75 = arith.addf %add3A_65, %mul3A_74 : vector<128x128xf32>
    %get3A_76 = arith.constant 8 : index
    %get3A_77 = memref.load %arg4[%get3A_76] : memref<16xf32, #tpu.memory_space<smem>>
    %get3A_78 = arith.constant 8 : index
    %get3A_79 = arith.constant 0 : index
    %get3A_80 = arith.constant 0 : index
    %get3A_81 = vector.load %arg5[%get3A_78, %get3A_79, %get3A_80] : memref<16x128x128xf32, #tpu.memory_space<vmem>>, vector<1x128x128xf32>
    %get3A_82 = vector.shape_cast %get3A_81 : vector<1x128x128xf32> to vector<128x128xf32>
    %mul3A_83 = vector.broadcast %get3A_77 : f32 to vector<128x128xf32>
    %mul3A_84 = arith.mulf %mul3A_83, %get3A_82 : vector<128x128xf32>
    %add3A_85 = arith.addf %add3A_75, %mul3A_84 : vector<128x128xf32>
    %get3A_86 = arith.constant 9 : index
    %get3A_87 = memref.load %arg4[%get3A_86] : memref<16xf32, #tpu.memory_space<smem>>
    %get3A_88 = arith.constant 9 : index
    %get3A_89 = arith.constant 0 : index
    %get3A_90 = arith.constant 0 : index
    %get3A_91 = vector.load %arg5[%get3A_88, %get3A_89, %get3A_90] : memref<16x128x128xf32, #tpu.memory_space<vmem>>, vector<1x128x128xf32>
    %get3A_92 = vector.shape_cast %get3A_91 : vector<1x128x128xf32> to vector<128x128xf32>
    %mul3A_93 = vector.broadcast %get3A_87 : f32 to vector<128x128xf32>
    %mul3A_94 = arith.mulf %mul3A_93, %get3A_92 : vector<128x128xf32>
    %add3A_95 = arith.addf %add3A_85, %mul3A_94 : vector<128x128xf32>
    %get3A_96 = arith.constant 10 : index
    %get3A_97 = memref.load %arg4[%get3A_96] : memref<16xf32, #tpu.memory_space<smem>>
    %get3A_98 = arith.constant 10 : index
    %get3A_99 = arith.constant 0 : index
    %get3A_100 = arith.constant 0 : index
    %get3A_101 = vector.load %arg5[%get3A_98, %get3A_99, %get3A_100] : memref<16x128x128xf32, #tpu.memory_space<vmem>>, vector<1x128x128xf32>
    %get3A_102 = vector.shape_cast %get3A_101 : vector<1x128x128xf32> to vector<128x128xf32>
    %mul3A_103 = vector.broadcast %get3A_97 : f32 to vector<128x128xf32>
    %mul3A_104 = arith.mulf %mul3A_103, %get3A_102 : vector<128x128xf32>
    %add3A_105 = arith.addf %add3A_95, %mul3A_104 : vector<128x128xf32>
    %get3A_106 = arith.constant 11 : index
    %get3A_107 = memref.load %arg4[%get3A_106] : memref<16xf32, #tpu.memory_space<smem>>
    %get3A_108 = arith.constant 11 : index
    %get3A_109 = arith.constant 0 : index
    %get3A_110 = arith.constant 0 : index
    %get3A_111 = vector.load %arg5[%get3A_108, %get3A_109, %get3A_110] : memref<16x128x128xf32, #tpu.memory_space<vmem>>, vector<1x128x128xf32>
    %get3A_112 = vector.shape_cast %get3A_111 : vector<1x128x128xf32> to vector<128x128xf32>
    %mul3A_113 = vector.broadcast %get3A_107 : f32 to vector<128x128xf32>
    %mul3A_114 = arith.mulf %mul3A_113, %get3A_112 : vector<128x128xf32>
    %add3A_115 = arith.addf %add3A_105, %mul3A_114 : vector<128x128xf32>
    %get3A_116 = arith.constant 12 : index
    %get3A_117 = memref.load %arg4[%get3A_116] : memref<16xf32, #tpu.memory_space<smem>>
    %get3A_118 = arith.constant 12 : index
    %get3A_119 = arith.constant 0 : index
    %get3A_120 = arith.constant 0 : index
    %get3A_121 = vector.load %arg5[%get3A_118, %get3A_119, %get3A_120] : memref<16x128x128xf32, #tpu.memory_space<vmem>>, vector<1x128x128xf32>
    %get3A_122 = vector.shape_cast %get3A_121 : vector<1x128x128xf32> to vector<128x128xf32>
    %mul3A_123 = vector.broadcast %get3A_117 : f32 to vector<128x128xf32>
    %mul3A_124 = arith.mulf %mul3A_123, %get3A_122 : vector<128x128xf32>
    %add3A_125 = arith.addf %add3A_115, %mul3A_124 : vector<128x128xf32>
    %get3A_126 = arith.constant 13 : index
    %get3A_127 = memref.load %arg4[%get3A_126] : memref<16xf32, #tpu.memory_space<smem>>
    %get3A_128 = arith.constant 13 : index
    %get3A_129 = arith.constant 0 : index
    %get3A_130 = arith.constant 0 : index
    %get3A_131 = vector.load %arg5[%get3A_128, %get3A_129, %get3A_130] : memref<16x128x128xf32, #tpu.memory_space<vmem>>, vector<1x128x128xf32>
    %get3A_132 = vector.shape_cast %get3A_131 : vector<1x128x128xf32> to vector<128x128xf32>
    %mul3A_133 = vector.broadcast %get3A_127 : f32 to vector<128x128xf32>
    %mul3A_134 = arith.mulf %mul3A_133, %get3A_132 : vector<128x128xf32>
    %add3A_135 = arith.addf %add3A_125, %mul3A_134 : vector<128x128xf32>
    %get3A_136 = arith.constant 14 : index
    %get3A_137 = memref.load %arg4[%get3A_136] : memref<16xf32, #tpu.memory_space<smem>>
    %get3A_138 = arith.constant 14 : index
    %get3A_139 = arith.constant 0 : index
    %get3A_140 = arith.constant 0 : index
    %get3A_141 = vector.load %arg5[%get3A_138, %get3A_139, %get3A_140] : memref<16x128x128xf32, #tpu.memory_space<vmem>>, vector<1x128x128xf32>
    %get3A_142 = vector.shape_cast %get3A_141 : vector<1x128x128xf32> to vector<128x128xf32>
    %mul3A_143 = vector.broadcast %get3A_137 : f32 to vector<128x128xf32>
    %mul3A_144 = arith.mulf %mul3A_143, %get3A_142 : vector<128x128xf32>
    %add3A_145 = arith.addf %add3A_135, %mul3A_144 : vector<128x128xf32>
    %get3A_146 = arith.constant 15 : index
    %get3A_147 = memref.load %arg4[%get3A_146] : memref<16xf32, #tpu.memory_space<smem>>
    %get3A_148 = arith.constant 15 : index
    %get3A_149 = arith.constant 0 : index
    %get3A_150 = arith.constant 0 : index
    %get3A_151 = vector.load %arg5[%get3A_148, %get3A_149, %get3A_150] : memref<16x128x128xf32, #tpu.memory_space<vmem>>, vector<1x128x128xf32>
    %get3A_152 = vector.shape_cast %get3A_151 : vector<1x128x128xf32> to vector<128x128xf32>
    %mul3A_153 = vector.broadcast %get3A_147 : f32 to vector<128x128xf32>
    %mul3A_154 = arith.mulf %mul3A_153, %get3A_152 : vector<128x128xf32>
    %add3A_155 = arith.addf %add3A_145, %mul3A_154 : vector<128x128xf32>
    %get3A_156 = arith.constant 0 : index
    %get3A_157 = arith.constant 0 : index
    %get3A_158 = arith.constant 0 : index
    %get3A_159 = vector.load %arg0[%get3A_156, %get3A_157, %get3A_158] : memref<2x10240x128xf32, #tpu.memory_space<vmem>>, vector<1x10000x128xf32>
    %get3A_160 = vector.shape_cast %get3A_159 : vector<1x10000x128xf32> to vector<10000x128xf32>
    %get3A_161 = arith.constant 1 : index
    %get3A_162 = arith.constant 0 : index
    %get3A_163 = arith.constant 0 : index
    %get3A_164 = vector.load %arg0[%get3A_161, %get3A_162, %get3A_163] : memref<2x10240x128xf32, #tpu.memory_space<vmem>>, vector<1x10000x128xf32>
    %get3A_165 = vector.shape_cast %get3A_164 : vector<1x10000x128xf32> to vector<10000x128xf32>
    %add3A_166 = arith.addf %get3A_160, %get3A_165 : vector<10000x128xf32>
    %get3A_167 = arith.constant 0 : index
    %get3A_168 = arith.constant 0 : index
    %get3A_169 = vector.load %arg3[%get3A_167, %get3A_168] : memref<10000x1xf32, #tpu.memory_space<vmem>>, vector<10000x1xf32>
    %mul3A_170 = vector.broadcast %get3A_169 : vector<10000x1xf32> to vector<10000x128xf32>
    %mul3A_171 = arith.mulf %add3A_166, %mul3A_170 : vector<10000x128xf32>
    %dot_general3A = arith.constant dense<0.000000e+00> : vector<10000x128xf32>
    %dot_general3A_172 = tpu.matmul %mul3A_171, %add3A_155, %dot_general3A {dimension_numbers = #tpu.dot_dimension_numbers<[1], [0], [0], [1], [0, 0, 1, 1], [], []>, transpose_lhs_hint = false} : vector<10000x128xf32>, vector<128x128xf32>, vector<10000x128xf32> -> vector<10000x128xf32>
    %get3A_173 = arith.constant 0 : index
    %get3A_174 = arith.constant 0 : index
    %get3A_175 = vector.load %arg1[%get3A_173, %get3A_174] : memref<10000x128xf32, #tpu.memory_space<vmem>>, vector<10000x128xf32>
    %get3A_176 = arith.constant 0 : index
    %get3A_177 = arith.constant 0 : index
    %get3A_178 = vector.load %arg6[%get3A_176, %get3A_177] : memref<128x128xf32, #tpu.memory_space<vmem>>, vector<128x128xf32>
    %dot_general3A_179 = arith.constant dense<0.000000e+00> : vector<10000x128xf32>
    %dot_general3A_180 = tpu.matmul %get3A_175, %get3A_178, %dot_general3A_179 {dimension_numbers = #tpu.dot_dimension_numbers<[1], [0], [0], [1], [0, 0, 1, 1], [], []>, transpose_lhs_hint = false} : vector<10000x128xf32>, vector<128x128xf32>, vector<10000x128xf32> -> vector<10000x128xf32>
    %add3A_181 = arith.addf %dot_general3A_172, %dot_general3A_180 : vector<10000x128xf32>
    %get3A_182 = arith.constant 0 : index
    %get3A_183 = arith.constant 0 : index
    %get3A_184 = vector.load %arg7[%get3A_182, %get3A_183] : memref<1x128xf32, #tpu.memory_space<vmem>>, vector<1x128xf32>
    %add3A_185 = vector.broadcast %get3A_184 : vector<1x128xf32> to vector<10000x128xf32>
    %add3A_186 = arith.addf %add3A_181, %add3A_185 : vector<10000x128xf32>
    %get3A_187 = arith.constant 0 : index
    %get3A_188 = arith.constant 0 : index
    %get3A_189 = vector.load %arg2[%get3A_187, %get3A_188] : memref<10000x128xf32, #tpu.memory_space<vmem>>, vector<10000x128xf32>
    %add3A_190 = arith.addf %add3A_186, %get3A_189 : vector<10000x128xf32>
    %get3A_191 = arith.constant 0 : index
    %get3A_192 = arith.constant 0 : index
    %get3A_193 = vector.load %arg8[%get3A_191, %get3A_192] : memref<1x128xf32, #tpu.memory_space<vmem>>, vector<1x128xf32>
    %get3A_194 = arith.constant 0 : index
    %get3A_195 = arith.constant 0 : index
    %get3A_196 = vector.load %arg9[%get3A_194, %get3A_195] : memref<1x128xf32, #tpu.memory_space<vmem>>, vector<1x128xf32>
    %reduce_sum3A = arith.constant dense<0.000000e+00> : vector<10000xf32>
    %reduce_sum3A_197 = vector.multi_reduction <add>, %add3A_190, %reduce_sum3A [1] : vector<10000x128xf32> to vector<10000xf32>
    %broadcast_in_dim3A = vector.shape_cast %reduce_sum3A_197 : vector<10000xf32> to vector<10000x1xf32>
    %div3A = arith.constant 1.280000e+02 : f32
    %div3A_198 = vector.broadcast %div3A : f32 to vector<10000x1xf32>
    %div3A_199 = arith.divf %broadcast_in_dim3A, %div3A_198 : vector<10000x1xf32>
    %sub3A = vector.broadcast %div3A_199 : vector<10000x1xf32> to vector<10000x128xf32>
    %sub3A_200 = arith.subf %add3A_190, %sub3A : vector<10000x128xf32>
    %sub3A_201 = vector.broadcast %div3A_199 : vector<10000x1xf32> to vector<10000x128xf32>
    %sub3A_202 = arith.subf %add3A_190, %sub3A_201 : vector<10000x128xf32>
    %mul3A_203 = arith.mulf %sub3A_200, %sub3A_202 : vector<10000x128xf32>
    %reduce_sum3A_204 = arith.constant dense<0.000000e+00> : vector<10000xf32>
    %reduce_sum3A_205 = vector.multi_reduction <add>, %mul3A_203, %reduce_sum3A_204 [1] : vector<10000x128xf32> to vector<10000xf32>
    %broadcast_in_dim3A_206 = vector.shape_cast %reduce_sum3A_205 : vector<10000xf32> to vector<10000x1xf32>
    %div3A_207 = arith.constant 1.280000e+02 : f32
    %div3A_208 = vector.broadcast %div3A_207 : f32 to vector<10000x1xf32>
    %div3A_209 = arith.divf %broadcast_in_dim3A_206, %div3A_208 : vector<10000x1xf32>
    %sub3A_210 = vector.broadcast %div3A_199 : vector<10000x1xf32> to vector<10000x128xf32>
    %sub3A_211 = arith.subf %add3A_190, %sub3A_210 : vector<10000x128xf32>
    %add3A_212 = arith.constant 9.99999974E-6 : f32
    %add3A_213 = vector.broadcast %add3A_212 : f32 to vector<10000x1xf32>
    %add3A_214 = arith.addf %div3A_209, %add3A_213 : vector<10000x1xf32>
    %rsqrt3A = math.rsqrt %add3A_214 : vector<10000x1xf32>
    %mul3A_215 = vector.broadcast %rsqrt3A : vector<10000x1xf32> to vector<10000x128xf32>
    %mul3A_216 = arith.mulf %sub3A_211, %mul3A_215 : vector<10000x128xf32>
    %mul3A_217 = vector.broadcast %get3A_193 : vector<1x128xf32> to vector<10000x128xf32>
    %mul3A_218 = arith.mulf %mul3A_216, %mul3A_217 : vector<10000x128xf32>
    %add3A_219 = vector.broadcast %get3A_196 : vector<1x128xf32> to vector<10000x128xf32>
    %add3A_220 = arith.addf %mul3A_218, %add3A_219 : vector<10000x128xf32>
    %max3A = arith.constant 0.000000e+00 : f32
    %max3A_221 = vector.broadcast %max3A : f32 to vector<10000x128xf32>
    %max3A_222 = arith.maximumf %add3A_220, %max3A_221 : vector<10000x128xf32>
    %get3A_223 = arith.constant 0 : index
    %get3A_224 = arith.constant 0 : index
    %get3A_225 = vector.load %arg1[%get3A_223, %get3A_224] : memref<10000x128xf32, #tpu.memory_space<vmem>>, vector<10000x128xf32>
    %add3A_226 = arith.addf %max3A_222, %get3A_225 : vector<10000x128xf32>
    %swap3A = arith.constant 0 : index
    %swap3A_227 = arith.constant 0 : index
    %swap3A_228 = vector.load %arg10[%swap3A, %swap3A_227] : memref<10000x128xf32, #tpu.memory_space<vmem>>, vector<10000x128xf32>
    tpu.vector_store %arg10[%swap3A, %swap3A_227], %add3A_226 {strides = array<i32>} : memref<10000x128xf32, #tpu.memory_space<vmem>>, vector<10000x128xf32>,
    return
  }
}

module attributes {stable_mosaic.version = 14 : i64} {
  func.func @_tc_layer_body(%arg0: memref<2x10240x128xf32, #tpu.memory_space<vmem>>, %arg1: memref<10000x128xf32, #tpu.memory_space<vmem>>, %arg2: memref<10000x128xf32, #tpu.memory_space<vmem>>, %arg3: memref<10000x1xf32, #tpu.memory_space<vmem>>, %arg4: memref<16xf32, #tpu.memory_space<smem>>, %arg5: memref<16x128x128xf32, #tpu.memory_space<vmem>>, %arg6: memref<128x128xf32, #tpu.memory_space<vmem>>, %arg7: memref<1x128xf32, #tpu.memory_space<vmem>>, %arg8: memref<1x128xf32, #tpu.memory_space<vmem>>, %arg9: memref<1x128xf32, #tpu.memory_space<vmem>>, %arg10: memref<10000x128xf32, #tpu.memory_space<vmem>>) attributes {dimension_semantics = [], scalar_prefetch = 0 : i64, scratch_operands = 0 : i64, tpu.core_type = #tpu.core_type<tc>} {
    %get3A = arith.constant 0 : index
    %get3A_0 = memref.load %arg4[%get3A] : memref<16xf32, #tpu.memory_space<smem>>
    %get3A_1 = arith.constant 0 : index
    %get3A_2 = arith.constant 0 : index
    %get3A_3 = arith.constant 0 : index
    %get3A_4 = vector.load %arg5[%get3A_1, %get3A_2, %get3A_3] : memref<16x128x128xf32, #tpu.memory_space<vmem>>, vector<1x128x128xf32>
    %get3A_5 = vector.shape_cast %get3A_4 : vector<1x128x128xf32> to vector<128x128xf32>
    %mul3A = vector.broadcast %get3A_0 : f32 to vector<128x128xf32>
    %mul3A_6 = arith.mulf %mul3A, %get3A_5 : vector<128x128xf32>
    %get3A_7 = arith.constant 1 : index
    %get3A_8 = memref.load %arg4[%get3A_7] : memref<16xf32, #tpu.memory_space<smem>>
    %get3A_9 = arith.constant 1 : index
    %get3A_10 = arith.constant 0 : index
    %get3A_11 = arith.constant 0 : index
    %get3A_12 = vector.load %arg5[%get3A_9, %get3A_10, %get3A_11] : memref<16x128x128xf32, #tpu.memory_space<vmem>>, vector<1x128x128xf32>
    %get3A_13 = vector.shape_cast %get3A_12 : vector<1x128x128xf32> to vector<128x128xf32>
    %mul3A_14 = vector.broadcast %get3A_8 : f32 to vector<128x128xf32>
    %mul3A_15 = arith.mulf %mul3A_14, %get3A_13 : vector<128x128xf32>
    %add3A = arith.addf %mul3A_6, %mul3A_15 : vector<128x128xf32>
    %get3A_16 = arith.constant 2 : index
    %get3A_17 = memref.load %arg4[%get3A_16] : memref<16xf32, #tpu.memory_space<smem>>
    %get3A_18 = arith.constant 2 : index
    %get3A_19 = arith.constant 0 : index
    %get3A_20 = arith.constant 0 : index
    %get3A_21 = vector.load %arg5[%get3A_18, %get3A_19, %get3A_20] : memref<16x128x128xf32, #tpu.memory_space<vmem>>, vector<1x128x128xf32>
    %get3A_22 = vector.shape_cast %get3A_21 : vector<1x128x128xf32> to vector<128x128xf32>
    %mul3A_23 = vector.broadcast %get3A_17 : f32 to vector<128x128xf32>
    %mul3A_24 = arith.mulf %mul3A_23, %get3A_22 : vector<128x128xf32>
    %add3A_25 = arith.addf %add3A, %mul3A_24 : vector<128x128xf32>
    %get3A_26 = arith.constant 3 : index
    %get3A_27 = memref.load %arg4[%get3A_26] : memref<16xf32, #tpu.memory_space<smem>>
    %get3A_28 = arith.constant 3 : index
    %get3A_29 = arith.constant 0 : index
    %get3A_30 = arith.constant 0 : index
    %get3A_31 = vector.load %arg5[%get3A_28, %get3A_29, %get3A_30] : memref<16x128x128xf32, #tpu.memory_space<vmem>>, vector<1x128x128xf32>
    %get3A_32 = vector.shape_cast %get3A_31 : vector<1x128x128xf32> to vector<128x128xf32>
    %mul3A_33 = vector.broadcast %get3A_27 : f32 to vector<128x128xf32>
    %mul3A_34 = arith.mulf %mul3A_33, %get3A_32 : vector<128x128xf32>
    %add3A_35 = arith.addf %add3A_25, %mul3A_34 : vector<128x128xf32>
    %get3A_36 = arith.constant 4 : index
    %get3A_37 = memref.load %arg4[%get3A_36] : memref<16xf32, #tpu.memory_space<smem>>
    %get3A_38 = arith.constant 4 : index
    %get3A_39 = arith.constant 0 : index
    %get3A_40 = arith.constant 0 : index
    %get3A_41 = vector.load %arg5[%get3A_38, %get3A_39, %get3A_40] : memref<16x128x128xf32, #tpu.memory_space<vmem>>, vector<1x128x128xf32>
    %get3A_42 = vector.shape_cast %get3A_41 : vector<1x128x128xf32> to vector<128x128xf32>
    %mul3A_43 = vector.broadcast %get3A_37 : f32 to vector<128x128xf32>
    %mul3A_44 = arith.mulf %mul3A_43, %get3A_42 : vector<128x128xf32>
    %add3A_45 = arith.addf %add3A_35, %mul3A_44 : vector<128x128xf32>
    %get3A_46 = arith.constant 5 : index
    %get3A_47 = memref.load %arg4[%get3A_46] : memref<16xf32, #tpu.memory_space<smem>>
    %get3A_48 = arith.constant 5 : index
    %get3A_49 = arith.constant 0 : index
    %get3A_50 = arith.constant 0 : index
    %get3A_51 = vector.load %arg5[%get3A_48, %get3A_49, %get3A_50] : memref<16x128x128xf32, #tpu.memory_space<vmem>>, vector<1x128x128xf32>
    %get3A_52 = vector.shape_cast %get3A_51 : vector<1x128x128xf32> to vector<128x128xf32>
    %mul3A_53 = vector.broadcast %get3A_47 : f32 to vector<128x128xf32>
    %mul3A_54 = arith.mulf %mul3A_53, %get3A_52 : vector<128x128xf32>
    %add3A_55 = arith.addf %add3A_45, %mul3A_54 : vector<128x128xf32>
    %get3A_56 = arith.constant 6 : index
    %get3A_57 = memref.load %arg4[%get3A_56] : memref<16xf32, #tpu.memory_space<smem>>
    %get3A_58 = arith.constant 6 : index
    %get3A_59 = arith.constant 0 : index
    %get3A_60 = arith.constant 0 : index
    %get3A_61 = vector.load %arg5[%get3A_58, %get3A_59, %get3A_60] : memref<16x128x128xf32, #tpu.memory_space<vmem>>, vector<1x128x128xf32>
    %get3A_62 = vector.shape_cast %get3A_61 : vector<1x128x128xf32> to vector<128x128xf32>
    %mul3A_63 = vector.broadcast %get3A_57 : f32 to vector<128x128xf32>
    %mul3A_64 = arith.mulf %mul3A_63, %get3A_62 : vector<128x128xf32>
    %add3A_65 = arith.addf %add3A_55, %mul3A_64 : vector<128x128xf32>
    %get3A_66 = arith.constant 7 : index
    %get3A_67 = memref.load %arg4[%get3A_66] : memref<16xf32, #tpu.memory_space<smem>>
    %get3A_68 = arith.constant 7 : index
    %get3A_69 = arith.constant 0 : index
    %get3A_70 = arith.constant 0 : index
    %get3A_71 = vector.load %arg5[%get3A_68, %get3A_69, %get3A_70] : memref<16x128x128xf32, #tpu.memory_space<vmem>>, vector<1x128x128xf32>
    %get3A_72 = vector.shape_cast %get3A_71 : vector<1x128x128xf32> to vector<128x128xf32>
    %mul3A_73 = vector.broadcast %get3A_67 : f32 to vector<128x128xf32>
    %mul3A_74 = arith.mulf %mul3A_73, %get3A_72 : vector<128x128xf32>
    %add3A_75 = arith.addf %add3A_65, %mul3A_74 : vector<128x128xf32>
    %get3A_76 = arith.constant 8 : index
    %get3A_77 = memref.load %arg4[%get3A_76] : memref<16xf32, #tpu.memory_space<smem>>
    %get3A_78 = arith.constant 8 : index
    %get3A_79 = arith.constant 0 : index
    %get3A_80 = arith.constant 0 : index
    %get3A_81 = vector.load %arg5[%get3A_78, %get3A_79, %get3A_80] : memref<16x128x128xf32, #tpu.memory_space<vmem>>, vector<1x128x128xf32>
    %get3A_82 = vector.shape_cast %get3A_81 : vector<1x128x128xf32> to vector<128x128xf32>
    %mul3A_83 = vector.broadcast %get3A_77 : f32 to vector<128x128xf32>
    %mul3A_84 = arith.mulf %mul3A_83, %get3A_82 : vector<128x128xf32>
    %add3A_85 = arith.addf %add3A_75, %mul3A_84 : vector<128x128xf32>
    %get3A_86 = arith.constant 9 : index
    %get3A_87 = memref.load %arg4[%get3A_86] : memref<16xf32, #tpu.memory_space<smem>>
    %get3A_88 = arith.constant 9 : index
    %get3A_89 = arith.constant 0 : index
    %get3A_90 = arith.constant 0 : index
    %get3A_91 = vector.load %arg5[%get3A_88, %get3A_89, %get3A_90] : memref<16x128x128xf32, #tpu.memory_space<vmem>>, vector<1x128x128xf32>
    %get3A_92 = vector.shape_cast %get3A_91 : vector<1x128x128xf32> to vector<128x128xf32>
    %mul3A_93 = vector.broadcast %get3A_87 : f32 to vector<128x128xf32>
    %mul3A_94 = arith.mulf %mul3A_93, %get3A_92 : vector<128x128xf32>
    %add3A_95 = arith.addf %add3A_85, %mul3A_94 : vector<128x128xf32>
    %get3A_96 = arith.constant 10 : index
    %get3A_97 = memref.load %arg4[%get3A_96] : memref<16xf32, #tpu.memory_space<smem>>
    %get3A_98 = arith.constant 10 : index
    %get3A_99 = arith.constant 0 : index
    %get3A_100 = arith.constant 0 : index
    %get3A_101 = vector.load %arg5[%get3A_98, %get3A_99, %get3A_100] : memref<16x128x128xf32, #tpu.memory_space<vmem>>, vector<1x128x128xf32>
    %get3A_102 = vector.shape_cast %get3A_101 : vector<1x128x128xf32> to vector<128x128xf32>
    %mul3A_103 = vector.broadcast %get3A_97 : f32 to vector<128x128xf32>
    %mul3A_104 = arith.mulf %mul3A_103, %get3A_102 : vector<128x128xf32>
    %add3A_105 = arith.addf %add3A_95, %mul3A_104 : vector<128x128xf32>
    %get3A_106 = arith.constant 11 : index
    %get3A_107 = memref.load %arg4[%get3A_106] : memref<16xf32, #tpu.memory_space<smem>>
    %get3A_108 = arith.constant 11 : index
    %get3A_109 = arith.constant 0 : index
    %get3A_110 = arith.constant 0 : index
    %get3A_111 = vector.load %arg5[%get3A_108, %get3A_109, %get3A_110] : memref<16x128x128xf32, #tpu.memory_space<vmem>>, vector<1x128x128xf32>
    %get3A_112 = vector.shape_cast %get3A_111 : vector<1x128x128xf32> to vector<128x128xf32>
    %mul3A_113 = vector.broadcast %get3A_107 : f32 to vector<128x128xf32>
    %mul3A_114 = arith.mulf %mul3A_113, %get3A_112 : vector<128x128xf32>
    %add3A_115 = arith.addf %add3A_105, %mul3A_114 : vector<128x128xf32>
    %get3A_116 = arith.constant 12 : index
    %get3A_117 = memref.load %arg4[%get3A_116] : memref<16xf32, #tpu.memory_space<smem>>
    %get3A_118 = arith.constant 12 : index
    %get3A_119 = arith.constant 0 : index
    %get3A_120 = arith.constant 0 : index
    %get3A_121 = vector.load %arg5[%get3A_118, %get3A_119, %get3A_120] : memref<16x128x128xf32, #tpu.memory_space<vmem>>, vector<1x128x128xf32>
    %get3A_122 = vector.shape_cast %get3A_121 : vector<1x128x128xf32> to vector<128x128xf32>
    %mul3A_123 = vector.broadcast %get3A_117 : f32 to vector<128x128xf32>
    %mul3A_124 = arith.mulf %mul3A_123, %get3A_122 : vector<128x128xf32>
    %add3A_125 = arith.addf %add3A_115, %mul3A_124 : vector<128x128xf32>
    %get3A_126 = arith.constant 13 : index
    %get3A_127 = memref.load %arg4[%get3A_126] : memref<16xf32, #tpu.memory_space<smem>>
    %get3A_128 = arith.constant 13 : index
    %get3A_129 = arith.constant 0 : index
    %get3A_130 = arith.constant 0 : index
    %get3A_131 = vector.load %arg5[%get3A_128, %get3A_129, %get3A_130] : memref<16x128x128xf32, #tpu.memory_space<vmem>>, vector<1x128x128xf32>
    %get3A_132 = vector.shape_cast %get3A_131 : vector<1x128x128xf32> to vector<128x128xf32>
    %mul3A_133 = vector.broadcast %get3A_127 : f32 to vector<128x128xf32>
    %mul3A_134 = arith.mulf %mul3A_133, %get3A_132 : vector<128x128xf32>
    %add3A_135 = arith.addf %add3A_125, %mul3A_134 : vector<128x128xf32>
    %get3A_136 = arith.constant 14 : index
    %get3A_137 = memref.load %arg4[%get3A_136] : memref<16xf32, #tpu.memory_space<smem>>
    %get3A_138 = arith.constant 14 : index
    %get3A_139 = arith.constant 0 : index
    %get3A_140 = arith.constant 0 : index
    %get3A_141 = vector.load %arg5[%get3A_138, %get3A_139, %get3A_140] : memref<16x128x128xf32, #tpu.memory_space<vmem>>, vector<1x128x128xf32>
    %get3A_142 = vector.shape_cast %get3A_141 : vector<1x128x128xf32> to vector<128x128xf32>
    %mul3A_143 = vector.broadcast %get3A_137 : f32 to vector<128x128xf32>
    %mul3A_144 = arith.mulf %mul3A_143, %get3A_142 : vector<128x128xf32>
    %add3A_145 = arith.addf %add3A_135, %mul3A_144 : vector<128x128xf32>
    %get3A_146 = arith.constant 15 : index
    %get3A_147 = memref.load %arg4[%get3A_146] : memref<16xf32, #tpu.memory_space<smem>>
    %get3A_148 = arith.constant 15 : index
    %get3A_149 = arith.constant 0 : index
    %get3A_150 = arith.constant 0 : index
    %get3A_151 = vector.load %arg5[%get3A_148, %get3A_149, %get3A_150] : memref<16x128x128xf32, #tpu.memory_space<vmem>>, vector<1x128x128xf32>
    %get3A_152 = vector.shape_cast %get3A_151 : vector<1x128x128xf32> to vector<128x128xf32>
    %mul3A_153 = vector.broadcast %get3A_147 : f32 to vector<128x128xf32>
    %mul3A_154 = arith.mulf %mul3A_153, %get3A_152 : vector<128x128xf32>
    %add3A_155 = arith.addf %add3A_145, %mul3A_154 : vector<128x128xf32>
    %get3A_156 = arith.constant 0 : index
    %get3A_157 = arith.constant 0 : index
    %get3A_158 = arith.constant 0 : index
    %get3A_159 = vector.load %arg0[%get3A_156, %get3A_157, %get3A_158] : memref<2x10240x128xf32, #tpu.memory_space<vmem>>, vector<1x10000x128xf32>
    %get3A_160 = vector.shape_cast %get3A_159 : vector<1x10000x128xf32> to vector<10000x128xf32>
    %get3A_161 = arith.constant 1 : index
    %get3A_162 = arith.constant 0 : index
    %get3A_163 = arith.constant 0 : index
    %get3A_164 = vector.load %arg0[%get3A_161, %get3A_162, %get3A_163] : memref<2x10240x128xf32, #tpu.memory_space<vmem>>, vector<1x10000x128xf32>
    %get3A_165 = vector.shape_cast %get3A_164 : vector<1x10000x128xf32> to vector<10000x128xf32>
    %add3A_166 = arith.addf %get3A_160, %get3A_165 : vector<10000x128xf32>
    %get3A_167 = arith.constant 0 : index
    %get3A_168 = arith.constant 0 : index
    %get3A_169 = vector.load %arg3[%get3A_167, %get3A_168] : memref<10000x1xf32, #tpu.memory_space<vmem>>, vector<10000x1xf32>
    %mul3A_170 = vector.broadcast %get3A_169 : vector<10000x1xf32> to vector<10000x128xf32>
    %mul3A_171 = arith.mulf %add3A_166, %mul3A_170 : vector<10000x128xf32>
    %dot_general3A = arith.constant dense<0.000000e+00> : vector<10000x128xf32>
    %dot_general3A_172 = tpu.matmul %mul3A_171, %add3A_155, %dot_general3A {dimension_numbers = #tpu.dot_dimension_numbers<[1], [0], [0], [1], [0, 0, 1, 1], [], []>, transpose_lhs_hint = false} : vector<10000x128xf32>, vector<128x128xf32>, vector<10000x128xf32> -> vector<10000x128xf32>
    %get3A_173 = arith.constant 0 : index
    %get3A_174 = arith.constant 0 : index
    %get3A_175 = vector.load %arg1[%get3A_173, %get3A_174] : memref<10000x128xf32, #tpu.memory_space<vmem>>, vector<10000x128xf32>
    %get3A_176 = arith.constant 0 : index
    %get3A_177 = arith.constant 0 : index
    %get3A_178 = vector.load %arg6[%get3A_176, %get3A_177] : memref<128x128xf32, #tpu.memory_space<vmem>>, vector<128x128xf32>
    %dot_general3A_179 = arith.constant dense<0.000000e+00> : vector<10000x128xf32>
    %dot_general3A_180 = tpu.matmul %get3A_175, %get3A_178, %dot_general3A_179 {dimension_numbers = #tpu.dot_dimension_numbers<[1], [0], [0], [1], [0, 0, 1, 1], [], []>, transpose_lhs_hint = false} : vector<10000x128xf32>, vector<128x128xf32>, vector<10000x128xf32> -> vector<10000x128xf32>
    %add3A_181 = arith.addf %dot_general3A_172, %dot_general3A_180 : vector<10000x128xf32>
    %get3A_182 = arith.constant 0 : index
    %get3A_183 = arith.constant 0 : index
    %get3A_184 = vector.load %arg7[%get3A_182, %get3A_183] : memref<1x128xf32, #tpu.memory_space<vmem>>, vector<1x128xf32>
    %add3A_185 = vector.broadcast %get3A_184 : vector<1x128xf32> to vector<10000x128xf32>
    %add3A_186 = arith.addf %add3A_181, %add3A_185 : vector<10000x128xf32>
    %get3A_187 = arith.constant 0 : index
    %get3A_188 = arith.constant 0 : index
    %get3A_189 = vector.load %arg2[%get3A_187, %get3A_188] : memref<10000x128xf32, #tpu.memory_space<vmem>>, vector<10000x128xf32>
    %add3A_190 = arith.addf %add3A_186, %get3A_189 : vector<10000x128xf32>
    %get3A_191 = arith.constant 0 : index
    %get3A_192 = arith.constant 0 : index
    %get3A_193 = vector.load %arg8[%get3A_191, %get3A_192] : memref<1x128xf32, #tpu.memory_space<vmem>>, vector<1x128xf32>
    %get3A_194 = arith.constant 0 : index
    %get3A_195 = arith.constant 0 : index
    %get3A_196 = vector.load %arg9[%get3A_194, %get3A_195] : memref<1x128xf32, #tpu.memory_space<vmem>>, vector<1x128xf32>
    %reduce_sum3A = arith.constant dense<0.000000e+00> : vector<10000xf32>
    %reduce_sum3A_197 = vector.multi_reduction <add>, %add3A_190, %reduce_sum3A [1] : vector<10000x128xf32> to vector<10000xf32>
    %broadcast_in_dim3A = vector.shape_cast %reduce_sum3A_197 : vector<10000xf32> to vector<10000x1xf32>
    %div3A = arith.constant 1.280000e+02 : f32
    %div3A_198 = vector.broadcast %div3A : f32 to vector<10000x1xf32>
    %div3A_199 = arith.divf %broadcast_in_dim3A, %div3A_198 : vector<10000x1xf32>
    %sub3A = vector.broadcast %div3A_199 : vector<10000x1xf32> to vector<10000x128xf32>
    %sub3A_200 = arith.subf %add3A_190, %sub3A : vector<10000x128xf32>
    %sub3A_201 = vector.broadcast %div3A_199 : vector<10000x1xf32> to vector<10000x128xf32>
    %sub3A_202 = arith.subf %add3A_190, %sub3A_201 : vector<10000x128xf32>
    %mul3A_203 = arith.mulf %sub3A_200, %sub3A_202 : vector<10000x128xf32>
    %reduce_sum3A_204 = arith.constant dense<0.000000e+00> : vector<10000xf32>
    %reduce_sum3A_205 = vector.multi_reduction <add>, %mul3A_203, %reduce_sum3A_204 [1] : vector<10000x128xf32> to vector<10000xf32>
    %broadcast_in_dim3A_206 = vector.shape_cast %reduce_sum3A_205 : vector<10000xf32> to vector<10000x1xf32>
    %div3A_207 = arith.constant 1.280000e+02 : f32
    %div3A_208 = vector.broadcast %div3A_207 : f32 to vector<10000x1xf32>
    %div3A_209 = arith.divf %broadcast_in_dim3A_206, %div3A_208 : vector<10000x1xf32>
    %sub3A_210 = vector.broadcast %div3A_199 : vector<10000x1xf32> to vector<10000x128xf32>
    %sub3A_211 = arith.subf %add3A_190, %sub3A_210 : vector<10000x128xf32>
    %add3A_212 = arith.constant 9.99999974E-6 : f32
    %add3A_213 = vector.broadcast %add3A_212 : f32 to vector<10000x1xf32>
    %add3A_214 = arith.addf %div3A_209, %add3A_213 : vector<10000x1xf32>
    %rsqrt3A = math.rsqrt %add3A_214 : vector<10000x1xf32>
    %mul3A_215 = vector.broadcast %rsqrt3A : vector<10000x1xf32> to vector<10000x128xf32>
    %mul3A_216 = arith.mulf %sub3A_211, %mul3A_215 : vector<10000x128xf32>
    %mul3A_217 = vector.broadcast %get3A_193 : vector<1x128xf32> to vector<10000x128xf32>
    %mul3A_218 = arith.mulf %mul3A_216, %mul3A_217 : vector<10000x128xf32>
    %add3A_219 = vector.broadcast %get3A_196 : vector<1x128xf32> to vector<10000x128xf32>
    %add3A_220 = arith.addf %mul3A_218, %add3A_219 : vector<10000x128xf32>
    %max3A = arith.constant 0.000000e+00 : f32
    %max3A_221 = vector.broadcast %max3A : f32 to vector<10000x128xf32>
    %max3A_222 = arith.maximumf %add3A_220, %max3A_221 : vector<10000x128xf32>
    %get3A_223 = arith.constant 0 : index
    %get3A_224 = arith.constant 0 : index
    %get3A_225 = vector.load %arg1[%get3A_223, %get3A_224] : memref<10000x128xf32, #tpu.memory_space<vmem>>, vector<10000x128xf32>
    %add3A_226 = arith.addf %max3A_222, %get3A_225 : vector<10000x128xf32>
    %swap3A = arith.constant 0 : index
    %swap3A_227 = arith.constant 0 : index
    %swap3A_228 = vector.load %arg10[%swap3A, %swap3A_227] : memref<10000x128xf32, #tpu.memory_space<vmem>>, vector<10000x128xf32>
    tpu.vector_store %arg10[%swap3A, %swap3A_227], %add3A_226 {strides = array<i32>} : memref<10000x128xf32, #tpu.memory_space<vmem>>, vector<10000x128xf32>,
    return
  }
}

</mosaic_0001>

<sc_bundles>
// kernel: kernel.15.cloned.1.call-start
scs
__scs_entry_jumppad:
0x0: {  	(pc) =	sbr.rel $0x88, $3  }
0x1: {  	(tag) =	ssettag $0x0;
	lr =	simm.s32 $0x1  }
0x2: {  	[smem:$0x3F91] =	sst lr;
	_ =	strace $0xD0000000  }
0x3: {  	_ = 	snop  }
0x4: {  	_ = 	snop  }
0x5: {  	_ = 	snop  }
0x6: {  	_ = 	snop  }
0x7: {  	_ = 	snop  }
__scs_overlays_trampoline_lowered:
0x8: {  	[smem:$0x3FA0] =	sst s0  }
0x9: {  	[smem:$0x3FA1] =	sst s1  }
0xa: {  	[smem:$0x3FA2] =	sst s2  }
0xb: {  	[smem:$0x3FA3] =	sst s3  }
0xc: {  	[smem:$0x3FA4] =	sst s4  }
0xd: {  	[smem:$0x3FA5] =	sst s5  }
0xe: {  	[smem:$0x3FA6] =	sst s6  }
0xf: {  	[smem:$0x3FA7] =	sst s7  }
0x10: {  	[smem:$0x3FA8] =	sst s8  }
0x11: {  	[smem:$0x3FA9] =	sst s9;
	s0 =	simm.s32 @!p0 $0x0  }
0x12: {  	s1 =	sld [smem:$0x3F8F];
	s0 =	simm.s32 @p0 $0x1  }
0x13: {  	[smem:$0x3FAA] =	sst s0;
	s0 =	simm.s32 @!p1 $0x0  }
0x14: {  	s2 =	sld [smem:$0x3F8E];
	s0 =	simm.s32 @p1 $0x1  }
0x15: {  	[smem:$0x3FAB] =	sst s0;
	s0 =	simm.s32 @!p2 $0x0  }
0x16: {  	s3 =	sld [smem:$0x3FDB];
	s0 =	simm.s32 @p2 $0x1  }
0x17: {  	s4 =	simm.s32 $0x1BF5;
	[smem:$0x3FAD] =	sst s0  }
0x18: {  	s0 =	sld [smem:$0x3F90];
	_ =	swait.ge [sflag:s4], $0x0  }
0x19: {  	s7 =	sld [smem:$0x3F91]  }
0x1a: {  	s8 =	sadd.s32 $0xFFFFE003, lr  }
0x1b: {  	s9 =	sadd.s32 $0xFFFFFEF7, lr;
	s5 =	simm.s32 $0xFFFFFFFF;
	p2 =	slt.u32 s8, $0xFFFFF086  }
0x1c: {  	p1 =	slt.u32 s9, $0xF7A;
	s5 =	simm.s32 @!p2 $0x0  }
0x1d: {  	s5 =	simm.s32 @p1 $0x1;
	p0 =	seq.s32 s7, s2  }
0x1e: {  	s7 =	smul.u32 @!p0 $0xF7A, s2;
	p2 =	seq.s32 @!p0 s5, $0x0  }
0x1f: {  	s9 =	smul.u32 $0xF7A, s1;
	s8 =	simm.s32 @!p0 $0x1BF5;
	p2 =	por !p2, p0  }
0x20: {  	[sflag:s8] =	ssyncset.s32 @!p0 $0xFFFFF086;
	s6 =	sadd.s32 @!p0 s3, s7;
	s7 =	simm.s32 @!p0 $0x108  }
0x21: {  	s3 =	sadd.s32 s3, s9;
	s6 =	sadd.s32 @!p0 $0x88, s6;
	s7 =	simm.s32 @p2 $0x1082  }
0x22: {  	[simem:s7], [sflag:s8] =	dma.local @!p0 [hbm:s6], $0xF7A  }
0x23: {  	s9 =	sor.u32 $0xD0000000, s2;
	s6 =	simm.s32 $0x108;
	_ =	swait.ge @!p0 [sflag:s8], $0x0  }
0x24: {  	s3 =	sadd.s32 $0x88, s3;
	s6 =	simm.s32 @!p1 $0x1082;
	[sflag:s4] =	ssyncset.s32 $0xFFFFF086  }
0x25: {  	[simem:s6], [sflag:s4] =	dma.local [hbm:s3], $0xF7A  }
0x26: {  	[smem:$0x3F91] =	sst s1;
	(tag) =	ssettag s2;
	_ =	strace s9  }
0x27: {  	s1 =	sld [smem:$0x3FA1]  }
0x28: {  	s2 =	sld [smem:$0x3FA2]  }
0x29: {  	s4 =	sld [smem:$0x3FA4]  }
0x2a: {  	p0 =	seq.s32 s5, $0x0;
	s5 =	sld [smem:$0x3FA5]  }
0x2b: {  	s6 =	sld [smem:$0x3FA6]  }
0x2c: {  	s7 =	sld [smem:$0x3FA7]  }
0x2d: {  	s3 =	simm.s32 $0x108;
	s8 =	sld [smem:$0x3FA8]  }
0x2e: {  	s3 =	simm.s32 @!p0 $0x1082;
	s9 =	sld [smem:$0x3FA9]  }
0x2f: {  	lr =	sadd.s32 s0, s3;
	s0 =	sld [smem:$0x3FA0]  }
0x30: {  	s3 =	sld [smem:$0x3FA3]  }
0x31: {  	[smem:$0x3FAC] =	sst s10  }
0x32: {  	s10 =	sld [smem:$0x3FAA];
	_ =	sdelay $0x3  }
0x33: {  	p0 =	seq.s32 s10, $0x1;
	s10 =	sld [smem:$0x3FAC];
	_ =	sdelay $0x3  }
0x34: {  	[smem:$0x3FAC] =	sst s10  }
0x35: {  	s10 =	sld [smem:$0x3FAB];
	_ =	sdelay $0x3  }
0x36: {  	p1 =	seq.s32 s10, $0x1;
	s10 =	sld [smem:$0x3FAC];
	_ =	sdelay $0x3  }
0x37: {  	[smem:$0x3FAC] =	sst s10  }
0x38: {  	s10 =	sld [smem:$0x3FAD]  }
0x39: {  	_ = 	snop;
	(pc) =	sbr.ind lr, $3  }
0x3a: {  	_ = 	snop  }
0x3b: {  	_ = 	snop  }
0x3c: {  	p2 =	seq.s32 s10, $0x1;
	s10 =	sld [smem:$0x3FAC]  }
0x3d: {  	_ =	shalt  }
0x3e: {  	_ =	shalt  }
0x3f: {  	_ =	shalt  }
0x40: {  	_ =	shalt  }
0x41: {  	_ =	shalt  }
0x42: {  	_ =	shalt  }
0x43: {  	_ =	shalt  }
0x44: {  	_ =	shalt  }
0x45: {  	_ =	shalt  }
0x46: {  	_ =	shalt  }
0x47: {  	_ =	shalt  }
0x48: {  	_ =	shalt  }
0x49: {  	_ =	shalt  }
0x4a: {  	_ =	shalt  }
0x4b: {  	_ =	shalt  }
0x4c: {  	_ =	shalt  }
0x4d: {  	_ =	shalt  }
0x4e: {  	_ =	shalt  }
0x4f: {  	_ =	shalt  }
0x50: {  	_ =	shalt  }
0x51: {  	_ =	shalt  }
0x52: {  	_ =	shalt  }
0x53: {  	_ =	shalt  }
0x54: {  	_ =	shalt  }
0x55: {  	_ =	shalt  }
0x56: {  	_ =	shalt  }
0x57: {  	_ =	shalt  }
0x58: {  	_ =	shalt  }
0x59: {  	_ =	shalt  }
0x5a: {  	_ =	shalt  }
0x5b: {  	_ =	shalt  }
0x5c: {  	_ =	shalt  }
0x5d: {  	_ =	shalt  }
0x5e: {  	_ =	shalt  }
0x5f: {  	_ =	shalt  }
0x60: {  	_ =	shalt  }
0x61: {  	_ =	shalt  }
0x62: {  	_ =	shalt  }
0x63: {  	_ =	shalt  }
0x64: {  	_ =	shalt  }
0x65: {  	_ =	shalt  }
0x66: {  	_ =	shalt  }
0x67: {  	_ =	shalt  }
0x68: {  	_ =	shalt  }
0x69: {  	_ =	shalt  }
0x6a: {  	_ =	shalt  }
0x6b: {  	_ =	shalt  }
0x6c: {  	_ =	shalt  }
0x6d: {  	_ =	shalt  }
0x6e: {  	_ =	shalt  }
0x6f: {  	_ =	shalt  }
0x70: {  	_ =	shalt  }
0x71: {  	_ =	shalt  }
0x72: {  	_ =	shalt  }
0x73: {  	_ =	shalt  }
0x74: {  	_ =	shalt  }
0x75: {  	_ =	shalt  }
0x76: {  	_ =	shalt  }
0x77: {  	_ =	shalt  }
0x78: {  	_ =	shalt  }
0x79: {  	_ =	shalt  }
0x7a: {  	_ =	shalt  }
0x7b: {  	_ =	shalt  }
0x7c: {  	_ =	shalt  }
0x7d: {  	_ =	shalt  }
0x7e: {  	_ =	shalt  }
0x7f: {  	_ =	shalt  }
0x80: {  	_ =	shalt  }
0x81: {  	_ =	shalt  }
0x82: {  	_ =	shalt  }
0x83: {  	_ =	shalt  }
0x84: {  	_ =	shalt  }
0x85: {  	_ =	shalt  }
0x86: {  	_ =	shalt  }
0x87: {  	_ =	shalt  }
.Lfunc_end0:
.L_simem_size_0:
called_computation_lowered:
.L_overlay_start_0:
0x88: {  	s2 =	sld [smem:$0x3FD9]  }
0x89: {  	s3 =	sld [smem:$0x3FFE];
	_ =	sdelay $0x1  }
0x8a: {  	s1 =	srdreg.scid  }
0x8b: {  	s0 =	sand.u32 $0x1, s1  }
0x8c: {  	s17 =	sshll.u32 s0, $0xA;
	s2 =	sadd.s32 s3, s2  }
0x8d: {  	s2 =	sadd.s32 s2, s17  }
0x8e: {  	[smem:$0x3FB8] =	sst s2  }
0x8f: {  	_ = 	snop  }
0x90: {  	(tm) =	ssettm $0x1  }
0x91: {  	s18 =	sld [smem:$0x3FFB];
	_ =	sdelay $0x3  }
0x92: {  	_ =	strace s18  }
0x93: {  	s2 =	sld [smem:$0x3FFC];
	_ =	sdelay $0x3  }
0x94: {  	_ =	strace s2  }
0x95: {  	s2 =	sld [smem:$0x3FFD];
	_ =	sdelay $0x3  }
0x96: {  	_ =	strace s2  }
0x97: {  	_ =	strace $0x8FFFFFFF  }
0x98: {  	s19 =	sld [smem:$0x3FDB];
	_ =	sdelay $0x1  }
0x99: {  	s20 =	simm.s32 $_scs_section_size  }
0x9a: {  	s4 =	simm.s32 $_size__tile_overlayer_lowered;
	s5 =	simm.s32 $_tile_overlayer_lowered  }
0x9b: {  	s6 =	simm.s32 $0x1BFF;
	s21 =	sshll.u32 s5, $0x1;
	s3 =	sadd.s32 s20, s19  }
0x9c: {  	s22 =	simm.s32 $0x0;
	s4 =	sshll.u32 s4, $0x1;
	s5 =	sadd.s32 s21, s3  }
0x9d: {  	[timem:s22], [sflag:s6] =	dma.local [hbm:s5], s4  }
0x9e: {  	_ =	swait.ge [sflag:s6], s4  }
0x9f: {  	s4 =	ssub.s32 $0x0, s4;
	[sflag:s6] =	ssyncset.done $0x0  }
0xa0: {  	[sflag:s6] =	ssyncadd.s32 s4;
	_ =	sdelay $0x1  }
0xa1: {  	s23 =	simm.s32 $0x1B8B  }
0xa2: {  	_ =	swait.ge [sflag:s23], $0x1  }
0xa3: {  	[sflag:s23] =	ssyncset.done $0x0  }
0xa4: {  	[sflag:s23] =	ssyncadd.s32 $0xFFFFFFFF  }
0xa5: {  	s4 =	sld [smem:$0x0]  }
0xa6: {  	s5 =	sand.u32 $0xFFFFFFFE, s1  }
0xa7: {  	p0 =	sne.s32 s1, s5  }
0xa8: {  	s5 =	sshll.u32 @p0 s5, $0xE  }
0xa9: {  	s5 =	sadd.s32 @p0 $0x11B8D, s5;
	s6 =	sshll.u32 @p0 s4, $0x11  }
0xaa: {  	s5 =	sor.u32 @p0 s6, s5  }
0xab: {  	[sflag:s5] =	ssyncadd.remote.s32 @p0 $0x1;
	_ =	sdelay $0x1  }
0xac: {  	s5 =	simm.s32 @p0 $0x1B8D  }
0xad: {  	_ =	swait.eq @p0 [sflag:s5], $0x1  }
0xae: {  	[sflag:s5] =	ssyncadd.s32 @p0 $0xFFFFFFFF  }
0xaf: {  	s6 =	sshll.u32 @!p0 s1, $0xE  }
0xb0: {  	s6 =	sor.u32 @!p0 $0x4000, s6;
	s5 =	simm.s32 @!p0 $0x1B8D  }
0xb1: {  	s4 =	sshll.u32 @!p0 s4, $0x11;
	s6 =	sadd.s32 @!p0 $0x11B8D, s6;
	_ =	swait.eq @!p0 [sflag:s5], $0x1  }
0xb2: {  	s4 =	sor.u32 @!p0 s4, s6;
	[sflag:s5] =	ssyncadd.s32 @!p0 $0xFFFFFFFF  }
0xb3: {  	s25 =	simm.s32 $0x1B8E;
	s24 =	sld [smem:$0x3FFE];
	[sflag:s4] =	ssyncadd.remote.s32 @!p0 $0x1  }
0xb4: {  	s26 =	simm.s32 $execute0_lowered;
	[smem:$0x3FD2] =	sst s25  }
0xb5: {  	s5 =	sshll.u32 s26, $0x1;
	_ =	strace $0x80000049;
	[dreg:$0x1] =	wrdreg $0xFFFFFFFF  }
0xb6: {  	s28 =	simm.s32 $_size_execute0_lowered;
	s3 =	sadd.s32 s3, s5;
	[dreg:$0x0] =	wrdreg $0x0  }
0xb7: {  	s5 =	sshll.u32 s28, $0x1;
	[dreg:$0x2] =	wrdreg s3  }
0xb8: {  	[dreg:$0x3] =	wrdreg s5  }
0xb9: {  	[dreg:$0x4] =	wrdreg $0xC0  }
0xba: {  	_ =	task [dreg:s22], $0x5FFFF  }
0xbb: {  	[dreg:$0x1] =	wrdreg $0xFFFFFFFF  }
0xbc: {  	[dreg:$0x0] =	wrdreg $0x60  }
0xbd: {  	[dreg:$0x2] =	wrdreg s24  }
0xbe: {  	[dreg:$0x3] =	wrdreg $0x68000  }
0xbf: {  	[dreg:$0x4] =	wrdreg $0x9  }
0xc0: {  	_ =	task.clear_ibuf [dreg:s22], $0x5FFFF;
	_ =	strace $0x90000049  }
0xc1: {  	s29 =	simm.s32 $0x9;
	_ =	strace $0x8000004B  }
0xc2: {  	_ =	swait.ge [sflag:s29], $0x1  }
0xc3: {  	[sflag:s29] =	ssyncadd.s32 $0xFFFFFFFF  }
0xc4: {  	_ =	strace $0x9000004B  }
0xc5: {  	_ =	sfence  }
0xc6: {  	s30 =	sld [smem:$0x0];
	_ =	sdelay $0x2  }
0xc7: {  	s31 =	sshll.u32 s1, $0xD;
	s1 =	sshrl.u32 s1, $0x2  }
0xc8: {  	s4 =	sand.u32 $0x4000, s31;
	s1 =	sadd.s32 s1, s30  }
0xc9: {  	s0 =	sor.u32 s4, s0;
	s1 =	sshll.u32 s1, $0x11  }
0xca: {  	s0 =	sor.u32 s1, s0  }
0xcb: {  	s0 =	sadd.s32 $0x8F2B, s0  }
0xcc: {  	[sflag:s0] =	ssyncadd.remote.s32 $0x1  }
0xcd: {  	_ =	sfence.sel $0xFFFF  }
0xce: {  	[dreg:$0x0] =	wrdreg $0xFFFFFFFF;
	(pc) =	sbr.abs _section_cstart, $3  }
0xcf: {  	[dreg:$0x1] =	wrdreg $0xFFFFFFFF  }
0xd0: {  	_ =	task.clear_ibuf [dreg:s22], $0x2FFFF;
	_ =	strace $0x9FFFFFFF  }
0xd1: {  	(tm) =	ssettm $0x7FFFFFFF  }
tec
execute0_lowered:
.L_overlay_start_1:
0x0: {  	(tag) =	ssettag $0x1  }
0x1: {  	s1 =	srdreg.scid;
	s6 =	rddreg [dreg:$0x0]  }
0x2: {  	s0 =	stileid.u32;
	s2 =	rddreg [dreg:$0x1]  }
0x3: {  	s3 =	simm.s32 $0x0;
	s12 =	simm.s32 $0x2800;
	s13 =	simm.s32 $0x80  }
0x4: {  	s14 =	simm.s32 $0x1;
	s15 =	simm.s32 $0x0;
	s5 =	sand.u32 $0x1, s1  }
0x5: {  	s28 =	sshll.u32 s0, $0x1;
	[smem:$0x7FF] =	sst s3;
	s8 =	smul.u32 $0x14000, s0  }
0x6: {  	s10 =	smul.u32 $0x50000, s0;
	s31 =	sshll.u32 s0, $0x6;
	s1 =	sor.u32 s5, s28  }
0x7: {  	s7 =	smul.u32 $0x140000, s5;
	s29 =	ssub.s32 $0x2, s5;
	s5 =	sadd.s32 $0x6C200, s6  }
0x8: {  	s4 =	smul.u32 $0x500, s1;
	s1 =	rddreg [dreg:$0x2];
	_ =	strace $0x8000004A  }
0x9: {  	s11 =	sshrl.u32 s29, $0x1;
	s10 =	sshrl.u32 s10, $0x2;
	s7 =	sadd.s32 s8, s7  }
0xa: {  	s8 =	ssub.s32 s29, s11;
	s30 =	sadd.s32 s10, s2;
	s10 =	sor.u32 $0x1C02, s31  }
0xb: {  	s9 =	sadd.s32 s4, s6;
	s4 =	sadd.s32 $0x19A00, s6;
	s7 =	sshrl.u32 s7, $0x3  }
0xc: {  	s8 =	smax.u32 s8, $0x1;
	s11 =	sshrl.u32 s30, $0x3;
	s7 =	sadd.s32 s7, s6  }
0xd: {  	s6 =	sadd.s32 $0xFA00, s9;
	s9 =	simm.s32 $0x2;
	s7 =	sadd.s32 $0x6CA00, s7  }
.LBB2_1:
0xe: {  	[tilespmem:s3], [sflag:$0x2] =	stream.linear.gather [hbm4b:s6+s3], $0x2800, $0x38;
	[tilespmem:$0x1A800] =	vst v63  }
0xf: {  	_ =	swait.ge [sflag:s9], $0x2800  }
0x10: {  	[sflag:s9] =	ssyncset.done $0x0  }
0x11: {  	[sflag:s9] =	ssyncadd.s32 $0xFFFFD800  }
0x12: {  	[spmem:s11], [sflag:s10] =	dma.local [hbm:s4], $0x2800  }
0x13: {  	_ =	swait.ge [sflag:s9], $0x2800  }
0x14: {  	[sflag:s9] =	ssyncset.done $0x0  }
0x15: {  	[sflag:s9] =	ssyncadd.s32 $0xFFFFD800  }
0x16: {  	[tilespmem:s12], [sflag:$0x2] =	stream.linear.gather [hbm4b:s5+s3], $0x4000, $0x38;
	[tilespmem:$0x1A800] =	vst v63  }
0x17: {  	_ =	swait.ge [sflag:s9], $0x4000  }
0x18: {  	[sflag:s9] =	ssyncset.done $0x0  }
0x19: {  	[sflag:s9] =	ssyncadd.s32 $0xFFFFC000  }
0x1a: {  	s16 =	simm.s32 $0x0;
	[bflag:$0x0] =	sbarrier.arrive $0xFFFF  }
0x1b: {  	[spmem:s2] =	stream.indirect.scatter.add.f32 [tilespmem:s12], [sflag:$0x1], $0x80, s16, s13, $0xb8;
	[tilespmem:$0x1A800] =	vst v63  }
0x1c: {  	s29 =	simm.s32 $0x80  }
0x1d: {  	[spmem:s2] =	stream.indirect.scatter.add.f32 [tilespmem:s12], [sflag:$0x1], $0x80, s29, s13, $0xb8;
	[tilespmem:$0x1A800] =	vst v63  }
0x1e: {  	s30 =	simm.s32 $0x100  }
0x1f: {  	[spmem:s2] =	stream.indirect.scatter.add.f32 [tilespmem:s12], [sflag:$0x1], $0x80, s30, s13, $0xb8;
	[tilespmem:$0x1A800] =	vst v63  }
0x20: {  	s31 =	simm.s32 $0x180  }
0x21: {  	[spmem:s2] =	stream.indirect.scatter.add.f32 [tilespmem:s12], [sflag:$0x1], $0x80, s31, s13, $0xb8;
	[tilespmem:$0x1A800] =	vst v63  }
0x22: {  	_ =	swait.ge [sflag:s14], $0x4000  }
0x23: {  	[sflag:s14] =	ssyncset.done $0x0  }
0x24: {  	[sflag:s14] =	ssyncadd.s32 $0xFFFFC000  }
0x25: {  	_ =	swait.ge [sflag:s14], $0x4000  }
0x26: {  	[sflag:s14] =	ssyncset.done $0x0  }
0x27: {  	[sflag:s14] =	ssyncadd.s32 $0xFFFFC000  }
0x28: {  	_ =	swait.ge [sflag:s14], $0x4000  }
0x29: {  	[sflag:s14] =	ssyncset.done $0x0  }
0x2a: {  	[sflag:s14] =	ssyncadd.s32 $0xFFFFC000  }
0x2b: {  	_ =	swait.ge [sflag:s14], $0x4000  }
0x2c: {  	s17 =	simm.s32 $0x1000;
	s16 =	simm.s32 $0x800;
	[sflag:s14] =	ssyncset.done $0x0  }
.LBB2_2:
0x2d: {  	s18 =	sshra.s32 s16, $0x2  }
0x2e: {  	[sflag:s14] =	ssyncadd.s32 $0xFFFFC000;
	s16 =	smov.u32 s17;
	s19 =	sadd.s32 $0x800, s17  }
0x2f: {  	[spmem:s2] =	stream.indirect.scatter.add.f32 [tilespmem:s12], [sflag:$0x1], $0x80, s18, s13, $0xb8;
	[tilespmem:$0x1A800] =	vst v63  }
0x30: {  	p0 =	sne.s32 s17, $0x9800;
	s17 =	sadd.s32 $0x80, s18  }
0x31: {  	[spmem:s2] =	stream.indirect.scatter.add.f32 [tilespmem:s12], [sflag:$0x1], $0x80, s17, s13, $0xb8;
	[tilespmem:$0x1A800] =	vst v63  }
0x32: {  	s17 =	sadd.s32 $0x100, s18  }
0x33: {  	[spmem:s2] =	stream.indirect.scatter.add.f32 [tilespmem:s12], [sflag:$0x1], $0x80, s17, s13, $0xb8;
	[tilespmem:$0x1A800] =	vst v63  }
0x34: {  	s17 =	sadd.s32 $0x180, s18  }
0x35: {  	[spmem:s2] =	stream.indirect.scatter.add.f32 [tilespmem:s12], [sflag:$0x1], $0x80, s17, s13, $0xb8;
	[tilespmem:$0x1A800] =	vst v63  }
0x36: {  	_ =	swait.ge [sflag:s14], $0x4000  }
0x37: {  	[sflag:s14] =	ssyncset.done $0x0  }
0x38: {  	[sflag:s14] =	ssyncadd.s32 $0xFFFFC000  }
0x39: {  	_ =	swait.ge [sflag:s14], $0x4000  }
0x3a: {  	[sflag:s14] =	ssyncset.done $0x0  }
0x3b: {  	[sflag:s14] =	ssyncadd.s32 $0xFFFFC000  }
.Ltmp0:
0x3c: {  	_ =	swait.ge [sflag:s14], $0x4000;
	(pc) =	sbr.rel @p0 .LBB2_2-.Ltmp0, $4  }
0x3d: {  	[sflag:s14] =	ssyncset.done $0x0  }
0x3e: {  	[sflag:s14] =	ssyncadd.s32 $0xFFFFC000  }
0x3f: {  	_ =	swait.ge [sflag:s14], $0x4000  }
0x40: {  	s17 =	smov.u32 s19;
	[sflag:s14] =	ssyncset.done $0x0  }
0x41: {  	s16 =	sshra.s32 s16, $0x2;
	[sflag:s14] =	ssyncadd.s32 $0xFFFFC000  }
0x42: {  	[spmem:s2] =	stream.indirect.scatter.add.f32 [tilespmem:s12], [sflag:$0x1], $0x80, s16, s13, $0xb8;
	[tilespmem:$0x1A800] =	vst v63  }
0x43: {  	s17 =	sadd.s32 $0x80, s16  }
0x44: {  	[spmem:s2] =	stream.indirect.scatter.add.f32 [tilespmem:s12], [sflag:$0x1], $0x80, s17, s13, $0xb8;
	[tilespmem:$0x1A800] =	vst v63  }
0x45: {  	s31 =	sadd.s32 $0x100, s16  }
0x46: {  	[spmem:s2] =	stream.indirect.scatter.add.f32 [tilespmem:s12], [sflag:$0x1], $0x80, s31, s13, $0xb8;
	[tilespmem:$0x1A800] =	vst v63  }
0x47: {  	s16 =	sadd.s32 $0x180, s16  }
0x48: {  	[spmem:s2] =	stream.indirect.scatter.add.f32 [tilespmem:s12], [sflag:$0x1], $0x80, s16, s13, $0xb8;
	[tilespmem:$0x1A800] =	vst v63  }
0x49: {  	_ =	swait.ge [sflag:s14], $0x4000  }
0x4a: {  	[sflag:s14] =	ssyncset.done $0x0  }
0x4b: {  	[sflag:s14] =	ssyncadd.s32 $0xFFFFC000  }
0x4c: {  	_ =	swait.ge [sflag:s14], $0x4000  }
0x4d: {  	[sflag:s14] =	ssyncset.done $0x0  }
0x4e: {  	[sflag:s14] =	ssyncadd.s32 $0xFFFFC000  }
0x4f: {  	_ =	swait.ge [sflag:s14], $0x4000  }
0x50: {  	[sflag:s14] =	ssyncset.done $0x0  }
0x51: {  	[sflag:s14] =	ssyncadd.s32 $0xFFFFC000  }
0x52: {  	_ =	swait.ge [sflag:s14], $0x4000  }
0x53: {  	s15 =	sadd.s32 $0x1, s15;
	[sflag:s14] =	ssyncset.done $0x0  }
0x54: {  	p0 =	sne.s32 s15, s8;
	[sflag:s14] =	ssyncadd.s32 $0xFFFFC000  }
.Ltmp1:
0x55: {  	[bflag:$0x0] =	sbarrier.arrive $0xFFFF;
	(pc) =	sbr.rel @p0 .LBB2_1-.Ltmp1, $4  }
0x56: {  	[hbm:s7], [sflag:s10] =	dma.local [spmem:s11], $0x2800  }
0x57: {  	_ =	swait.ge [sflag:s9], $0x2800  }
0x58: {  	[sflag:s9] =	ssyncset.done $0x0  }
0x59: {  	[sflag:s9] =	ssyncadd.s32 $0xFFFFD800  }
0x5a: {  	_ =	sfence.sel $0x180000  }
0x5b: {  	[bflag:$0x0] =	sbarrier.arrive $0xFFFF  }
0x5c: {  	p0 =	sne.s32 s0, $0x0;
	_ =	strace $0x9000004A  }
0x5d: {  	s0 =	sadd.s32 @!p0 $0x100000, s1;
	[bflag:$0x2] =	sbarrier.arrive $0xFFFF  }
0x5e: {  	[sflag:s0] =	ssyncadd.tile.s32 @!p0 $0x1;
	_ =	shalt  }
.Lfunc_end2:
_tile_overlayer_lowered:
.L_overlay_start_2:
0x5f: {  	(tag) =	ssettag $0x2  }
0x60: {  	s0 =	rddreg [dreg:$0x0];
	s2 =	stileid.u32  }
0x61: {  	s1 =	rddreg [dreg:$0x1];
	p0 =	sne.s32 s2, $0x0  }
0x62: {  	s3 =	rddreg [dreg:$0x2];
	[bflag:$0x3] =	sbarrier.arrive $0xFFFF;
	s2 =	simm.s32 @!p0 $0x1C02  }
0x63: {  	[timem:s3], [sflag:s2] =	dma.local @!p0 [hbm:s0], s1  }
0x64: {  	s0 =	simm.s32 @!p0 $0x2  }
0x65: {  	_ =	swait.ge @!p0 [sflag:s0], s1  }
0x66: {  	s1 =	ssub.s32 @!p0 $0x0, s1;
	[sflag:s0] =	ssyncset.done @!p0 $0x0  }
0x67: {  	[sflag:s0] =	ssyncadd.s32 @!p0 s1  }
0x68: {  	[bflag:$0x3] =	sbarrier.arrive $0xFFFF  }
0x69: {  	_ =	shalt  }

// kernel: kernel.18.cloned.1.call-start
scs
__scs_entry_jumppad:
0x0: {  	(pc) =	sbr.rel $0x88, $3  }
0x1: {  	(tag) =	ssettag $0x0;
	lr =	simm.s32 $0x1  }
0x2: {  	[smem:$0x3F91] =	sst lr;
	_ =	strace $0xD0000000  }
0x3: {  	_ = 	snop  }
0x4: {  	_ = 	snop  }
0x5: {  	_ = 	snop  }
0x6: {  	_ = 	snop  }
0x7: {  	_ = 	snop  }
__scs_overlays_trampoline_lowered:
0x8: {  	[smem:$0x3FA0] =	sst s0  }
0x9: {  	[smem:$0x3FA1] =	sst s1  }
0xa: {  	[smem:$0x3FA2] =	sst s2  }
0xb: {  	[smem:$0x3FA3] =	sst s3  }
0xc: {  	[smem:$0x3FA4] =	sst s4  }
0xd: {  	[smem:$0x3FA5] =	sst s5  }
0xe: {  	[smem:$0x3FA6] =	sst s6  }
0xf: {  	[smem:$0x3FA7] =	sst s7  }
0x10: {  	[smem:$0x3FA8] =	sst s8  }
0x11: {  	[smem:$0x3FA9] =	sst s9;
	s0 =	simm.s32 @!p0 $0x0  }
0x12: {  	s1 =	sld [smem:$0x3F8F];
	s0 =	simm.s32 @p0 $0x1  }
0x13: {  	[smem:$0x3FAA] =	sst s0;
	s0 =	simm.s32 @!p1 $0x0  }
0x14: {  	s2 =	sld [smem:$0x3F8E];
	s0 =	simm.s32 @p1 $0x1  }
0x15: {  	[smem:$0x3FAB] =	sst s0;
	s0 =	simm.s32 @!p2 $0x0  }
0x16: {  	s3 =	sld [smem:$0x3FDB];
	s0 =	simm.s32 @p2 $0x1  }
0x17: {  	s4 =	simm.s32 $0x1BF5;
	[smem:$0x3FAD] =	sst s0  }
0x18: {  	s0 =	sld [smem:$0x3F90];
	_ =	swait.ge [sflag:s4], $0x0  }
0x19: {  	s7 =	sld [smem:$0x3F91]  }
0x1a: {  	s8 =	sadd.s32 $0xFFFFE003, lr  }
0x1b: {  	s9 =	sadd.s32 $0xFFFFFEF7, lr;
	s5 =	simm.s32 $0xFFFFFFFF;
	p2 =	slt.u32 s8, $0xFFFFF086  }
0x1c: {  	p1 =	slt.u32 s9, $0xF7A;
	s5 =	simm.s32 @!p2 $0x0  }
0x1d: {  	s5 =	simm.s32 @p1 $0x1;
	p0 =	seq.s32 s7, s2  }
0x1e: {  	s7 =	smul.u32 @!p0 $0xF7A, s2;
	p2 =	seq.s32 @!p0 s5, $0x0  }
0x1f: {  	s9 =	smul.u32 $0xF7A, s1;
	s8 =	simm.s32 @!p0 $0x1BF5;
	p2 =	por !p2, p0  }
0x20: {  	[sflag:s8] =	ssyncset.s32 @!p0 $0xFFFFF086;
	s6 =	sadd.s32 @!p0 s3, s7;
	s7 =	simm.s32 @!p0 $0x108  }
0x21: {  	s3 =	sadd.s32 s3, s9;
	s6 =	sadd.s32 @!p0 $0x88, s6;
	s7 =	simm.s32 @p2 $0x1082  }
0x22: {  	[simem:s7], [sflag:s8] =	dma.local @!p0 [hbm:s6], $0xF7A  }
0x23: {  	s9 =	sor.u32 $0xD0000000, s2;
	s6 =	simm.s32 $0x108;
	_ =	swait.ge @!p0 [sflag:s8], $0x0  }
0x24: {  	s3 =	sadd.s32 $0x88, s3;
	s6 =	simm.s32 @!p1 $0x1082;
	[sflag:s4] =	ssyncset.s32 $0xFFFFF086  }
0x25: {  	[simem:s6], [sflag:s4] =	dma.local [hbm:s3], $0xF7A  }
0x26: {  	[smem:$0x3F91] =	sst s1;
	(tag) =	ssettag s2;
	_ =	strace s9  }
0x27: {  	s1 =	sld [smem:$0x3FA1]  }
0x28: {  	s2 =	sld [smem:$0x3FA2]  }
0x29: {  	s4 =	sld [smem:$0x3FA4]  }
0x2a: {  	p0 =	seq.s32 s5, $0x0;
	s5 =	sld [smem:$0x3FA5]  }
0x2b: {  	s6 =	sld [smem:$0x3FA6]  }
0x2c: {  	s7 =	sld [smem:$0x3FA7]  }
0x2d: {  	s3 =	simm.s32 $0x108;
	s8 =	sld [smem:$0x3FA8]  }
0x2e: {  	s3 =	simm.s32 @!p0 $0x1082;
	s9 =	sld [smem:$0x3FA9]  }
0x2f: {  	lr =	sadd.s32 s0, s3;
	s0 =	sld [smem:$0x3FA0]  }
0x30: {  	s3 =	sld [smem:$0x3FA3]  }
0x31: {  	[smem:$0x3FAC] =	sst s10  }
0x32: {  	s10 =	sld [smem:$0x3FAA];
	_ =	sdelay $0x3  }
0x33: {  	p0 =	seq.s32 s10, $0x1;
	s10 =	sld [smem:$0x3FAC];
	_ =	sdelay $0x3  }
0x34: {  	[smem:$0x3FAC] =	sst s10  }
0x35: {  	s10 =	sld [smem:$0x3FAB];
	_ =	sdelay $0x3  }
0x36: {  	p1 =	seq.s32 s10, $0x1;
	s10 =	sld [smem:$0x3FAC];
	_ =	sdelay $0x3  }
0x37: {  	[smem:$0x3FAC] =	sst s10  }
0x38: {  	s10 =	sld [smem:$0x3FAD]  }
0x39: {  	_ = 	snop;
	(pc) =	sbr.ind lr, $3  }
0x3a: {  	_ = 	snop  }
0x3b: {  	_ = 	snop  }
0x3c: {  	p2 =	seq.s32 s10, $0x1;
	s10 =	sld [smem:$0x3FAC]  }
0x3d: {  	_ =	shalt  }
0x3e: {  	_ =	shalt  }
0x3f: {  	_ =	shalt  }
0x40: {  	_ =	shalt  }
0x41: {  	_ =	shalt  }
0x42: {  	_ =	shalt  }
0x43: {  	_ =	shalt  }
0x44: {  	_ =	shalt  }
0x45: {  	_ =	shalt  }
0x46: {  	_ =	shalt  }
0x47: {  	_ =	shalt  }
0x48: {  	_ =	shalt  }
0x49: {  	_ =	shalt  }
0x4a: {  	_ =	shalt  }
0x4b: {  	_ =	shalt  }
0x4c: {  	_ =	shalt  }
0x4d: {  	_ =	shalt  }
0x4e: {  	_ =	shalt  }
0x4f: {  	_ =	shalt  }
0x50: {  	_ =	shalt  }
0x51: {  	_ =	shalt  }
0x52: {  	_ =	shalt  }
0x53: {  	_ =	shalt  }
0x54: {  	_ =	shalt  }
0x55: {  	_ =	shalt  }
0x56: {  	_ =	shalt  }
0x57: {  	_ =	shalt  }
0x58: {  	_ =	shalt  }
0x59: {  	_ =	shalt  }
0x5a: {  	_ =	shalt  }
0x5b: {  	_ =	shalt  }
0x5c: {  	_ =	shalt  }
0x5d: {  	_ =	shalt  }
0x5e: {  	_ =	shalt  }
0x5f: {  	_ =	shalt  }
0x60: {  	_ =	shalt  }
0x61: {  	_ =	shalt  }
0x62: {  	_ =	shalt  }
0x63: {  	_ =	shalt  }
0x64: {  	_ =	shalt  }
0x65: {  	_ =	shalt  }
0x66: {  	_ =	shalt  }
0x67: {  	_ =	shalt  }
0x68: {  	_ =	shalt  }
0x69: {  	_ =	shalt  }
0x6a: {  	_ =	shalt  }
0x6b: {  	_ =	shalt  }
0x6c: {  	_ =	shalt  }
0x6d: {  	_ =	shalt  }
0x6e: {  	_ =	shalt  }
0x6f: {  	_ =	shalt  }
0x70: {  	_ =	shalt  }
0x71: {  	_ =	shalt  }
0x72: {  	_ =	shalt  }
0x73: {  	_ =	shalt  }
0x74: {  	_ =	shalt  }
0x75: {  	_ =	shalt  }
0x76: {  	_ =	shalt  }
0x77: {  	_ =	shalt  }
0x78: {  	_ =	shalt  }
0x79: {  	_ =	shalt  }
0x7a: {  	_ =	shalt  }
0x7b: {  	_ =	shalt  }
0x7c: {  	_ =	shalt  }
0x7d: {  	_ =	shalt  }
0x7e: {  	_ =	shalt  }
0x7f: {  	_ =	shalt  }
0x80: {  	_ =	shalt  }
0x81: {  	_ =	shalt  }
0x82: {  	_ =	shalt  }
0x83: {  	_ =	shalt  }
0x84: {  	_ =	shalt  }
0x85: {  	_ =	shalt  }
0x86: {  	_ =	shalt  }
0x87: {  	_ =	shalt  }
.Lfunc_end0:
.L_simem_size_0:
called_computation.1_lowered:
.L_overlay_start_0:
0x88: {  	s2 =	sld [smem:$0x3FD9]  }
0x89: {  	s3 =	sld [smem:$0x3FFE];
	_ =	sdelay $0x1  }
0x8a: {  	s1 =	srdreg.scid  }
0x8b: {  	s0 =	sand.u32 $0x1, s1  }
0x8c: {  	s16 =	sshll.u32 s0, $0xA;
	s2 =	sadd.s32 s3, s2  }
0x8d: {  	s2 =	sadd.s32 s2, s16  }
0x8e: {  	[smem:$0x3FB8] =	sst s2  }
0x8f: {  	_ = 	snop  }
0x90: {  	(tm) =	ssettm $0x1  }
0x91: {  	s17 =	sld [smem:$0x3FFB];
	_ =	sdelay $0x3  }
0x92: {  	_ =	strace s17  }
0x93: {  	s2 =	sld [smem:$0x3FFC];
	_ =	sdelay $0x3  }
0x94: {  	_ =	strace s2  }
0x95: {  	s2 =	sld [smem:$0x3FFD];
	_ =	sdelay $0x3  }
0x96: {  	_ =	strace s2  }
0x97: {  	_ =	strace $0x8FFFFFFF  }
0x98: {  	s18 =	sld [smem:$0x3FDB];
	_ =	sdelay $0x1  }
0x99: {  	s19 =	simm.s32 $_scs_section_size  }
0x9a: {  	s4 =	simm.s32 $_size__tile_overlayer_lowered;
	s5 =	simm.s32 $_tile_overlayer_lowered  }
0x9b: {  	s22 =	simm.s32 $0x1BFF;
	s21 =	sshll.u32 s5, $0x1;
	s2 =	sadd.s32 s19, s18  }
0x9c: {  	s6 =	simm.s32 $0x0;
	s20 =	sshll.u32 s4, $0x1;
	s4 =	sadd.s32 s21, s2  }
0x9d: {  	[timem:s6], [sflag:s22] =	dma.local [hbm:s4], s20  }
0x9e: {  	_ =	swait.ge [sflag:s22], s20  }
0x9f: {  	s3 =	ssub.s32 $0x0, s20;
	[sflag:s22] =	ssyncset.done $0x0  }
0xa0: {  	[sflag:s22] =	ssyncadd.s32 s3;
	_ =	sdelay $0x1  }
0xa1: {  	s23 =	simm.s32 $0x1B8B  }
0xa2: {  	_ =	swait.ge [sflag:s23], $0x1  }
0xa3: {  	[sflag:s23] =	ssyncset.done $0x0  }
0xa4: {  	s25 =	simm.s32 $0x1B8E;
	s24 =	sld [smem:$0x3FFE];
	[sflag:s23] =	ssyncadd.s32 $0xFFFFFFFF  }
0xa5: {  	s26 =	simm.s32 $execute0_lowered;
	[smem:$0x3FD2] =	sst s25  }
0xa6: {  	s4 =	sshll.u32 s26, $0x1;
	_ =	strace $0x80000046;
	[dreg:$0x1] =	wrdreg $0xFFFFFFFF  }
0xa7: {  	s28 =	simm.s32 $_size_execute0_lowered;
	s2 =	sadd.s32 s2, s4;
	[dreg:$0x0] =	wrdreg $0x0  }
0xa8: {  	s4 =	sshll.u32 s28, $0x1;
	[dreg:$0x2] =	wrdreg s2  }
0xa9: {  	[dreg:$0x3] =	wrdreg s4  }
0xaa: {  	[dreg:$0x4] =	wrdreg $0xC0  }
0xab: {  	_ =	task [dreg:s6], $0x5FFFF  }
0xac: {  	[dreg:$0x1] =	wrdreg $0xFFFFFFFF  }
0xad: {  	[dreg:$0x0] =	wrdreg $0x60  }
0xae: {  	[dreg:$0x2] =	wrdreg s24  }
0xaf: {  	[dreg:$0x3] =	wrdreg $0xA8000  }
0xb0: {  	[dreg:$0x4] =	wrdreg $0xA  }
0xb1: {  	_ =	task.clear_ibuf [dreg:s6], $0x5FFFF;
	_ =	strace $0x90000046  }
0xb2: {  	s29 =	simm.s32 $0xA;
	_ =	strace $0x80000048  }
0xb3: {  	_ =	swait.ge [sflag:s29], $0x1  }
0xb4: {  	[sflag:s29] =	ssyncadd.s32 $0xFFFFFFFF  }
0xb5: {  	_ =	strace $0x90000048  }
0xb6: {  	_ =	sfence  }
0xb7: {  	s30 =	sld [smem:$0x0];
	_ =	sdelay $0x2  }
0xb8: {  	s31 =	sshll.u32 s1, $0xD;
	s1 =	sshrl.u32 s1, $0x2  }
0xb9: {  	s3 =	sand.u32 $0x4000, s31;
	s1 =	sadd.s32 s1, s30  }
0xba: {  	s0 =	sor.u32 s3, s0;
	s1 =	sshll.u32 s1, $0x11  }
0xbb: {  	s0 =	sor.u32 s1, s0  }
0xbc: {  	s0 =	sadd.s32 $0x8F2B, s0  }
0xbd: {  	[sflag:s0] =	ssyncadd.remote.s32 $0x1  }
0xbe: {  	_ =	sfence.sel $0xFFFF  }
0xbf: {  	[dreg:$0x0] =	wrdreg $0xFFFFFFFF;
	(pc) =	sbr.abs _section_cstart, $3  }
0xc0: {  	[dreg:$0x1] =	wrdreg $0xFFFFFFFF  }
0xc1: {  	_ =	task.clear_ibuf [dreg:s6], $0x2FFFF;
	_ =	strace $0x9FFFFFFF  }
0xc2: {  	(tm) =	ssettm $0x7FFFFFFF  }
0xc3: {  	_ =	shalt  }
tec
execute0_lowered:
.L_overlay_start_1:
0x0: {  	(tag) =	ssettag $0x1  }
0x1: {  	s1 =	srdreg.scid;
	s5 =	rddreg [dreg:$0x0]  }
0x2: {  	s0 =	stileid.u32;
	s2 =	rddreg [dreg:$0x1];
	s3 =	simm.s32 $0x0  }
0x3: {  	s14 =	simm.s32 $0x2800;
	s15 =	simm.s32 $0x1;
	s16 =	simm.s32 $0x6800  }
0x4: {  	s17 =	simm.s32 $0x80;
	s18 =	simm.s32 $0x2700;
	s19 =	simm.s32 $0x2780  }
0x5: {  	s20 =	simm.s32 $0x0;
	s6 =	sand.u32 $0x1, s1;
	s9 =	smul.u32 $0x14000, s0  }
0x6: {  	s25 =	sshll.u32 s0, $0x1;
	s1 =	rddreg [dreg:$0x2];
	s12 =	smul.u32 $0x50000, s0  }
0x7: {  	[smem:$0x7FF] =	sst s3;
	s10 =	sadd.s32 $0x519A00, s5;
	s8 =	smul.u32 $0x140000, s6  }
0x8: {  	s31 =	sshll.u32 s0, $0x6;
	s7 =	sor.u32 s6, s25;
	s30 =	smul.u32 $0x28000, s6  }
0x9: {  	_ =	strace $0x80000047;
	s28 =	ssub.s32 $0x2, s6;
	s4 =	smul.u32 $0x500, s7  }
0xa: {  	s29 =	sshrl.u32 s28, $0x1;
	s13 =	sshrl.u32 s12, $0x2;
	s7 =	smul.u32 $0x28000, s7  }
0xb: {  	s26 =	sadd.s32 s9, s8;
	s9 =	ssub.s32 s28, s29;
	s13 =	sadd.s32 s13, s2  }
0xc: {  	s11 =	sadd.s32 s4, s5;
	s8 =	sshrl.u32 s26, $0x3;
	s4 =	sadd.s32 $0x19A00, s5  }
0xd: {  	s6 =	sadd.s32 s10, s7;
	s10 =	sadd.s32 s12, s10;
	s12 =	sor.u32 $0x1C02, s31  }
0xe: {  	s13 =	sshrl.u32 s13, $0x3;
	s8 =	sadd.s32 s8, s5;
	s5 =	sadd.s32 $0xFA00, s11  }
0xf: {  	s10 =	sadd.s32 s30, s10;
	s11 =	simm.s32 $0x2;
	s7 =	sadd.s32 $0x1C200, s8  }
0x10: {  	s8 =	smax.u32 s9, $0x1;
	s9 =	sadd.s32 $0x27800, s6;
	s10 =	sadd.s32 $0x1000, s10  }
.LBB2_1:
0x11: {  	[tilespmem:s3], [sflag:$0x2] =	stream.linear.gather [hbm4b:s5+s3], $0x2800, $0x38;
	[tilespmem:$0x1E800] =	vst v63  }
0x12: {  	_ =	swait.ge [sflag:s11], $0x2800  }
0x13: {  	[sflag:s11] =	ssyncset.done $0x0  }
0x14: {  	[sflag:s11] =	ssyncadd.s32 $0xFFFFD800  }
0x15: {  	[spmem:s13], [sflag:s12] =	dma.local [hbm:s4], $0x2800  }
0x16: {  	_ =	swait.ge [sflag:s11], $0x2800  }
0x17: {  	[sflag:s11] =	ssyncset.done $0x0  }
0x18: {  	[sflag:s11] =	ssyncadd.s32 $0xFFFFD800  }
0x19: {  	[bflag:$0x0] =	sbarrier.arrive $0xFFFF  }
0x1a: {  	[tilespmem:s14], [sflag:$0x1] =	stream.linear.gather [hbm4b:s6+s3], $0x4000, $0x38;
	[tilespmem:$0x1E800] =	vst v63  }
0x1b: {  	_ =	swait.ge [sflag:s15], $0x4000  }
0x1c: {  	[sflag:s15] =	ssyncset.done $0x0  }
0x1d: {  	s21 =	sadd.s32 $0xFFFFF800, s10;
	[sflag:s15] =	ssyncadd.s32 $0xFFFFC000  }
0x1e: {  	[tilespmem:s16], [sflag:$0x1] =	stream.linear.gather [hbm4b:s21+s3], $0x4000, $0x38;
	[tilespmem:$0x1E800] =	vst v63  }
0x1f: {  	s30 =	simm.s32 $0x0  }
0x20: {  	[spmem:s2] =	stream.indirect.scatter.add.f32 [tilespmem:s14], [sflag:$0x2], $0x80, s30, s17, $0xb8;
	[tilespmem:$0x1E800] =	vst v63  }
0x21: {  	_ =	swait.ge [sflag:s11], $0x4000  }
0x22: {  	[sflag:s11] =	ssyncset.done $0x0  }
0x23: {  	[sflag:s11] =	ssyncadd.s32 $0xFFFFC000  }
0x24: {  	_ =	swait.ge [sflag:s15], $0x4000  }
0x25: {  	[sflag:s15] =	ssyncset.done $0x0  }
0x26: {  	[sflag:s15] =	ssyncadd.s32 $0xFFFFC000  }
0x27: {  	[tilespmem:s14], [sflag:$0x1] =	stream.linear.gather [hbm4b:s10+s3], $0x4000, $0x38;
	[tilespmem:$0x1E800] =	vst v63  }
0x28: {  	s31 =	simm.s32 $0x80  }
0x29: {  	[spmem:s2] =	stream.indirect.scatter.add.f32 [tilespmem:s16], [sflag:$0x2], $0x80, s31, s17, $0xb8;
	[tilespmem:$0x1E800] =	vst v63  }
0x2a: {  	_ =	swait.ge [sflag:s11], $0x4000  }
0x2b: {  	s22 =	smov.u32 s10;
	s21 =	simm.s32 $0x400;
	[sflag:s11] =	ssyncset.done $0x0  }
.LBB2_2:
0x2c: {  	p0 =	sne.s32 s21, $0x9800;
	[sflag:s11] =	ssyncadd.s32 $0xFFFFC000;
	s22 =	sadd.s32 $0x1000, s22  }
0x2d: {  	s23 =	smov.u32 s21;
	s21 =	sadd.s32 $0x400, s21  }
0x2e: {  	_ =	swait.ge [sflag:s15], $0x4000  }
0x2f: {  	[sflag:s15] =	ssyncset.done $0x0  }
0x30: {  	s24 =	sadd.s32 $0xFFFFF800, s22;
	[sflag:s15] =	ssyncadd.s32 $0xFFFFC000  }
0x31: {  	[tilespmem:s16], [sflag:$0x1] =	stream.linear.gather [hbm4b:s24+s3], $0x4000, $0x38;
	[tilespmem:$0x1E800] =	vst v63  }
0x32: {  	s23 =	sshra.s32 s23, $0x2  }
0x33: {  	[spmem:s2] =	stream.indirect.scatter.add.f32 [tilespmem:s14], [sflag:$0x2], $0x80, s23, s17, $0xb8;
	[tilespmem:$0x1E800] =	vst v63  }
0x34: {  	_ =	swait.ge [sflag:s11], $0x4000  }
0x35: {  	[sflag:s11] =	ssyncset.done $0x0  }
0x36: {  	[sflag:s11] =	ssyncadd.s32 $0xFFFFC000  }
0x37: {  	_ =	swait.ge [sflag:s15], $0x4000  }
0x38: {  	[sflag:s15] =	ssyncset.done $0x0  }
0x39: {  	[sflag:s15] =	ssyncadd.s32 $0xFFFFC000  }
0x3a: {  	[tilespmem:s14], [sflag:$0x1] =	stream.linear.gather [hbm4b:s22+s3], $0x4000, $0x38;
	[tilespmem:$0x1E800] =	vst v63  }
.Ltmp0:
0x3b: {  	_ = 	snop;
	(pc) =	sbr.rel @p0 .LBB2_2-.Ltmp0, $4  }
0x3c: {  	s23 =	sadd.s32 $0x80, s23  }
0x3d: {  	[spmem:s2] =	stream.indirect.scatter.add.f32 [tilespmem:s16], [sflag:$0x2], $0x80, s23, s17, $0xb8;
	[tilespmem:$0x1E800] =	vst v63  }
0x3e: {  	_ =	swait.ge [sflag:s11], $0x4000  }
0x3f: {  	[sflag:s11] =	ssyncset.done $0x0  }
0x40: {  	[sflag:s11] =	ssyncadd.s32 $0xFFFFC000  }
0x41: {  	_ =	swait.ge [sflag:s15], $0x4000  }
0x42: {  	[sflag:s15] =	ssyncset.done $0x0  }
0x43: {  	[sflag:s15] =	ssyncadd.s32 $0xFFFFC000  }
0x44: {  	[tilespmem:s16], [sflag:$0x1] =	stream.linear.gather [hbm4b:s9+s3], $0x4000, $0x38;
	[tilespmem:$0x1E800] =	vst v63  }
0x45: {  	_ = 	snop  }
0x46: {  	[spmem:s2] =	stream.indirect.scatter.add.f32 [tilespmem:s14], [sflag:$0x2], $0x80, s18, s17, $0xb8;
	[tilespmem:$0x1E800] =	vst v63  }
0x47: {  	_ =	swait.ge [sflag:s11], $0x4000  }
0x48: {  	[sflag:s11] =	ssyncset.done $0x0  }
0x49: {  	[sflag:s11] =	ssyncadd.s32 $0xFFFFC000  }
0x4a: {  	_ =	swait.ge [sflag:s15], $0x4000  }
0x4b: {  	[sflag:s15] =	ssyncset.done $0x0  }
0x4c: {  	[sflag:s15] =	ssyncadd.s32 $0xFFFFC000  }
0x4d: {  	[spmem:s2] =	stream.indirect.scatter.add.f32 [tilespmem:s16], [sflag:$0x2], $0x80, s19, s17, $0xb8;
	[tilespmem:$0x1E800] =	vst v63  }
0x4e: {  	_ =	swait.ge [sflag:s11], $0x4000  }
0x4f: {  	s20 =	sadd.s32 $0x1, s20;
	[sflag:s11] =	ssyncset.done $0x0  }
0x50: {  	p0 =	sne.s32 s20, s8;
	[sflag:s11] =	ssyncadd.s32 $0xFFFFC000  }
.Ltmp1:
0x51: {  	[bflag:$0x0] =	sbarrier.arrive $0xFFFF;
	(pc) =	sbr.rel @p0 .LBB2_1-.Ltmp1, $4  }
0x52: {  	[hbm:s7], [sflag:s12] =	dma.local [spmem:s13], $0x2800  }
0x53: {  	_ =	swait.ge [sflag:s11], $0x2800  }
0x54: {  	[sflag:s11] =	ssyncset.done $0x0  }
0x55: {  	[sflag:s11] =	ssyncadd.s32 $0xFFFFD800  }
0x56: {  	_ =	sfence.sel $0x180000  }
0x57: {  	[bflag:$0x0] =	sbarrier.arrive $0xFFFF  }
0x58: {  	p0 =	sne.s32 s0, $0x0;
	_ =	strace $0x90000047  }
0x59: {  	s0 =	sadd.s32 @!p0 $0x100000, s1;
	[bflag:$0x2] =	sbarrier.arrive $0xFFFF  }
0x5a: {  	[sflag:s0] =	ssyncadd.tile.s32 @!p0 $0x1;
	_ =	shalt  }
.Lfunc_end2:
_tile_overlayer_lowered:
.L_overlay_start_2:
0x5b: {  	(tag) =	ssettag $0x2  }
0x5c: {  	s0 =	rddreg [dreg:$0x0];
	s2 =	stileid.u32  }
0x5d: {  	s1 =	rddreg [dreg:$0x1];
	p0 =	sne.s32 s2, $0x0  }
0x5e: {  	s3 =	rddreg [dreg:$0x2];
	[bflag:$0x3] =	sbarrier.arrive $0xFFFF;
	s2 =	simm.s32 @!p0 $0x1C02  }
0x5f: {  	[timem:s3], [sflag:s2] =	dma.local @!p0 [hbm:s0], s1  }
0x60: {  	s0 =	simm.s32 @!p0 $0x2  }
0x61: {  	_ =	swait.ge @!p0 [sflag:s0], s1  }
0x62: {  	s1 =	ssub.s32 @!p0 $0x0, s1;
	[sflag:s0] =	ssyncset.done @!p0 $0x0  }
0x63: {  	[sflag:s0] =	ssyncadd.s32 @!p0 s1  }
0x64: {  	[bflag:$0x3] =	sbarrier.arrive $0xFFFF  }
0x65: {  	_ =	shalt  }

// kernel: kernel.21.cloned.1.call-start
scs
__scs_entry_jumppad:
0x0: {  	(pc) =	sbr.rel $0x88, $3  }
0x1: {  	(tag) =	ssettag $0x0;
	lr =	simm.s32 $0x1  }
0x2: {  	[smem:$0x3F91] =	sst lr;
	_ =	strace $0xD0000000  }
0x3: {  	_ = 	snop  }
0x4: {  	_ = 	snop  }
0x5: {  	_ = 	snop  }
0x6: {  	_ = 	snop  }
0x7: {  	_ = 	snop  }
__scs_overlays_trampoline_lowered:
0x8: {  	[smem:$0x3FA0] =	sst s0  }
0x9: {  	[smem:$0x3FA1] =	sst s1  }
0xa: {  	[smem:$0x3FA2] =	sst s2  }
0xb: {  	[smem:$0x3FA3] =	sst s3  }
0xc: {  	[smem:$0x3FA4] =	sst s4  }
0xd: {  	[smem:$0x3FA5] =	sst s5  }
0xe: {  	[smem:$0x3FA6] =	sst s6  }
0xf: {  	[smem:$0x3FA7] =	sst s7  }
0x10: {  	[smem:$0x3FA8] =	sst s8  }
0x11: {  	[smem:$0x3FA9] =	sst s9;
	s0 =	simm.s32 @!p0 $0x0  }
0x12: {  	s1 =	sld [smem:$0x3F8F];
	s0 =	simm.s32 @p0 $0x1  }
0x13: {  	[smem:$0x3FAA] =	sst s0;
	s0 =	simm.s32 @!p1 $0x0  }
0x14: {  	s2 =	sld [smem:$0x3F8E];
	s0 =	simm.s32 @p1 $0x1  }
0x15: {  	[smem:$0x3FAB] =	sst s0;
	s0 =	simm.s32 @!p2 $0x0  }
0x16: {  	s3 =	sld [smem:$0x3FDB];
	s0 =	simm.s32 @p2 $0x1  }
0x17: {  	s4 =	simm.s32 $0x1BF5;
	[smem:$0x3FAD] =	sst s0  }
0x18: {  	s0 =	sld [smem:$0x3F90];
	_ =	swait.ge [sflag:s4], $0x0  }
0x19: {  	s7 =	sld [smem:$0x3F91]  }
0x1a: {  	s8 =	sadd.s32 $0xFFFFE003, lr  }
0x1b: {  	s9 =	sadd.s32 $0xFFFFFEF7, lr;
	s5 =	simm.s32 $0xFFFFFFFF;
	p2 =	slt.u32 s8, $0xFFFFF086  }
0x1c: {  	p1 =	slt.u32 s9, $0xF7A;
	s5 =	simm.s32 @!p2 $0x0  }
0x1d: {  	s5 =	simm.s32 @p1 $0x1;
	p0 =	seq.s32 s7, s2  }
0x1e: {  	s7 =	smul.u32 @!p0 $0xF7A, s2;
	p2 =	seq.s32 @!p0 s5, $0x0  }
0x1f: {  	s9 =	smul.u32 $0xF7A, s1;
	s8 =	simm.s32 @!p0 $0x1BF5;
	p2 =	por !p2, p0  }
0x20: {  	[sflag:s8] =	ssyncset.s32 @!p0 $0xFFFFF086;
	s6 =	sadd.s32 @!p0 s3, s7;
	s7 =	simm.s32 @!p0 $0x108  }
0x21: {  	s3 =	sadd.s32 s3, s9;
	s6 =	sadd.s32 @!p0 $0x88, s6;
	s7 =	simm.s32 @p2 $0x1082  }
0x22: {  	[simem:s7], [sflag:s8] =	dma.local @!p0 [hbm:s6], $0xF7A  }
0x23: {  	s9 =	sor.u32 $0xD0000000, s2;
	s6 =	simm.s32 $0x108;
	_ =	swait.ge @!p0 [sflag:s8], $0x0  }
0x24: {  	s3 =	sadd.s32 $0x88, s3;
	s6 =	simm.s32 @!p1 $0x1082;
	[sflag:s4] =	ssyncset.s32 $0xFFFFF086  }
0x25: {  	[simem:s6], [sflag:s4] =	dma.local [hbm:s3], $0xF7A  }
0x26: {  	[smem:$0x3F91] =	sst s1;
	(tag) =	ssettag s2;
	_ =	strace s9  }
0x27: {  	s1 =	sld [smem:$0x3FA1]  }
0x28: {  	s2 =	sld [smem:$0x3FA2]  }
0x29: {  	s4 =	sld [smem:$0x3FA4]  }
0x2a: {  	p0 =	seq.s32 s5, $0x0;
	s5 =	sld [smem:$0x3FA5]  }
0x2b: {  	s6 =	sld [smem:$0x3FA6]  }
0x2c: {  	s7 =	sld [smem:$0x3FA7]  }
0x2d: {  	s3 =	simm.s32 $0x108;
	s8 =	sld [smem:$0x3FA8]  }
0x2e: {  	s3 =	simm.s32 @!p0 $0x1082;
	s9 =	sld [smem:$0x3FA9]  }
0x2f: {  	lr =	sadd.s32 s0, s3;
	s0 =	sld [smem:$0x3FA0]  }
0x30: {  	s3 =	sld [smem:$0x3FA3]  }
0x31: {  	[smem:$0x3FAC] =	sst s10  }
0x32: {  	s10 =	sld [smem:$0x3FAA];
	_ =	sdelay $0x3  }
0x33: {  	p0 =	seq.s32 s10, $0x1;
	s10 =	sld [smem:$0x3FAC];
	_ =	sdelay $0x3  }
0x34: {  	[smem:$0x3FAC] =	sst s10  }
0x35: {  	s10 =	sld [smem:$0x3FAB];
	_ =	sdelay $0x3  }
0x36: {  	p1 =	seq.s32 s10, $0x1;
	s10 =	sld [smem:$0x3FAC];
	_ =	sdelay $0x3  }
0x37: {  	[smem:$0x3FAC] =	sst s10  }
0x38: {  	s10 =	sld [smem:$0x3FAD]  }
0x39: {  	_ = 	snop;
	(pc) =	sbr.ind lr, $3  }
0x3a: {  	_ = 	snop  }
0x3b: {  	_ = 	snop  }
0x3c: {  	p2 =	seq.s32 s10, $0x1;
	s10 =	sld [smem:$0x3FAC]  }
0x3d: {  	_ =	shalt  }
0x3e: {  	_ =	shalt  }
0x3f: {  	_ =	shalt  }
0x40: {  	_ =	shalt  }
0x41: {  	_ =	shalt  }
0x42: {  	_ =	shalt  }
0x43: {  	_ =	shalt  }
0x44: {  	_ =	shalt  }
0x45: {  	_ =	shalt  }
0x46: {  	_ =	shalt  }
0x47: {  	_ =	shalt  }
0x48: {  	_ =	shalt  }
0x49: {  	_ =	shalt  }
0x4a: {  	_ =	shalt  }
0x4b: {  	_ =	shalt  }
0x4c: {  	_ =	shalt  }
0x4d: {  	_ =	shalt  }
0x4e: {  	_ =	shalt  }
0x4f: {  	_ =	shalt  }
0x50: {  	_ =	shalt  }
0x51: {  	_ =	shalt  }
0x52: {  	_ =	shalt  }
0x53: {  	_ =	shalt  }
0x54: {  	_ =	shalt  }
0x55: {  	_ =	shalt  }
0x56: {  	_ =	shalt  }
0x57: {  	_ =	shalt  }
0x58: {  	_ =	shalt  }
0x59: {  	_ =	shalt  }
0x5a: {  	_ =	shalt  }
0x5b: {  	_ =	shalt  }
0x5c: {  	_ =	shalt  }
0x5d: {  	_ =	shalt  }
0x5e: {  	_ =	shalt  }
0x5f: {  	_ =	shalt  }
0x60: {  	_ =	shalt  }
0x61: {  	_ =	shalt  }
0x62: {  	_ =	shalt  }
0x63: {  	_ =	shalt  }
0x64: {  	_ =	shalt  }
0x65: {  	_ =	shalt  }
0x66: {  	_ =	shalt  }
0x67: {  	_ =	shalt  }
0x68: {  	_ =	shalt  }
0x69: {  	_ =	shalt  }
0x6a: {  	_ =	shalt  }
0x6b: {  	_ =	shalt  }
0x6c: {  	_ =	shalt  }
0x6d: {  	_ =	shalt  }
0x6e: {  	_ =	shalt  }
0x6f: {  	_ =	shalt  }
0x70: {  	_ =	shalt  }
0x71: {  	_ =	shalt  }
0x72: {  	_ =	shalt  }
0x73: {  	_ =	shalt  }
0x74: {  	_ =	shalt  }
0x75: {  	_ =	shalt  }
0x76: {  	_ =	shalt  }
0x77: {  	_ =	shalt  }
0x78: {  	_ =	shalt  }
0x79: {  	_ =	shalt  }
0x7a: {  	_ =	shalt  }
0x7b: {  	_ =	shalt  }
0x7c: {  	_ =	shalt  }
0x7d: {  	_ =	shalt  }
0x7e: {  	_ =	shalt  }
0x7f: {  	_ =	shalt  }
0x80: {  	_ =	shalt  }
0x81: {  	_ =	shalt  }
0x82: {  	_ =	shalt  }
0x83: {  	_ =	shalt  }
0x84: {  	_ =	shalt  }
0x85: {  	_ =	shalt  }
0x86: {  	_ =	shalt  }
0x87: {  	_ =	shalt  }
.Lfunc_end0:
.L_simem_size_0:
called_computation.2_lowered:
.L_overlay_start_0:
0x88: {  	s2 =	sld [smem:$0x3FD9]  }
0x89: {  	s3 =	sld [smem:$0x3FFE];
	_ =	sdelay $0x1  }
0x8a: {  	s1 =	srdreg.scid  }
0x8b: {  	s0 =	sand.u32 $0x1, s1  }
0x8c: {  	s17 =	sshll.u32 s0, $0xA;
	s2 =	sadd.s32 s3, s2  }
0x8d: {  	s2 =	sadd.s32 s2, s17  }
0x8e: {  	[smem:$0x3FB8] =	sst s2  }
0x8f: {  	_ = 	snop  }
0x90: {  	s18 =	sld [smem:$0x3FD0];
	(tm) =	ssettm $0x1  }
0x91: {  	s19 =	sld [smem:$0x3FFB];
	_ =	sdelay $0x3  }
0x92: {  	_ =	strace s19  }
0x93: {  	s2 =	sld [smem:$0x3FFC];
	_ =	sdelay $0x3  }
0x94: {  	_ =	strace s2  }
0x95: {  	s2 =	sld [smem:$0x3FFD];
	_ =	sdelay $0x3  }
0x96: {  	_ =	strace s2  }
0x97: {  	_ =	strace $0x8FFFFFFF  }
0x98: {  	s20 =	sld [smem:$0x3FDB];
	_ =	sdelay $0x1  }
0x99: {  	s4 =	simm.s32 $_scs_section_size  }
0x9a: {  	s5 =	simm.s32 $_size__tile_overlayer_lowered;
	s6 =	simm.s32 $_tile_overlayer_lowered  }
0x9b: {  	s7 =	simm.s32 $0x1BFF;
	s21 =	sshll.u32 s6, $0x1;
	s4 =	sadd.s32 s4, s20  }
0x9c: {  	s22 =	simm.s32 $0x0;
	s5 =	sshll.u32 s5, $0x1;
	s6 =	sadd.s32 s21, s4  }
0x9d: {  	[timem:s22], [sflag:s7] =	dma.local [hbm:s6], s5  }
0x9e: {  	_ =	swait.ge [sflag:s7], s5  }
0x9f: {  	s5 =	ssub.s32 $0x0, s5;
	[sflag:s7] =	ssyncset.done $0x0  }
0xa0: {  	[sflag:s7] =	ssyncadd.s32 s5;
	_ =	sdelay $0x1  }
0xa1: {  	s23 =	simm.s32 $0x1B8B  }
0xa2: {  	_ =	swait.ge [sflag:s23], $0x1  }
0xa3: {  	[sflag:s23] =	ssyncset.done $0x0  }
0xa4: {  	[sflag:s23] =	ssyncadd.s32 $0xFFFFFFFF  }
0xa5: {  	s5 =	sld [smem:$0x0]  }
0xa6: {  	s6 =	sand.u32 $0xFFFFFFFE, s1  }
0xa7: {  	p0 =	sne.s32 s1, s6  }
0xa8: {  	s6 =	sshll.u32 @p0 s6, $0xE  }
0xa9: {  	s6 =	sadd.s32 @p0 $0x11B8D, s6;
	s7 =	sshll.u32 @p0 s5, $0x11  }
0xaa: {  	s6 =	sor.u32 @p0 s7, s6  }
0xab: {  	[sflag:s6] =	ssyncadd.remote.s32 @p0 $0x1;
	_ =	sdelay $0x1  }
0xac: {  	s6 =	simm.s32 @p0 $0x1B8D  }
0xad: {  	_ =	swait.eq @p0 [sflag:s6], $0x1  }
0xae: {  	[sflag:s6] =	ssyncadd.s32 @p0 $0xFFFFFFFF  }
0xaf: {  	s7 =	sshll.u32 @!p0 s1, $0xE  }
0xb0: {  	s7 =	sor.u32 @!p0 $0x4000, s7;
	s6 =	simm.s32 @!p0 $0x1B8D  }
0xb1: {  	s5 =	sshll.u32 @!p0 s5, $0x11;
	s7 =	sadd.s32 @!p0 $0x11B8D, s7;
	_ =	swait.eq @!p0 [sflag:s6], $0x1  }
0xb2: {  	s5 =	sor.u32 @!p0 s5, s7;
	[sflag:s6] =	ssyncadd.s32 @!p0 $0xFFFFFFFF  }
0xb3: {  	s25 =	simm.s32 $0x1B8E;
	s24 =	sld [smem:$0x3FFE];
	[sflag:s5] =	ssyncadd.remote.s32 @!p0 $0x1  }
0xb4: {  	s26 =	simm.s32 $execute0_lowered;
	[smem:$0x3FD2] =	sst s25  }
0xb5: {  	s6 =	sshll.u32 s26, $0x1;
	_ =	strace $0x8000004C;
	[dreg:$0x1] =	wrdreg $0xFFFFFFFF  }
0xb6: {  	s28 =	simm.s32 $_size_execute0_lowered;
	s4 =	sadd.s32 s4, s6;
	[dreg:$0x0] =	wrdreg $0x0  }
0xb7: {  	s6 =	sshll.u32 s28, $0x1;
	[dreg:$0x2] =	wrdreg s4  }
0xb8: {  	[dreg:$0x3] =	wrdreg s6  }
0xb9: {  	[dreg:$0x4] =	wrdreg $0xC0  }
0xba: {  	_ =	task [dreg:s22], $0x5FFFF  }
0xbb: {  	[dreg:$0x1] =	wrdreg $0xFFFFFFFF  }
0xbc: {  	[dreg:$0x0] =	wrdreg $0x60  }
0xbd: {  	[dreg:$0x2] =	wrdreg s18  }
0xbe: {  	[dreg:$0x3] =	wrdreg s24  }
0xbf: {  	[dreg:$0x4] =	wrdreg $0xA8000  }
0xc0: {  	[dreg:$0x5] =	wrdreg $0xB  }
0xc1: {  	_ =	task.clear_ibuf [dreg:s22], $0x6FFFF;
	_ =	strace $0x9000004C  }
0xc2: {  	s29 =	simm.s32 $0xB;
	_ =	strace $0x8000004E  }
0xc3: {  	_ =	swait.ge [sflag:s29], $0x1  }
0xc4: {  	[sflag:s29] =	ssyncadd.s32 $0xFFFFFFFF  }
0xc5: {  	_ =	strace $0x9000004E  }
0xc6: {  	_ =	sfence  }
0xc7: {  	s30 =	sld [smem:$0x0];
	_ =	sdelay $0x2  }
0xc8: {  	s31 =	sshll.u32 s1, $0xD;
	s1 =	sshrl.u32 s1, $0x2  }
0xc9: {  	s4 =	sand.u32 $0x4000, s31;
	s1 =	sadd.s32 s1, s30  }
0xca: {  	s0 =	sor.u32 s4, s0;
	s1 =	sshll.u32 s1, $0x11  }
0xcb: {  	s0 =	sor.u32 s1, s0  }
0xcc: {  	s0 =	sadd.s32 $0x8F2B, s0  }
0xcd: {  	[sflag:s0] =	ssyncadd.remote.s32 $0x1  }
0xce: {  	_ =	sfence.sel $0xFFFF  }
0xcf: {  	[dreg:$0x0] =	wrdreg $0xFFFFFFFF;
	(pc) =	sbr.abs _section_cstart, $3  }
0xd0: {  	[dreg:$0x1] =	wrdreg $0xFFFFFFFF  }
0xd1: {  	_ =	task.clear_ibuf [dreg:s22], $0x2FFFF;
	_ =	strace $0x9FFFFFFF  }
0xd2: {  	(tm) =	ssettm $0x7FFFFFFF  }
0xd3: {  	_ =	shalt  }
tec
execute0_lowered:
.L_overlay_start_1:
0x0: {  	(tag) =	ssettag $0x1  }
0x1: {  	s1 =	rddreg [dreg:$0x0]  }
0x2: {  	s8 =	rddreg [dreg:$0x1]  }
0x3: {  	s2 =	rddreg [dreg:$0x2];
	s4 =	simm.s32 $0x0;
	s3 =	srdreg.scid  }
0x4: {  	s15 =	simm.s32 $0x40;
	s16 =	simm.s32 $0x2800;
	s17 =	simm.s32 $0x80  }
0x5: {  	s18 =	simm.s32 $0x4800;
	s19 =	simm.s32 $0x100;
	s20 =	simm.s32 $0x6800  }
0x6: {  	s21 =	simm.s32 $0x1;
	s22 =	simm.s32 $0x8800;
	s23 =	simm.s32 $0x1380  }
0x7: {  	s24 =	simm.s32 $0x2600;
	s25 =	simm.s32 $0x2680;
	s26 =	simm.s32 $0x2700  }
0x8: {  	s28 =	simm.s32 $0x2780;
	[smem:$0x7FF] =	sst s4;
	s9 =	sand.u32 $0x1, s3  }
0x9: {  	s3 =	stileid.u32;
	s5 =	sadd.s32 $0xD0A00, s8;
	s10 =	smul.u32 $0x140000, s9  }
0xa: {  	s6 =	sadd.s32 $0xBCA00, s8;
	s7 =	sadd.s32 $0x19A00, s8;
	s11 =	smul.u32 $0x14000, s3  }
0xb: {  	_ =	strace $0x8000004D;
	s30 =	ssub.s32 $0x2, s9;
	s12 =	smul.u32 $0x50000, s3  }
0xc: {  	s14 =	smul.u32 $0xA0, s3;
	s31 =	sshll.u32 s3, $0x6;
	p0 =	seq.s32 s9, $0x0  }
0xd: {  	s13 =	sshrl.u32 s30, $0x1;
	s9 =	sor.u32 $0x1C02, s31;
	s10 =	sadd.s32 s11, s10  }
0xe: {  	s11 =	ssub.s32 s30, s13;
	s12 =	sshrl.u32 s12, $0x2;
	s13 =	simm.s32 $0x2  }
0xf: {  	s10 =	sshrl.u32 s10, $0x3;
	s12 =	sadd.s32 s12, s2;
	s11 =	smax.u32 s11, $0x1  }
0x10: {  	s10 =	sadd.s32 s10, s8;
	s8 =	sadd.s32 $0xA00, s14;
	s12 =	sshrl.u32 s12, $0x3  }
0x11: {  	s8 =	smov.u32 @p0 s14;
	s10 =	sadd.s32 $0xE4A00, s10;
	s14 =	simm.s32 $0x1400  }
.LBB2_1:
0x12: {  	[spmem:s12], [sflag:s9] =	dma.local [hbm:s7], $0x2800  }
0x13: {  	_ =	swait.ge [sflag:s13], $0x2800  }
0x14: {  	[sflag:s13] =	ssyncset.done $0x0  }
0x15: {  	[sflag:s13] =	ssyncadd.s32 $0xFFFFD800  }
0x16: {  	s29 =	simm.s32 $0x0;
	[bflag:$0x0] =	sbarrier.arrive $0xFFFF  }
.LBB2_2:
0x17: {  	s30 =	smul.u32 $0x28, s29;
	_ =	sdelay $0x1  }
0x18: {  	s30 =	sadd.s32 s8, s30  }
0x19: {  	s30 =	sshll.u32 s30, $0x4  }
0x1a: {  	s0 =	simm.s32 $0x0;
	s31 =	sadd.s32 s5, s30  }
0x1b: {  	[tilespmem:s0], [sflag:$0x2] =	stream.linear.gather [hbm4b:s31+s0], $0x1400, $0x38;
	[tilespmem:$0x1E800] =	vst v63  }
0x1c: {  	_ =	swait.ge [sflag:s13], $0x1400  }
0x1d: {  	[sflag:s13] =	ssyncset.done $0x0  }
0x1e: {  	s30 =	sadd.s32 s6, s30;
	[sflag:s13] =	ssyncadd.s32 $0xFFFFEC00  }
0x1f: {  	[tilespmem:s14], [sflag:$0x2] =	stream.linear.gather [hbm4b:s30+s0], $0x1400, $0x38;
	[tilespmem:$0x1E800] =	vst v63  }
0x20: {  	_ =	swait.ge [sflag:s13], $0x1400  }
0x21: {  	[sflag:s13] =	ssyncset.done $0x0  }
0x22: {  	[sflag:s13] =	ssyncadd.s32 $0xFFFFEC00  }
0x23: {  	[tilespmem:s16], [sflag:$0x1] =	stream.indirect.gather [hbm4b:s1+s15], $0x80, s0, s15, $0xb8;
	[tilespmem:$0x1E800] =	vst v63  }
0x24: {  	_ = 	snop  }
0x25: {  	[tilespmem:s18], [sflag:$0x1] =	stream.indirect.gather [hbm4b:s1+s15], $0x80, s17, s15, $0xb8;
	[tilespmem:$0x1E800] =	vst v63  }
0x26: {  	_ = 	snop  }
0x27: {  	[tilespmem:s20], [sflag:$0x1] =	stream.indirect.gather [hbm4b:s1+s15], $0x80, s19, s15, $0xb8;
	[tilespmem:$0x1E800] =	vst v63  }
0x28: {  	_ =	swait.ge [sflag:s21], $0x2000  }
0x29: {  	[sflag:s21] =	ssyncset.done $0x0  }
0x2a: {  	s31 =	simm.s32 $0x180;
	[sflag:s21] =	ssyncadd.s32 $0xFFFFE000  }
0x2b: {  	[tilespmem:s22], [sflag:$0x1] =	stream.indirect.gather [hbm4b:s1+s15], $0x80, s31, s15, $0xb8;
	[tilespmem:$0x1E800] =	vst v63  }
0x2c: {  	s31 =	simm.s32 $0x1400  }
0x2d: {  	[spmem:s2] =	stream.indirect.scatter.add.f32 [tilespmem:s16], [sflag:$0x2], $0x80, s31, s15, $0xb8;
	[tilespmem:$0x1E800] =	vst v63  }
0x2e: {  	_ =	swait.ge [sflag:s13], $0x2000  }
0x2f: {  	[sflag:s13] =	ssyncset.done $0x0  }
0x30: {  	[sflag:s13] =	ssyncadd.s32 $0xFFFFE000  }
0x31: {  	_ =	swait.ge [sflag:s21], $0x2000  }
0x32: {  	[sflag:s21] =	ssyncset.done $0x0  }
0x33: {  	s31 =	simm.s32 $0x200;
	[sflag:s21] =	ssyncadd.s32 $0xFFFFE000  }
0x34: {  	[tilespmem:s16], [sflag:$0x1] =	stream.indirect.gather [hbm4b:s1+s15], $0x80, s31, s15, $0xb8;
	[tilespmem:$0x1E800] =	vst v63  }
0x35: {  	s31 =	simm.s32 $0x1480  }
0x36: {  	[spmem:s2] =	stream.indirect.scatter.add.f32 [tilespmem:s18], [sflag:$0x2], $0x80, s31, s15, $0xb8;
	[tilespmem:$0x1E800] =	vst v63  }
0x37: {  	_ =	swait.ge [sflag:s13], $0x2000  }
0x38: {  	[sflag:s13] =	ssyncset.done $0x0  }
0x39: {  	[sflag:s13] =	ssyncadd.s32 $0xFFFFE000  }
0x3a: {  	_ =	swait.ge [sflag:s21], $0x2000  }
0x3b: {  	[sflag:s21] =	ssyncset.done $0x0  }
0x3c: {  	s31 =	simm.s32 $0x280;
	[sflag:s21] =	ssyncadd.s32 $0xFFFFE000  }
0x3d: {  	[tilespmem:s18], [sflag:$0x1] =	stream.indirect.gather [hbm4b:s1+s15], $0x80, s31, s15, $0xb8;
	[tilespmem:$0x1E800] =	vst v63  }
0x3e: {  	s31 =	simm.s32 $0x1500  }
0x3f: {  	[spmem:s2] =	stream.indirect.scatter.add.f32 [tilespmem:s20], [sflag:$0x2], $0x80, s31, s15, $0xb8;
	[tilespmem:$0x1E800] =	vst v63  }
0x40: {  	_ =	swait.ge [sflag:s13], $0x2000  }
0x41: {  	[sflag:s13] =	ssyncset.done $0x0  }
0x42: {  	[sflag:s13] =	ssyncadd.s32 $0xFFFFE000  }
0x43: {  	_ =	swait.ge [sflag:s21], $0x2000  }
0x44: {  	[sflag:s21] =	ssyncset.done $0x0  }
0x45: {  	s31 =	simm.s32 $0x300;
	[sflag:s21] =	ssyncadd.s32 $0xFFFFE000  }
0x46: {  	[tilespmem:s20], [sflag:$0x1] =	stream.indirect.gather [hbm4b:s1+s15], $0x80, s31, s15, $0xb8;
	[tilespmem:$0x1E800] =	vst v63  }
0x47: {  	s31 =	simm.s32 $0x1580  }
0x48: {  	[spmem:s2] =	stream.indirect.scatter.add.f32 [tilespmem:s22], [sflag:$0x2], $0x80, s31, s15, $0xb8;
	[tilespmem:$0x1E800] =	vst v63  }
0x49: {  	_ =	swait.ge [sflag:s13], $0x2000  }
0x4a: {  	s30 =	simm.s32 $0x800;
	[sflag:s13] =	ssyncset.done $0x0  }
.LBB2_3:
0x4b: {  	p0 =	sne.s32 s30, $0x4000  }
0x4c: {  	[sflag:s13] =	ssyncadd.s32 $0xFFFFE000;
	s0 =	smov.u32 s30;
	s30 =	sadd.s32 $0x800, s30  }
0x4d: {  	_ = 	snop  }
0x4e: {  	_ =	swait.ge [sflag:s21], $0x2000  }
0x4f: {  	s31 =	sshra.s32 s0, $0x2;
	[sflag:s21] =	ssyncset.done $0x0  }
0x50: {  	s0 =	sadd.s32 $0x180, s31;
	[sflag:s21] =	ssyncadd.s32 $0xFFFFE000  }
0x51: {  	[tilespmem:s22], [sflag:$0x1] =	stream.indirect.gather [hbm4b:s1+s15], $0x80, s0, s15, $0xb8;
	[tilespmem:$0x1E800] =	vst v63  }
0x52: {  	s0 =	sadd.s32 $0x1400, s31  }
0x53: {  	[spmem:s2] =	stream.indirect.scatter.add.f32 [tilespmem:s16], [sflag:$0x2], $0x80, s0, s15, $0xb8;
	[tilespmem:$0x1E800] =	vst v63  }
0x54: {  	_ =	swait.ge [sflag:s13], $0x2000  }
0x55: {  	[sflag:s13] =	ssyncset.done $0x0  }
0x56: {  	[sflag:s13] =	ssyncadd.s32 $0xFFFFE000  }
0x57: {  	_ =	swait.ge [sflag:s21], $0x2000  }
0x58: {  	[sflag:s21] =	ssyncset.done $0x0  }
0x59: {  	s0 =	sadd.s32 $0x200, s31;
	[sflag:s21] =	ssyncadd.s32 $0xFFFFE000  }
0x5a: {  	[tilespmem:s16], [sflag:$0x1] =	stream.indirect.gather [hbm4b:s1+s15], $0x80, s0, s15, $0xb8;
	[tilespmem:$0x1E800] =	vst v63  }
0x5b: {  	s0 =	sadd.s32 $0x1480, s31  }
0x5c: {  	[spmem:s2] =	stream.indirect.scatter.add.f32 [tilespmem:s18], [sflag:$0x2], $0x80, s0, s15, $0xb8;
	[tilespmem:$0x1E800] =	vst v63  }
0x5d: {  	_ =	swait.ge [sflag:s13], $0x2000  }
0x5e: {  	[sflag:s13] =	ssyncset.done $0x0  }
0x5f: {  	[sflag:s13] =	ssyncadd.s32 $0xFFFFE000  }
0x60: {  	_ =	swait.ge [sflag:s21], $0x2000  }
0x61: {  	[sflag:s21] =	ssyncset.done $0x0  }
0x62: {  	s0 =	sadd.s32 $0x280, s31;
	[sflag:s21] =	ssyncadd.s32 $0xFFFFE000  }
0x63: {  	[tilespmem:s18], [sflag:$0x1] =	stream.indirect.gather [hbm4b:s1+s15], $0x80, s0, s15, $0xb8;
	[tilespmem:$0x1E800] =	vst v63  }
0x64: {  	s0 =	sadd.s32 $0x1500, s31  }
0x65: {  	[spmem:s2] =	stream.indirect.scatter.add.f32 [tilespmem:s20], [sflag:$0x2], $0x80, s0, s15, $0xb8;
	[tilespmem:$0x1E800] =	vst v63  }
0x66: {  	_ =	swait.ge [sflag:s13], $0x2000  }
0x67: {  	[sflag:s13] =	ssyncset.done $0x0  }
0x68: {  	[sflag:s13] =	ssyncadd.s32 $0xFFFFE000  }
0x69: {  	_ =	swait.ge [sflag:s21], $0x2000  }
0x6a: {  	[sflag:s21] =	ssyncset.done $0x0  }
0x6b: {  	s0 =	sadd.s32 $0x300, s31;
	[sflag:s21] =	ssyncadd.s32 $0xFFFFE000  }
0x6c: {  	[tilespmem:s20], [sflag:$0x1] =	stream.indirect.gather [hbm4b:s1+s15], $0x80, s0, s15, $0xb8;
	[tilespmem:$0x1E800] =	vst v63  }
.Ltmp0:
0x6d: {  	_ = 	snop;
	(pc) =	sbr.rel @p0 .LBB2_3-.Ltmp0, $4  }
0x6e: {  	s0 =	sadd.s32 $0x1580, s31  }
0x6f: {  	[spmem:s2] =	stream.indirect.scatter.add.f32 [tilespmem:s22], [sflag:$0x2], $0x80, s0, s15, $0xb8;
	[tilespmem:$0x1E800] =	vst v63  }
0x70: {  	_ =	swait.ge [sflag:s13], $0x2000  }
0x71: {  	[sflag:s13] =	ssyncset.done $0x0  }
0x72: {  	[sflag:s13] =	ssyncadd.s32 $0xFFFFE000  }
0x73: {  	_ =	swait.ge [sflag:s21], $0x2000  }
0x74: {  	[sflag:s21] =	ssyncset.done $0x0  }
0x75: {  	[sflag:s21] =	ssyncadd.s32 $0xFFFFE000  }
0x76: {  	[tilespmem:s22], [sflag:$0x1] =	stream.indirect.gather [hbm4b:s1+s15], $0x80, s23, s15, $0xb8;
	[tilespmem:$0x1E800] =	vst v63  }
0x77: {  	_ = 	snop  }
0x78: {  	[spmem:s2] =	stream.indirect.scatter.add.f32 [tilespmem:s16], [sflag:$0x2], $0x80, s24, s15, $0xb8;
	[tilespmem:$0x1E800] =	vst v63  }
0x79: {  	_ =	swait.ge [sflag:s13], $0x2000  }
0x7a: {  	[sflag:s13] =	ssyncset.done $0x0  }
0x7b: {  	[sflag:s13] =	ssyncadd.s32 $0xFFFFE000  }
0x7c: {  	_ =	swait.ge [sflag:s21], $0x2000  }
0x7d: {  	[sflag:s21] =	ssyncset.done $0x0  }
0x7e: {  	[sflag:s21] =	ssyncadd.s32 $0xFFFFE000  }
0x7f: {  	[spmem:s2] =	stream.indirect.scatter.add.f32 [tilespmem:s18], [sflag:$0x2], $0x80, s25, s15, $0xb8;
	[tilespmem:$0x1E800] =	vst v63  }
0x80: {  	_ =	swait.ge [sflag:s13], $0x2000  }
0x81: {  	[sflag:s13] =	ssyncset.done $0x0  }
0x82: {  	[sflag:s13] =	ssyncadd.s32 $0xFFFFE000  }
0x83: {  	_ =	swait.ge [sflag:s21], $0x2000  }
0x84: {  	[sflag:s21] =	ssyncset.done $0x0  }
0x85: {  	[sflag:s21] =	ssyncadd.s32 $0xFFFFE000  }
0x86: {  	[spmem:s2] =	stream.indirect.scatter.add.f32 [tilespmem:s20], [sflag:$0x2], $0x80, s26, s15, $0xb8;
	[tilespmem:$0x1E800] =	vst v63  }
0x87: {  	_ =	swait.ge [sflag:s13], $0x2000  }
0x88: {  	[sflag:s13] =	ssyncset.done $0x0  }
0x89: {  	[sflag:s13] =	ssyncadd.s32 $0xFFFFE000  }
0x8a: {  	s29 =	sadd.s32 $0x1, s29;
	_ =	swait.ge [sflag:s21], $0x2000  }
0x8b: {  	p0 =	sne.s32 s29, $0x4;
	[sflag:s21] =	ssyncset.done $0x0  }
.Ltmp1:
0x8c: {  	[sflag:s21] =	ssyncadd.s32 $0xFFFFE000;
	(pc) =	sbr.rel @p0 .LBB2_2-.Ltmp1, $4  }
0x8d: {  	[spmem:s2] =	stream.indirect.scatter.add.f32 [tilespmem:s22], [sflag:$0x2], $0x80, s28, s15, $0xb8;
	[tilespmem:$0x1E800] =	vst v63  }
0x8e: {  	_ =	swait.ge [sflag:s13], $0x2000  }
0x8f: {  	[sflag:s13] =	ssyncset.done $0x0  }
0x90: {  	[sflag:s13] =	ssyncadd.s32 $0xFFFFE000  }
0x91: {  	s4 =	sadd.s32 $0x1, s4  }
0x92: {  	p0 =	sne.s32 s4, s11  }
.Ltmp2:
0x93: {  	[bflag:$0x0] =	sbarrier.arrive $0xFFFF;
	(pc) =	sbr.rel @p0 .LBB2_1-.Ltmp2, $4  }
0x94: {  	[hbm:s10], [sflag:s9] =	dma.local [spmem:s12], $0x2800  }
0x95: {  	_ =	swait.ge [sflag:s13], $0x2800  }
0x96: {  	[sflag:s13] =	ssyncset.done $0x0  }
0x97: {  	[sflag:s13] =	ssyncadd.s32 $0xFFFFD800  }
0x98: {  	_ =	sfence.sel $0x180000  }
0x99: {  	[bflag:$0x0] =	sbarrier.arrive $0xFFFF  }
0x9a: {  	_ =	strace $0x9000004D  }
0x9b: {  	[bflag:$0x2] =	sbarrier.arrive $0xFFFF  }
0x9c: {  	p0 =	sne.s32 s3, $0x0;
	s0 =	rddreg [dreg:$0x3]  }
0x9d: {  	s0 =	sadd.s32 @!p0 $0x100000, s0  }
0x9e: {  	[sflag:s0] =	ssyncadd.tile.s32 @!p0 $0x1;
	_ =	shalt  }
.Lfunc_end2:
_tile_overlayer_lowered:
.L_overlay_start_2:
0x9f: {  	(tag) =	ssettag $0x2  }
0xa0: {  	s0 =	rddreg [dreg:$0x0];
	s2 =	stileid.u32  }
0xa1: {  	s1 =	rddreg [dreg:$0x1];
	p0 =	sne.s32 s2, $0x0  }
0xa2: {  	s3 =	rddreg [dreg:$0x2];
	[bflag:$0x3] =	sbarrier.arrive $0xFFFF;
	s2 =	simm.s32 @!p0 $0x1C02  }
0xa3: {  	[timem:s3], [sflag:s2] =	dma.local @!p0 [hbm:s0], s1  }
0xa4: {  	s0 =	simm.s32 @!p0 $0x2  }
0xa5: {  	_ =	swait.ge @!p0 [sflag:s0], s1  }
0xa6: {  	s1 =	ssub.s32 @!p0 $0x0, s1;
	[sflag:s0] =	ssyncset.done @!p0 $0x0  }
0xa7: {  	[sflag:s0] =	ssyncadd.s32 @!p0 s1  }
0xa8: {  	[bflag:$0x3] =	sbarrier.arrive $0xFFFF  }
0xa9: {  	_ =	shalt  }

// kernel: kernel.24.cloned.1.call-start
scs
__scs_entry_jumppad:
0x0: {  	(pc) =	sbr.rel $0x88, $3  }
0x1: {  	(tag) =	ssettag $0x0;
	lr =	simm.s32 $0x1  }
0x2: {  	[smem:$0x3F91] =	sst lr;
	_ =	strace $0xD0000000  }
0x3: {  	_ = 	snop  }
0x4: {  	_ = 	snop  }
0x5: {  	_ = 	snop  }
0x6: {  	_ = 	snop  }
0x7: {  	_ = 	snop  }
__scs_overlays_trampoline_lowered:
0x8: {  	[smem:$0x3FA0] =	sst s0  }
0x9: {  	[smem:$0x3FA1] =	sst s1  }
0xa: {  	[smem:$0x3FA2] =	sst s2  }
0xb: {  	[smem:$0x3FA3] =	sst s3  }
0xc: {  	[smem:$0x3FA4] =	sst s4  }
0xd: {  	[smem:$0x3FA5] =	sst s5  }
0xe: {  	[smem:$0x3FA6] =	sst s6  }
0xf: {  	[smem:$0x3FA7] =	sst s7  }
0x10: {  	[smem:$0x3FA8] =	sst s8  }
0x11: {  	[smem:$0x3FA9] =	sst s9;
	s0 =	simm.s32 @!p0 $0x0  }
0x12: {  	s1 =	sld [smem:$0x3F8F];
	s0 =	simm.s32 @p0 $0x1  }
0x13: {  	[smem:$0x3FAA] =	sst s0;
	s0 =	simm.s32 @!p1 $0x0  }
0x14: {  	s2 =	sld [smem:$0x3F8E];
	s0 =	simm.s32 @p1 $0x1  }
0x15: {  	[smem:$0x3FAB] =	sst s0;
	s0 =	simm.s32 @!p2 $0x0  }
0x16: {  	s3 =	sld [smem:$0x3FDB];
	s0 =	simm.s32 @p2 $0x1  }
0x17: {  	s4 =	simm.s32 $0x1BF5;
	[smem:$0x3FAD] =	sst s0  }
0x18: {  	s0 =	sld [smem:$0x3F90];
	_ =	swait.ge [sflag:s4], $0x0  }
0x19: {  	s7 =	sld [smem:$0x3F91]  }
0x1a: {  	s8 =	sadd.s32 $0xFFFFE003, lr  }
0x1b: {  	s9 =	sadd.s32 $0xFFFFFEF7, lr;
	s5 =	simm.s32 $0xFFFFFFFF;
	p2 =	slt.u32 s8, $0xFFFFF086  }
0x1c: {  	p1 =	slt.u32 s9, $0xF7A;
	s5 =	simm.s32 @!p2 $0x0  }
0x1d: {  	s5 =	simm.s32 @p1 $0x1;
	p0 =	seq.s32 s7, s2  }
0x1e: {  	s7 =	smul.u32 @!p0 $0xF7A, s2;
	p2 =	seq.s32 @!p0 s5, $0x0  }
0x1f: {  	s9 =	smul.u32 $0xF7A, s1;
	s8 =	simm.s32 @!p0 $0x1BF5;
	p2 =	por !p2, p0  }
0x20: {  	[sflag:s8] =	ssyncset.s32 @!p0 $0xFFFFF086;
	s6 =	sadd.s32 @!p0 s3, s7;
	s7 =	simm.s32 @!p0 $0x108  }
0x21: {  	s3 =	sadd.s32 s3, s9;
	s6 =	sadd.s32 @!p0 $0x88, s6;
	s7 =	simm.s32 @p2 $0x1082  }
0x22: {  	[simem:s7], [sflag:s8] =	dma.local @!p0 [hbm:s6], $0xF7A  }
0x23: {  	s9 =	sor.u32 $0xD0000000, s2;
	s6 =	simm.s32 $0x108;
	_ =	swait.ge @!p0 [sflag:s8], $0x0  }
0x24: {  	s3 =	sadd.s32 $0x88, s3;
	s6 =	simm.s32 @!p1 $0x1082;
	[sflag:s4] =	ssyncset.s32 $0xFFFFF086  }
0x25: {  	[simem:s6], [sflag:s4] =	dma.local [hbm:s3], $0xF7A  }
0x26: {  	[smem:$0x3F91] =	sst s1;
	(tag) =	ssettag s2;
	_ =	strace s9  }
0x27: {  	s1 =	sld [smem:$0x3FA1]  }
0x28: {  	s2 =	sld [smem:$0x3FA2]  }
0x29: {  	s4 =	sld [smem:$0x3FA4]  }
0x2a: {  	p0 =	seq.s32 s5, $0x0;
	s5 =	sld [smem:$0x3FA5]  }
0x2b: {  	s6 =	sld [smem:$0x3FA6]  }
0x2c: {  	s7 =	sld [smem:$0x3FA7]  }
0x2d: {  	s3 =	simm.s32 $0x108;
	s8 =	sld [smem:$0x3FA8]  }
0x2e: {  	s3 =	simm.s32 @!p0 $0x1082;
	s9 =	sld [smem:$0x3FA9]  }
0x2f: {  	lr =	sadd.s32 s0, s3;
	s0 =	sld [smem:$0x3FA0]  }
0x30: {  	s3 =	sld [smem:$0x3FA3]  }
0x31: {  	[smem:$0x3FAC] =	sst s10  }
0x32: {  	s10 =	sld [smem:$0x3FAA];
	_ =	sdelay $0x3  }
0x33: {  	p0 =	seq.s32 s10, $0x1;
	s10 =	sld [smem:$0x3FAC];
	_ =	sdelay $0x3  }
0x34: {  	[smem:$0x3FAC] =	sst s10  }
0x35: {  	s10 =	sld [smem:$0x3FAB];
	_ =	sdelay $0x3  }
0x36: {  	p1 =	seq.s32 s10, $0x1;
	s10 =	sld [smem:$0x3FAC];
	_ =	sdelay $0x3  }
0x37: {  	[smem:$0x3FAC] =	sst s10  }
0x38: {  	s10 =	sld [smem:$0x3FAD]  }
0x39: {  	_ = 	snop;
	(pc) =	sbr.ind lr, $3  }
0x3a: {  	_ = 	snop  }
0x3b: {  	_ = 	snop  }
0x3c: {  	p2 =	seq.s32 s10, $0x1;
	s10 =	sld [smem:$0x3FAC]  }
0x3d: {  	_ =	shalt  }
0x3e: {  	_ =	shalt  }
0x3f: {  	_ =	shalt  }
0x40: {  	_ =	shalt  }
0x41: {  	_ =	shalt  }
0x42: {  	_ =	shalt  }
0x43: {  	_ =	shalt  }
0x44: {  	_ =	shalt  }
0x45: {  	_ =	shalt  }
0x46: {  	_ =	shalt  }
0x47: {  	_ =	shalt  }
0x48: {  	_ =	shalt  }
0x49: {  	_ =	shalt  }
0x4a: {  	_ =	shalt  }
0x4b: {  	_ =	shalt  }
0x4c: {  	_ =	shalt  }
0x4d: {  	_ =	shalt  }
0x4e: {  	_ =	shalt  }
0x4f: {  	_ =	shalt  }
0x50: {  	_ =	shalt  }
0x51: {  	_ =	shalt  }
0x52: {  	_ =	shalt  }
0x53: {  	_ =	shalt  }
0x54: {  	_ =	shalt  }
0x55: {  	_ =	shalt  }
0x56: {  	_ =	shalt  }
0x57: {  	_ =	shalt  }
0x58: {  	_ =	shalt  }
0x59: {  	_ =	shalt  }
0x5a: {  	_ =	shalt  }
0x5b: {  	_ =	shalt  }
0x5c: {  	_ =	shalt  }
0x5d: {  	_ =	shalt  }
0x5e: {  	_ =	shalt  }
0x5f: {  	_ =	shalt  }
0x60: {  	_ =	shalt  }
0x61: {  	_ =	shalt  }
0x62: {  	_ =	shalt  }
0x63: {  	_ =	shalt  }
0x64: {  	_ =	shalt  }
0x65: {  	_ =	shalt  }
0x66: {  	_ =	shalt  }
0x67: {  	_ =	shalt  }
0x68: {  	_ =	shalt  }
0x69: {  	_ =	shalt  }
0x6a: {  	_ =	shalt  }
0x6b: {  	_ =	shalt  }
0x6c: {  	_ =	shalt  }
0x6d: {  	_ =	shalt  }
0x6e: {  	_ =	shalt  }
0x6f: {  	_ =	shalt  }
0x70: {  	_ =	shalt  }
0x71: {  	_ =	shalt  }
0x72: {  	_ =	shalt  }
0x73: {  	_ =	shalt  }
0x74: {  	_ =	shalt  }
0x75: {  	_ =	shalt  }
0x76: {  	_ =	shalt  }
0x77: {  	_ =	shalt  }
0x78: {  	_ =	shalt  }
0x79: {  	_ =	shalt  }
0x7a: {  	_ =	shalt  }
0x7b: {  	_ =	shalt  }
0x7c: {  	_ =	shalt  }
0x7d: {  	_ =	shalt  }
0x7e: {  	_ =	shalt  }
0x7f: {  	_ =	shalt  }
0x80: {  	_ =	shalt  }
0x81: {  	_ =	shalt  }
0x82: {  	_ =	shalt  }
0x83: {  	_ =	shalt  }
0x84: {  	_ =	shalt  }
0x85: {  	_ =	shalt  }
0x86: {  	_ =	shalt  }
0x87: {  	_ =	shalt  }
.Lfunc_end0:
.L_simem_size_0:
called_computation.3_lowered:
.L_overlay_start_0:
0x88: {  	s2 =	sld [smem:$0x3FD9]  }
0x89: {  	s3 =	sld [smem:$0x3FFE];
	_ =	sdelay $0x1  }
0x8a: {  	s1 =	srdreg.scid  }
0x8b: {  	s0 =	sand.u32 $0x1, s1  }
0x8c: {  	s17 =	sshll.u32 s0, $0xA;
	s2 =	sadd.s32 s3, s2  }
0x8d: {  	s2 =	sadd.s32 s2, s17  }
0x8e: {  	[smem:$0x3FB8] =	sst s2  }
0x8f: {  	_ = 	snop  }
0x90: {  	s2 =	sld [smem:$0x3FD0];
	(tm) =	ssettm $0x1  }
0x91: {  	s18 =	sld [smem:$0x3FFB];
	_ =	sdelay $0x3  }
0x92: {  	_ =	strace s18  }
0x93: {  	s3 =	sld [smem:$0x3FFC];
	_ =	sdelay $0x3  }
0x94: {  	_ =	strace s3  }
0x95: {  	s3 =	sld [smem:$0x3FFD];
	_ =	sdelay $0x3  }
0x96: {  	_ =	strace s3  }
0x97: {  	_ =	strace $0x8FFFFFFF  }
0x98: {  	s19 =	sld [smem:$0x3FDB];
	_ =	sdelay $0x1  }
0x99: {  	s4 =	simm.s32 $_scs_section_size  }
0x9a: {  	s5 =	simm.s32 $_size__tile_overlayer_lowered;
	s6 =	simm.s32 $_tile_overlayer_lowered  }
0x9b: {  	s22 =	simm.s32 $0x1BFF;
	s21 =	sshll.u32 s6, $0x1;
	s3 =	sadd.s32 s4, s19  }
0x9c: {  	s7 =	simm.s32 $0x0;
	s20 =	sshll.u32 s5, $0x1;
	s5 =	sadd.s32 s21, s3  }
0x9d: {  	[timem:s7], [sflag:s22] =	dma.local [hbm:s5], s20  }
0x9e: {  	_ =	swait.ge [sflag:s22], s20  }
0x9f: {  	s4 =	ssub.s32 $0x0, s20;
	[sflag:s22] =	ssyncset.done $0x0  }
0xa0: {  	[sflag:s22] =	ssyncadd.s32 s4;
	_ =	sdelay $0x1  }
0xa1: {  	s23 =	simm.s32 $0x1B8B  }
0xa2: {  	_ =	swait.ge [sflag:s23], $0x1  }
0xa3: {  	[sflag:s23] =	ssyncset.done $0x0  }
0xa4: {  	s25 =	simm.s32 $0x1B8E;
	s24 =	sld [smem:$0x3FFE];
	[sflag:s23] =	ssyncadd.s32 $0xFFFFFFFF  }
0xa5: {  	s26 =	simm.s32 $execute0_lowered;
	[smem:$0x3FD2] =	sst s25  }
0xa6: {  	s5 =	sshll.u32 s26, $0x1;
	_ =	strace $0x8000004F;
	[dreg:$0x1] =	wrdreg $0xFFFFFFFF  }
0xa7: {  	s28 =	simm.s32 $_size_execute0_lowered;
	s3 =	sadd.s32 s3, s5;
	[dreg:$0x0] =	wrdreg $0x0  }
0xa8: {  	s5 =	sshll.u32 s28, $0x1;
	[dreg:$0x2] =	wrdreg s3  }
0xa9: {  	[dreg:$0x3] =	wrdreg s5  }
0xaa: {  	[dreg:$0x4] =	wrdreg $0xC0  }
0xab: {  	_ =	task [dreg:s7], $0x5FFFF  }
0xac: {  	[dreg:$0x1] =	wrdreg $0xFFFFFFFF  }
0xad: {  	[dreg:$0x0] =	wrdreg $0x60  }
0xae: {  	[dreg:$0x2] =	wrdreg s2  }
0xaf: {  	[dreg:$0x3] =	wrdreg s24  }
0xb0: {  	[dreg:$0x4] =	wrdreg $0xA8000  }
0xb1: {  	[dreg:$0x5] =	wrdreg $0x9  }
0xb2: {  	_ =	task.clear_ibuf [dreg:s7], $0x6FFFF;
	_ =	strace $0x9000004F  }
0xb3: {  	s29 =	simm.s32 $0x9;
	_ =	strace $0x80000051  }
0xb4: {  	_ =	swait.ge [sflag:s29], $0x1  }
0xb5: {  	[sflag:s29] =	ssyncadd.s32 $0xFFFFFFFF  }
0xb6: {  	_ =	strace $0x90000051  }
0xb7: {  	_ =	sfence  }
0xb8: {  	s30 =	sld [smem:$0x0];
	_ =	sdelay $0x2  }
0xb9: {  	s31 =	sshll.u32 s1, $0xD;
	s1 =	sshrl.u32 s1, $0x2  }
0xba: {  	s3 =	sand.u32 $0x4000, s31;
	s1 =	sadd.s32 s1, s30  }
0xbb: {  	s0 =	sor.u32 s3, s0;
	s1 =	sshll.u32 s1, $0x11  }
0xbc: {  	s0 =	sor.u32 s1, s0  }
0xbd: {  	s0 =	sadd.s32 $0x8F2B, s0  }
0xbe: {  	[sflag:s0] =	ssyncadd.remote.s32 $0x1  }
0xbf: {  	_ =	sfence.sel $0xFFFF  }
0xc0: {  	[dreg:$0x0] =	wrdreg $0xFFFFFFFF;
	(pc) =	sbr.abs _section_cstart, $3  }
0xc1: {  	[dreg:$0x1] =	wrdreg $0xFFFFFFFF  }
0xc2: {  	_ =	task.clear_ibuf [dreg:s7], $0x2FFFF;
	_ =	strace $0x9FFFFFFF  }
0xc3: {  	(tm) =	ssettm $0x7FFFFFFF  }
tec
execute0_lowered:
.L_overlay_start_1:
0x0: {  	(tag) =	ssettag $0x1  }
0x1: {  	s1 =	rddreg [dreg:$0x0]  }
0x2: {  	s8 =	rddreg [dreg:$0x1]  }
0x3: {  	s2 =	rddreg [dreg:$0x2];
	s4 =	simm.s32 $0x0;
	s3 =	srdreg.scid  }
0x4: {  	s15 =	simm.s32 $0x40;
	s16 =	simm.s32 $0x2800;
	s17 =	simm.s32 $0x80  }
0x5: {  	s18 =	simm.s32 $0x4800;
	s19 =	simm.s32 $0x100;
	s20 =	simm.s32 $0x6800  }
0x6: {  	s21 =	simm.s32 $0x1;
	s22 =	simm.s32 $0x8800;
	s23 =	simm.s32 $0x1380  }
0x7: {  	s24 =	simm.s32 $0x2600;
	s25 =	simm.s32 $0x2680;
	s26 =	simm.s32 $0x2700  }
0x8: {  	s28 =	simm.s32 $0x2780;
	[smem:$0x7FF] =	sst s4;
	s9 =	sand.u32 $0x1, s3  }
0x9: {  	s3 =	stileid.u32;
	s5 =	sadd.s32 $0xD0A00, s8;
	s10 =	smul.u32 $0x140000, s9  }
0xa: {  	s6 =	sadd.s32 $0xBCA00, s8;
	s7 =	sadd.s32 $0x19A00, s8;
	s11 =	smul.u32 $0x14000, s3  }
0xb: {  	_ =	strace $0x80000050;
	s30 =	ssub.s32 $0x2, s9;
	s12 =	smul.u32 $0x50000, s3  }
0xc: {  	s14 =	smul.u32 $0xA0, s3;
	s31 =	sshll.u32 s3, $0x6;
	p0 =	seq.s32 s9, $0x0  }
0xd: {  	s13 =	sshrl.u32 s30, $0x1;
	s9 =	sor.u32 $0x1C02, s31;
	s10 =	sadd.s32 s11, s10  }
0xe: {  	s11 =	ssub.s32 s30, s13;
	s12 =	sshrl.u32 s12, $0x2;
	s13 =	simm.s32 $0x2  }
0xf: {  	s10 =	sshrl.u32 s10, $0x3;
	s12 =	sadd.s32 s12, s2;
	s11 =	smax.u32 s11, $0x1  }
0x10: {  	s10 =	sadd.s32 s10, s8;
	s8 =	sadd.s32 $0xA00, s14;
	s12 =	sshrl.u32 s12, $0x3  }
0x11: {  	s8 =	smov.u32 @p0 s14;
	s10 =	sadd.s32 $0x43400, s10;
	s14 =	simm.s32 $0x1400  }
.LBB2_1:
0x12: {  	[spmem:s12], [sflag:s9] =	dma.local [hbm:s7], $0x2800  }
0x13: {  	_ =	swait.ge [sflag:s13], $0x2800  }
0x14: {  	[sflag:s13] =	ssyncset.done $0x0  }
0x15: {  	[sflag:s13] =	ssyncadd.s32 $0xFFFFD800  }
0x16: {  	s29 =	simm.s32 $0x0;
	[bflag:$0x0] =	sbarrier.arrive $0xFFFF  }
.LBB2_2:
0x17: {  	s30 =	smul.u32 $0x28, s29;
	_ =	sdelay $0x1  }
0x18: {  	s30 =	sadd.s32 s8, s30  }
0x19: {  	s30 =	sshll.u32 s30, $0x4  }
0x1a: {  	s0 =	simm.s32 $0x0;
	s31 =	sadd.s32 s5, s30  }
0x1b: {  	[tilespmem:s0], [sflag:$0x2] =	stream.linear.gather [hbm4b:s31+s0], $0x1400, $0x38;
	[tilespmem:$0x1E800] =	vst v63  }
0x1c: {  	_ =	swait.ge [sflag:s13], $0x1400  }
0x1d: {  	[sflag:s13] =	ssyncset.done $0x0  }
0x1e: {  	s30 =	sadd.s32 s6, s30;
	[sflag:s13] =	ssyncadd.s32 $0xFFFFEC00  }
0x1f: {  	[tilespmem:s14], [sflag:$0x2] =	stream.linear.gather [hbm4b:s30+s0], $0x1400, $0x38;
	[tilespmem:$0x1E800] =	vst v63  }
0x20: {  	_ =	swait.ge [sflag:s13], $0x1400  }
0x21: {  	[sflag:s13] =	ssyncset.done $0x0  }
0x22: {  	[sflag:s13] =	ssyncadd.s32 $0xFFFFEC00  }
0x23: {  	[tilespmem:s16], [sflag:$0x1] =	stream.indirect.gather [hbm4b:s1+s15], $0x80, s0, s15, $0xb8;
	[tilespmem:$0x1E800] =	vst v63  }
0x24: {  	_ = 	snop  }
0x25: {  	[tilespmem:s18], [sflag:$0x1] =	stream.indirect.gather [hbm4b:s1+s15], $0x80, s17, s15, $0xb8;
	[tilespmem:$0x1E800] =	vst v63  }
0x26: {  	_ = 	snop  }
0x27: {  	[tilespmem:s20], [sflag:$0x1] =	stream.indirect.gather [hbm4b:s1+s15], $0x80, s19, s15, $0xb8;
	[tilespmem:$0x1E800] =	vst v63  }
0x28: {  	_ =	swait.ge [sflag:s21], $0x2000  }
0x29: {  	[sflag:s21] =	ssyncset.done $0x0  }
0x2a: {  	s31 =	simm.s32 $0x180;
	[sflag:s21] =	ssyncadd.s32 $0xFFFFE000  }
0x2b: {  	[tilespmem:s22], [sflag:$0x1] =	stream.indirect.gather [hbm4b:s1+s15], $0x80, s31, s15, $0xb8;
	[tilespmem:$0x1E800] =	vst v63  }
0x2c: {  	s31 =	simm.s32 $0x1400  }
0x2d: {  	[spmem:s2] =	stream.indirect.scatter.add.f32 [tilespmem:s16], [sflag:$0x2], $0x80, s31, s15, $0xb8;
	[tilespmem:$0x1E800] =	vst v63  }
0x2e: {  	_ =	swait.ge [sflag:s13], $0x2000  }
0x2f: {  	[sflag:s13] =	ssyncset.done $0x0  }
0x30: {  	[sflag:s13] =	ssyncadd.s32 $0xFFFFE000  }
0x31: {  	_ =	swait.ge [sflag:s21], $0x2000  }
0x32: {  	[sflag:s21] =	ssyncset.done $0x0  }
0x33: {  	s31 =	simm.s32 $0x200;
	[sflag:s21] =	ssyncadd.s32 $0xFFFFE000  }
0x34: {  	[tilespmem:s16], [sflag:$0x1] =	stream.indirect.gather [hbm4b:s1+s15], $0x80, s31, s15, $0xb8;
	[tilespmem:$0x1E800] =	vst v63  }
0x35: {  	s31 =	simm.s32 $0x1480  }
0x36: {  	[spmem:s2] =	stream.indirect.scatter.add.f32 [tilespmem:s18], [sflag:$0x2], $0x80, s31, s15, $0xb8;
	[tilespmem:$0x1E800] =	vst v63  }
0x37: {  	_ =	swait.ge [sflag:s13], $0x2000  }
0x38: {  	[sflag:s13] =	ssyncset.done $0x0  }
0x39: {  	[sflag:s13] =	ssyncadd.s32 $0xFFFFE000  }
0x3a: {  	_ =	swait.ge [sflag:s21], $0x2000  }
0x3b: {  	[sflag:s21] =	ssyncset.done $0x0  }
0x3c: {  	s31 =	simm.s32 $0x280;
	[sflag:s21] =	ssyncadd.s32 $0xFFFFE000  }
0x3d: {  	[tilespmem:s18], [sflag:$0x1] =	stream.indirect.gather [hbm4b:s1+s15], $0x80, s31, s15, $0xb8;
	[tilespmem:$0x1E800] =	vst v63  }
0x3e: {  	s31 =	simm.s32 $0x1500  }
0x3f: {  	[spmem:s2] =	stream.indirect.scatter.add.f32 [tilespmem:s20], [sflag:$0x2], $0x80, s31, s15, $0xb8;
	[tilespmem:$0x1E800] =	vst v63  }
0x40: {  	_ =	swait.ge [sflag:s13], $0x2000  }
0x41: {  	[sflag:s13] =	ssyncset.done $0x0  }
0x42: {  	[sflag:s13] =	ssyncadd.s32 $0xFFFFE000  }
0x43: {  	_ =	swait.ge [sflag:s21], $0x2000  }
0x44: {  	[sflag:s21] =	ssyncset.done $0x0  }
0x45: {  	s31 =	simm.s32 $0x300;
	[sflag:s21] =	ssyncadd.s32 $0xFFFFE000  }
0x46: {  	[tilespmem:s20], [sflag:$0x1] =	stream.indirect.gather [hbm4b:s1+s15], $0x80, s31, s15, $0xb8;
	[tilespmem:$0x1E800] =	vst v63  }
0x47: {  	s31 =	simm.s32 $0x1580  }
0x48: {  	[spmem:s2] =	stream.indirect.scatter.add.f32 [tilespmem:s22], [sflag:$0x2], $0x80, s31, s15, $0xb8;
	[tilespmem:$0x1E800] =	vst v63  }
0x49: {  	_ =	swait.ge [sflag:s13], $0x2000  }
0x4a: {  	s30 =	simm.s32 $0x800;
	[sflag:s13] =	ssyncset.done $0x0  }
.LBB2_3:
0x4b: {  	p0 =	sne.s32 s30, $0x4000  }
0x4c: {  	[sflag:s13] =	ssyncadd.s32 $0xFFFFE000;
	s0 =	smov.u32 s30;
	s30 =	sadd.s32 $0x800, s30  }
0x4d: {  	_ = 	snop  }
0x4e: {  	_ =	swait.ge [sflag:s21], $0x2000  }
0x4f: {  	s31 =	sshra.s32 s0, $0x2;
	[sflag:s21] =	ssyncset.done $0x0  }
0x50: {  	s0 =	sadd.s32 $0x180, s31;
	[sflag:s21] =	ssyncadd.s32 $0xFFFFE000  }
0x51: {  	[tilespmem:s22], [sflag:$0x1] =	stream.indirect.gather [hbm4b:s1+s15], $0x80, s0, s15, $0xb8;
	[tilespmem:$0x1E800] =	vst v63  }
0x52: {  	s0 =	sadd.s32 $0x1400, s31  }
0x53: {  	[spmem:s2] =	stream.indirect.scatter.add.f32 [tilespmem:s16], [sflag:$0x2], $0x80, s0, s15, $0xb8;
	[tilespmem:$0x1E800] =	vst v63  }
0x54: {  	_ =	swait.ge [sflag:s13], $0x2000  }
0x55: {  	[sflag:s13] =	ssyncset.done $0x0  }
0x56: {  	[sflag:s13] =	ssyncadd.s32 $0xFFFFE000  }
0x57: {  	_ =	swait.ge [sflag:s21], $0x2000  }
0x58: {  	[sflag:s21] =	ssyncset.done $0x0  }
0x59: {  	s0 =	sadd.s32 $0x200, s31;
	[sflag:s21] =	ssyncadd.s32 $0xFFFFE000  }
0x5a: {  	[tilespmem:s16], [sflag:$0x1] =	stream.indirect.gather [hbm4b:s1+s15], $0x80, s0, s15, $0xb8;
	[tilespmem:$0x1E800] =	vst v63  }
0x5b: {  	s0 =	sadd.s32 $0x1480, s31  }
0x5c: {  	[spmem:s2] =	stream.indirect.scatter.add.f32 [tilespmem:s18], [sflag:$0x2], $0x80, s0, s15, $0xb8;
	[tilespmem:$0x1E800] =	vst v63  }
0x5d: {  	_ =	swait.ge [sflag:s13], $0x2000  }
0x5e: {  	[sflag:s13] =	ssyncset.done $0x0  }
0x5f: {  	[sflag:s13] =	ssyncadd.s32 $0xFFFFE000  }
0x60: {  	_ =	swait.ge [sflag:s21], $0x2000  }
0x61: {  	[sflag:s21] =	ssyncset.done $0x0  }
0x62: {  	s0 =	sadd.s32 $0x280, s31;
	[sflag:s21] =	ssyncadd.s32 $0xFFFFE000  }
0x63: {  	[tilespmem:s18], [sflag:$0x1] =	stream.indirect.gather [hbm4b:s1+s15], $0x80, s0, s15, $0xb8;
	[tilespmem:$0x1E800] =	vst v63  }
0x64: {  	s0 =	sadd.s32 $0x1500, s31  }
0x65: {  	[spmem:s2] =	stream.indirect.scatter.add.f32 [tilespmem:s20], [sflag:$0x2], $0x80, s0, s15, $0xb8;
	[tilespmem:$0x1E800] =	vst v63  }
0x66: {  	_ =	swait.ge [sflag:s13], $0x2000  }
0x67: {  	[sflag:s13] =	ssyncset.done $0x0  }
0x68: {  	[sflag:s13] =	ssyncadd.s32 $0xFFFFE000  }
0x69: {  	_ =	swait.ge [sflag:s21], $0x2000  }
0x6a: {  	[sflag:s21] =	ssyncset.done $0x0  }
0x6b: {  	s0 =	sadd.s32 $0x300, s31;
	[sflag:s21] =	ssyncadd.s32 $0xFFFFE000  }
0x6c: {  	[tilespmem:s20], [sflag:$0x1] =	stream.indirect.gather [hbm4b:s1+s15], $0x80, s0, s15, $0xb8;
	[tilespmem:$0x1E800] =	vst v63  }
.Ltmp0:
0x6d: {  	_ = 	snop;
	(pc) =	sbr.rel @p0 .LBB2_3-.Ltmp0, $4  }
0x6e: {  	s0 =	sadd.s32 $0x1580, s31  }
0x6f: {  	[spmem:s2] =	stream.indirect.scatter.add.f32 [tilespmem:s22], [sflag:$0x2], $0x80, s0, s15, $0xb8;
	[tilespmem:$0x1E800] =	vst v63  }
0x70: {  	_ =	swait.ge [sflag:s13], $0x2000  }
0x71: {  	[sflag:s13] =	ssyncset.done $0x0  }
0x72: {  	[sflag:s13] =	ssyncadd.s32 $0xFFFFE000  }
0x73: {  	_ =	swait.ge [sflag:s21], $0x2000  }
0x74: {  	[sflag:s21] =	ssyncset.done $0x0  }
0x75: {  	[sflag:s21] =	ssyncadd.s32 $0xFFFFE000  }
0x76: {  	[tilespmem:s22], [sflag:$0x1] =	stream.indirect.gather [hbm4b:s1+s15], $0x80, s23, s15, $0xb8;
	[tilespmem:$0x1E800] =	vst v63  }
0x77: {  	_ = 	snop  }
0x78: {  	[spmem:s2] =	stream.indirect.scatter.add.f32 [tilespmem:s16], [sflag:$0x2], $0x80, s24, s15, $0xb8;
	[tilespmem:$0x1E800] =	vst v63  }
0x79: {  	_ =	swait.ge [sflag:s13], $0x2000  }
0x7a: {  	[sflag:s13] =	ssyncset.done $0x0  }
0x7b: {  	[sflag:s13] =	ssyncadd.s32 $0xFFFFE000  }
0x7c: {  	_ =	swait.ge [sflag:s21], $0x2000  }
0x7d: {  	[sflag:s21] =	ssyncset.done $0x0  }
0x7e: {  	[sflag:s21] =	ssyncadd.s32 $0xFFFFE000  }
0x7f: {  	[spmem:s2] =	stream.indirect.scatter.add.f32 [tilespmem:s18], [sflag:$0x2], $0x80, s25, s15, $0xb8;
	[tilespmem:$0x1E800] =	vst v63  }
0x80: {  	_ =	swait.ge [sflag:s13], $0x2000  }
0x81: {  	[sflag:s13] =	ssyncset.done $0x0  }
0x82: {  	[sflag:s13] =	ssyncadd.s32 $0xFFFFE000  }
0x83: {  	_ =	swait.ge [sflag:s21], $0x2000  }
0x84: {  	[sflag:s21] =	ssyncset.done $0x0  }
0x85: {  	[sflag:s21] =	ssyncadd.s32 $0xFFFFE000  }
0x86: {  	[spmem:s2] =	stream.indirect.scatter.add.f32 [tilespmem:s20], [sflag:$0x2], $0x80, s26, s15, $0xb8;
	[tilespmem:$0x1E800] =	vst v63  }
0x87: {  	_ =	swait.ge [sflag:s13], $0x2000  }
0x88: {  	[sflag:s13] =	ssyncset.done $0x0  }
0x89: {  	[sflag:s13] =	ssyncadd.s32 $0xFFFFE000  }
0x8a: {  	s29 =	sadd.s32 $0x1, s29;
	_ =	swait.ge [sflag:s21], $0x2000  }
0x8b: {  	p0 =	sne.s32 s29, $0x4;
	[sflag:s21] =	ssyncset.done $0x0  }
.Ltmp1:
0x8c: {  	[sflag:s21] =	ssyncadd.s32 $0xFFFFE000;
	(pc) =	sbr.rel @p0 .LBB2_2-.Ltmp1, $4  }
0x8d: {  	[spmem:s2] =	stream.indirect.scatter.add.f32 [tilespmem:s22], [sflag:$0x2], $0x80, s28, s15, $0xb8;
	[tilespmem:$0x1E800] =	vst v63  }
0x8e: {  	_ =	swait.ge [sflag:s13], $0x2000  }
0x8f: {  	[sflag:s13] =	ssyncset.done $0x0  }
0x90: {  	[sflag:s13] =	ssyncadd.s32 $0xFFFFE000  }
0x91: {  	s4 =	sadd.s32 $0x1, s4  }
0x92: {  	p0 =	sne.s32 s4, s11  }
.Ltmp2:
0x93: {  	[bflag:$0x0] =	sbarrier.arrive $0xFFFF;
	(pc) =	sbr.rel @p0 .LBB2_1-.Ltmp2, $4  }
0x94: {  	[hbm:s10], [sflag:s9] =	dma.local [spmem:s12], $0x2800  }
0x95: {  	_ =	swait.ge [sflag:s13], $0x2800  }
0x96: {  	[sflag:s13] =	ssyncset.done $0x0  }
0x97: {  	[sflag:s13] =	ssyncadd.s32 $0xFFFFD800  }
0x98: {  	_ =	sfence.sel $0x180000  }
0x99: {  	[bflag:$0x0] =	sbarrier.arrive $0xFFFF  }
0x9a: {  	_ =	strace $0x90000050  }
0x9b: {  	[bflag:$0x2] =	sbarrier.arrive $0xFFFF  }
0x9c: {  	p0 =	sne.s32 s3, $0x0;
	s0 =	rddreg [dreg:$0x3]  }
0x9d: {  	s0 =	sadd.s32 @!p0 $0x100000, s0  }
0x9e: {  	[sflag:s0] =	ssyncadd.tile.s32 @!p0 $0x1;
	_ =	shalt  }
.Lfunc_end2:
_tile_overlayer_lowered:
.L_overlay_start_2:
0x9f: {  	(tag) =	ssettag $0x2  }
0xa0: {  	s0 =	rddreg [dreg:$0x0];
	s2 =	stileid.u32  }
0xa1: {  	s1 =	rddreg [dreg:$0x1];
	p0 =	sne.s32 s2, $0x0  }
0xa2: {  	s3 =	rddreg [dreg:$0x2];
	[bflag:$0x3] =	sbarrier.arrive $0xFFFF;
	s2 =	simm.s32 @!p0 $0x1C02  }
0xa3: {  	[timem:s3], [sflag:s2] =	dma.local @!p0 [hbm:s0], s1  }
0xa4: {  	s0 =	simm.s32 @!p0 $0x2  }
0xa5: {  	_ =	swait.ge @!p0 [sflag:s0], s1  }
0xa6: {  	s1 =	ssub.s32 @!p0 $0x0, s1;
	[sflag:s0] =	ssyncset.done @!p0 $0x0  }
0xa7: {  	[sflag:s0] =	ssyncadd.s32 @!p0 s1  }
0xa8: {  	[bflag:$0x3] =	sbarrier.arrive $0xFFFF  }
0xa9: {  	_ =	shalt  }

// kernel: kernel.27.cloned.1.call-start
scs
__scs_entry_jumppad:
0x0: {  	(pc) =	sbr.rel $0x88, $3  }
0x1: {  	(tag) =	ssettag $0x0;
	lr =	simm.s32 $0x1  }
0x2: {  	[smem:$0x3F91] =	sst lr;
	_ =	strace $0xD0000000  }
0x3: {  	_ = 	snop  }
0x4: {  	_ = 	snop  }
0x5: {  	_ = 	snop  }
0x6: {  	_ = 	snop  }
0x7: {  	_ = 	snop  }
__scs_overlays_trampoline_lowered:
0x8: {  	[smem:$0x3FA0] =	sst s0  }
0x9: {  	[smem:$0x3FA1] =	sst s1  }
0xa: {  	[smem:$0x3FA2] =	sst s2  }
0xb: {  	[smem:$0x3FA3] =	sst s3  }
0xc: {  	[smem:$0x3FA4] =	sst s4  }
0xd: {  	[smem:$0x3FA5] =	sst s5  }
0xe: {  	[smem:$0x3FA6] =	sst s6  }
0xf: {  	[smem:$0x3FA7] =	sst s7  }
0x10: {  	[smem:$0x3FA8] =	sst s8  }
0x11: {  	[smem:$0x3FA9] =	sst s9;
	s0 =	simm.s32 @!p0 $0x0  }
0x12: {  	s1 =	sld [smem:$0x3F8F];
	s0 =	simm.s32 @p0 $0x1  }
0x13: {  	[smem:$0x3FAA] =	sst s0;
	s0 =	simm.s32 @!p1 $0x0  }
0x14: {  	s2 =	sld [smem:$0x3F8E];
	s0 =	simm.s32 @p1 $0x1  }
0x15: {  	[smem:$0x3FAB] =	sst s0;
	s0 =	simm.s32 @!p2 $0x0  }
0x16: {  	s3 =	sld [smem:$0x3FDB];
	s0 =	simm.s32 @p2 $0x1  }
0x17: {  	s4 =	simm.s32 $0x1BF5;
	[smem:$0x3FAD] =	sst s0  }
0x18: {  	s0 =	sld [smem:$0x3F90];
	_ =	swait.ge [sflag:s4], $0x0  }
0x19: {  	s7 =	sld [smem:$0x3F91]  }
0x1a: {  	s8 =	sadd.s32 $0xFFFFE003, lr  }
0x1b: {  	s9 =	sadd.s32 $0xFFFFFEF7, lr;
	s5 =	simm.s32 $0xFFFFFFFF;
	p2 =	slt.u32 s8, $0xFFFFF086  }
0x1c: {  	p1 =	slt.u32 s9, $0xF7A;
	s5 =	simm.s32 @!p2 $0x0  }
0x1d: {  	s5 =	simm.s32 @p1 $0x1;
	p0 =	seq.s32 s7, s2  }
0x1e: {  	s7 =	smul.u32 @!p0 $0xF7A, s2;
	p2 =	seq.s32 @!p0 s5, $0x0  }
0x1f: {  	s9 =	smul.u32 $0xF7A, s1;
	s8 =	simm.s32 @!p0 $0x1BF5;
	p2 =	por !p2, p0  }
0x20: {  	[sflag:s8] =	ssyncset.s32 @!p0 $0xFFFFF086;
	s6 =	sadd.s32 @!p0 s3, s7;
	s7 =	simm.s32 @!p0 $0x108  }
0x21: {  	s3 =	sadd.s32 s3, s9;
	s6 =	sadd.s32 @!p0 $0x88, s6;
	s7 =	simm.s32 @p2 $0x1082  }
0x22: {  	[simem:s7], [sflag:s8] =	dma.local @!p0 [hbm:s6], $0xF7A  }
0x23: {  	s9 =	sor.u32 $0xD0000000, s2;
	s6 =	simm.s32 $0x108;
	_ =	swait.ge @!p0 [sflag:s8], $0x0  }
0x24: {  	s3 =	sadd.s32 $0x88, s3;
	s6 =	simm.s32 @!p1 $0x1082;
	[sflag:s4] =	ssyncset.s32 $0xFFFFF086  }
0x25: {  	[simem:s6], [sflag:s4] =	dma.local [hbm:s3], $0xF7A  }
0x26: {  	[smem:$0x3F91] =	sst s1;
	(tag) =	ssettag s2;
	_ =	strace s9  }
0x27: {  	s1 =	sld [smem:$0x3FA1]  }
0x28: {  	s2 =	sld [smem:$0x3FA2]  }
0x29: {  	s4 =	sld [smem:$0x3FA4]  }
0x2a: {  	p0 =	seq.s32 s5, $0x0;
	s5 =	sld [smem:$0x3FA5]  }
0x2b: {  	s6 =	sld [smem:$0x3FA6]  }
0x2c: {  	s7 =	sld [smem:$0x3FA7]  }
0x2d: {  	s3 =	simm.s32 $0x108;
	s8 =	sld [smem:$0x3FA8]  }
0x2e: {  	s3 =	simm.s32 @!p0 $0x1082;
	s9 =	sld [smem:$0x3FA9]  }
0x2f: {  	lr =	sadd.s32 s0, s3;
	s0 =	sld [smem:$0x3FA0]  }
0x30: {  	s3 =	sld [smem:$0x3FA3]  }
0x31: {  	[smem:$0x3FAC] =	sst s10  }
0x32: {  	s10 =	sld [smem:$0x3FAA];
	_ =	sdelay $0x3  }
0x33: {  	p0 =	seq.s32 s10, $0x1;
	s10 =	sld [smem:$0x3FAC];
	_ =	sdelay $0x3  }
0x34: {  	[smem:$0x3FAC] =	sst s10  }
0x35: {  	s10 =	sld [smem:$0x3FAB];
	_ =	sdelay $0x3  }
0x36: {  	p1 =	seq.s32 s10, $0x1;
	s10 =	sld [smem:$0x3FAC];
	_ =	sdelay $0x3  }
0x37: {  	[smem:$0x3FAC] =	sst s10  }
0x38: {  	s10 =	sld [smem:$0x3FAD]  }
0x39: {  	_ = 	snop;
	(pc) =	sbr.ind lr, $3  }
0x3a: {  	_ = 	snop  }
0x3b: {  	_ = 	snop  }
0x3c: {  	p2 =	seq.s32 s10, $0x1;
	s10 =	sld [smem:$0x3FAC]  }
0x3d: {  	_ =	shalt  }
0x3e: {  	_ =	shalt  }
0x3f: {  	_ =	shalt  }
0x40: {  	_ =	shalt  }
0x41: {  	_ =	shalt  }
0x42: {  	_ =	shalt  }
0x43: {  	_ =	shalt  }
0x44: {  	_ =	shalt  }
0x45: {  	_ =	shalt  }
0x46: {  	_ =	shalt  }
0x47: {  	_ =	shalt  }
0x48: {  	_ =	shalt  }
0x49: {  	_ =	shalt  }
0x4a: {  	_ =	shalt  }
0x4b: {  	_ =	shalt  }
0x4c: {  	_ =	shalt  }
0x4d: {  	_ =	shalt  }
0x4e: {  	_ =	shalt  }
0x4f: {  	_ =	shalt  }
0x50: {  	_ =	shalt  }
0x51: {  	_ =	shalt  }
0x52: {  	_ =	shalt  }
0x53: {  	_ =	shalt  }
0x54: {  	_ =	shalt  }
0x55: {  	_ =	shalt  }
0x56: {  	_ =	shalt  }
0x57: {  	_ =	shalt  }
0x58: {  	_ =	shalt  }
0x59: {  	_ =	shalt  }
0x5a: {  	_ =	shalt  }
0x5b: {  	_ =	shalt  }
0x5c: {  	_ =	shalt  }
0x5d: {  	_ =	shalt  }
0x5e: {  	_ =	shalt  }
0x5f: {  	_ =	shalt  }
0x60: {  	_ =	shalt  }
0x61: {  	_ =	shalt  }
0x62: {  	_ =	shalt  }
0x63: {  	_ =	shalt  }
0x64: {  	_ =	shalt  }
0x65: {  	_ =	shalt  }
0x66: {  	_ =	shalt  }
0x67: {  	_ =	shalt  }
0x68: {  	_ =	shalt  }
0x69: {  	_ =	shalt  }
0x6a: {  	_ =	shalt  }
0x6b: {  	_ =	shalt  }
0x6c: {  	_ =	shalt  }
0x6d: {  	_ =	shalt  }
0x6e: {  	_ =	shalt  }
0x6f: {  	_ =	shalt  }
0x70: {  	_ =	shalt  }
0x71: {  	_ =	shalt  }
0x72: {  	_ =	shalt  }
0x73: {  	_ =	shalt  }
0x74: {  	_ =	shalt  }
0x75: {  	_ =	shalt  }
0x76: {  	_ =	shalt  }
0x77: {  	_ =	shalt  }
0x78: {  	_ =	shalt  }
0x79: {  	_ =	shalt  }
0x7a: {  	_ =	shalt  }
0x7b: {  	_ =	shalt  }
0x7c: {  	_ =	shalt  }
0x7d: {  	_ =	shalt  }
0x7e: {  	_ =	shalt  }
0x7f: {  	_ =	shalt  }
0x80: {  	_ =	shalt  }
0x81: {  	_ =	shalt  }
0x82: {  	_ =	shalt  }
0x83: {  	_ =	shalt  }
0x84: {  	_ =	shalt  }
0x85: {  	_ =	shalt  }
0x86: {  	_ =	shalt  }
0x87: {  	_ =	shalt  }
.Lfunc_end0:
.L_simem_size_0:
called_computation.4_lowered:
.L_overlay_start_0:
0x88: {  	s2 =	sld [smem:$0x3FD9]  }
0x89: {  	s3 =	sld [smem:$0x3FFE];
	_ =	sdelay $0x1  }
0x8a: {  	s1 =	srdreg.scid  }
0x8b: {  	s0 =	sand.u32 $0x1, s1  }
0x8c: {  	s17 =	sshll.u32 s0, $0xA;
	s2 =	sadd.s32 s3, s2  }
0x8d: {  	s2 =	sadd.s32 s2, s17  }
0x8e: {  	[smem:$0x3FB8] =	sst s2  }
0x8f: {  	_ = 	snop  }
0x90: {  	s2 =	sld [smem:$0x3FD0];
	(tm) =	ssettm $0x1  }
0x91: {  	s18 =	sld [smem:$0x3FFB];
	_ =	sdelay $0x3  }
0x92: {  	_ =	strace s18  }
0x93: {  	s3 =	sld [smem:$0x3FFC];
	_ =	sdelay $0x3  }
0x94: {  	_ =	strace s3  }
0x95: {  	s3 =	sld [smem:$0x3FFD];
	_ =	sdelay $0x3  }
0x96: {  	_ =	strace s3  }
0x97: {  	_ =	strace $0x8FFFFFFF  }
0x98: {  	s19 =	sld [smem:$0x3FDB];
	_ =	sdelay $0x1  }
0x99: {  	s4 =	simm.s32 $_scs_section_size  }
0x9a: {  	s5 =	simm.s32 $_size__tile_overlayer_lowered;
	s6 =	simm.s32 $_tile_overlayer_lowered  }
0x9b: {  	s22 =	simm.s32 $0x1BFF;
	s21 =	sshll.u32 s6, $0x1;
	s3 =	sadd.s32 s4, s19  }
0x9c: {  	s7 =	simm.s32 $0x0;
	s20 =	sshll.u32 s5, $0x1;
	s5 =	sadd.s32 s21, s3  }
0x9d: {  	[timem:s7], [sflag:s22] =	dma.local [hbm:s5], s20  }
0x9e: {  	_ =	swait.ge [sflag:s22], s20  }
0x9f: {  	s4 =	ssub.s32 $0x0, s20;
	[sflag:s22] =	ssyncset.done $0x0  }
0xa0: {  	[sflag:s22] =	ssyncadd.s32 s4;
	_ =	sdelay $0x1  }
0xa1: {  	s23 =	simm.s32 $0x1B8B  }
0xa2: {  	_ =	swait.ge [sflag:s23], $0x1  }
0xa3: {  	[sflag:s23] =	ssyncset.done $0x0  }
0xa4: {  	s25 =	simm.s32 $0x1B8E;
	s24 =	sld [smem:$0x3FFE];
	[sflag:s23] =	ssyncadd.s32 $0xFFFFFFFF  }
0xa5: {  	s26 =	simm.s32 $execute0_lowered;
	[smem:$0x3FD2] =	sst s25  }
0xa6: {  	s5 =	sshll.u32 s26, $0x1;
	_ =	strace $0x80000052;
	[dreg:$0x1] =	wrdreg $0xFFFFFFFF  }
0xa7: {  	s28 =	simm.s32 $_size_execute0_lowered;
	s3 =	sadd.s32 s3, s5;
	[dreg:$0x0] =	wrdreg $0x0  }
0xa8: {  	s5 =	sshll.u32 s28, $0x1;
	[dreg:$0x2] =	wrdreg s3  }
0xa9: {  	[dreg:$0x3] =	wrdreg s5  }
0xaa: {  	[dreg:$0x4] =	wrdreg $0xC0  }
0xab: {  	_ =	task [dreg:s7], $0x5FFFF  }
0xac: {  	[dreg:$0x1] =	wrdreg $0xFFFFFFFF  }
0xad: {  	[dreg:$0x0] =	wrdreg $0x60  }
0xae: {  	[dreg:$0x2] =	wrdreg s2  }
0xaf: {  	[dreg:$0x3] =	wrdreg s24  }
0xb0: {  	[dreg:$0x4] =	wrdreg $0xA8000  }
0xb1: {  	[dreg:$0x5] =	wrdreg $0x9  }
0xb2: {  	_ =	task.clear_ibuf [dreg:s7], $0x6FFFF;
	_ =	strace $0x90000052  }
0xb3: {  	s29 =	simm.s32 $0x9;
	_ =	strace $0x80000054  }
0xb4: {  	_ =	swait.ge [sflag:s29], $0x1  }
0xb5: {  	[sflag:s29] =	ssyncadd.s32 $0xFFFFFFFF  }
0xb6: {  	_ =	strace $0x90000054  }
0xb7: {  	_ =	sfence  }
0xb8: {  	s30 =	sld [smem:$0x0];
	_ =	sdelay $0x2  }
0xb9: {  	s31 =	sshll.u32 s1, $0xD;
	s1 =	sshrl.u32 s1, $0x2  }
0xba: {  	s3 =	sand.u32 $0x4000, s31;
	s1 =	sadd.s32 s1, s30  }
0xbb: {  	s0 =	sor.u32 s3, s0;
	s1 =	sshll.u32 s1, $0x11  }
0xbc: {  	s0 =	sor.u32 s1, s0  }
0xbd: {  	s0 =	sadd.s32 $0x8F2B, s0  }
0xbe: {  	[sflag:s0] =	ssyncadd.remote.s32 $0x1  }
0xbf: {  	_ =	sfence.sel $0xFFFF  }
0xc0: {  	[dreg:$0x0] =	wrdreg $0xFFFFFFFF;
	(pc) =	sbr.abs _section_cstart, $3  }
0xc1: {  	[dreg:$0x1] =	wrdreg $0xFFFFFFFF  }
0xc2: {  	_ =	task.clear_ibuf [dreg:s7], $0x2FFFF;
	_ =	strace $0x9FFFFFFF  }
0xc3: {  	(tm) =	ssettm $0x7FFFFFFF  }
tec
execute0_lowered:
.L_overlay_start_1:
0x0: {  	(tag) =	ssettag $0x1  }
0x1: {  	s1 =	rddreg [dreg:$0x0]  }
0x2: {  	s8 =	rddreg [dreg:$0x1]  }
0x3: {  	s2 =	rddreg [dreg:$0x2];
	s4 =	simm.s32 $0x0;
	s3 =	srdreg.scid  }
0x4: {  	s15 =	simm.s32 $0x40;
	s16 =	simm.s32 $0x2800;
	s17 =	simm.s32 $0x80  }
0x5: {  	s18 =	simm.s32 $0x4800;
	s19 =	simm.s32 $0x100;
	s20 =	simm.s32 $0x6800  }
0x6: {  	s21 =	simm.s32 $0x1;
	s22 =	simm.s32 $0x8800;
	s23 =	simm.s32 $0x1380  }
0x7: {  	s24 =	simm.s32 $0x2600;
	s25 =	simm.s32 $0x2680;
	s26 =	simm.s32 $0x2700  }
0x8: {  	s28 =	simm.s32 $0x2780;
	[smem:$0x7FF] =	sst s4;
	s9 =	sand.u32 $0x1, s3  }
0x9: {  	s3 =	stileid.u32;
	s5 =	sadd.s32 $0xD0A00, s8;
	s10 =	smul.u32 $0x140000, s9  }
0xa: {  	s6 =	sadd.s32 $0xBCA00, s8;
	s7 =	sadd.s32 $0x19A00, s8;
	s11 =	smul.u32 $0x14000, s3  }
0xb: {  	_ =	strace $0x80000053;
	s30 =	ssub.s32 $0x2, s9;
	s12 =	smul.u32 $0x50000, s3  }
0xc: {  	s14 =	smul.u32 $0xA0, s3;
	s31 =	sshll.u32 s3, $0x6;
	p0 =	seq.s32 s9, $0x0  }
0xd: {  	s13 =	sshrl.u32 s30, $0x1;
	s9 =	sor.u32 $0x1C02, s31;
	s10 =	sadd.s32 s11, s10  }
0xe: {  	s11 =	ssub.s32 s30, s13;
	s12 =	sshrl.u32 s12, $0x2;
	s13 =	simm.s32 $0x2  }
0xf: {  	s10 =	sshrl.u32 s10, $0x3;
	s12 =	sadd.s32 s12, s2;
	s11 =	smax.u32 s11, $0x1  }
0x10: {  	s10 =	sadd.s32 s10, s8;
	s8 =	sadd.s32 $0xA00, s14;
	s12 =	sshrl.u32 s12, $0x3  }
0x11: {  	s8 =	smov.u32 @p0 s14;
	s10 =	sadd.s32 $0x43400, s10;
	s14 =	simm.s32 $0x1400  }
.LBB2_1:
0x12: {  	[spmem:s12], [sflag:s9] =	dma.local [hbm:s7], $0x2800  }
0x13: {  	_ =	swait.ge [sflag:s13], $0x2800  }
0x14: {  	[sflag:s13] =	ssyncset.done $0x0  }
0x15: {  	[sflag:s13] =	ssyncadd.s32 $0xFFFFD800  }
0x16: {  	s29 =	simm.s32 $0x0;
	[bflag:$0x0] =	sbarrier.arrive $0xFFFF  }
.LBB2_2:
0x17: {  	s30 =	smul.u32 $0x28, s29;
	_ =	sdelay $0x1  }
0x18: {  	s30 =	sadd.s32 s8, s30  }
0x19: {  	s30 =	sshll.u32 s30, $0x4  }
0x1a: {  	s0 =	simm.s32 $0x0;
	s31 =	sadd.s32 s5, s30  }
0x1b: {  	[tilespmem:s0], [sflag:$0x2] =	stream.linear.gather [hbm4b:s31+s0], $0x1400, $0x38;
	[tilespmem:$0x1E800] =	vst v63  }
0x1c: {  	_ =	swait.ge [sflag:s13], $0x1400  }
0x1d: {  	[sflag:s13] =	ssyncset.done $0x0  }
0x1e: {  	s30 =	sadd.s32 s6, s30;
	[sflag:s13] =	ssyncadd.s32 $0xFFFFEC00  }
0x1f: {  	[tilespmem:s14], [sflag:$0x2] =	stream.linear.gather [hbm4b:s30+s0], $0x1400, $0x38;
	[tilespmem:$0x1E800] =	vst v63  }
0x20: {  	_ =	swait.ge [sflag:s13], $0x1400  }
0x21: {  	[sflag:s13] =	ssyncset.done $0x0  }
0x22: {  	[sflag:s13] =	ssyncadd.s32 $0xFFFFEC00  }
0x23: {  	[tilespmem:s16], [sflag:$0x1] =	stream.indirect.gather [hbm4b:s1+s15], $0x80, s0, s15, $0xb8;
	[tilespmem:$0x1E800] =	vst v63  }
0x24: {  	_ = 	snop  }
0x25: {  	[tilespmem:s18], [sflag:$0x1] =	stream.indirect.gather [hbm4b:s1+s15], $0x80, s17, s15, $0xb8;
	[tilespmem:$0x1E800] =	vst v63  }
0x26: {  	_ = 	snop  }
0x27: {  	[tilespmem:s20], [sflag:$0x1] =	stream.indirect.gather [hbm4b:s1+s15], $0x80, s19, s15, $0xb8;
	[tilespmem:$0x1E800] =	vst v63  }
0x28: {  	_ =	swait.ge [sflag:s21], $0x2000  }
0x29: {  	[sflag:s21] =	ssyncset.done $0x0  }
0x2a: {  	s31 =	simm.s32 $0x180;
	[sflag:s21] =	ssyncadd.s32 $0xFFFFE000  }
0x2b: {  	[tilespmem:s22], [sflag:$0x1] =	stream.indirect.gather [hbm4b:s1+s15], $0x80, s31, s15, $0xb8;
	[tilespmem:$0x1E800] =	vst v63  }
0x2c: {  	s31 =	simm.s32 $0x1400  }
0x2d: {  	[spmem:s2] =	stream.indirect.scatter.add.f32 [tilespmem:s16], [sflag:$0x2], $0x80, s31, s15, $0xb8;
	[tilespmem:$0x1E800] =	vst v63  }
0x2e: {  	_ =	swait.ge [sflag:s13], $0x2000  }
0x2f: {  	[sflag:s13] =	ssyncset.done $0x0  }
0x30: {  	[sflag:s13] =	ssyncadd.s32 $0xFFFFE000  }
0x31: {  	_ =	swait.ge [sflag:s21], $0x2000  }
0x32: {  	[sflag:s21] =	ssyncset.done $0x0  }
0x33: {  	s31 =	simm.s32 $0x200;
	[sflag:s21] =	ssyncadd.s32 $0xFFFFE000  }
0x34: {  	[tilespmem:s16], [sflag:$0x1] =	stream.indirect.gather [hbm4b:s1+s15], $0x80, s31, s15, $0xb8;
	[tilespmem:$0x1E800] =	vst v63  }
0x35: {  	s31 =	simm.s32 $0x1480  }
0x36: {  	[spmem:s2] =	stream.indirect.scatter.add.f32 [tilespmem:s18], [sflag:$0x2], $0x80, s31, s15, $0xb8;
	[tilespmem:$0x1E800] =	vst v63  }
0x37: {  	_ =	swait.ge [sflag:s13], $0x2000  }
0x38: {  	[sflag:s13] =	ssyncset.done $0x0  }
0x39: {  	[sflag:s13] =	ssyncadd.s32 $0xFFFFE000  }
0x3a: {  	_ =	swait.ge [sflag:s21], $0x2000  }
0x3b: {  	[sflag:s21] =	ssyncset.done $0x0  }
0x3c: {  	s31 =	simm.s32 $0x280;
	[sflag:s21] =	ssyncadd.s32 $0xFFFFE000  }
0x3d: {  	[tilespmem:s18], [sflag:$0x1] =	stream.indirect.gather [hbm4b:s1+s15], $0x80, s31, s15, $0xb8;
	[tilespmem:$0x1E800] =	vst v63  }
0x3e: {  	s31 =	simm.s32 $0x1500  }
0x3f: {  	[spmem:s2] =	stream.indirect.scatter.add.f32 [tilespmem:s20], [sflag:$0x2], $0x80, s31, s15, $0xb8;
	[tilespmem:$0x1E800] =	vst v63  }
0x40: {  	_ =	swait.ge [sflag:s13], $0x2000  }
0x41: {  	[sflag:s13] =	ssyncset.done $0x0  }
0x42: {  	[sflag:s13] =	ssyncadd.s32 $0xFFFFE000  }
0x43: {  	_ =	swait.ge [sflag:s21], $0x2000  }
0x44: {  	[sflag:s21] =	ssyncset.done $0x0  }
0x45: {  	s31 =	simm.s32 $0x300;
	[sflag:s21] =	ssyncadd.s32 $0xFFFFE000  }
0x46: {  	[tilespmem:s20], [sflag:$0x1] =	stream.indirect.gather [hbm4b:s1+s15], $0x80, s31, s15, $0xb8;
	[tilespmem:$0x1E800] =	vst v63  }
0x47: {  	s31 =	simm.s32 $0x1580  }
0x48: {  	[spmem:s2] =	stream.indirect.scatter.add.f32 [tilespmem:s22], [sflag:$0x2], $0x80, s31, s15, $0xb8;
	[tilespmem:$0x1E800] =	vst v63  }
0x49: {  	_ =	swait.ge [sflag:s13], $0x2000  }
0x4a: {  	s30 =	simm.s32 $0x800;
	[sflag:s13] =	ssyncset.done $0x0  }
.LBB2_3:
0x4b: {  	p0 =	sne.s32 s30, $0x4000  }
0x4c: {  	[sflag:s13] =	ssyncadd.s32 $0xFFFFE000;
	s0 =	smov.u32 s30;
	s30 =	sadd.s32 $0x800, s30  }
0x4d: {  	_ = 	snop  }
0x4e: {  	_ =	swait.ge [sflag:s21], $0x2000  }
0x4f: {  	s31 =	sshra.s32 s0, $0x2;
	[sflag:s21] =	ssyncset.done $0x0  }
0x50: {  	s0 =	sadd.s32 $0x180, s31;
	[sflag:s21] =	ssyncadd.s32 $0xFFFFE000  }
0x51: {  	[tilespmem:s22], [sflag:$0x1] =	stream.indirect.gather [hbm4b:s1+s15], $0x80, s0, s15, $0xb8;
	[tilespmem:$0x1E800] =	vst v63  }
0x52: {  	s0 =	sadd.s32 $0x1400, s31  }
0x53: {  	[spmem:s2] =	stream.indirect.scatter.add.f32 [tilespmem:s16], [sflag:$0x2], $0x80, s0, s15, $0xb8;
	[tilespmem:$0x1E800] =	vst v63  }
0x54: {  	_ =	swait.ge [sflag:s13], $0x2000  }
0x55: {  	[sflag:s13] =	ssyncset.done $0x0  }
0x56: {  	[sflag:s13] =	ssyncadd.s32 $0xFFFFE000  }
0x57: {  	_ =	swait.ge [sflag:s21], $0x2000  }
0x58: {  	[sflag:s21] =	ssyncset.done $0x0  }
0x59: {  	s0 =	sadd.s32 $0x200, s31;
	[sflag:s21] =	ssyncadd.s32 $0xFFFFE000  }
0x5a: {  	[tilespmem:s16], [sflag:$0x1] =	stream.indirect.gather [hbm4b:s1+s15], $0x80, s0, s15, $0xb8;
	[tilespmem:$0x1E800] =	vst v63  }
0x5b: {  	s0 =	sadd.s32 $0x1480, s31  }
0x5c: {  	[spmem:s2] =	stream.indirect.scatter.add.f32 [tilespmem:s18], [sflag:$0x2], $0x80, s0, s15, $0xb8;
	[tilespmem:$0x1E800] =	vst v63  }
0x5d: {  	_ =	swait.ge [sflag:s13], $0x2000  }
0x5e: {  	[sflag:s13] =	ssyncset.done $0x0  }
0x5f: {  	[sflag:s13] =	ssyncadd.s32 $0xFFFFE000  }
0x60: {  	_ =	swait.ge [sflag:s21], $0x2000  }
0x61: {  	[sflag:s21] =	ssyncset.done $0x0  }
0x62: {  	s0 =	sadd.s32 $0x280, s31;
	[sflag:s21] =	ssyncadd.s32 $0xFFFFE000  }
0x63: {  	[tilespmem:s18], [sflag:$0x1] =	stream.indirect.gather [hbm4b:s1+s15], $0x80, s0, s15, $0xb8;
	[tilespmem:$0x1E800] =	vst v63  }
0x64: {  	s0 =	sadd.s32 $0x1500, s31  }
0x65: {  	[spmem:s2] =	stream.indirect.scatter.add.f32 [tilespmem:s20], [sflag:$0x2], $0x80, s0, s15, $0xb8;
	[tilespmem:$0x1E800] =	vst v63  }
0x66: {  	_ =	swait.ge [sflag:s13], $0x2000  }
0x67: {  	[sflag:s13] =	ssyncset.done $0x0  }
0x68: {  	[sflag:s13] =	ssyncadd.s32 $0xFFFFE000  }
0x69: {  	_ =	swait.ge [sflag:s21], $0x2000  }
0x6a: {  	[sflag:s21] =	ssyncset.done $0x0  }
0x6b: {  	s0 =	sadd.s32 $0x300, s31;
	[sflag:s21] =	ssyncadd.s32 $0xFFFFE000  }
0x6c: {  	[tilespmem:s20], [sflag:$0x1] =	stream.indirect.gather [hbm4b:s1+s15], $0x80, s0, s15, $0xb8;
	[tilespmem:$0x1E800] =	vst v63  }
.Ltmp0:
0x6d: {  	_ = 	snop;
	(pc) =	sbr.rel @p0 .LBB2_3-.Ltmp0, $4  }
0x6e: {  	s0 =	sadd.s32 $0x1580, s31  }
0x6f: {  	[spmem:s2] =	stream.indirect.scatter.add.f32 [tilespmem:s22], [sflag:$0x2], $0x80, s0, s15, $0xb8;
	[tilespmem:$0x1E800] =	vst v63  }
0x70: {  	_ =	swait.ge [sflag:s13], $0x2000  }
0x71: {  	[sflag:s13] =	ssyncset.done $0x0  }
0x72: {  	[sflag:s13] =	ssyncadd.s32 $0xFFFFE000  }
0x73: {  	_ =	swait.ge [sflag:s21], $0x2000  }
0x74: {  	[sflag:s21] =	ssyncset.done $0x0  }
0x75: {  	[sflag:s21] =	ssyncadd.s32 $0xFFFFE000  }
0x76: {  	[tilespmem:s22], [sflag:$0x1] =	stream.indirect.gather [hbm4b:s1+s15], $0x80, s23, s15, $0xb8;
	[tilespmem:$0x1E800] =	vst v63  }
0x77: {  	_ = 	snop  }
0x78: {  	[spmem:s2] =	stream.indirect.scatter.add.f32 [tilespmem:s16], [sflag:$0x2], $0x80, s24, s15, $0xb8;
	[tilespmem:$0x1E800] =	vst v63  }
0x79: {  	_ =	swait.ge [sflag:s13], $0x2000  }
0x7a: {  	[sflag:s13] =	ssyncset.done $0x0  }
0x7b: {  	[sflag:s13] =	ssyncadd.s32 $0xFFFFE000  }
0x7c: {  	_ =	swait.ge [sflag:s21], $0x2000  }
0x7d: {  	[sflag:s21] =	ssyncset.done $0x0  }
0x7e: {  	[sflag:s21] =	ssyncadd.s32 $0xFFFFE000  }
0x7f: {  	[spmem:s2] =	stream.indirect.scatter.add.f32 [tilespmem:s18], [sflag:$0x2], $0x80, s25, s15, $0xb8;
	[tilespmem:$0x1E800] =	vst v63  }
0x80: {  	_ =	swait.ge [sflag:s13], $0x2000  }
0x81: {  	[sflag:s13] =	ssyncset.done $0x0  }
0x82: {  	[sflag:s13] =	ssyncadd.s32 $0xFFFFE000  }
0x83: {  	_ =	swait.ge [sflag:s21], $0x2000  }
0x84: {  	[sflag:s21] =	ssyncset.done $0x0  }
0x85: {  	[sflag:s21] =	ssyncadd.s32 $0xFFFFE000  }
0x86: {  	[spmem:s2] =	stream.indirect.scatter.add.f32 [tilespmem:s20], [sflag:$0x2], $0x80, s26, s15, $0xb8;
	[tilespmem:$0x1E800] =	vst v63  }
0x87: {  	_ =	swait.ge [sflag:s13], $0x2000  }
0x88: {  	[sflag:s13] =	ssyncset.done $0x0  }
0x89: {  	[sflag:s13] =	ssyncadd.s32 $0xFFFFE000  }
0x8a: {  	s29 =	sadd.s32 $0x1, s29;
	_ =	swait.ge [sflag:s21], $0x2000  }
0x8b: {  	p0 =	sne.s32 s29, $0x4;
	[sflag:s21] =	ssyncset.done $0x0  }
.Ltmp1:
0x8c: {  	[sflag:s21] =	ssyncadd.s32 $0xFFFFE000;
	(pc) =	sbr.rel @p0 .LBB2_2-.Ltmp1, $4  }
0x8d: {  	[spmem:s2] =	stream.indirect.scatter.add.f32 [tilespmem:s22], [sflag:$0x2], $0x80, s28, s15, $0xb8;
	[tilespmem:$0x1E800] =	vst v63  }
0x8e: {  	_ =	swait.ge [sflag:s13], $0x2000  }
0x8f: {  	[sflag:s13] =	ssyncset.done $0x0  }
0x90: {  	[sflag:s13] =	ssyncadd.s32 $0xFFFFE000  }
0x91: {  	s4 =	sadd.s32 $0x1, s4  }
0x92: {  	p0 =	sne.s32 s4, s11  }
.Ltmp2:
0x93: {  	[bflag:$0x0] =	sbarrier.arrive $0xFFFF;
	(pc) =	sbr.rel @p0 .LBB2_1-.Ltmp2, $4  }
0x94: {  	[hbm:s10], [sflag:s9] =	dma.local [spmem:s12], $0x2800  }
0x95: {  	_ =	swait.ge [sflag:s13], $0x2800  }
0x96: {  	[sflag:s13] =	ssyncset.done $0x0  }
0x97: {  	[sflag:s13] =	ssyncadd.s32 $0xFFFFD800  }
0x98: {  	_ =	sfence.sel $0x180000  }
0x99: {  	[bflag:$0x0] =	sbarrier.arrive $0xFFFF  }
0x9a: {  	_ =	strace $0x90000053  }
0x9b: {  	[bflag:$0x2] =	sbarrier.arrive $0xFFFF  }
0x9c: {  	p0 =	sne.s32 s3, $0x0;
	s0 =	rddreg [dreg:$0x3]  }
0x9d: {  	s0 =	sadd.s32 @!p0 $0x100000, s0  }
0x9e: {  	[sflag:s0] =	ssyncadd.tile.s32 @!p0 $0x1;
	_ =	shalt  }
.Lfunc_end2:
_tile_overlayer_lowered:
.L_overlay_start_2:
0x9f: {  	(tag) =	ssettag $0x2  }
0xa0: {  	s0 =	rddreg [dreg:$0x0];
	s2 =	stileid.u32  }
0xa1: {  	s1 =	rddreg [dreg:$0x1];
	p0 =	sne.s32 s2, $0x0  }
0xa2: {  	s3 =	rddreg [dreg:$0x2];
	[bflag:$0x3] =	sbarrier.arrive $0xFFFF;
	s2 =	simm.s32 @!p0 $0x1C02  }
0xa3: {  	[timem:s3], [sflag:s2] =	dma.local @!p0 [hbm:s0], s1  }
0xa4: {  	s0 =	simm.s32 @!p0 $0x2  }
0xa5: {  	_ =	swait.ge @!p0 [sflag:s0], s1  }
0xa6: {  	s1 =	ssub.s32 @!p0 $0x0, s1;
	[sflag:s0] =	ssyncset.done @!p0 $0x0  }
0xa7: {  	[sflag:s0] =	ssyncadd.s32 @!p0 s1  }
0xa8: {  	[bflag:$0x3] =	sbarrier.arrive $0xFFFF  }
0xa9: {  	_ =	shalt  }

// kernel: kernel.30.cloned.1.call-start
scs
__scs_entry_jumppad:
0x0: {  	(pc) =	sbr.rel $0x88, $3  }
0x1: {  	(tag) =	ssettag $0x0;
	lr =	simm.s32 $0x1  }
0x2: {  	[smem:$0x3F91] =	sst lr;
	_ =	strace $0xD0000000  }
0x3: {  	_ = 	snop  }
0x4: {  	_ = 	snop  }
0x5: {  	_ = 	snop  }
0x6: {  	_ = 	snop  }
0x7: {  	_ = 	snop  }
__scs_overlays_trampoline_lowered:
0x8: {  	[smem:$0x3FA0] =	sst s0  }
0x9: {  	[smem:$0x3FA1] =	sst s1  }
0xa: {  	[smem:$0x3FA2] =	sst s2  }
0xb: {  	[smem:$0x3FA3] =	sst s3  }
0xc: {  	[smem:$0x3FA4] =	sst s4  }
0xd: {  	[smem:$0x3FA5] =	sst s5  }
0xe: {  	[smem:$0x3FA6] =	sst s6  }
0xf: {  	[smem:$0x3FA7] =	sst s7  }
0x10: {  	[smem:$0x3FA8] =	sst s8  }
0x11: {  	[smem:$0x3FA9] =	sst s9;
	s0 =	simm.s32 @!p0 $0x0  }
0x12: {  	s1 =	sld [smem:$0x3F8F];
	s0 =	simm.s32 @p0 $0x1  }
0x13: {  	[smem:$0x3FAA] =	sst s0;
	s0 =	simm.s32 @!p1 $0x0  }
0x14: {  	s2 =	sld [smem:$0x3F8E];
	s0 =	simm.s32 @p1 $0x1  }
0x15: {  	[smem:$0x3FAB] =	sst s0;
	s0 =	simm.s32 @!p2 $0x0  }
0x16: {  	s3 =	sld [smem:$0x3FDB];
	s0 =	simm.s32 @p2 $0x1  }
0x17: {  	s4 =	simm.s32 $0x1BF5;
	[smem:$0x3FAD] =	sst s0  }
0x18: {  	s0 =	sld [smem:$0x3F90];
	_ =	swait.ge [sflag:s4], $0x0  }
0x19: {  	s7 =	sld [smem:$0x3F91]  }
0x1a: {  	s8 =	sadd.s32 $0xFFFFE003, lr  }
0x1b: {  	s9 =	sadd.s32 $0xFFFFFEF7, lr;
	s5 =	simm.s32 $0xFFFFFFFF;
	p2 =	slt.u32 s8, $0xFFFFF086  }
0x1c: {  	p1 =	slt.u32 s9, $0xF7A;
	s5 =	simm.s32 @!p2 $0x0  }
0x1d: {  	s5 =	simm.s32 @p1 $0x1;
	p0 =	seq.s32 s7, s2  }
0x1e: {  	s7 =	smul.u32 @!p0 $0xF7A, s2;
	p2 =	seq.s32 @!p0 s5, $0x0  }
0x1f: {  	s9 =	smul.u32 $0xF7A, s1;
	s8 =	simm.s32 @!p0 $0x1BF5;
	p2 =	por !p2, p0  }
0x20: {  	[sflag:s8] =	ssyncset.s32 @!p0 $0xFFFFF086;
	s6 =	sadd.s32 @!p0 s3, s7;
	s7 =	simm.s32 @!p0 $0x108  }
0x21: {  	s3 =	sadd.s32 s3, s9;
	s6 =	sadd.s32 @!p0 $0x88, s6;
	s7 =	simm.s32 @p2 $0x1082  }
0x22: {  	[simem:s7], [sflag:s8] =	dma.local @!p0 [hbm:s6], $0xF7A  }
0x23: {  	s9 =	sor.u32 $0xD0000000, s2;
	s6 =	simm.s32 $0x108;
	_ =	swait.ge @!p0 [sflag:s8], $0x0  }
0x24: {  	s3 =	sadd.s32 $0x88, s3;
	s6 =	simm.s32 @!p1 $0x1082;
	[sflag:s4] =	ssyncset.s32 $0xFFFFF086  }
0x25: {  	[simem:s6], [sflag:s4] =	dma.local [hbm:s3], $0xF7A  }
0x26: {  	[smem:$0x3F91] =	sst s1;
	(tag) =	ssettag s2;
	_ =	strace s9  }
0x27: {  	s1 =	sld [smem:$0x3FA1]  }
0x28: {  	s2 =	sld [smem:$0x3FA2]  }
0x29: {  	s4 =	sld [smem:$0x3FA4]  }
0x2a: {  	p0 =	seq.s32 s5, $0x0;
	s5 =	sld [smem:$0x3FA5]  }
0x2b: {  	s6 =	sld [smem:$0x3FA6]  }
0x2c: {  	s7 =	sld [smem:$0x3FA7]  }
0x2d: {  	s3 =	simm.s32 $0x108;
	s8 =	sld [smem:$0x3FA8]  }
0x2e: {  	s3 =	simm.s32 @!p0 $0x1082;
	s9 =	sld [smem:$0x3FA9]  }
0x2f: {  	lr =	sadd.s32 s0, s3;
	s0 =	sld [smem:$0x3FA0]  }
0x30: {  	s3 =	sld [smem:$0x3FA3]  }
0x31: {  	[smem:$0x3FAC] =	sst s10  }
0x32: {  	s10 =	sld [smem:$0x3FAA];
	_ =	sdelay $0x3  }
0x33: {  	p0 =	seq.s32 s10, $0x1;
	s10 =	sld [smem:$0x3FAC];
	_ =	sdelay $0x3  }
0x34: {  	[smem:$0x3FAC] =	sst s10  }
0x35: {  	s10 =	sld [smem:$0x3FAB];
	_ =	sdelay $0x3  }
0x36: {  	p1 =	seq.s32 s10, $0x1;
	s10 =	sld [smem:$0x3FAC];
	_ =	sdelay $0x3  }
0x37: {  	[smem:$0x3FAC] =	sst s10  }
0x38: {  	s10 =	sld [smem:$0x3FAD]  }
0x39: {  	_ = 	snop;
	(pc) =	sbr.ind lr, $3  }
0x3a: {  	_ = 	snop  }
0x3b: {  	_ = 	snop  }
0x3c: {  	p2 =	seq.s32 s10, $0x1;
	s10 =	sld [smem:$0x3FAC]  }
0x3d: {  	_ =	shalt  }
0x3e: {  	_ =	shalt  }
0x3f: {  	_ =	shalt  }
0x40: {  	_ =	shalt  }
0x41: {  	_ =	shalt  }
0x42: {  	_ =	shalt  }
0x43: {  	_ =	shalt  }
0x44: {  	_ =	shalt  }
0x45: {  	_ =	shalt  }
0x46: {  	_ =	shalt  }
0x47: {  	_ =	shalt  }
0x48: {  	_ =	shalt  }
0x49: {  	_ =	shalt  }
0x4a: {  	_ =	shalt  }
0x4b: {  	_ =	shalt  }
0x4c: {  	_ =	shalt  }
0x4d: {  	_ =	shalt  }
0x4e: {  	_ =	shalt  }
0x4f: {  	_ =	shalt  }
0x50: {  	_ =	shalt  }
0x51: {  	_ =	shalt  }
0x52: {  	_ =	shalt  }
0x53: {  	_ =	shalt  }
0x54: {  	_ =	shalt  }
0x55: {  	_ =	shalt  }
0x56: {  	_ =	shalt  }
0x57: {  	_ =	shalt  }
0x58: {  	_ =	shalt  }
0x59: {  	_ =	shalt  }
0x5a: {  	_ =	shalt  }
0x5b: {  	_ =	shalt  }
0x5c: {  	_ =	shalt  }
0x5d: {  	_ =	shalt  }
0x5e: {  	_ =	shalt  }
0x5f: {  	_ =	shalt  }
0x60: {  	_ =	shalt  }
0x61: {  	_ =	shalt  }
0x62: {  	_ =	shalt  }
0x63: {  	_ =	shalt  }
0x64: {  	_ =	shalt  }
0x65: {  	_ =	shalt  }
0x66: {  	_ =	shalt  }
0x67: {  	_ =	shalt  }
0x68: {  	_ =	shalt  }
0x69: {  	_ =	shalt  }
0x6a: {  	_ =	shalt  }
0x6b: {  	_ =	shalt  }
0x6c: {  	_ =	shalt  }
0x6d: {  	_ =	shalt  }
0x6e: {  	_ =	shalt  }
0x6f: {  	_ =	shalt  }
0x70: {  	_ =	shalt  }
0x71: {  	_ =	shalt  }
0x72: {  	_ =	shalt  }
0x73: {  	_ =	shalt  }
0x74: {  	_ =	shalt  }
0x75: {  	_ =	shalt  }
0x76: {  	_ =	shalt  }
0x77: {  	_ =	shalt  }
0x78: {  	_ =	shalt  }
0x79: {  	_ =	shalt  }
0x7a: {  	_ =	shalt  }
0x7b: {  	_ =	shalt  }
0x7c: {  	_ =	shalt  }
0x7d: {  	_ =	shalt  }
0x7e: {  	_ =	shalt  }
0x7f: {  	_ =	shalt  }
0x80: {  	_ =	shalt  }
0x81: {  	_ =	shalt  }
0x82: {  	_ =	shalt  }
0x83: {  	_ =	shalt  }
0x84: {  	_ =	shalt  }
0x85: {  	_ =	shalt  }
0x86: {  	_ =	shalt  }
0x87: {  	_ =	shalt  }
.Lfunc_end0:
.L_simem_size_0:
called_computation.5_lowered:
.L_overlay_start_0:
0x88: {  	s2 =	sld [smem:$0x3FD9]  }
0x89: {  	s3 =	sld [smem:$0x3FFE];
	_ =	sdelay $0x1  }
0x8a: {  	s1 =	srdreg.scid  }
0x8b: {  	s0 =	sand.u32 $0x1, s1  }
0x8c: {  	s17 =	sshll.u32 s0, $0xA;
	s2 =	sadd.s32 s3, s2  }
0x8d: {  	s2 =	sadd.s32 s2, s17  }
0x8e: {  	[smem:$0x3FB8] =	sst s2  }
0x8f: {  	_ = 	snop  }
0x90: {  	s2 =	sld [smem:$0x3FD0];
	(tm) =	ssettm $0x1  }
0x91: {  	s18 =	sld [smem:$0x3FFB];
	_ =	sdelay $0x3  }
0x92: {  	_ =	strace s18  }
0x93: {  	s3 =	sld [smem:$0x3FFC];
	_ =	sdelay $0x3  }
0x94: {  	_ =	strace s3  }
0x95: {  	s3 =	sld [smem:$0x3FFD];
	_ =	sdelay $0x3  }
0x96: {  	_ =	strace s3  }
0x97: {  	_ =	strace $0x8FFFFFFF  }
0x98: {  	s19 =	sld [smem:$0x3FDB];
	_ =	sdelay $0x1  }
0x99: {  	s4 =	simm.s32 $_scs_section_size  }
0x9a: {  	s5 =	simm.s32 $_size__tile_overlayer_lowered;
	s6 =	simm.s32 $_tile_overlayer_lowered  }
0x9b: {  	s22 =	simm.s32 $0x1BFF;
	s21 =	sshll.u32 s6, $0x1;
	s3 =	sadd.s32 s4, s19  }
0x9c: {  	s7 =	simm.s32 $0x0;
	s20 =	sshll.u32 s5, $0x1;
	s5 =	sadd.s32 s21, s3  }
0x9d: {  	[timem:s7], [sflag:s22] =	dma.local [hbm:s5], s20  }
0x9e: {  	_ =	swait.ge [sflag:s22], s20  }
0x9f: {  	s4 =	ssub.s32 $0x0, s20;
	[sflag:s22] =	ssyncset.done $0x0  }
0xa0: {  	[sflag:s22] =	ssyncadd.s32 s4;
	_ =	sdelay $0x1  }
0xa1: {  	s23 =	simm.s32 $0x1B8B  }
0xa2: {  	_ =	swait.ge [sflag:s23], $0x1  }
0xa3: {  	[sflag:s23] =	ssyncset.done $0x0  }
0xa4: {  	s25 =	simm.s32 $0x1B8E;
	s24 =	sld [smem:$0x3FFE];
	[sflag:s23] =	ssyncadd.s32 $0xFFFFFFFF  }
0xa5: {  	s26 =	simm.s32 $execute0_lowered;
	[smem:$0x3FD2] =	sst s25  }
0xa6: {  	s5 =	sshll.u32 s26, $0x1;
	_ =	strace $0x80000055;
	[dreg:$0x1] =	wrdreg $0xFFFFFFFF  }
0xa7: {  	s28 =	simm.s32 $_size_execute0_lowered;
	s3 =	sadd.s32 s3, s5;
	[dreg:$0x0] =	wrdreg $0x0  }
0xa8: {  	s5 =	sshll.u32 s28, $0x1;
	[dreg:$0x2] =	wrdreg s3  }
0xa9: {  	[dreg:$0x3] =	wrdreg s5  }
0xaa: {  	[dreg:$0x4] =	wrdreg $0xC0  }
0xab: {  	_ =	task [dreg:s7], $0x5FFFF  }
0xac: {  	[dreg:$0x1] =	wrdreg $0xFFFFFFFF  }
0xad: {  	[dreg:$0x0] =	wrdreg $0x60  }
0xae: {  	[dreg:$0x2] =	wrdreg s2  }
0xaf: {  	[dreg:$0x3] =	wrdreg s24  }
0xb0: {  	[dreg:$0x4] =	wrdreg $0xA8000  }
0xb1: {  	[dreg:$0x5] =	wrdreg $0x9  }
0xb2: {  	_ =	task.clear_ibuf [dreg:s7], $0x6FFFF;
	_ =	strace $0x90000055  }
0xb3: {  	s29 =	simm.s32 $0x9;
	_ =	strace $0x80000057  }
0xb4: {  	_ =	swait.ge [sflag:s29], $0x1  }
0xb5: {  	[sflag:s29] =	ssyncadd.s32 $0xFFFFFFFF  }
0xb6: {  	_ =	strace $0x90000057  }
0xb7: {  	_ =	sfence  }
0xb8: {  	s30 =	sld [smem:$0x0];
	_ =	sdelay $0x2  }
0xb9: {  	s31 =	sshll.u32 s1, $0xD;
	s1 =	sshrl.u32 s1, $0x2  }
0xba: {  	s3 =	sand.u32 $0x4000, s31;
	s1 =	sadd.s32 s1, s30  }
0xbb: {  	s0 =	sor.u32 s3, s0;
	s1 =	sshll.u32 s1, $0x11  }
0xbc: {  	s0 =	sor.u32 s1, s0  }
0xbd: {  	s0 =	sadd.s32 $0x8F2B, s0  }
0xbe: {  	[sflag:s0] =	ssyncadd.remote.s32 $0x1  }
0xbf: {  	_ =	sfence.sel $0xFFFF  }
0xc0: {  	[dreg:$0x0] =	wrdreg $0xFFFFFFFF;
	(pc) =	sbr.abs _section_cstart, $3  }
0xc1: {  	[dreg:$0x1] =	wrdreg $0xFFFFFFFF  }
0xc2: {  	_ =	task.clear_ibuf [dreg:s7], $0x2FFFF;
	_ =	strace $0x9FFFFFFF  }
0xc3: {  	(tm) =	ssettm $0x7FFFFFFF  }
tec
execute0_lowered:
.L_overlay_start_1:
0x0: {  	(tag) =	ssettag $0x1  }
0x1: {  	s1 =	rddreg [dreg:$0x0]  }
0x2: {  	s8 =	rddreg [dreg:$0x1]  }
0x3: {  	s2 =	rddreg [dreg:$0x2];
	s4 =	simm.s32 $0x0;
	s3 =	srdreg.scid  }
0x4: {  	s15 =	simm.s32 $0x40;
	s16 =	simm.s32 $0x2800;
	s17 =	simm.s32 $0x80  }
0x5: {  	s18 =	simm.s32 $0x4800;
	s19 =	simm.s32 $0x100;
	s20 =	simm.s32 $0x6800  }
0x6: {  	s21 =	simm.s32 $0x1;
	s22 =	simm.s32 $0x8800;
	s23 =	simm.s32 $0x1380  }
0x7: {  	s24 =	simm.s32 $0x2600;
	s25 =	simm.s32 $0x2680;
	s26 =	simm.s32 $0x2700  }
0x8: {  	s28 =	simm.s32 $0x2780;
	[smem:$0x7FF] =	sst s4;
	s9 =	sand.u32 $0x1, s3  }
0x9: {  	s3 =	stileid.u32;
	s5 =	sadd.s32 $0xD0A00, s8;
	s10 =	smul.u32 $0x140000, s9  }
0xa: {  	s6 =	sadd.s32 $0xBCA00, s8;
	s7 =	sadd.s32 $0x19A00, s8;
	s11 =	smul.u32 $0x14000, s3  }
0xb: {  	_ =	strace $0x80000056;
	s30 =	ssub.s32 $0x2, s9;
	s12 =	smul.u32 $0x50000, s3  }
0xc: {  	s14 =	smul.u32 $0xA0, s3;
	s31 =	sshll.u32 s3, $0x6;
	p0 =	seq.s32 s9, $0x0  }
0xd: {  	s13 =	sshrl.u32 s30, $0x1;
	s9 =	sor.u32 $0x1C02, s31;
	s10 =	sadd.s32 s11, s10  }
0xe: {  	s11 =	ssub.s32 s30, s13;
	s12 =	sshrl.u32 s12, $0x2;
	s13 =	simm.s32 $0x2  }
0xf: {  	s10 =	sshrl.u32 s10, $0x3;
	s12 =	sadd.s32 s12, s2;
	s11 =	smax.u32 s11, $0x1  }
0x10: {  	s10 =	sadd.s32 s10, s8;
	s8 =	sadd.s32 $0xA00, s14;
	s12 =	sshrl.u32 s12, $0x3  }
0x11: {  	s8 =	smov.u32 @p0 s14;
	s10 =	sadd.s32 $0x43400, s10;
	s14 =	simm.s32 $0x1400  }
.LBB2_1:
0x12: {  	[spmem:s12], [sflag:s9] =	dma.local [hbm:s7], $0x2800  }
0x13: {  	_ =	swait.ge [sflag:s13], $0x2800  }
0x14: {  	[sflag:s13] =	ssyncset.done $0x0  }
0x15: {  	[sflag:s13] =	ssyncadd.s32 $0xFFFFD800  }
0x16: {  	s29 =	simm.s32 $0x0;
	[bflag:$0x0] =	sbarrier.arrive $0xFFFF  }
.LBB2_2:
0x17: {  	s30 =	smul.u32 $0x28, s29;
	_ =	sdelay $0x1  }
0x18: {  	s30 =	sadd.s32 s8, s30  }
0x19: {  	s30 =	sshll.u32 s30, $0x4  }
0x1a: {  	s0 =	simm.s32 $0x0;
	s31 =	sadd.s32 s5, s30  }
0x1b: {  	[tilespmem:s0], [sflag:$0x2] =	stream.linear.gather [hbm4b:s31+s0], $0x1400, $0x38;
	[tilespmem:$0x1E800] =	vst v63  }
0x1c: {  	_ =	swait.ge [sflag:s13], $0x1400  }
0x1d: {  	[sflag:s13] =	ssyncset.done $0x0  }
0x1e: {  	s30 =	sadd.s32 s6, s30;
	[sflag:s13] =	ssyncadd.s32 $0xFFFFEC00  }
0x1f: {  	[tilespmem:s14], [sflag:$0x2] =	stream.linear.gather [hbm4b:s30+s0], $0x1400, $0x38;
	[tilespmem:$0x1E800] =	vst v63  }
0x20: {  	_ =	swait.ge [sflag:s13], $0x1400  }
0x21: {  	[sflag:s13] =	ssyncset.done $0x0  }
0x22: {  	[sflag:s13] =	ssyncadd.s32 $0xFFFFEC00  }
0x23: {  	[tilespmem:s16], [sflag:$0x1] =	stream.indirect.gather [hbm4b:s1+s15], $0x80, s0, s15, $0xb8;
	[tilespmem:$0x1E800] =	vst v63  }
0x24: {  	_ = 	snop  }
0x25: {  	[tilespmem:s18], [sflag:$0x1] =	stream.indirect.gather [hbm4b:s1+s15], $0x80, s17, s15, $0xb8;
	[tilespmem:$0x1E800] =	vst v63  }
0x26: {  	_ = 	snop  }
0x27: {  	[tilespmem:s20], [sflag:$0x1] =	stream.indirect.gather [hbm4b:s1+s15], $0x80, s19, s15, $0xb8;
	[tilespmem:$0x1E800] =	vst v63  }
0x28: {  	_ =	swait.ge [sflag:s21], $0x2000  }
0x29: {  	[sflag:s21] =	ssyncset.done $0x0  }
0x2a: {  	s31 =	simm.s32 $0x180;
	[sflag:s21] =	ssyncadd.s32 $0xFFFFE000  }
0x2b: {  	[tilespmem:s22], [sflag:$0x1] =	stream.indirect.gather [hbm4b:s1+s15], $0x80, s31, s15, $0xb8;
	[tilespmem:$0x1E800] =	vst v63  }
0x2c: {  	s31 =	simm.s32 $0x1400  }
0x2d: {  	[spmem:s2] =	stream.indirect.scatter.add.f32 [tilespmem:s16], [sflag:$0x2], $0x80, s31, s15, $0xb8;
	[tilespmem:$0x1E800] =	vst v63  }
0x2e: {  	_ =	swait.ge [sflag:s13], $0x2000  }
0x2f: {  	[sflag:s13] =	ssyncset.done $0x0  }
0x30: {  	[sflag:s13] =	ssyncadd.s32 $0xFFFFE000  }
0x31: {  	_ =	swait.ge [sflag:s21], $0x2000  }
0x32: {  	[sflag:s21] =	ssyncset.done $0x0  }
0x33: {  	s31 =	simm.s32 $0x200;
	[sflag:s21] =	ssyncadd.s32 $0xFFFFE000  }
0x34: {  	[tilespmem:s16], [sflag:$0x1] =	stream.indirect.gather [hbm4b:s1+s15], $0x80, s31, s15, $0xb8;
	[tilespmem:$0x1E800] =	vst v63  }
0x35: {  	s31 =	simm.s32 $0x1480  }
0x36: {  	[spmem:s2] =	stream.indirect.scatter.add.f32 [tilespmem:s18], [sflag:$0x2], $0x80, s31, s15, $0xb8;
	[tilespmem:$0x1E800] =	vst v63  }
0x37: {  	_ =	swait.ge [sflag:s13], $0x2000  }
0x38: {  	[sflag:s13] =	ssyncset.done $0x0  }
0x39: {  	[sflag:s13] =	ssyncadd.s32 $0xFFFFE000  }
0x3a: {  	_ =	swait.ge [sflag:s21], $0x2000  }
0x3b: {  	[sflag:s21] =	ssyncset.done $0x0  }
0x3c: {  	s31 =	simm.s32 $0x280;
	[sflag:s21] =	ssyncadd.s32 $0xFFFFE000  }
0x3d: {  	[tilespmem:s18], [sflag:$0x1] =	stream.indirect.gather [hbm4b:s1+s15], $0x80, s31, s15, $0xb8;
	[tilespmem:$0x1E800] =	vst v63  }
0x3e: {  	s31 =	simm.s32 $0x1500  }
0x3f: {  	[spmem:s2] =	stream.indirect.scatter.add.f32 [tilespmem:s20], [sflag:$0x2], $0x80, s31, s15, $0xb8;
	[tilespmem:$0x1E800] =	vst v63  }
0x40: {  	_ =	swait.ge [sflag:s13], $0x2000  }
0x41: {  	[sflag:s13] =	ssyncset.done $0x0  }
0x42: {  	[sflag:s13] =	ssyncadd.s32 $0xFFFFE000  }
0x43: {  	_ =	swait.ge [sflag:s21], $0x2000  }
0x44: {  	[sflag:s21] =	ssyncset.done $0x0  }
0x45: {  	s31 =	simm.s32 $0x300;
	[sflag:s21] =	ssyncadd.s32 $0xFFFFE000  }
0x46: {  	[tilespmem:s20], [sflag:$0x1] =	stream.indirect.gather [hbm4b:s1+s15], $0x80, s31, s15, $0xb8;
	[tilespmem:$0x1E800] =	vst v63  }
0x47: {  	s31 =	simm.s32 $0x1580  }
0x48: {  	[spmem:s2] =	stream.indirect.scatter.add.f32 [tilespmem:s22], [sflag:$0x2], $0x80, s31, s15, $0xb8;
	[tilespmem:$0x1E800] =	vst v63  }
0x49: {  	_ =	swait.ge [sflag:s13], $0x2000  }
0x4a: {  	s30 =	simm.s32 $0x800;
	[sflag:s13] =	ssyncset.done $0x0  }
.LBB2_3:
0x4b: {  	p0 =	sne.s32 s30, $0x4000  }
0x4c: {  	[sflag:s13] =	ssyncadd.s32 $0xFFFFE000;
	s0 =	smov.u32 s30;
	s30 =	sadd.s32 $0x800, s30  }
0x4d: {  	_ = 	snop  }
0x4e: {  	_ =	swait.ge [sflag:s21], $0x2000  }
0x4f: {  	s31 =	sshra.s32 s0, $0x2;
	[sflag:s21] =	ssyncset.done $0x0  }
0x50: {  	s0 =	sadd.s32 $0x180, s31;
	[sflag:s21] =	ssyncadd.s32 $0xFFFFE000  }
0x51: {  	[tilespmem:s22], [sflag:$0x1] =	stream.indirect.gather [hbm4b:s1+s15], $0x80, s0, s15, $0xb8;
	[tilespmem:$0x1E800] =	vst v63  }
0x52: {  	s0 =	sadd.s32 $0x1400, s31  }
0x53: {  	[spmem:s2] =	stream.indirect.scatter.add.f32 [tilespmem:s16], [sflag:$0x2], $0x80, s0, s15, $0xb8;
	[tilespmem:$0x1E800] =	vst v63  }
0x54: {  	_ =	swait.ge [sflag:s13], $0x2000  }
0x55: {  	[sflag:s13] =	ssyncset.done $0x0  }
0x56: {  	[sflag:s13] =	ssyncadd.s32 $0xFFFFE000  }
0x57: {  	_ =	swait.ge [sflag:s21], $0x2000  }
0x58: {  	[sflag:s21] =	ssyncset.done $0x0  }
0x59: {  	s0 =	sadd.s32 $0x200, s31;
	[sflag:s21] =	ssyncadd.s32 $0xFFFFE000  }
0x5a: {  	[tilespmem:s16], [sflag:$0x1] =	stream.indirect.gather [hbm4b:s1+s15], $0x80, s0, s15, $0xb8;
	[tilespmem:$0x1E800] =	vst v63  }
0x5b: {  	s0 =	sadd.s32 $0x1480, s31  }
0x5c: {  	[spmem:s2] =	stream.indirect.scatter.add.f32 [tilespmem:s18], [sflag:$0x2], $0x80, s0, s15, $0xb8;
	[tilespmem:$0x1E800] =	vst v63  }
0x5d: {  	_ =	swait.ge [sflag:s13], $0x2000  }
0x5e: {  	[sflag:s13] =	ssyncset.done $0x0  }
0x5f: {  	[sflag:s13] =	ssyncadd.s32 $0xFFFFE000  }
0x60: {  	_ =	swait.ge [sflag:s21], $0x2000  }
0x61: {  	[sflag:s21] =	ssyncset.done $0x0  }
0x62: {  	s0 =	sadd.s32 $0x280, s31;
	[sflag:s21] =	ssyncadd.s32 $0xFFFFE000  }
0x63: {  	[tilespmem:s18], [sflag:$0x1] =	stream.indirect.gather [hbm4b:s1+s15], $0x80, s0, s15, $0xb8;
	[tilespmem:$0x1E800] =	vst v63  }
0x64: {  	s0 =	sadd.s32 $0x1500, s31  }
0x65: {  	[spmem:s2] =	stream.indirect.scatter.add.f32 [tilespmem:s20], [sflag:$0x2], $0x80, s0, s15, $0xb8;
	[tilespmem:$0x1E800] =	vst v63  }
0x66: {  	_ =	swait.ge [sflag:s13], $0x2000  }
0x67: {  	[sflag:s13] =	ssyncset.done $0x0  }
0x68: {  	[sflag:s13] =	ssyncadd.s32 $0xFFFFE000  }
0x69: {  	_ =	swait.ge [sflag:s21], $0x2000  }
0x6a: {  	[sflag:s21] =	ssyncset.done $0x0  }
0x6b: {  	s0 =	sadd.s32 $0x300, s31;
	[sflag:s21] =	ssyncadd.s32 $0xFFFFE000  }
0x6c: {  	[tilespmem:s20], [sflag:$0x1] =	stream.indirect.gather [hbm4b:s1+s15], $0x80, s0, s15, $0xb8;
	[tilespmem:$0x1E800] =	vst v63  }
.Ltmp0:
0x6d: {  	_ = 	snop;
	(pc) =	sbr.rel @p0 .LBB2_3-.Ltmp0, $4  }
0x6e: {  	s0 =	sadd.s32 $0x1580, s31  }
0x6f: {  	[spmem:s2] =	stream.indirect.scatter.add.f32 [tilespmem:s22], [sflag:$0x2], $0x80, s0, s15, $0xb8;
	[tilespmem:$0x1E800] =	vst v63  }
0x70: {  	_ =	swait.ge [sflag:s13], $0x2000  }
0x71: {  	[sflag:s13] =	ssyncset.done $0x0  }
0x72: {  	[sflag:s13] =	ssyncadd.s32 $0xFFFFE000  }
0x73: {  	_ =	swait.ge [sflag:s21], $0x2000  }
0x74: {  	[sflag:s21] =	ssyncset.done $0x0  }
0x75: {  	[sflag:s21] =	ssyncadd.s32 $0xFFFFE000  }
0x76: {  	[tilespmem:s22], [sflag:$0x1] =	stream.indirect.gather [hbm4b:s1+s15], $0x80, s23, s15, $0xb8;
	[tilespmem:$0x1E800] =	vst v63  }
0x77: {  	_ = 	snop  }
0x78: {  	[spmem:s2] =	stream.indirect.scatter.add.f32 [tilespmem:s16], [sflag:$0x2], $0x80, s24, s15, $0xb8;
	[tilespmem:$0x1E800] =	vst v63  }
0x79: {  	_ =	swait.ge [sflag:s13], $0x2000  }
0x7a: {  	[sflag:s13] =	ssyncset.done $0x0  }
0x7b: {  	[sflag:s13] =	ssyncadd.s32 $0xFFFFE000  }
0x7c: {  	_ =	swait.ge [sflag:s21], $0x2000  }
0x7d: {  	[sflag:s21] =	ssyncset.done $0x0  }
0x7e: {  	[sflag:s21] =	ssyncadd.s32 $0xFFFFE000  }
0x7f: {  	[spmem:s2] =	stream.indirect.scatter.add.f32 [tilespmem:s18], [sflag:$0x2], $0x80, s25, s15, $0xb8;
	[tilespmem:$0x1E800] =	vst v63  }
0x80: {  	_ =	swait.ge [sflag:s13], $0x2000  }
0x81: {  	[sflag:s13] =	ssyncset.done $0x0  }
0x82: {  	[sflag:s13] =	ssyncadd.s32 $0xFFFFE000  }
0x83: {  	_ =	swait.ge [sflag:s21], $0x2000  }
0x84: {  	[sflag:s21] =	ssyncset.done $0x0  }
0x85: {  	[sflag:s21] =	ssyncadd.s32 $0xFFFFE000  }
0x86: {  	[spmem:s2] =	stream.indirect.scatter.add.f32 [tilespmem:s20], [sflag:$0x2], $0x80, s26, s15, $0xb8;
	[tilespmem:$0x1E800] =	vst v63  }
0x87: {  	_ =	swait.ge [sflag:s13], $0x2000  }
0x88: {  	[sflag:s13] =	ssyncset.done $0x0  }
0x89: {  	[sflag:s13] =	ssyncadd.s32 $0xFFFFE000  }
0x8a: {  	s29 =	sadd.s32 $0x1, s29;
	_ =	swait.ge [sflag:s21], $0x2000  }
0x8b: {  	p0 =	sne.s32 s29, $0x4;
	[sflag:s21] =	ssyncset.done $0x0  }
.Ltmp1:
0x8c: {  	[sflag:s21] =	ssyncadd.s32 $0xFFFFE000;
	(pc) =	sbr.rel @p0 .LBB2_2-.Ltmp1, $4  }
0x8d: {  	[spmem:s2] =	stream.indirect.scatter.add.f32 [tilespmem:s22], [sflag:$0x2], $0x80, s28, s15, $0xb8;
	[tilespmem:$0x1E800] =	vst v63  }
0x8e: {  	_ =	swait.ge [sflag:s13], $0x2000  }
0x8f: {  	[sflag:s13] =	ssyncset.done $0x0  }
0x90: {  	[sflag:s13] =	ssyncadd.s32 $0xFFFFE000  }
0x91: {  	s4 =	sadd.s32 $0x1, s4  }
0x92: {  	p0 =	sne.s32 s4, s11  }
.Ltmp2:
0x93: {  	[bflag:$0x0] =	sbarrier.arrive $0xFFFF;
	(pc) =	sbr.rel @p0 .LBB2_1-.Ltmp2, $4  }
0x94: {  	[hbm:s10], [sflag:s9] =	dma.local [spmem:s12], $0x2800  }
0x95: {  	_ =	swait.ge [sflag:s13], $0x2800  }
0x96: {  	[sflag:s13] =	ssyncset.done $0x0  }
0x97: {  	[sflag:s13] =	ssyncadd.s32 $0xFFFFD800  }
0x98: {  	_ =	sfence.sel $0x180000  }
0x99: {  	[bflag:$0x0] =	sbarrier.arrive $0xFFFF  }
0x9a: {  	_ =	strace $0x90000056  }
0x9b: {  	[bflag:$0x2] =	sbarrier.arrive $0xFFFF  }
0x9c: {  	p0 =	sne.s32 s3, $0x0;
	s0 =	rddreg [dreg:$0x3]  }
0x9d: {  	s0 =	sadd.s32 @!p0 $0x100000, s0  }
0x9e: {  	[sflag:s0] =	ssyncadd.tile.s32 @!p0 $0x1;
	_ =	shalt  }
.Lfunc_end2:
_tile_overlayer_lowered:
.L_overlay_start_2:
0x9f: {  	(tag) =	ssettag $0x2  }
0xa0: {  	s0 =	rddreg [dreg:$0x0];
	s2 =	stileid.u32  }
0xa1: {  	s1 =	rddreg [dreg:$0x1];
	p0 =	sne.s32 s2, $0x0  }
0xa2: {  	s3 =	rddreg [dreg:$0x2];
	[bflag:$0x3] =	sbarrier.arrive $0xFFFF;
	s2 =	simm.s32 @!p0 $0x1C02  }
0xa3: {  	[timem:s3], [sflag:s2] =	dma.local @!p0 [hbm:s0], s1  }
0xa4: {  	s0 =	simm.s32 @!p0 $0x2  }
0xa5: {  	_ =	swait.ge @!p0 [sflag:s0], s1  }
0xa6: {  	s1 =	ssub.s32 @!p0 $0x0, s1;
	[sflag:s0] =	ssyncset.done @!p0 $0x0  }
0xa7: {  	[sflag:s0] =	ssyncadd.s32 @!p0 s1  }
0xa8: {  	[bflag:$0x3] =	sbarrier.arrive $0xFFFF  }
0xa9: {  	_ =	shalt  }

</sc_bundles>
